<compile_context>
chip_gen: v7x
topology: tpu7x:2x2x1
jax: 0.10.2.dev20260603
libtpu: 0.0.44.dev20260713+nightly
codegen_flags: <defaults>
</compile_context>

<pallas_src>
import functools
import jax
import jax.numpy as jnp
import numpy as np
from jax import lax
from jax.experimental import pallas as pl
from jax.experimental.pallas import tpu as pltpu
from jax.experimental.pallas import tpu_sc as plsc

N = 10000
IN_DIM = 128
HID_DIM = 512
OUT_DIM = 768
E = 320000

NC = 2
NS = 16
NW = NC * NS
B = 128
NB = -(-E // (B * NW))
NB = ((NB + 3) // 4) * 4
TB = NB * NW
EP = TB * B
IDX_LEN = EP + 8 * B
NPAD = 10112
ROWS_PER_TILE = NPAD // NS

BN = 1024
GRID = -(-NPAD // BN)

_AR = np.arange(IDX_LEN - E, dtype=np.int32)
_PAD_SRC = (N + _AR % (NPAD - N)).astype(np.int32)
_PAD_DST = (_AR % NPAD).astype(np.int32)
_PAD_DEG = (N + _AR % (NPAD - N)).astype(np.int32)

@functools.cache
def _mesh():
    return plsc.VectorSubcoreMesh(core_axis_name="c", subcore_axis_name="s",
                                  num_cores=NC, num_subcores=NS)


def _deg_body(zeros_hbm, ones_hbm, dst_hbm, out_hbm, di0, di1, rows, acc,
              is0, is1):
    c = lax.axis_index("c")
    s = lax.axis_index("s")
    wid = s * NC + c
    r0 = s * ROWS_PER_TILE
    pltpu.sync_copy(zeros_hbm.at[pl.ds(r0, ROWS_PER_TILE)],
                    acc.at[pl.ds(r0, ROWS_PER_TILE)])
    base = wid * (NB * B)
    pltpu.async_copy(dst_hbm.at[pl.ds(base, B)], di0, is0)
    pltpu.async_copy(dst_hbm.at[pl.ds(base + B, B)], di1, is1)
    pltpu.sync_copy(ones_hbm, rows)
    plsc.subcore_barrier()

    @pl.loop(0, NB // 2)
    def _(j):
        b = base + 2 * j * B
        pltpu.make_async_copy(dst_hbm.at[pl.ds(0, B)], di0, is0).wait()
        pltpu.sync_copy(rows, acc.at[di0], add=True)
        pltpu.async_copy(dst_hbm.at[pl.ds(b + 2 * B, B)], di0, is0)
        pltpu.make_async_copy(dst_hbm.at[pl.ds(0, B)], di1, is1).wait()
        pltpu.sync_copy(rows, acc.at[di1], add=True)
        pltpu.async_copy(dst_hbm.at[pl.ds(b + 3 * B, B)], di1, is1)

    pltpu.make_async_copy(dst_hbm.at[pl.ds(0, B)], di0, is0).wait()
    pltpu.make_async_copy(dst_hbm.at[pl.ds(0, B)], di1, is1).wait()
    plsc.subcore_barrier()
    pltpu.sync_copy(acc.at[pl.ds(r0, ROWS_PER_TILE)],
                    out_hbm.at[c, pl.ds(r0, ROWS_PER_TILE)])


def _prop_body(zeros_hbm, src_hbm, dst_hbm, table_hbm, out_hbm,
               si0, di0, si1, di1, si2, di2, si3, di3, rows0, rows1, acc,
               gs0, gs1, is0, is1, is2, is3):
    c = lax.axis_index("c")
    s = lax.axis_index("s")
    wid = s * NC + c
    r0 = s * ROWS_PER_TILE
    pltpu.sync_copy(zeros_hbm.at[pl.ds(r0, ROWS_PER_TILE)],
                    acc.at[pl.ds(r0, ROWS_PER_TILE)])
    base = wid * NB * B
    pltpu.sync_copy(src_hbm.at[pl.ds(base, B)], si0)
    pltpu.sync_copy(dst_hbm.at[pl.ds(base, B)], di0)
    pltpu.sync_copy(src_hbm.at[pl.ds(base + B, B)], si1)
    pltpu.sync_copy(dst_hbm.at[pl.ds(base + B, B)], di1)
    pltpu.async_copy(src_hbm.at[pl.ds(base + 2 * B, B)], si2, is2)
    pltpu.async_copy(dst_hbm.at[pl.ds(base + 2 * B, B)], di2, is2)
    pltpu.async_copy(src_hbm.at[pl.ds(base + 3 * B, B)], si3, is3)
    pltpu.async_copy(dst_hbm.at[pl.ds(base + 3 * B, B)], di3, is3)
    plsc.subcore_barrier()
    pltpu.async_copy(table_hbm.at[si0], rows0, gs0)
    pltpu.async_copy(table_hbm.at[si1], rows1, gs1)

    @pl.loop(0, NB // 4)
    def _(j):
        b = base + 4 * j * B
        pltpu.make_async_copy(table_hbm.at[si0], rows0, gs0).wait()
        pltpu.sync_copy(rows0, acc.at[di0], add=True)
        pltpu.async_copy(src_hbm.at[pl.ds(b + 4 * B, B)], si0, is0)
        pltpu.async_copy(dst_hbm.at[pl.ds(b + 4 * B, B)], di0, is0)
        pltpu.make_async_copy(src_hbm.at[pl.ds(0, B)], si2, is2).wait()
        pltpu.make_async_copy(dst_hbm.at[pl.ds(0, B)], di2, is2).wait()
        pltpu.async_copy(table_hbm.at[si2], rows0, gs0)
        pltpu.make_async_copy(table_hbm.at[si1], rows1, gs1).wait()
        pltpu.sync_copy(rows1, acc.at[di1], add=True)
        pltpu.async_copy(src_hbm.at[pl.ds(b + 5 * B, B)], si1, is1)
        pltpu.async_copy(dst_hbm.at[pl.ds(b + 5 * B, B)], di1, is1)
        pltpu.make_async_copy(src_hbm.at[pl.ds(0, B)], si3, is3).wait()
        pltpu.make_async_copy(dst_hbm.at[pl.ds(0, B)], di3, is3).wait()
        pltpu.async_copy(table_hbm.at[si3], rows1, gs1)
        pltpu.make_async_copy(table_hbm.at[si2], rows0, gs0).wait()
        pltpu.sync_copy(rows0, acc.at[di2], add=True)
        pltpu.async_copy(src_hbm.at[pl.ds(b + 6 * B, B)], si2, is2)
        pltpu.async_copy(dst_hbm.at[pl.ds(b + 6 * B, B)], di2, is2)
        pltpu.make_async_copy(src_hbm.at[pl.ds(0, B)], si0, is0).wait()
        pltpu.make_async_copy(dst_hbm.at[pl.ds(0, B)], di0, is0).wait()
        pltpu.async_copy(table_hbm.at[si0], rows0, gs0)
        pltpu.make_async_copy(table_hbm.at[si1], rows1, gs1).wait()
        pltpu.sync_copy(rows1, acc.at[di3], add=True)
        pltpu.async_copy(src_hbm.at[pl.ds(b + 7 * B, B)], si3, is3)
        pltpu.async_copy(dst_hbm.at[pl.ds(b + 7 * B, B)], di3, is3)
        pltpu.make_async_copy(src_hbm.at[pl.ds(0, B)], si1, is1).wait()
        pltpu.make_async_copy(dst_hbm.at[pl.ds(0, B)], di1, is1).wait()
        pltpu.async_copy(table_hbm.at[si1], rows1, gs1)

    pltpu.make_async_copy(table_hbm.at[si0], rows0, gs0).wait()
    pltpu.make_async_copy(table_hbm.at[si1], rows1, gs1).wait()
    pltpu.make_async_copy(src_hbm.at[pl.ds(0, B)], si2, is2).wait()
    pltpu.make_async_copy(dst_hbm.at[pl.ds(0, B)], di2, is2).wait()
    pltpu.make_async_copy(src_hbm.at[pl.ds(0, B)], si3, is3).wait()
    pltpu.make_async_copy(dst_hbm.at[pl.ds(0, B)], di3, is3).wait()
    plsc.subcore_barrier()
    pltpu.sync_copy(acc.at[pl.ds(r0, ROWS_PER_TILE)],
                    out_hbm.at[c, pl.ds(r0, ROWS_PER_TILE)])


@functools.cache
def _make_deg(interpret=False):
    return pl.kernel(
        _deg_body,
        out_type=jax.ShapeDtypeStruct((NC, NPAD, IN_DIM), jnp.float32),
        mesh=_mesh(),
        scratch_types=[
            pltpu.VMEM((B,), jnp.int32),
            pltpu.VMEM((B,), jnp.int32),
            pltpu.VMEM((B, IN_DIM), jnp.float32),
            pltpu.VMEM_SHARED((NPAD, IN_DIM), jnp.float32),
            pltpu.SemaphoreType.DMA,
            pltpu.SemaphoreType.DMA,
        ],
        interpret=interpret,
    )


@functools.cache
def _make_prop(interpret=False):
    return pl.kernel(
        _prop_body,
        out_type=jax.ShapeDtypeStruct((NC, NPAD, IN_DIM), jnp.float32),
        mesh=_mesh(),
        scratch_types=(
            [pltpu.VMEM((B,), jnp.int32)] * 8
            + [pltpu.VMEM((B, IN_DIM), jnp.float32)] * 2
            + [pltpu.VMEM_SHARED((NPAD, IN_DIM), jnp.float32)]
            + [pltpu.SemaphoreType.DMA] * 6
        ),
        interpret=interpret,
    )


def _scale_body(deg2_ref, x_ref, y1_ref, dinv_ref):
    deg = deg2_ref[0, :, 0:1] + deg2_ref[1, :, 0:1] + 1.0
    dinv = lax.rsqrt(deg)
    y1_ref[...] = x_ref[...] * dinv
    dinv_ref[...] = jnp.broadcast_to(dinv, (BN, IN_DIM))


def _make_scale(interpret=False):
    return pl.pallas_call(
        _scale_body,
        grid=(GRID,),
        in_specs=[
            pl.BlockSpec((NC, BN, IN_DIM), lambda i: (0, i, 0)),
            pl.BlockSpec((BN, IN_DIM), lambda i: (i, 0)),
        ],
        out_specs=[
            pl.BlockSpec((BN, IN_DIM), lambda i: (i, 0)),
            pl.BlockSpec((BN, IN_DIM), lambda i: (i, 0)),
        ],
        out_shape=[
            jax.ShapeDtypeStruct((NPAD, IN_DIM), jnp.float32),
            jax.ShapeDtypeStruct((NPAD, IN_DIM), jnp.float32),
        ],
        interpret=interpret,
    )


def _mm1_body(acc_ref, y1_ref, dinv_ref, w1_ref, b1_ref, *y2_refs):
    dinv = dinv_ref[...]
    sx = (acc_ref[0] + acc_ref[1] + y1_ref[...]) * dinv
    h = jnp.dot(sx, w1_ref[...], preferred_element_type=jnp.float32,
                precision=lax.Precision.DEFAULT)
    h = jnp.maximum(h + b1_ref[...], 0.0)
    y2 = h * dinv[:, 0:1]
    for ck in range(4):
        y2_refs[ck][...] = y2[:, ck * IN_DIM:(ck + 1) * IN_DIM]


def _make_mm1(interpret=False):
    return pl.pallas_call(
        _mm1_body,
        grid=(GRID,),
        in_specs=[
            pl.BlockSpec((NC, BN, IN_DIM), lambda i: (0, i, 0)),
            pl.BlockSpec((BN, IN_DIM), lambda i: (i, 0)),
            pl.BlockSpec((BN, IN_DIM), lambda i: (i, 0)),
            pl.BlockSpec((IN_DIM, HID_DIM), lambda i: (0, 0)),
            pl.BlockSpec((1, HID_DIM), lambda i: (0, 0)),
        ],
        out_specs=[pl.BlockSpec((BN, IN_DIM), lambda i: (i, 0))] * 4,
        out_shape=[jax.ShapeDtypeStruct((NPAD, IN_DIM), jnp.float32)] * 4,
        interpret=interpret,
    )


def _mm2_body(a0_ref, a1_ref, a2_ref, a3_ref, y0_ref, y1c_ref, y2c_ref,
              y3_ref, dinv_ref, x_ref, w2_ref, wl_ref, b2_ref, bl_ref,
              out_ref):
    dinv = dinv_ref[...]
    accs = (a0_ref, a1_ref, a2_ref, a3_ref)
    ys = (y0_ref, y1c_ref, y2c_ref, y3_ref)
    h2 = jnp.broadcast_to(b2_ref[...], (BN, OUT_DIM))
    for ck in range(4):
        sx = (accs[ck][0] + accs[ck][1] + ys[ck][...]) * dinv
        h2 = h2 + jnp.dot(sx, w2_ref[ck * IN_DIM:(ck + 1) * IN_DIM, :],
                          preferred_element_type=jnp.float32,
                          precision=lax.Precision.DEFAULT)
    out = jnp.dot(h2, wl_ref[...], preferred_element_type=jnp.float32,
                  precision=lax.Precision.DEFAULT)
    out = jnp.maximum(out + bl_ref[...], 0.0)
    out_ref[:, 0:IN_DIM] = x_ref[...]
    out_ref[:, IN_DIM:] = out


def _make_mm2(interpret=False):
    return pl.pallas_call(
        _mm2_body,
        grid=(GRID,),
        in_specs=[
            pl.BlockSpec((NC, BN, IN_DIM), lambda i: (0, i, 0)),
            pl.BlockSpec((NC, BN, IN_DIM), lambda i: (0, i, 0)),
            pl.BlockSpec((NC, BN, IN_DIM), lambda i: (0, i, 0)),
            pl.BlockSpec((NC, BN, IN_DIM), lambda i: (0, i, 0)),
            pl.BlockSpec((BN, IN_DIM), lambda i: (i, 0)),
            pl.BlockSpec((BN, IN_DIM), lambda i: (i, 0)),
            pl.BlockSpec((BN, IN_DIM), lambda i: (i, 0)),
            pl.BlockSpec((BN, IN_DIM), lambda i: (i, 0)),
            pl.BlockSpec((BN, IN_DIM), lambda i: (i, 0)),
            pl.BlockSpec((BN, IN_DIM), lambda i: (i, 0)),
            pl.BlockSpec((HID_DIM, OUT_DIM), lambda i: (0, 0)),
            pl.BlockSpec((OUT_DIM, OUT_DIM), lambda i: (0, 0)),
            pl.BlockSpec((1, OUT_DIM), lambda i: (0, 0)),
            pl.BlockSpec((1, OUT_DIM), lambda i: (0, 0)),
        ],
        out_specs=pl.BlockSpec((BN, IN_DIM + OUT_DIM), lambda i: (i, 0)),
        out_shape=jax.ShapeDtypeStruct((N, IN_DIM + OUT_DIM), jnp.float32),
        interpret=interpret,
    )


_scale_k = _make_scale()
_mm1_k = _make_mm1()
_mm2_k = _make_mm2()


@jax.jit
def kernel(feature, edge_index, W1, b1, W2, b2, Wl, bl):
    _deg_k = _make_deg()
    _prop_k = _make_prop()
    src = edge_index[0].astype(jnp.int32)
    dst = edge_index[1].astype(jnp.int32)
    srcp = jnp.concatenate([src, jnp.asarray(_PAD_SRC)])
    dstp = jnp.concatenate([dst, jnp.asarray(_PAD_DST)])
    dstp_deg = jnp.concatenate([dst, jnp.asarray(_PAD_DEG)])
    xpad = jnp.pad(feature, ((0, NPAD - N), (0, 0)))
    zeros128 = jnp.zeros((NPAD, IN_DIM), jnp.float32)
    ones128 = jnp.ones((B, IN_DIM), jnp.float32)

    deg2 = _deg_k(zeros128, ones128, dstp_deg)
    y1, dinv128 = _scale_k(deg2, xpad)
    acc1 = _prop_k(zeros128, srcp, dstp, y1)
    y2_4 = _mm1_k(acc1, y1, dinv128, W1, b1.reshape(1, HID_DIM))
    accs = [_prop_k(zeros128, srcp, dstp, y2_4[ck]) for ck in range(4)]
    out = _mm2_k(accs[0], accs[1], accs[2], accs[3], *y2_4, dinv128, xpad,
                 W2, Wl, b2.reshape(1, OUT_DIM), bl.reshape(1, OUT_DIM))
    return out[:N]

# --- scband reference (transcript-rebuilt; emitter-appended) ---
"""Pipeline reference for scband-gcn-48043504173162 (READ-ONLY COPY).

The authoritative reference and input builder live on the scoring server;
editing this copy changes nothing except your own understanding.
"""

import jax, jax.numpy as jnp
import numpy as np

N_NODES = 10000
IN_DIM = 128
HID_DIM = 512
OUT_DIM = 768
N_EDGES = 320000


def _glorot(key, shape):
    fan_in, fan_out = shape[0], shape[1]
    limit = np.sqrt(6.0 / (fan_in + fan_out))
    return jax.random.uniform(key, shape, jnp.float32, -limit, limit)


def setup_inputs(seed: int = 0) -> dict:
    key = jax.random.key(seed)
    ks = jax.random.split(key, 8)
    feature = jax.random.normal(ks[0], (N_NODES, IN_DIM), jnp.float32)
    edge_index = jax.random.randint(ks[1], (2, N_EDGES), 0, N_NODES, jnp.int64)
    W1 = _glorot(ks[2], (IN_DIM, HID_DIM))
    b1 = jnp.zeros((HID_DIM,), jnp.float32)
    W2 = _glorot(ks[3], (HID_DIM, OUT_DIM))
    b2 = jnp.zeros((OUT_DIM,), jnp.float32)
    Wl = _glorot(ks[4], (OUT_DIM, OUT_DIM))
    bl = jax.random.uniform(ks[5], (OUT_DIM,), jnp.float32, -1.0 / np.sqrt(OUT_DIM), 1.0 / np.sqrt(OUT_DIM))
    return {"feature": feature, "edge_index": edge_index, "W1": W1, "b1": b1, "W2": W2, "b2": b2, "Wl": Wl, "bl": bl}


def gcn_conv(x, edge_index, W, b):
    n = x.shape[0]
    # add self loops (PyG GCNConv default)
    loop = jnp.arange(n, dtype=edge_index.dtype)
    src = jnp.concatenate([edge_index[0], loop])
    dst = jnp.concatenate([edge_index[1], loop])
    # symmetric normalization D^{-1/2} A_hat D^{-1/2}
    deg = jnp.zeros((n,), jnp.float32).at[dst].add(1.0)
    dinv = jnp.where(deg > 0, jax.lax.rsqrt(deg), 0.0)
    norm = dinv[src] * dinv[dst]
    xw = x @ W
    msg = xw[src] * norm[:, None]
    out = jnp.zeros((n, W.shape[1]), jnp.float32).at[dst].add(msg)
    return out + b


def reference(feature, edge_index, W1, b1, W2, b2, Wl, bl):
    x = gcn_conv(feature, edge_index, W1, b1)
    x = jax.nn.relu(x)
    # dropout(p=0.5) in eval mode -> identity (self.training False for inference reference)
    x = gcn_conv(x, edge_index, W2, b2)
    x = x @ Wl + bl
    x = jax.nn.relu(x)
    return jnp.concatenate((feature, x), axis=1)

if __name__ == "__main__":
    import jax
    _d = setup_inputs()
    print(jax.jit(kernel)(*tuple(_d.values())))

</pallas_src>

<mosaic_0001>
#map = affine_map<(d0, d1) -> (0, 0)>
#map1 = affine_map<(d0, d1) -> (0)>
#map2 = affine_map<(d0, d1) -> (0, 0, 0)>
module attributes {stable_mosaic.version = 14 : i64} {
  func.func @_deg_body(%arg0: i32, %arg1: i32, %arg2: memref<10112x128xf32, #tpu.memory_space<hbm>>, %arg3: memref<128x128xf32, #tpu.memory_space<hbm>>, %arg4: memref<328704xi32, #tpu.memory_space<hbm>>, %arg5: memref<2x10112x128xf32, #tpu.memory_space<hbm>>, %arg6: memref<128xi32, #tpu.memory_space<vmem>>, %arg7: memref<128xi32, #tpu.memory_space<vmem>>, %arg8: memref<128x128xf32, #tpu.memory_space<vmem>>, %arg9: memref<10112x128xf32, #tpu.memory_space<vmem_shared>>, %arg10: memref<!tpu.dma_semaphore, #tpu.memory_space<semaphore_mem>>, %arg11: memref<!tpu.dma_semaphore, #tpu.memory_space<semaphore_mem>>) attributes {dimension_semantics = [#tpu.dimension_semantics<core_parallel>, #tpu.dimension_semantics<subcore_parallel>], iteration_bounds = array<i64: 2, 16>, scalar_prefetch = 0 : i64, scratch_operands = 6 : i64, tpu.core_type = #tpu.core_type<sc_vector_subcore>, window_params = [{transform_indices = #map}, {transform_indices = #map}, {transform_indices = #map1}, {transform_indices = #map2}]} {
    %mul3A = arith.constant 2 : i32
    %mul3A_0 = arith.muli %arg1, %mul3A : i32
    %add3A = arith.addi %mul3A_0, %arg0 : i32
    %mul3A_1 = arith.constant 632 : i32
    %mul3A_2 = arith.muli %arg1, %mul3A_1 : i32
    "tpu.region"() ({
      %run_scoped3A = tpu.sem_alloc : memref<!tpu.dma_semaphore, #tpu.memory_space<semaphore_mem>>
      %dma_start3A_22 = arith.constant 0 : i32
      %dma_start3A_23 = tpu.memref_slice %arg9[%mul3A_2, %dma_start3A_22] : memref<10112x128xf32, #tpu.memory_space<vmem_shared>> -> memref<632x128xf32, #tpu.memory_space<vmem_shared>>
      %dma_start3A_24 = arith.constant 0 : i32
      %dma_start3A_25 = tpu.memref_slice %arg2[%mul3A_2, %dma_start3A_24] : memref<10112x128xf32, #tpu.memory_space<hbm>> -> memref<632x128xf32, #tpu.memory_space<hbm>>
      tpu.enqueue_dma source(%dma_start3A_25 : memref<632x128xf32, #tpu.memory_space<hbm>>) target(%dma_start3A_23 : memref<632x128xf32, #tpu.memory_space<vmem_shared>>) target_semaphore(%run_scoped3A : memref<!tpu.dma_semaphore, #tpu.memory_space<semaphore_mem>>)
      %dma_wait3A_26 = arith.constant 0 : i32
      %dma_wait3A_27 = tpu.memref_slice %arg9[%mul3A_2, %dma_wait3A_26] : memref<10112x128xf32, #tpu.memory_space<vmem_shared>> -> memref<632x128xf32, #tpu.memory_space<vmem_shared>>
      %dma_wait3A_28 = arith.constant 0 : i32
      %dma_wait3A_29 = tpu.memref_slice %arg2[%mul3A_2, %dma_wait3A_28] : memref<10112x128xf32, #tpu.memory_space<hbm>> -> memref<632x128xf32, #tpu.memory_space<hbm>>
      tpu.wait_dma2 semaphore(%run_scoped3A : memref<!tpu.dma_semaphore, #tpu.memory_space<semaphore_mem>>) src(%dma_wait3A_29 : memref<632x128xf32, #tpu.memory_space<hbm>>) dst(%dma_wait3A_27 : memref<632x128xf32, #tpu.memory_space<vmem_shared>>)
      tpu.yield
    }) : () -> ()
    %mul3A_3 = arith.constant 10240 : i32
    %mul3A_4 = arith.muli %add3A, %mul3A_3 : i32
    %dma_start3A = tpu.memref_slice %arg4[%mul3A_4] : memref<328704xi32, #tpu.memory_space<hbm>> -> memref<128xi32, #tpu.memory_space<hbm>>
    %dma_start3A_5 = tpu.memref_slice %arg4[%mul3A_4] : memref<328704xi32, #tpu.memory_space<hbm>> -> memref<128xi32, #tpu.memory_space<hbm>>
    tpu.enqueue_dma source(%dma_start3A_5 : memref<128xi32, #tpu.memory_space<hbm>>) target(%arg6 : memref<128xi32, #tpu.memory_space<vmem>>) target_semaphore(%arg10 : memref<!tpu.dma_semaphore, #tpu.memory_space<semaphore_mem>>)
    %add3A_6 = arith.constant 128 : i32
    %add3A_7 = arith.addi %mul3A_4, %add3A_6 : i32
    %dma_start3A_8 = tpu.memref_slice %arg4[%add3A_7] : memref<328704xi32, #tpu.memory_space<hbm>> -> memref<128xi32, #tpu.memory_space<hbm>>
    %dma_start3A_9 = tpu.memref_slice %arg4[%add3A_7] : memref<328704xi32, #tpu.memory_space<hbm>> -> memref<128xi32, #tpu.memory_space<hbm>>
    tpu.enqueue_dma source(%dma_start3A_9 : memref<128xi32, #tpu.memory_space<hbm>>) target(%arg7 : memref<128xi32, #tpu.memory_space<vmem>>) target_semaphore(%arg11 : memref<!tpu.dma_semaphore, #tpu.memory_space<semaphore_mem>>)
    "tpu.region"() ({
      %run_scoped3A = tpu.sem_alloc : memref<!tpu.dma_semaphore, #tpu.memory_space<semaphore_mem>>
      tpu.enqueue_dma source(%arg3 : memref<128x128xf32, #tpu.memory_space<hbm>>) target(%arg8 : memref<128x128xf32, #tpu.memory_space<vmem>>) target_semaphore(%run_scoped3A : memref<!tpu.dma_semaphore, #tpu.memory_space<semaphore_mem>>)
      tpu.wait_dma2 semaphore(%run_scoped3A : memref<!tpu.dma_semaphore, #tpu.memory_space<semaphore_mem>>) src(%arg3 : memref<128x128xf32, #tpu.memory_space<hbm>>) dst(%arg8 : memref<128x128xf32, #tpu.memory_space<vmem>>)
      tpu.yield
    }) : () -> ()
    %barrier3A = arith.constant 0 : index
    tpu.barrier barrier_id(%barrier3A)
    %scan3A = arith.constant 0 : i32
    %scan3A_10 = arith.constant 40 : i32
    %scan3A_11 = arith.addi %scan3A, %scan3A_10 : i32
    %scan3A_12 = arith.constant 1 : i32
    scf.for %scan3A_22 = %scan3A to %scan3A_11 step %scan3A_12  : i32 {
      %mul3A_23 = arith.constant 1 : i32
      %mul3A_24 = arith.muli %scan3A_22, %mul3A_23 : i32
      %add3A_25 = arith.constant 0 : i32
      %add3A_26 = arith.addi %add3A_25, %mul3A_24 : i32
      %mul3A_27 = arith.constant 2 : i32
      %mul3A_28 = arith.muli %mul3A_27, %add3A_26 : i32
      %mul3A_29 = arith.constant 128 : i32
      %mul3A_30 = arith.muli %mul3A_28, %mul3A_29 : i32
      %add3A_31 = arith.addi %mul3A_4, %mul3A_30 : i32
      %dma_wait3A_32 = arith.constant 0 : i32
      %dma_wait3A_33 = tpu.memref_slice %arg4[%dma_wait3A_32] : memref<328704xi32, #tpu.memory_space<hbm>> -> memref<128xi32, #tpu.memory_space<hbm>>
      %dma_wait3A_34 = arith.constant 0 : i32
      %dma_wait3A_35 = tpu.memref_slice %arg4[%dma_wait3A_34] : memref<328704xi32, #tpu.memory_space<hbm>> -> memref<128xi32, #tpu.memory_space<hbm>>
      tpu.wait_dma2 semaphore(%arg10 : memref<!tpu.dma_semaphore, #tpu.memory_space<semaphore_mem>>) src(%dma_wait3A_35 : memref<128xi32, #tpu.memory_space<hbm>>) dst(%arg6 : memref<128xi32, #tpu.memory_space<vmem>>)
      "tpu.region"() ({
        %run_scoped3A = tpu.sem_alloc : memref<!tpu.dma_semaphore, #tpu.memory_space<semaphore_mem>>
        %dma_start3A_48 = arith.constant 0 : i32
        %dma_start3A_49 = arith.constant 0 : i32
        %dma_start3A_50 = tpu.memref_slice %arg9[%dma_start3A_48, %dma_start3A_49] : memref<10112x128xf32, #tpu.memory_space<vmem_shared>> -> memref<10112x128xf32, #tpu.memory_space<vmem_shared>>
        tpu.enqueue_indirect_dma source(%arg8 : memref<128x128xf32, #tpu.memory_space<vmem>>) target(%dma_start3A_50 : memref<10112x128xf32, #tpu.memory_space<vmem_shared>>) offsets(%arg6 : memref<128xi32, #tpu.memory_space<vmem>>) semaphore(%run_scoped3A : memref<!tpu.dma_semaphore, #tpu.memory_space<semaphore_mem>>) {add = true}
        %dma_wait3A_51 = arith.constant 0 : i32
        %dma_wait3A_52 = arith.constant 0 : i32
        %dma_wait3A_53 = tpu.memref_slice %arg9[%dma_wait3A_51, %dma_wait3A_52] : memref<10112x128xf32, #tpu.memory_space<vmem_shared>> -> memref<10112x128xf32, #tpu.memory_space<vmem_shared>>
        tpu.wait_indirect_dma semaphore(%run_scoped3A : memref<!tpu.dma_semaphore, #tpu.memory_space<semaphore_mem>>) src(%arg8 : memref<128x128xf32, #tpu.memory_space<vmem>>) dst(%dma_wait3A_53 : memref<10112x128xf32, #tpu.memory_space<vmem_shared>>)
        tpu.yield
      }) : () -> ()
      %add3A_36 = arith.constant 256 : i32
      %add3A_37 = arith.addi %add3A_31, %add3A_36 : i32
      %dma_start3A_38 = tpu.memref_slice %arg4[%add3A_37] : memref<328704xi32, #tpu.memory_space<hbm>> -> memref<128xi32, #tpu.memory_space<hbm>>
      %dma_start3A_39 = tpu.memref_slice %arg4[%add3A_37] : memref<328704xi32, #tpu.memory_space<hbm>> -> memref<128xi32, #tpu.memory_space<hbm>>
      tpu.enqueue_dma source(%dma_start3A_39 : memref<128xi32, #tpu.memory_space<hbm>>) target(%arg6 : memref<128xi32, #tpu.memory_space<vmem>>) target_semaphore(%arg10 : memref<!tpu.dma_semaphore, #tpu.memory_space<semaphore_mem>>)
      %dma_wait3A_40 = arith.constant 0 : i32
      %dma_wait3A_41 = tpu.memref_slice %arg4[%dma_wait3A_40] : memref<328704xi32, #tpu.memory_space<hbm>> -> memref<128xi32, #tpu.memory_space<hbm>>
      %dma_wait3A_42 = arith.constant 0 : i32
      %dma_wait3A_43 = tpu.memref_slice %arg4[%dma_wait3A_42] : memref<328704xi32, #tpu.memory_space<hbm>> -> memref<128xi32, #tpu.memory_space<hbm>>
      tpu.wait_dma2 semaphore(%arg11 : memref<!tpu.dma_semaphore, #tpu.memory_space<semaphore_mem>>) src(%dma_wait3A_43 : memref<128xi32, #tpu.memory_space<hbm>>) dst(%arg7 : memref<128xi32, #tpu.memory_space<vmem>>)
      "tpu.region"() ({
        %run_scoped3A = tpu.sem_alloc : memref<!tpu.dma_semaphore, #tpu.memory_space<semaphore_mem>>
        %dma_start3A_48 = arith.constant 0 : i32
        %dma_start3A_49 = arith.constant 0 : i32
        %dma_start3A_50 = tpu.memref_slice %arg9[%dma_start3A_48, %dma_start3A_49] : memref<10112x128xf32, #tpu.memory_space<vmem_shared>> -> memref<10112x128xf32, #tpu.memory_space<vmem_shared>>
        tpu.enqueue_indirect_dma source(%arg8 : memref<128x128xf32, #tpu.memory_space<vmem>>) target(%dma_start3A_50 : memref<10112x128xf32, #tpu.memory_space<vmem_shared>>) offsets(%arg7 : memref<128xi32, #tpu.memory_space<vmem>>) semaphore(%run_scoped3A : memref<!tpu.dma_semaphore, #tpu.memory_space<semaphore_mem>>) {add = true}
        %dma_wait3A_51 = arith.constant 0 : i32
        %dma_wait3A_52 = arith.constant 0 : i32
        %dma_wait3A_53 = tpu.memref_slice %arg9[%dma_wait3A_51, %dma_wait3A_52] : memref<10112x128xf32, #tpu.memory_space<vmem_shared>> -> memref<10112x128xf32, #tpu.memory_space<vmem_shared>>
        tpu.wait_indirect_dma semaphore(%run_scoped3A : memref<!tpu.dma_semaphore, #tpu.memory_space<semaphore_mem>>) src(%arg8 : memref<128x128xf32, #tpu.memory_space<vmem>>) dst(%dma_wait3A_53 : memref<10112x128xf32, #tpu.memory_space<vmem_shared>>)
        tpu.yield
      }) : () -> ()
      %add3A_44 = arith.constant 384 : i32
      %add3A_45 = arith.addi %add3A_31, %add3A_44 : i32
      %dma_start3A_46 = tpu.memref_slice %arg4[%add3A_45] : memref<328704xi32, #tpu.memory_space<hbm>> -> memref<128xi32, #tpu.memory_space<hbm>>
      %dma_start3A_47 = tpu.memref_slice %arg4[%add3A_45] : memref<328704xi32, #tpu.memory_space<hbm>> -> memref<128xi32, #tpu.memory_space<hbm>>
      tpu.enqueue_dma source(%dma_start3A_47 : memref<128xi32, #tpu.memory_space<hbm>>) target(%arg7 : memref<128xi32, #tpu.memory_space<vmem>>) target_semaphore(%arg11 : memref<!tpu.dma_semaphore, #tpu.memory_space<semaphore_mem>>)
    }
    %scan3A_13 = arith.constant 40 : i32
    %dma_wait3A = arith.constant 0 : i32
    %dma_wait3A_14 = tpu.memref_slice %arg4[%dma_wait3A] : memref<328704xi32, #tpu.memory_space<hbm>> -> memref<128xi32, #tpu.memory_space<hbm>>
    %dma_wait3A_15 = arith.constant 0 : i32
    %dma_wait3A_16 = tpu.memref_slice %arg4[%dma_wait3A_15] : memref<328704xi32, #tpu.memory_space<hbm>> -> memref<128xi32, #tpu.memory_space<hbm>>
    tpu.wait_dma2 semaphore(%arg10 : memref<!tpu.dma_semaphore, #tpu.memory_space<semaphore_mem>>) src(%dma_wait3A_16 : memref<128xi32, #tpu.memory_space<hbm>>) dst(%arg6 : memref<128xi32, #tpu.memory_space<vmem>>)
    %dma_wait3A_17 = arith.constant 0 : i32
    %dma_wait3A_18 = tpu.memref_slice %arg4[%dma_wait3A_17] : memref<328704xi32, #tpu.memory_space<hbm>> -> memref<128xi32, #tpu.memory_space<hbm>>
    %dma_wait3A_19 = arith.constant 0 : i32
    %dma_wait3A_20 = tpu.memref_slice %arg4[%dma_wait3A_19] : memref<328704xi32, #tpu.memory_space<hbm>> -> memref<128xi32, #tpu.memory_space<hbm>>
    tpu.wait_dma2 semaphore(%arg11 : memref<!tpu.dma_semaphore, #tpu.memory_space<semaphore_mem>>) src(%dma_wait3A_20 : memref<128xi32, #tpu.memory_space<hbm>>) dst(%arg7 : memref<128xi32, #tpu.memory_space<vmem>>)
    %barrier3A_21 = arith.constant 0 : index
    tpu.barrier barrier_id(%barrier3A_21)
    "tpu.region"() ({
      %run_scoped3A = tpu.sem_alloc : memref<!tpu.dma_semaphore, #tpu.memory_space<semaphore_mem>>
      %dma_start3A_22 = arith.constant 0 : i32
      %dma_start3A_23 = tpu.memref_slice %arg5[%arg0, %mul3A_2, %dma_start3A_22] : memref<2x10112x128xf32, #tpu.memory_space<hbm>> -> memref<1x632x128xf32, #tpu.memory_space<hbm>>
      %dma_start3A_24 = tpu.memref_squeeze %dma_start3A_23 : memref<1x632x128xf32, #tpu.memory_space<hbm>> -> memref<632x128xf32, #tpu.memory_space<hbm>>
      %dma_start3A_25 = arith.constant 0 : i32
      %dma_start3A_26 = tpu.memref_slice %arg9[%mul3A_2, %dma_start3A_25] : memref<10112x128xf32, #tpu.memory_space<vmem_shared>> -> memref<632x128xf32, #tpu.memory_space<vmem_shared>>
      tpu.enqueue_dma source(%dma_start3A_26 : memref<632x128xf32, #tpu.memory_space<vmem_shared>>) target(%dma_start3A_24 : memref<632x128xf32, #tpu.memory_space<hbm>>) target_semaphore(%run_scoped3A : memref<!tpu.dma_semaphore, #tpu.memory_space<semaphore_mem>>)
      %dma_wait3A_27 = arith.constant 0 : i32
      %dma_wait3A_28 = tpu.memref_slice %arg5[%arg0, %mul3A_2, %dma_wait3A_27] : memref<2x10112x128xf32, #tpu.memory_space<hbm>> -> memref<1x632x128xf32, #tpu.memory_space<hbm>>
      %dma_wait3A_29 = tpu.memref_squeeze %dma_wait3A_28 : memref<1x632x128xf32, #tpu.memory_space<hbm>> -> memref<632x128xf32, #tpu.memory_space<hbm>>
      %dma_wait3A_30 = arith.constant 0 : i32
      %dma_wait3A_31 = tpu.memref_slice %arg9[%mul3A_2, %dma_wait3A_30] : memref<10112x128xf32, #tpu.memory_space<vmem_shared>> -> memref<632x128xf32, #tpu.memory_space<vmem_shared>>
      tpu.wait_dma2 semaphore(%run_scoped3A : memref<!tpu.dma_semaphore, #tpu.memory_space<semaphore_mem>>) src(%dma_wait3A_31 : memref<632x128xf32, #tpu.memory_space<vmem_shared>>) dst(%dma_wait3A_29 : memref<632x128xf32, #tpu.memory_space<hbm>>)
      tpu.yield
    }) : () -> ()
    return
  }
}

#map = affine_map<(d0, d1) -> (0, 0)>
#map1 = affine_map<(d0, d1) -> (0)>
#map2 = affine_map<(d0, d1) -> (0, 0, 0)>
module attributes {stable_mosaic.version = 14 : i64} {
  func.func @_prop_body(%arg0: i32, %arg1: i32, %arg2: memref<10112x128xf32, #tpu.memory_space<hbm>>, %arg3: memref<328704xi32, #tpu.memory_space<hbm>>, %arg4: memref<328704xi32, #tpu.memory_space<hbm>>, %arg5: memref<10112x128xf32, #tpu.memory_space<hbm>>, %arg6: memref<2x10112x128xf32, #tpu.memory_space<hbm>>, %arg7: memref<128xi32, #tpu.memory_space<vmem>>, %arg8: memref<128xi32, #tpu.memory_space<vmem>>, %arg9: memref<128xi32, #tpu.memory_space<vmem>>, %arg10: memref<128xi32, #tpu.memory_space<vmem>>, %arg11: memref<128xi32, #tpu.memory_space<vmem>>, %arg12: memref<128xi32, #tpu.memory_space<vmem>>, %arg13: memref<128xi32, #tpu.memory_space<vmem>>, %arg14: memref<128xi32, #tpu.memory_space<vmem>>, %arg15: memref<128x128xf32, #tpu.memory_space<vmem>>, %arg16: memref<128x128xf32, #tpu.memory_space<vmem>>, %arg17: memref<10112x128xf32, #tpu.memory_space<vmem_shared>>, %arg18: memref<!tpu.dma_semaphore, #tpu.memory_space<semaphore_mem>>, %arg19: memref<!tpu.dma_semaphore, #tpu.memory_space<semaphore_mem>>, %arg20: memref<!tpu.dma_semaphore, #tpu.memory_space<semaphore_mem>>, %arg21: memref<!tpu.dma_semaphore, #tpu.memory_space<semaphore_mem>>, %arg22: memref<!tpu.dma_semaphore, #tpu.memory_space<semaphore_mem>>, %arg23: memref<!tpu.dma_semaphore, #tpu.memory_space<semaphore_mem>>) attributes {dimension_semantics = [#tpu.dimension_semantics<core_parallel>, #tpu.dimension_semantics<subcore_parallel>], iteration_bounds = array<i64: 2, 16>, scalar_prefetch = 0 : i64, scratch_operands = 17 : i64, tpu.core_type = #tpu.core_type<sc_vector_subcore>, window_params = [{transform_indices = #map}, {transform_indices = #map1}, {transform_indices = #map1}, {transform_indices = #map}, {transform_indices = #map2}]} {
    %mul3A = arith.constant 2 : i32
    %mul3A_0 = arith.muli %arg1, %mul3A : i32
    %add3A = arith.addi %mul3A_0, %arg0 : i32
    %mul3A_1 = arith.constant 632 : i32
    %mul3A_2 = arith.muli %arg1, %mul3A_1 : i32
    "tpu.region"() ({
      %run_scoped3A = tpu.sem_alloc : memref<!tpu.dma_semaphore, #tpu.memory_space<semaphore_mem>>
      %dma_start3A_58 = arith.constant 0 : i32
      %dma_start3A_59 = tpu.memref_slice %arg17[%mul3A_2, %dma_start3A_58] : memref<10112x128xf32, #tpu.memory_space<vmem_shared>> -> memref<632x128xf32, #tpu.memory_space<vmem_shared>>
      %dma_start3A_60 = arith.constant 0 : i32
      %dma_start3A_61 = tpu.memref_slice %arg2[%mul3A_2, %dma_start3A_60] : memref<10112x128xf32, #tpu.memory_space<hbm>> -> memref<632x128xf32, #tpu.memory_space<hbm>>
      tpu.enqueue_dma source(%dma_start3A_61 : memref<632x128xf32, #tpu.memory_space<hbm>>) target(%dma_start3A_59 : memref<632x128xf32, #tpu.memory_space<vmem_shared>>) target_semaphore(%run_scoped3A : memref<!tpu.dma_semaphore, #tpu.memory_space<semaphore_mem>>)
      %dma_wait3A_62 = arith.constant 0 : i32
      %dma_wait3A_63 = tpu.memref_slice %arg17[%mul3A_2, %dma_wait3A_62] : memref<10112x128xf32, #tpu.memory_space<vmem_shared>> -> memref<632x128xf32, #tpu.memory_space<vmem_shared>>
      %dma_wait3A_64 = arith.constant 0 : i32
      %dma_wait3A_65 = tpu.memref_slice %arg2[%mul3A_2, %dma_wait3A_64] : memref<10112x128xf32, #tpu.memory_space<hbm>> -> memref<632x128xf32, #tpu.memory_space<hbm>>
      tpu.wait_dma2 semaphore(%run_scoped3A : memref<!tpu.dma_semaphore, #tpu.memory_space<semaphore_mem>>) src(%dma_wait3A_65 : memref<632x128xf32, #tpu.memory_space<hbm>>) dst(%dma_wait3A_63 : memref<632x128xf32, #tpu.memory_space<vmem_shared>>)
      tpu.yield
    }) : () -> ()
    %mul3A_3 = arith.constant 80 : i32
    %mul3A_4 = arith.muli %add3A, %mul3A_3 : i32
    %mul3A_5 = arith.constant 128 : i32
    %mul3A_6 = arith.muli %mul3A_4, %mul3A_5 : i32
    "tpu.region"() ({
      %run_scoped3A = tpu.sem_alloc : memref<!tpu.dma_semaphore, #tpu.memory_space<semaphore_mem>>
      %dma_start3A_58 = tpu.memref_slice %arg3[%mul3A_6] : memref<328704xi32, #tpu.memory_space<hbm>> -> memref<128xi32, #tpu.memory_space<hbm>>
      %dma_start3A_59 = tpu.memref_slice %arg3[%mul3A_6] : memref<328704xi32, #tpu.memory_space<hbm>> -> memref<128xi32, #tpu.memory_space<hbm>>
      tpu.enqueue_dma source(%dma_start3A_59 : memref<128xi32, #tpu.memory_space<hbm>>) target(%arg7 : memref<128xi32, #tpu.memory_space<vmem>>) target_semaphore(%run_scoped3A : memref<!tpu.dma_semaphore, #tpu.memory_space<semaphore_mem>>)
      %dma_wait3A_60 = tpu.memref_slice %arg3[%mul3A_6] : memref<328704xi32, #tpu.memory_space<hbm>> -> memref<128xi32, #tpu.memory_space<hbm>>
      %dma_wait3A_61 = tpu.memref_slice %arg3[%mul3A_6] : memref<328704xi32, #tpu.memory_space<hbm>> -> memref<128xi32, #tpu.memory_space<hbm>>
      tpu.wait_dma2 semaphore(%run_scoped3A : memref<!tpu.dma_semaphore, #tpu.memory_space<semaphore_mem>>) src(%dma_wait3A_61 : memref<128xi32, #tpu.memory_space<hbm>>) dst(%arg7 : memref<128xi32, #tpu.memory_space<vmem>>)
      tpu.yield
    }) : () -> ()
    "tpu.region"() ({
      %run_scoped3A = tpu.sem_alloc : memref<!tpu.dma_semaphore, #tpu.memory_space<semaphore_mem>>
      %dma_start3A_58 = tpu.memref_slice %arg4[%mul3A_6] : memref<328704xi32, #tpu.memory_space<hbm>> -> memref<128xi32, #tpu.memory_space<hbm>>
      %dma_start3A_59 = tpu.memref_slice %arg4[%mul3A_6] : memref<328704xi32, #tpu.memory_space<hbm>> -> memref<128xi32, #tpu.memory_space<hbm>>
      tpu.enqueue_dma source(%dma_start3A_59 : memref<128xi32, #tpu.memory_space<hbm>>) target(%arg8 : memref<128xi32, #tpu.memory_space<vmem>>) target_semaphore(%run_scoped3A : memref<!tpu.dma_semaphore, #tpu.memory_space<semaphore_mem>>)
      %dma_wait3A_60 = tpu.memref_slice %arg4[%mul3A_6] : memref<328704xi32, #tpu.memory_space<hbm>> -> memref<128xi32, #tpu.memory_space<hbm>>
      %dma_wait3A_61 = tpu.memref_slice %arg4[%mul3A_6] : memref<328704xi32, #tpu.memory_space<hbm>> -> memref<128xi32, #tpu.memory_space<hbm>>
      tpu.wait_dma2 semaphore(%run_scoped3A : memref<!tpu.dma_semaphore, #tpu.memory_space<semaphore_mem>>) src(%dma_wait3A_61 : memref<128xi32, #tpu.memory_space<hbm>>) dst(%arg8 : memref<128xi32, #tpu.memory_space<vmem>>)
      tpu.yield
    }) : () -> ()
    %add3A_7 = arith.constant 128 : i32
    %add3A_8 = arith.addi %mul3A_6, %add3A_7 : i32
    "tpu.region"() ({
      %run_scoped3A = tpu.sem_alloc : memref<!tpu.dma_semaphore, #tpu.memory_space<semaphore_mem>>
      %dma_start3A_58 = tpu.memref_slice %arg3[%add3A_8] : memref<328704xi32, #tpu.memory_space<hbm>> -> memref<128xi32, #tpu.memory_space<hbm>>
      %dma_start3A_59 = tpu.memref_slice %arg3[%add3A_8] : memref<328704xi32, #tpu.memory_space<hbm>> -> memref<128xi32, #tpu.memory_space<hbm>>
      tpu.enqueue_dma source(%dma_start3A_59 : memref<128xi32, #tpu.memory_space<hbm>>) target(%arg9 : memref<128xi32, #tpu.memory_space<vmem>>) target_semaphore(%run_scoped3A : memref<!tpu.dma_semaphore, #tpu.memory_space<semaphore_mem>>)
      %dma_wait3A_60 = tpu.memref_slice %arg3[%add3A_8] : memref<328704xi32, #tpu.memory_space<hbm>> -> memref<128xi32, #tpu.memory_space<hbm>>
      %dma_wait3A_61 = tpu.memref_slice %arg3[%add3A_8] : memref<328704xi32, #tpu.memory_space<hbm>> -> memref<128xi32, #tpu.memory_space<hbm>>
      tpu.wait_dma2 semaphore(%run_scoped3A : memref<!tpu.dma_semaphore, #tpu.memory_space<semaphore_mem>>) src(%dma_wait3A_61 : memref<128xi32, #tpu.memory_space<hbm>>) dst(%arg9 : memref<128xi32, #tpu.memory_space<vmem>>)
      tpu.yield
    }) : () -> ()
    %add3A_9 = arith.constant 128 : i32
    %add3A_10 = arith.addi %mul3A_6, %add3A_9 : i32
    "tpu.region"() ({
      %run_scoped3A = tpu.sem_alloc : memref<!tpu.dma_semaphore, #tpu.memory_space<semaphore_mem>>
      %dma_start3A_58 = tpu.memref_slice %arg4[%add3A_10] : memref<328704xi32, #tpu.memory_space<hbm>> -> memref<128xi32, #tpu.memory_space<hbm>>
      %dma_start3A_59 = tpu.memref_slice %arg4[%add3A_10] : memref<328704xi32, #tpu.memory_space<hbm>> -> memref<128xi32, #tpu.memory_space<hbm>>
      tpu.enqueue_dma source(%dma_start3A_59 : memref<128xi32, #tpu.memory_space<hbm>>) target(%arg10 : memref<128xi32, #tpu.memory_space<vmem>>) target_semaphore(%run_scoped3A : memref<!tpu.dma_semaphore, #tpu.memory_space<semaphore_mem>>)
      %dma_wait3A_60 = tpu.memref_slice %arg4[%add3A_10] : memref<328704xi32, #tpu.memory_space<hbm>> -> memref<128xi32, #tpu.memory_space<hbm>>
      %dma_wait3A_61 = tpu.memref_slice %arg4[%add3A_10] : memref<328704xi32, #tpu.memory_space<hbm>> -> memref<128xi32, #tpu.memory_space<hbm>>
      tpu.wait_dma2 semaphore(%run_scoped3A : memref<!tpu.dma_semaphore, #tpu.memory_space<semaphore_mem>>) src(%dma_wait3A_61 : memref<128xi32, #tpu.memory_space<hbm>>) dst(%arg10 : memref<128xi32, #tpu.memory_space<vmem>>)
      tpu.yield
    }) : () -> ()
    %add3A_11 = arith.constant 256 : i32
    %add3A_12 = arith.addi %mul3A_6, %add3A_11 : i32
    %dma_start3A = tpu.memref_slice %arg3[%add3A_12] : memref<328704xi32, #tpu.memory_space<hbm>> -> memref<128xi32, #tpu.memory_space<hbm>>
    %dma_start3A_13 = tpu.memref_slice %arg3[%add3A_12] : memref<328704xi32, #tpu.memory_space<hbm>> -> memref<128xi32, #tpu.memory_space<hbm>>
    tpu.enqueue_dma source(%dma_start3A_13 : memref<128xi32, #tpu.memory_space<hbm>>) target(%arg11 : memref<128xi32, #tpu.memory_space<vmem>>) target_semaphore(%arg22 : memref<!tpu.dma_semaphore, #tpu.memory_space<semaphore_mem>>)
    %add3A_14 = arith.constant 256 : i32
    %add3A_15 = arith.addi %mul3A_6, %add3A_14 : i32
    %dma_start3A_16 = tpu.memref_slice %arg4[%add3A_15] : memref<328704xi32, #tpu.memory_space<hbm>> -> memref<128xi32, #tpu.memory_space<hbm>>
    %dma_start3A_17 = tpu.memref_slice %arg4[%add3A_15] : memref<328704xi32, #tpu.memory_space<hbm>> -> memref<128xi32, #tpu.memory_space<hbm>>
    tpu.enqueue_dma source(%dma_start3A_17 : memref<128xi32, #tpu.memory_space<hbm>>) target(%arg12 : memref<128xi32, #tpu.memory_space<vmem>>) target_semaphore(%arg22 : memref<!tpu.dma_semaphore, #tpu.memory_space<semaphore_mem>>)
    %add3A_18 = arith.constant 384 : i32
    %add3A_19 = arith.addi %mul3A_6, %add3A_18 : i32
    %dma_start3A_20 = tpu.memref_slice %arg3[%add3A_19] : memref<328704xi32, #tpu.memory_space<hbm>> -> memref<128xi32, #tpu.memory_space<hbm>>
    %dma_start3A_21 = tpu.memref_slice %arg3[%add3A_19] : memref<328704xi32, #tpu.memory_space<hbm>> -> memref<128xi32, #tpu.memory_space<hbm>>
    tpu.enqueue_dma source(%dma_start3A_21 : memref<128xi32, #tpu.memory_space<hbm>>) target(%arg13 : memref<128xi32, #tpu.memory_space<vmem>>) target_semaphore(%arg23 : memref<!tpu.dma_semaphore, #tpu.memory_space<semaphore_mem>>)
    %add3A_22 = arith.constant 384 : i32
    %add3A_23 = arith.addi %mul3A_6, %add3A_22 : i32
    %dma_start3A_24 = tpu.memref_slice %arg4[%add3A_23] : memref<328704xi32, #tpu.memory_space<hbm>> -> memref<128xi32, #tpu.memory_space<hbm>>
    %dma_start3A_25 = tpu.memref_slice %arg4[%add3A_23] : memref<328704xi32, #tpu.memory_space<hbm>> -> memref<128xi32, #tpu.memory_space<hbm>>
    tpu.enqueue_dma source(%dma_start3A_25 : memref<128xi32, #tpu.memory_space<hbm>>) target(%arg14 : memref<128xi32, #tpu.memory_space<vmem>>) target_semaphore(%arg23 : memref<!tpu.dma_semaphore, #tpu.memory_space<semaphore_mem>>)
    %barrier3A = arith.constant 0 : index
    tpu.barrier barrier_id(%barrier3A)
    %dma_start3A_26 = arith.constant 0 : i32
    %dma_start3A_27 = arith.constant 0 : i32
    %dma_start3A_28 = tpu.memref_slice %arg5[%dma_start3A_26, %dma_start3A_27] : memref<10112x128xf32, #tpu.memory_space<hbm>> -> memref<10112x128xf32, #tpu.memory_space<hbm>>
    tpu.enqueue_indirect_dma source(%dma_start3A_28 : memref<10112x128xf32, #tpu.memory_space<hbm>>) target(%arg15 : memref<128x128xf32, #tpu.memory_space<vmem>>) offsets(%arg7 : memref<128xi32, #tpu.memory_space<vmem>>) semaphore(%arg18 : memref<!tpu.dma_semaphore, #tpu.memory_space<semaphore_mem>>)
    %dma_start3A_29 = arith.constant 0 : i32
    %dma_start3A_30 = arith.constant 0 : i32
    %dma_start3A_31 = tpu.memref_slice %arg5[%dma_start3A_29, %dma_start3A_30] : memref<10112x128xf32, #tpu.memory_space<hbm>> -> memref<10112x128xf32, #tpu.memory_space<hbm>>
    tpu.enqueue_indirect_dma source(%dma_start3A_31 : memref<10112x128xf32, #tpu.memory_space<hbm>>) target(%arg16 : memref<128x128xf32, #tpu.memory_space<vmem>>) offsets(%arg9 : memref<128xi32, #tpu.memory_space<vmem>>) semaphore(%arg19 : memref<!tpu.dma_semaphore, #tpu.memory_space<semaphore_mem>>)
    %scan3A = arith.constant 0 : i32
    %scan3A_32 = arith.constant 20 : i32
    %scan3A_33 = arith.addi %scan3A, %scan3A_32 : i32
    %scan3A_34 = arith.constant 1 : i32
    scf.for %scan3A_58 = %scan3A to %scan3A_33 step %scan3A_34  : i32 {
      %mul3A_59 = arith.constant 1 : i32
      %mul3A_60 = arith.muli %scan3A_58, %mul3A_59 : i32
      %add3A_61 = arith.constant 0 : i32
      %add3A_62 = arith.addi %add3A_61, %mul3A_60 : i32
      %mul3A_63 = arith.constant 4 : i32
      %mul3A_64 = arith.muli %mul3A_63, %add3A_62 : i32
      %mul3A_65 = arith.constant 128 : i32
      %mul3A_66 = arith.muli %mul3A_64, %mul3A_65 : i32
      %add3A_67 = arith.addi %mul3A_6, %mul3A_66 : i32
      %dma_wait3A_68 = arith.constant 0 : i32
      %dma_wait3A_69 = arith.constant 0 : i32
      %dma_wait3A_70 = tpu.memref_slice %arg5[%dma_wait3A_68, %dma_wait3A_69] : memref<10112x128xf32, #tpu.memory_space<hbm>> -> memref<10112x128xf32, #tpu.memory_space<hbm>>
      tpu.wait_indirect_dma semaphore(%arg18 : memref<!tpu.dma_semaphore, #tpu.memory_space<semaphore_mem>>) src(%dma_wait3A_70 : memref<10112x128xf32, #tpu.memory_space<hbm>>) dst(%arg15 : memref<128x128xf32, #tpu.memory_space<vmem>>)
      "tpu.region"() ({
        %run_scoped3A = tpu.sem_alloc : memref<!tpu.dma_semaphore, #tpu.memory_space<semaphore_mem>>
        %dma_start3A_156 = arith.constant 0 : i32
        %dma_start3A_157 = arith.constant 0 : i32
        %dma_start3A_158 = tpu.memref_slice %arg17[%dma_start3A_156, %dma_start3A_157] : memref<10112x128xf32, #tpu.memory_space<vmem_shared>> -> memref<10112x128xf32, #tpu.memory_space<vmem_shared>>
        tpu.enqueue_indirect_dma source(%arg15 : memref<128x128xf32, #tpu.memory_space<vmem>>) target(%dma_start3A_158 : memref<10112x128xf32, #tpu.memory_space<vmem_shared>>) offsets(%arg8 : memref<128xi32, #tpu.memory_space<vmem>>) semaphore(%run_scoped3A : memref<!tpu.dma_semaphore, #tpu.memory_space<semaphore_mem>>) {add = true}
        %dma_wait3A_159 = arith.constant 0 : i32
        %dma_wait3A_160 = arith.constant 0 : i32
        %dma_wait3A_161 = tpu.memref_slice %arg17[%dma_wait3A_159, %dma_wait3A_160] : memref<10112x128xf32, #tpu.memory_space<vmem_shared>> -> memref<10112x128xf32, #tpu.memory_space<vmem_shared>>
        tpu.wait_indirect_dma semaphore(%run_scoped3A : memref<!tpu.dma_semaphore, #tpu.memory_space<semaphore_mem>>) src(%arg15 : memref<128x128xf32, #tpu.memory_space<vmem>>) dst(%dma_wait3A_161 : memref<10112x128xf32, #tpu.memory_space<vmem_shared>>)
        tpu.yield
      }) : () -> ()
      %add3A_71 = arith.constant 512 : i32
      %add3A_72 = arith.addi %add3A_67, %add3A_71 : i32
      %dma_start3A_73 = tpu.memref_slice %arg3[%add3A_72] : memref<328704xi32, #tpu.memory_space<hbm>> -> memref<128xi32, #tpu.memory_space<hbm>>
      %dma_start3A_74 = tpu.memref_slice %arg3[%add3A_72] : memref<328704xi32, #tpu.memory_space<hbm>> -> memref<128xi32, #tpu.memory_space<hbm>>
      tpu.enqueue_dma source(%dma_start3A_74 : memref<128xi32, #tpu.memory_space<hbm>>) target(%arg7 : memref<128xi32, #tpu.memory_space<vmem>>) target_semaphore(%arg20 : memref<!tpu.dma_semaphore, #tpu.memory_space<semaphore_mem>>)
      %add3A_75 = arith.constant 512 : i32
      %add3A_76 = arith.addi %add3A_67, %add3A_75 : i32
      %dma_start3A_77 = tpu.memref_slice %arg4[%add3A_76] : memref<328704xi32, #tpu.memory_space<hbm>> -> memref<128xi32, #tpu.memory_space<hbm>>
      %dma_start3A_78 = tpu.memref_slice %arg4[%add3A_76] : memref<328704xi32, #tpu.memory_space<hbm>> -> memref<128xi32, #tpu.memory_space<hbm>>
      tpu.enqueue_dma source(%dma_start3A_78 : memref<128xi32, #tpu.memory_space<hbm>>) target(%arg8 : memref<128xi32, #tpu.memory_space<vmem>>) target_semaphore(%arg20 : memref<!tpu.dma_semaphore, #tpu.memory_space<semaphore_mem>>)
      %dma_wait3A_79 = arith.constant 0 : i32
      %dma_wait3A_80 = tpu.memref_slice %arg3[%dma_wait3A_79] : memref<328704xi32, #tpu.memory_space<hbm>> -> memref<128xi32, #tpu.memory_space<hbm>>
      %dma_wait3A_81 = arith.constant 0 : i32
      %dma_wait3A_82 = tpu.memref_slice %arg3[%dma_wait3A_81] : memref<328704xi32, #tpu.memory_space<hbm>> -> memref<128xi32, #tpu.memory_space<hbm>>
      tpu.wait_dma2 semaphore(%arg22 : memref<!tpu.dma_semaphore, #tpu.memory_space<semaphore_mem>>) src(%dma_wait3A_82 : memref<128xi32, #tpu.memory_space<hbm>>) dst(%arg11 : memref<128xi32, #tpu.memory_space<vmem>>)
      %dma_wait3A_83 = arith.constant 0 : i32
      %dma_wait3A_84 = tpu.memref_slice %arg4[%dma_wait3A_83] : memref<328704xi32, #tpu.memory_space<hbm>> -> memref<128xi32, #tpu.memory_space<hbm>>
      %dma_wait3A_85 = arith.constant 0 : i32
      %dma_wait3A_86 = tpu.memref_slice %arg4[%dma_wait3A_85] : memref<328704xi32, #tpu.memory_space<hbm>> -> memref<128xi32, #tpu.memory_space<hbm>>
      tpu.wait_dma2 semaphore(%arg22 : memref<!tpu.dma_semaphore, #tpu.memory_space<semaphore_mem>>) src(%dma_wait3A_86 : memref<128xi32, #tpu.memory_space<hbm>>) dst(%arg12 : memref<128xi32, #tpu.memory_space<vmem>>)
      %dma_start3A_87 = arith.constant 0 : i32
      %dma_start3A_88 = arith.constant 0 : i32
      %dma_start3A_89 = tpu.memref_slice %arg5[%dma_start3A_87, %dma_start3A_88] : memref<10112x128xf32, #tpu.memory_space<hbm>> -> memref<10112x128xf32, #tpu.memory_space<hbm>>
      tpu.enqueue_indirect_dma source(%dma_start3A_89 : memref<10112x128xf32, #tpu.memory_space<hbm>>) target(%arg15 : memref<128x128xf32, #tpu.memory_space<vmem>>) offsets(%arg11 : memref<128xi32, #tpu.memory_space<vmem>>) semaphore(%arg18 : memref<!tpu.dma_semaphore, #tpu.memory_space<semaphore_mem>>)
      %dma_wait3A_90 = arith.constant 0 : i32
      %dma_wait3A_91 = arith.constant 0 : i32
      %dma_wait3A_92 = tpu.memref_slice %arg5[%dma_wait3A_90, %dma_wait3A_91] : memref<10112x128xf32, #tpu.memory_space<hbm>> -> memref<10112x128xf32, #tpu.memory_space<hbm>>
      tpu.wait_indirect_dma semaphore(%arg19 : memref<!tpu.dma_semaphore, #tpu.memory_space<semaphore_mem>>) src(%dma_wait3A_92 : memref<10112x128xf32, #tpu.memory_space<hbm>>) dst(%arg16 : memref<128x128xf32, #tpu.memory_space<vmem>>)
      "tpu.region"() ({
        %run_scoped3A = tpu.sem_alloc : memref<!tpu.dma_semaphore, #tpu.memory_space<semaphore_mem>>
        %dma_start3A_156 = arith.constant 0 : i32
        %dma_start3A_157 = arith.constant 0 : i32
        %dma_start3A_158 = tpu.memref_slice %arg17[%dma_start3A_156, %dma_start3A_157] : memref<10112x128xf32, #tpu.memory_space<vmem_shared>> -> memref<10112x128xf32, #tpu.memory_space<vmem_shared>>
        tpu.enqueue_indirect_dma source(%arg16 : memref<128x128xf32, #tpu.memory_space<vmem>>) target(%dma_start3A_158 : memref<10112x128xf32, #tpu.memory_space<vmem_shared>>) offsets(%arg10 : memref<128xi32, #tpu.memory_space<vmem>>) semaphore(%run_scoped3A : memref<!tpu.dma_semaphore, #tpu.memory_space<semaphore_mem>>) {add = true}
        %dma_wait3A_159 = arith.constant 0 : i32
        %dma_wait3A_160 = arith.constant 0 : i32
        %dma_wait3A_161 = tpu.memref_slice %arg17[%dma_wait3A_159, %dma_wait3A_160] : memref<10112x128xf32, #tpu.memory_space<vmem_shared>> -> memref<10112x128xf32, #tpu.memory_space<vmem_shared>>
        tpu.wait_indirect_dma semaphore(%run_scoped3A : memref<!tpu.dma_semaphore, #tpu.memory_space<semaphore_mem>>) src(%arg16 : memref<128x128xf32, #tpu.memory_space<vmem>>) dst(%dma_wait3A_161 : memref<10112x128xf32, #tpu.memory_space<vmem_shared>>)
        tpu.yield
      }) : () -> ()
      %add3A_93 = arith.constant 640 : i32
      %add3A_94 = arith.addi %add3A_67, %add3A_93 : i32
      %dma_start3A_95 = tpu.memref_slice %arg3[%add3A_94] : memref<328704xi32, #tpu.memory_space<hbm>> -> memref<128xi32, #tpu.memory_space<hbm>>
      %dma_start3A_96 = tpu.memref_slice %arg3[%add3A_94] : memref<328704xi32, #tpu.memory_space<hbm>> -> memref<128xi32, #tpu.memory_space<hbm>>
      tpu.enqueue_dma source(%dma_start3A_96 : memref<128xi32, #tpu.memory_space<hbm>>) target(%arg9 : memref<128xi32, #tpu.memory_space<vmem>>) target_semaphore(%arg21 : memref<!tpu.dma_semaphore, #tpu.memory_space<semaphore_mem>>)
      %add3A_97 = arith.constant 640 : i32
      %add3A_98 = arith.addi %add3A_67, %add3A_97 : i32
      %dma_start3A_99 = tpu.memref_slice %arg4[%add3A_98] : memref<328704xi32, #tpu.memory_space<hbm>> -> memref<128xi32, #tpu.memory_space<hbm>>
      %dma_start3A_100 = tpu.memref_slice %arg4[%add3A_98] : memref<328704xi32, #tpu.memory_space<hbm>> -> memref<128xi32, #tpu.memory_space<hbm>>
      tpu.enqueue_dma source(%dma_start3A_100 : memref<128xi32, #tpu.memory_space<hbm>>) target(%arg10 : memref<128xi32, #tpu.memory_space<vmem>>) target_semaphore(%arg21 : memref<!tpu.dma_semaphore, #tpu.memory_space<semaphore_mem>>)
      %dma_wait3A_101 = arith.constant 0 : i32
      %dma_wait3A_102 = tpu.memref_slice %arg3[%dma_wait3A_101] : memref<328704xi32, #tpu.memory_space<hbm>> -> memref<128xi32, #tpu.memory_space<hbm>>
      %dma_wait3A_103 = arith.constant 0 : i32
      %dma_wait3A_104 = tpu.memref_slice %arg3[%dma_wait3A_103] : memref<328704xi32, #tpu.memory_space<hbm>> -> memref<128xi32, #tpu.memory_space<hbm>>
      tpu.wait_dma2 semaphore(%arg23 : memref<!tpu.dma_semaphore, #tpu.memory_space<semaphore_mem>>) src(%dma_wait3A_104 : memref<128xi32, #tpu.memory_space<hbm>>) dst(%arg13 : memref<128xi32, #tpu.memory_space<vmem>>)
      %dma_wait3A_105 = arith.constant 0 : i32
      %dma_wait3A_106 = tpu.memref_slice %arg4[%dma_wait3A_105] : memref<328704xi32, #tpu.memory_space<hbm>> -> memref<128xi32, #tpu.memory_space<hbm>>
      %dma_wait3A_107 = arith.constant 0 : i32
      %dma_wait3A_108 = tpu.memref_slice %arg4[%dma_wait3A_107] : memref<328704xi32, #tpu.memory_space<hbm>> -> memref<128xi32, #tpu.memory_space<hbm>>
      tpu.wait_dma2 semaphore(%arg23 : memref<!tpu.dma_semaphore, #tpu.memory_space<semaphore_mem>>) src(%dma_wait3A_108 : memref<128xi32, #tpu.memory_space<hbm>>) dst(%arg14 : memref<128xi32, #tpu.memory_space<vmem>>)
      %dma_start3A_109 = arith.constant 0 : i32
      %dma_start3A_110 = arith.constant 0 : i32
      %dma_start3A_111 = tpu.memref_slice %arg5[%dma_start3A_109, %dma_start3A_110] : memref<10112x128xf32, #tpu.memory_space<hbm>> -> memref<10112x128xf32, #tpu.memory_space<hbm>>
      tpu.enqueue_indirect_dma source(%dma_start3A_111 : memref<10112x128xf32, #tpu.memory_space<hbm>>) target(%arg16 : memref<128x128xf32, #tpu.memory_space<vmem>>) offsets(%arg13 : memref<128xi32, #tpu.memory_space<vmem>>) semaphore(%arg19 : memref<!tpu.dma_semaphore, #tpu.memory_space<semaphore_mem>>)
      %dma_wait3A_112 = arith.constant 0 : i32
      %dma_wait3A_113 = arith.constant 0 : i32
      %dma_wait3A_114 = tpu.memref_slice %arg5[%dma_wait3A_112, %dma_wait3A_113] : memref<10112x128xf32, #tpu.memory_space<hbm>> -> memref<10112x128xf32, #tpu.memory_space<hbm>>
      tpu.wait_indirect_dma semaphore(%arg18 : memref<!tpu.dma_semaphore, #tpu.memory_space<semaphore_mem>>) src(%dma_wait3A_114 : memref<10112x128xf32, #tpu.memory_space<hbm>>) dst(%arg15 : memref<128x128xf32, #tpu.memory_space<vmem>>)
      "tpu.region"() ({
        %run_scoped3A = tpu.sem_alloc : memref<!tpu.dma_semaphore, #tpu.memory_space<semaphore_mem>>
        %dma_start3A_156 = arith.constant 0 : i32
        %dma_start3A_157 = arith.constant 0 : i32
        %dma_start3A_158 = tpu.memref_slice %arg17[%dma_start3A_156, %dma_start3A_157] : memref<10112x128xf32, #tpu.memory_space<vmem_shared>> -> memref<10112x128xf32, #tpu.memory_space<vmem_shared>>
        tpu.enqueue_indirect_dma source(%arg15 : memref<128x128xf32, #tpu.memory_space<vmem>>) target(%dma_start3A_158 : memref<10112x128xf32, #tpu.memory_space<vmem_shared>>) offsets(%arg12 : memref<128xi32, #tpu.memory_space<vmem>>) semaphore(%run_scoped3A : memref<!tpu.dma_semaphore, #tpu.memory_space<semaphore_mem>>) {add = true}
        %dma_wait3A_159 = arith.constant 0 : i32
        %dma_wait3A_160 = arith.constant 0 : i32
        %dma_wait3A_161 = tpu.memref_slice %arg17[%dma_wait3A_159, %dma_wait3A_160] : memref<10112x128xf32, #tpu.memory_space<vmem_shared>> -> memref<10112x128xf32, #tpu.memory_space<vmem_shared>>
        tpu.wait_indirect_dma semaphore(%run_scoped3A : memref<!tpu.dma_semaphore, #tpu.memory_space<semaphore_mem>>) src(%arg15 : memref<128x128xf32, #tpu.memory_space<vmem>>) dst(%dma_wait3A_161 : memref<10112x128xf32, #tpu.memory_space<vmem_shared>>)
        tpu.yield
      }) : () -> ()
      %add3A_115 = arith.constant 768 : i32
      %add3A_116 = arith.addi %add3A_67, %add3A_115 : i32
      %dma_start3A_117 = tpu.memref_slice %arg3[%add3A_116] : memref<328704xi32, #tpu.memory_space<hbm>> -> memref<128xi32, #tpu.memory_space<hbm>>
      %dma_start3A_118 = tpu.memref_slice %arg3[%add3A_116] : memref<328704xi32, #tpu.memory_space<hbm>> -> memref<128xi32, #tpu.memory_space<hbm>>
      tpu.enqueue_dma source(%dma_start3A_118 : memref<128xi32, #tpu.memory_space<hbm>>) target(%arg11 : memref<128xi32, #tpu.memory_space<vmem>>) target_semaphore(%arg22 : memref<!tpu.dma_semaphore, #tpu.memory_space<semaphore_mem>>)
      %add3A_119 = arith.constant 768 : i32
      %add3A_120 = arith.addi %add3A_67, %add3A_119 : i32
      %dma_start3A_121 = tpu.memref_slice %arg4[%add3A_120] : memref<328704xi32, #tpu.memory_space<hbm>> -> memref<128xi32, #tpu.memory_space<hbm>>
      %dma_start3A_122 = tpu.memref_slice %arg4[%add3A_120] : memref<328704xi32, #tpu.memory_space<hbm>> -> memref<128xi32, #tpu.memory_space<hbm>>
      tpu.enqueue_dma source(%dma_start3A_122 : memref<128xi32, #tpu.memory_space<hbm>>) target(%arg12 : memref<128xi32, #tpu.memory_space<vmem>>) target_semaphore(%arg22 : memref<!tpu.dma_semaphore, #tpu.memory_space<semaphore_mem>>)
      %dma_wait3A_123 = arith.constant 0 : i32
      %dma_wait3A_124 = tpu.memref_slice %arg3[%dma_wait3A_123] : memref<328704xi32, #tpu.memory_space<hbm>> -> memref<128xi32, #tpu.memory_space<hbm>>
      %dma_wait3A_125 = arith.constant 0 : i32
      %dma_wait3A_126 = tpu.memref_slice %arg3[%dma_wait3A_125] : memref<328704xi32, #tpu.memory_space<hbm>> -> memref<128xi32, #tpu.memory_space<hbm>>
      tpu.wait_dma2 semaphore(%arg20 : memref<!tpu.dma_semaphore, #tpu.memory_space<semaphore_mem>>) src(%dma_wait3A_126 : memref<128xi32, #tpu.memory_space<hbm>>) dst(%arg7 : memref<128xi32, #tpu.memory_space<vmem>>)
      %dma_wait3A_127 = arith.constant 0 : i32
      %dma_wait3A_128 = tpu.memref_slice %arg4[%dma_wait3A_127] : memref<328704xi32, #tpu.memory_space<hbm>> -> memref<128xi32, #tpu.memory_space<hbm>>
      %dma_wait3A_129 = arith.constant 0 : i32
      %dma_wait3A_130 = tpu.memref_slice %arg4[%dma_wait3A_129] : memref<328704xi32, #tpu.memory_space<hbm>> -> memref<128xi32, #tpu.memory_space<hbm>>
      tpu.wait_dma2 semaphore(%arg20 : memref<!tpu.dma_semaphore, #tpu.memory_space<semaphore_mem>>) src(%dma_wait3A_130 : memref<128xi32, #tpu.memory_space<hbm>>) dst(%arg8 : memref<128xi32, #tpu.memory_space<vmem>>)
      %dma_start3A_131 = arith.constant 0 : i32
      %dma_start3A_132 = arith.constant 0 : i32
      %dma_start3A_133 = tpu.memref_slice %arg5[%dma_start3A_131, %dma_start3A_132] : memref<10112x128xf32, #tpu.memory_space<hbm>> -> memref<10112x128xf32, #tpu.memory_space<hbm>>
      tpu.enqueue_indirect_dma source(%dma_start3A_133 : memref<10112x128xf32, #tpu.memory_space<hbm>>) target(%arg15 : memref<128x128xf32, #tpu.memory_space<vmem>>) offsets(%arg7 : memref<128xi32, #tpu.memory_space<vmem>>) semaphore(%arg18 : memref<!tpu.dma_semaphore, #tpu.memory_space<semaphore_mem>>)
      %dma_wait3A_134 = arith.constant 0 : i32
      %dma_wait3A_135 = arith.constant 0 : i32
      %dma_wait3A_136 = tpu.memref_slice %arg5[%dma_wait3A_134, %dma_wait3A_135] : memref<10112x128xf32, #tpu.memory_space<hbm>> -> memref<10112x128xf32, #tpu.memory_space<hbm>>
      tpu.wait_indirect_dma semaphore(%arg19 : memref<!tpu.dma_semaphore, #tpu.memory_space<semaphore_mem>>) src(%dma_wait3A_136 : memref<10112x128xf32, #tpu.memory_space<hbm>>) dst(%arg16 : memref<128x128xf32, #tpu.memory_space<vmem>>)
      "tpu.region"() ({
        %run_scoped3A = tpu.sem_alloc : memref<!tpu.dma_semaphore, #tpu.memory_space<semaphore_mem>>
        %dma_start3A_156 = arith.constant 0 : i32
        %dma_start3A_157 = arith.constant 0 : i32
        %dma_start3A_158 = tpu.memref_slice %arg17[%dma_start3A_156, %dma_start3A_157] : memref<10112x128xf32, #tpu.memory_space<vmem_shared>> -> memref<10112x128xf32, #tpu.memory_space<vmem_shared>>
        tpu.enqueue_indirect_dma source(%arg16 : memref<128x128xf32, #tpu.memory_space<vmem>>) target(%dma_start3A_158 : memref<10112x128xf32, #tpu.memory_space<vmem_shared>>) offsets(%arg14 : memref<128xi32, #tpu.memory_space<vmem>>) semaphore(%run_scoped3A : memref<!tpu.dma_semaphore, #tpu.memory_space<semaphore_mem>>) {add = true}
        %dma_wait3A_159 = arith.constant 0 : i32
        %dma_wait3A_160 = arith.constant 0 : i32
        %dma_wait3A_161 = tpu.memref_slice %arg17[%dma_wait3A_159, %dma_wait3A_160] : memref<10112x128xf32, #tpu.memory_space<vmem_shared>> -> memref<10112x128xf32, #tpu.memory_space<vmem_shared>>
        tpu.wait_indirect_dma semaphore(%run_scoped3A : memref<!tpu.dma_semaphore, #tpu.memory_space<semaphore_mem>>) src(%arg16 : memref<128x128xf32, #tpu.memory_space<vmem>>) dst(%dma_wait3A_161 : memref<10112x128xf32, #tpu.memory_space<vmem_shared>>)
        tpu.yield
      }) : () -> ()
      %add3A_137 = arith.constant 896 : i32
      %add3A_138 = arith.addi %add3A_67, %add3A_137 : i32
      %dma_start3A_139 = tpu.memref_slice %arg3[%add3A_138] : memref<328704xi32, #tpu.memory_space<hbm>> -> memref<128xi32, #tpu.memory_space<hbm>>
      %dma_start3A_140 = tpu.memref_slice %arg3[%add3A_138] : memref<328704xi32, #tpu.memory_space<hbm>> -> memref<128xi32, #tpu.memory_space<hbm>>
      tpu.enqueue_dma source(%dma_start3A_140 : memref<128xi32, #tpu.memory_space<hbm>>) target(%arg13 : memref<128xi32, #tpu.memory_space<vmem>>) target_semaphore(%arg23 : memref<!tpu.dma_semaphore, #tpu.memory_space<semaphore_mem>>)
      %add3A_141 = arith.constant 896 : i32
      %add3A_142 = arith.addi %add3A_67, %add3A_141 : i32
      %dma_start3A_143 = tpu.memref_slice %arg4[%add3A_142] : memref<328704xi32, #tpu.memory_space<hbm>> -> memref<128xi32, #tpu.memory_space<hbm>>
      %dma_start3A_144 = tpu.memref_slice %arg4[%add3A_142] : memref<328704xi32, #tpu.memory_space<hbm>> -> memref<128xi32, #tpu.memory_space<hbm>>
      tpu.enqueue_dma source(%dma_start3A_144 : memref<128xi32, #tpu.memory_space<hbm>>) target(%arg14 : memref<128xi32, #tpu.memory_space<vmem>>) target_semaphore(%arg23 : memref<!tpu.dma_semaphore, #tpu.memory_space<semaphore_mem>>)
      %dma_wait3A_145 = arith.constant 0 : i32
      %dma_wait3A_146 = tpu.memref_slice %arg3[%dma_wait3A_145] : memref<328704xi32, #tpu.memory_space<hbm>> -> memref<128xi32, #tpu.memory_space<hbm>>
      %dma_wait3A_147 = arith.constant 0 : i32
      %dma_wait3A_148 = tpu.memref_slice %arg3[%dma_wait3A_147] : memref<328704xi32, #tpu.memory_space<hbm>> -> memref<128xi32, #tpu.memory_space<hbm>>
      tpu.wait_dma2 semaphore(%arg21 : memref<!tpu.dma_semaphore, #tpu.memory_space<semaphore_mem>>) src(%dma_wait3A_148 : memref<128xi32, #tpu.memory_space<hbm>>) dst(%arg9 : memref<128xi32, #tpu.memory_space<vmem>>)
      %dma_wait3A_149 = arith.constant 0 : i32
      %dma_wait3A_150 = tpu.memref_slice %arg4[%dma_wait3A_149] : memref<328704xi32, #tpu.memory_space<hbm>> -> memref<128xi32, #tpu.memory_space<hbm>>
      %dma_wait3A_151 = arith.constant 0 : i32
      %dma_wait3A_152 = tpu.memref_slice %arg4[%dma_wait3A_151] : memref<328704xi32, #tpu.memory_space<hbm>> -> memref<128xi32, #tpu.memory_space<hbm>>
      tpu.wait_dma2 semaphore(%arg21 : memref<!tpu.dma_semaphore, #tpu.memory_space<semaphore_mem>>) src(%dma_wait3A_152 : memref<128xi32, #tpu.memory_space<hbm>>) dst(%arg10 : memref<128xi32, #tpu.memory_space<vmem>>)
      %dma_start3A_153 = arith.constant 0 : i32
      %dma_start3A_154 = arith.constant 0 : i32
      %dma_start3A_155 = tpu.memref_slice %arg5[%dma_start3A_153, %dma_start3A_154] : memref<10112x128xf32, #tpu.memory_space<hbm>> -> memref<10112x128xf32, #tpu.memory_space<hbm>>
      tpu.enqueue_indirect_dma source(%dma_start3A_155 : memref<10112x128xf32, #tpu.memory_space<hbm>>) target(%arg16 : memref<128x128xf32, #tpu.memory_space<vmem>>) offsets(%arg9 : memref<128xi32, #tpu.memory_space<vmem>>) semaphore(%arg19 : memref<!tpu.dma_semaphore, #tpu.memory_space<semaphore_mem>>)
    }
    %scan3A_35 = arith.constant 20 : i32
    %dma_wait3A = arith.constant 0 : i32
    %dma_wait3A_36 = arith.constant 0 : i32
    %dma_wait3A_37 = tpu.memref_slice %arg5[%dma_wait3A, %dma_wait3A_36] : memref<10112x128xf32, #tpu.memory_space<hbm>> -> memref<10112x128xf32, #tpu.memory_space<hbm>>
    tpu.wait_indirect_dma semaphore(%arg18 : memref<!tpu.dma_semaphore, #tpu.memory_space<semaphore_mem>>) src(%dma_wait3A_37 : memref<10112x128xf32, #tpu.memory_space<hbm>>) dst(%arg15 : memref<128x128xf32, #tpu.memory_space<vmem>>)
    %dma_wait3A_38 = arith.constant 0 : i32
    %dma_wait3A_39 = arith.constant 0 : i32
    %dma_wait3A_40 = tpu.memref_slice %arg5[%dma_wait3A_38, %dma_wait3A_39] : memref<10112x128xf32, #tpu.memory_space<hbm>> -> memref<10112x128xf32, #tpu.memory_space<hbm>>
    tpu.wait_indirect_dma semaphore(%arg19 : memref<!tpu.dma_semaphore, #tpu.memory_space<semaphore_mem>>) src(%dma_wait3A_40 : memref<10112x128xf32, #tpu.memory_space<hbm>>) dst(%arg16 : memref<128x128xf32, #tpu.memory_space<vmem>>)
    %dma_wait3A_41 = arith.constant 0 : i32
    %dma_wait3A_42 = tpu.memref_slice %arg3[%dma_wait3A_41] : memref<328704xi32, #tpu.memory_space<hbm>> -> memref<128xi32, #tpu.memory_space<hbm>>
    %dma_wait3A_43 = arith.constant 0 : i32
    %dma_wait3A_44 = tpu.memref_slice %arg3[%dma_wait3A_43] : memref<328704xi32, #tpu.memory_space<hbm>> -> memref<128xi32, #tpu.memory_space<hbm>>
    tpu.wait_dma2 semaphore(%arg22 : memref<!tpu.dma_semaphore, #tpu.memory_space<semaphore_mem>>) src(%dma_wait3A_44 : memref<128xi32, #tpu.memory_space<hbm>>) dst(%arg11 : memref<128xi32, #tpu.memory_space<vmem>>)
    %dma_wait3A_45 = arith.constant 0 : i32
    %dma_wait3A_46 = tpu.memref_slice %arg4[%dma_wait3A_45] : memref<328704xi32, #tpu.memory_space<hbm>> -> memref<128xi32, #tpu.memory_space<hbm>>
    %dma_wait3A_47 = arith.constant 0 : i32
    %dma_wait3A_48 = tpu.memref_slice %arg4[%dma_wait3A_47] : memref<328704xi32, #tpu.memory_space<hbm>> -> memref<128xi32, #tpu.memory_space<hbm>>
    tpu.wait_dma2 semaphore(%arg22 : memref<!tpu.dma_semaphore, #tpu.memory_space<semaphore_mem>>) src(%dma_wait3A_48 : memref<128xi32, #tpu.memory_space<hbm>>) dst(%arg12 : memref<128xi32, #tpu.memory_space<vmem>>)
    %dma_wait3A_49 = arith.constant 0 : i32
    %dma_wait3A_50 = tpu.memref_slice %arg3[%dma_wait3A_49] : memref<328704xi32, #tpu.memory_space<hbm>> -> memref<128xi32, #tpu.memory_space<hbm>>
    %dma_wait3A_51 = arith.constant 0 : i32
    %dma_wait3A_52 = tpu.memref_slice %arg3[%dma_wait3A_51] : memref<328704xi32, #tpu.memory_space<hbm>> -> memref<128xi32, #tpu.memory_space<hbm>>
    tpu.wait_dma2 semaphore(%arg23 : memref<!tpu.dma_semaphore, #tpu.memory_space<semaphore_mem>>) src(%dma_wait3A_52 : memref<128xi32, #tpu.memory_space<hbm>>) dst(%arg13 : memref<128xi32, #tpu.memory_space<vmem>>)
    %dma_wait3A_53 = arith.constant 0 : i32
    %dma_wait3A_54 = tpu.memref_slice %arg4[%dma_wait3A_53] : memref<328704xi32, #tpu.memory_space<hbm>> -> memref<128xi32, #tpu.memory_space<hbm>>
    %dma_wait3A_55 = arith.constant 0 : i32
    %dma_wait3A_56 = tpu.memref_slice %arg4[%dma_wait3A_55] : memref<328704xi32, #tpu.memory_space<hbm>> -> memref<128xi32, #tpu.memory_space<hbm>>
    tpu.wait_dma2 semaphore(%arg23 : memref<!tpu.dma_semaphore, #tpu.memory_space<semaphore_mem>>) src(%dma_wait3A_56 : memref<128xi32, #tpu.memory_space<hbm>>) dst(%arg14 : memref<128xi32, #tpu.memory_space<vmem>>)
    %barrier3A_57 = arith.constant 0 : index
    tpu.barrier barrier_id(%barrier3A_57)
    "tpu.region"() ({
      %run_scoped3A = tpu.sem_alloc : memref<!tpu.dma_semaphore, #tpu.memory_space<semaphore_mem>>
      %dma_start3A_58 = arith.constant 0 : i32
      %dma_start3A_59 = tpu.memref_slice %arg6[%arg0, %mul3A_2, %dma_start3A_58] : memref<2x10112x128xf32, #tpu.memory_space<hbm>> -> memref<1x632x128xf32, #tpu.memory_space<hbm>>
      %dma_start3A_60 = tpu.memref_squeeze %dma_start3A_59 : memref<1x632x128xf32, #tpu.memory_space<hbm>> -> memref<632x128xf32, #tpu.memory_space<hbm>>
      %dma_start3A_61 = arith.constant 0 : i32
      %dma_start3A_62 = tpu.memref_slice %arg17[%mul3A_2, %dma_start3A_61] : memref<10112x128xf32, #tpu.memory_space<vmem_shared>> -> memref<632x128xf32, #tpu.memory_space<vmem_shared>>
      tpu.enqueue_dma source(%dma_start3A_62 : memref<632x128xf32, #tpu.memory_space<vmem_shared>>) target(%dma_start3A_60 : memref<632x128xf32, #tpu.memory_space<hbm>>) target_semaphore(%run_scoped3A : memref<!tpu.dma_semaphore, #tpu.memory_space<semaphore_mem>>)
      %dma_wait3A_63 = arith.constant 0 : i32
      %dma_wait3A_64 = tpu.memref_slice %arg6[%arg0, %mul3A_2, %dma_wait3A_63] : memref<2x10112x128xf32, #tpu.memory_space<hbm>> -> memref<1x632x128xf32, #tpu.memory_space<hbm>>
      %dma_wait3A_65 = tpu.memref_squeeze %dma_wait3A_64 : memref<1x632x128xf32, #tpu.memory_space<hbm>> -> memref<632x128xf32, #tpu.memory_space<hbm>>
      %dma_wait3A_66 = arith.constant 0 : i32
      %dma_wait3A_67 = tpu.memref_slice %arg17[%mul3A_2, %dma_wait3A_66] : memref<10112x128xf32, #tpu.memory_space<vmem_shared>> -> memref<632x128xf32, #tpu.memory_space<vmem_shared>>
      tpu.wait_dma2 semaphore(%run_scoped3A : memref<!tpu.dma_semaphore, #tpu.memory_space<semaphore_mem>>) src(%dma_wait3A_67 : memref<632x128xf32, #tpu.memory_space<vmem_shared>>) dst(%dma_wait3A_65 : memref<632x128xf32, #tpu.memory_space<hbm>>)
      tpu.yield
    }) : () -> ()
    return
  }
}

#map = affine_map<(d0, d1) -> (0, 0)>
#map1 = affine_map<(d0, d1) -> (0)>
#map2 = affine_map<(d0, d1) -> (0, 0, 0)>
module attributes {stable_mosaic.version = 14 : i64} {
  func.func @_prop_body(%arg0: i32, %arg1: i32, %arg2: memref<10112x128xf32, #tpu.memory_space<hbm>>, %arg3: memref<328704xi32, #tpu.memory_space<hbm>>, %arg4: memref<328704xi32, #tpu.memory_space<hbm>>, %arg5: memref<10112x128xf32, #tpu.memory_space<hbm>>, %arg6: memref<2x10112x128xf32, #tpu.memory_space<hbm>>, %arg7: memref<128xi32, #tpu.memory_space<vmem>>, %arg8: memref<128xi32, #tpu.memory_space<vmem>>, %arg9: memref<128xi32, #tpu.memory_space<vmem>>, %arg10: memref<128xi32, #tpu.memory_space<vmem>>, %arg11: memref<128xi32, #tpu.memory_space<vmem>>, %arg12: memref<128xi32, #tpu.memory_space<vmem>>, %arg13: memref<128xi32, #tpu.memory_space<vmem>>, %arg14: memref<128xi32, #tpu.memory_space<vmem>>, %arg15: memref<128x128xf32, #tpu.memory_space<vmem>>, %arg16: memref<128x128xf32, #tpu.memory_space<vmem>>, %arg17: memref<10112x128xf32, #tpu.memory_space<vmem_shared>>, %arg18: memref<!tpu.dma_semaphore, #tpu.memory_space<semaphore_mem>>, %arg19: memref<!tpu.dma_semaphore, #tpu.memory_space<semaphore_mem>>, %arg20: memref<!tpu.dma_semaphore, #tpu.memory_space<semaphore_mem>>, %arg21: memref<!tpu.dma_semaphore, #tpu.memory_space<semaphore_mem>>, %arg22: memref<!tpu.dma_semaphore, #tpu.memory_space<semaphore_mem>>, %arg23: memref<!tpu.dma_semaphore, #tpu.memory_space<semaphore_mem>>) attributes {dimension_semantics = [#tpu.dimension_semantics<core_parallel>, #tpu.dimension_semantics<subcore_parallel>], iteration_bounds = array<i64: 2, 16>, scalar_prefetch = 0 : i64, scratch_operands = 17 : i64, tpu.core_type = #tpu.core_type<sc_vector_subcore>, window_params = [{transform_indices = #map}, {transform_indices = #map1}, {transform_indices = #map1}, {transform_indices = #map}, {transform_indices = #map2}]} {
    %mul3A = arith.constant 2 : i32
    %mul3A_0 = arith.muli %arg1, %mul3A : i32
    %add3A = arith.addi %mul3A_0, %arg0 : i32
    %mul3A_1 = arith.constant 632 : i32
    %mul3A_2 = arith.muli %arg1, %mul3A_1 : i32
    "tpu.region"() ({
      %run_scoped3A = tpu.sem_alloc : memref<!tpu.dma_semaphore, #tpu.memory_space<semaphore_mem>>
      %dma_start3A_58 = arith.constant 0 : i32
      %dma_start3A_59 = tpu.memref_slice %arg17[%mul3A_2, %dma_start3A_58] : memref<10112x128xf32, #tpu.memory_space<vmem_shared>> -> memref<632x128xf32, #tpu.memory_space<vmem_shared>>
      %dma_start3A_60 = arith.constant 0 : i32
      %dma_start3A_61 = tpu.memref_slice %arg2[%mul3A_2, %dma_start3A_60] : memref<10112x128xf32, #tpu.memory_space<hbm>> -> memref<632x128xf32, #tpu.memory_space<hbm>>
      tpu.enqueue_dma source(%dma_start3A_61 : memref<632x128xf32, #tpu.memory_space<hbm>>) target(%dma_start3A_59 : memref<632x128xf32, #tpu.memory_space<vmem_shared>>) target_semaphore(%run_scoped3A : memref<!tpu.dma_semaphore, #tpu.memory_space<semaphore_mem>>)
      %dma_wait3A_62 = arith.constant 0 : i32
      %dma_wait3A_63 = tpu.memref_slice %arg17[%mul3A_2, %dma_wait3A_62] : memref<10112x128xf32, #tpu.memory_space<vmem_shared>> -> memref<632x128xf32, #tpu.memory_space<vmem_shared>>
      %dma_wait3A_64 = arith.constant 0 : i32
      %dma_wait3A_65 = tpu.memref_slice %arg2[%mul3A_2, %dma_wait3A_64] : memref<10112x128xf32, #tpu.memory_space<hbm>> -> memref<632x128xf32, #tpu.memory_space<hbm>>
      tpu.wait_dma2 semaphore(%run_scoped3A : memref<!tpu.dma_semaphore, #tpu.memory_space<semaphore_mem>>) src(%dma_wait3A_65 : memref<632x128xf32, #tpu.memory_space<hbm>>) dst(%dma_wait3A_63 : memref<632x128xf32, #tpu.memory_space<vmem_shared>>)
      tpu.yield
    }) : () -> ()
    %mul3A_3 = arith.constant 80 : i32
    %mul3A_4 = arith.muli %add3A, %mul3A_3 : i32
    %mul3A_5 = arith.constant 128 : i32
    %mul3A_6 = arith.muli %mul3A_4, %mul3A_5 : i32
    "tpu.region"() ({
      %run_scoped3A = tpu.sem_alloc : memref<!tpu.dma_semaphore, #tpu.memory_space<semaphore_mem>>
      %dma_start3A_58 = tpu.memref_slice %arg3[%mul3A_6] : memref<328704xi32, #tpu.memory_space<hbm>> -> memref<128xi32, #tpu.memory_space<hbm>>
      %dma_start3A_59 = tpu.memref_slice %arg3[%mul3A_6] : memref<328704xi32, #tpu.memory_space<hbm>> -> memref<128xi32, #tpu.memory_space<hbm>>
      tpu.enqueue_dma source(%dma_start3A_59 : memref<128xi32, #tpu.memory_space<hbm>>) target(%arg7 : memref<128xi32, #tpu.memory_space<vmem>>) target_semaphore(%run_scoped3A : memref<!tpu.dma_semaphore, #tpu.memory_space<semaphore_mem>>)
      %dma_wait3A_60 = tpu.memref_slice %arg3[%mul3A_6] : memref<328704xi32, #tpu.memory_space<hbm>> -> memref<128xi32, #tpu.memory_space<hbm>>
      %dma_wait3A_61 = tpu.memref_slice %arg3[%mul3A_6] : memref<328704xi32, #tpu.memory_space<hbm>> -> memref<128xi32, #tpu.memory_space<hbm>>
      tpu.wait_dma2 semaphore(%run_scoped3A : memref<!tpu.dma_semaphore, #tpu.memory_space<semaphore_mem>>) src(%dma_wait3A_61 : memref<128xi32, #tpu.memory_space<hbm>>) dst(%arg7 : memref<128xi32, #tpu.memory_space<vmem>>)
      tpu.yield
    }) : () -> ()
    "tpu.region"() ({
      %run_scoped3A = tpu.sem_alloc : memref<!tpu.dma_semaphore, #tpu.memory_space<semaphore_mem>>
      %dma_start3A_58 = tpu.memref_slice %arg4[%mul3A_6] : memref<328704xi32, #tpu.memory_space<hbm>> -> memref<128xi32, #tpu.memory_space<hbm>>
      %dma_start3A_59 = tpu.memref_slice %arg4[%mul3A_6] : memref<328704xi32, #tpu.memory_space<hbm>> -> memref<128xi32, #tpu.memory_space<hbm>>
      tpu.enqueue_dma source(%dma_start3A_59 : memref<128xi32, #tpu.memory_space<hbm>>) target(%arg8 : memref<128xi32, #tpu.memory_space<vmem>>) target_semaphore(%run_scoped3A : memref<!tpu.dma_semaphore, #tpu.memory_space<semaphore_mem>>)
      %dma_wait3A_60 = tpu.memref_slice %arg4[%mul3A_6] : memref<328704xi32, #tpu.memory_space<hbm>> -> memref<128xi32, #tpu.memory_space<hbm>>
      %dma_wait3A_61 = tpu.memref_slice %arg4[%mul3A_6] : memref<328704xi32, #tpu.memory_space<hbm>> -> memref<128xi32, #tpu.memory_space<hbm>>
      tpu.wait_dma2 semaphore(%run_scoped3A : memref<!tpu.dma_semaphore, #tpu.memory_space<semaphore_mem>>) src(%dma_wait3A_61 : memref<128xi32, #tpu.memory_space<hbm>>) dst(%arg8 : memref<128xi32, #tpu.memory_space<vmem>>)
      tpu.yield
    }) : () -> ()
    %add3A_7 = arith.constant 128 : i32
    %add3A_8 = arith.addi %mul3A_6, %add3A_7 : i32
    "tpu.region"() ({
      %run_scoped3A = tpu.sem_alloc : memref<!tpu.dma_semaphore, #tpu.memory_space<semaphore_mem>>
      %dma_start3A_58 = tpu.memref_slice %arg3[%add3A_8] : memref<328704xi32, #tpu.memory_space<hbm>> -> memref<128xi32, #tpu.memory_space<hbm>>
      %dma_start3A_59 = tpu.memref_slice %arg3[%add3A_8] : memref<328704xi32, #tpu.memory_space<hbm>> -> memref<128xi32, #tpu.memory_space<hbm>>
      tpu.enqueue_dma source(%dma_start3A_59 : memref<128xi32, #tpu.memory_space<hbm>>) target(%arg9 : memref<128xi32, #tpu.memory_space<vmem>>) target_semaphore(%run_scoped3A : memref<!tpu.dma_semaphore, #tpu.memory_space<semaphore_mem>>)
      %dma_wait3A_60 = tpu.memref_slice %arg3[%add3A_8] : memref<328704xi32, #tpu.memory_space<hbm>> -> memref<128xi32, #tpu.memory_space<hbm>>
      %dma_wait3A_61 = tpu.memref_slice %arg3[%add3A_8] : memref<328704xi32, #tpu.memory_space<hbm>> -> memref<128xi32, #tpu.memory_space<hbm>>
      tpu.wait_dma2 semaphore(%run_scoped3A : memref<!tpu.dma_semaphore, #tpu.memory_space<semaphore_mem>>) src(%dma_wait3A_61 : memref<128xi32, #tpu.memory_space<hbm>>) dst(%arg9 : memref<128xi32, #tpu.memory_space<vmem>>)
      tpu.yield
    }) : () -> ()
    %add3A_9 = arith.constant 128 : i32
    %add3A_10 = arith.addi %mul3A_6, %add3A_9 : i32
    "tpu.region"() ({
      %run_scoped3A = tpu.sem_alloc : memref<!tpu.dma_semaphore, #tpu.memory_space<semaphore_mem>>
      %dma_start3A_58 = tpu.memref_slice %arg4[%add3A_10] : memref<328704xi32, #tpu.memory_space<hbm>> -> memref<128xi32, #tpu.memory_space<hbm>>
      %dma_start3A_59 = tpu.memref_slice %arg4[%add3A_10] : memref<328704xi32, #tpu.memory_space<hbm>> -> memref<128xi32, #tpu.memory_space<hbm>>
      tpu.enqueue_dma source(%dma_start3A_59 : memref<128xi32, #tpu.memory_space<hbm>>) target(%arg10 : memref<128xi32, #tpu.memory_space<vmem>>) target_semaphore(%run_scoped3A : memref<!tpu.dma_semaphore, #tpu.memory_space<semaphore_mem>>)
      %dma_wait3A_60 = tpu.memref_slice %arg4[%add3A_10] : memref<328704xi32, #tpu.memory_space<hbm>> -> memref<128xi32, #tpu.memory_space<hbm>>
      %dma_wait3A_61 = tpu.memref_slice %arg4[%add3A_10] : memref<328704xi32, #tpu.memory_space<hbm>> -> memref<128xi32, #tpu.memory_space<hbm>>
      tpu.wait_dma2 semaphore(%run_scoped3A : memref<!tpu.dma_semaphore, #tpu.memory_space<semaphore_mem>>) src(%dma_wait3A_61 : memref<128xi32, #tpu.memory_space<hbm>>) dst(%arg10 : memref<128xi32, #tpu.memory_space<vmem>>)
      tpu.yield
    }) : () -> ()
    %add3A_11 = arith.constant 256 : i32
    %add3A_12 = arith.addi %mul3A_6, %add3A_11 : i32
    %dma_start3A = tpu.memref_slice %arg3[%add3A_12] : memref<328704xi32, #tpu.memory_space<hbm>> -> memref<128xi32, #tpu.memory_space<hbm>>
    %dma_start3A_13 = tpu.memref_slice %arg3[%add3A_12] : memref<328704xi32, #tpu.memory_space<hbm>> -> memref<128xi32, #tpu.memory_space<hbm>>
    tpu.enqueue_dma source(%dma_start3A_13 : memref<128xi32, #tpu.memory_space<hbm>>) target(%arg11 : memref<128xi32, #tpu.memory_space<vmem>>) target_semaphore(%arg22 : memref<!tpu.dma_semaphore, #tpu.memory_space<semaphore_mem>>)
    %add3A_14 = arith.constant 256 : i32
    %add3A_15 = arith.addi %mul3A_6, %add3A_14 : i32
    %dma_start3A_16 = tpu.memref_slice %arg4[%add3A_15] : memref<328704xi32, #tpu.memory_space<hbm>> -> memref<128xi32, #tpu.memory_space<hbm>>
    %dma_start3A_17 = tpu.memref_slice %arg4[%add3A_15] : memref<328704xi32, #tpu.memory_space<hbm>> -> memref<128xi32, #tpu.memory_space<hbm>>
    tpu.enqueue_dma source(%dma_start3A_17 : memref<128xi32, #tpu.memory_space<hbm>>) target(%arg12 : memref<128xi32, #tpu.memory_space<vmem>>) target_semaphore(%arg22 : memref<!tpu.dma_semaphore, #tpu.memory_space<semaphore_mem>>)
    %add3A_18 = arith.constant 384 : i32
    %add3A_19 = arith.addi %mul3A_6, %add3A_18 : i32
    %dma_start3A_20 = tpu.memref_slice %arg3[%add3A_19] : memref<328704xi32, #tpu.memory_space<hbm>> -> memref<128xi32, #tpu.memory_space<hbm>>
    %dma_start3A_21 = tpu.memref_slice %arg3[%add3A_19] : memref<328704xi32, #tpu.memory_space<hbm>> -> memref<128xi32, #tpu.memory_space<hbm>>
    tpu.enqueue_dma source(%dma_start3A_21 : memref<128xi32, #tpu.memory_space<hbm>>) target(%arg13 : memref<128xi32, #tpu.memory_space<vmem>>) target_semaphore(%arg23 : memref<!tpu.dma_semaphore, #tpu.memory_space<semaphore_mem>>)
    %add3A_22 = arith.constant 384 : i32
    %add3A_23 = arith.addi %mul3A_6, %add3A_22 : i32
    %dma_start3A_24 = tpu.memref_slice %arg4[%add3A_23] : memref<328704xi32, #tpu.memory_space<hbm>> -> memref<128xi32, #tpu.memory_space<hbm>>
    %dma_start3A_25 = tpu.memref_slice %arg4[%add3A_23] : memref<328704xi32, #tpu.memory_space<hbm>> -> memref<128xi32, #tpu.memory_space<hbm>>
    tpu.enqueue_dma source(%dma_start3A_25 : memref<128xi32, #tpu.memory_space<hbm>>) target(%arg14 : memref<128xi32, #tpu.memory_space<vmem>>) target_semaphore(%arg23 : memref<!tpu.dma_semaphore, #tpu.memory_space<semaphore_mem>>)
    %barrier3A = arith.constant 0 : index
    tpu.barrier barrier_id(%barrier3A)
    %dma_start3A_26 = arith.constant 0 : i32
    %dma_start3A_27 = arith.constant 0 : i32
    %dma_start3A_28 = tpu.memref_slice %arg5[%dma_start3A_26, %dma_start3A_27] : memref<10112x128xf32, #tpu.memory_space<hbm>> -> memref<10112x128xf32, #tpu.memory_space<hbm>>
    tpu.enqueue_indirect_dma source(%dma_start3A_28 : memref<10112x128xf32, #tpu.memory_space<hbm>>) target(%arg15 : memref<128x128xf32, #tpu.memory_space<vmem>>) offsets(%arg7 : memref<128xi32, #tpu.memory_space<vmem>>) semaphore(%arg18 : memref<!tpu.dma_semaphore, #tpu.memory_space<semaphore_mem>>)
    %dma_start3A_29 = arith.constant 0 : i32
    %dma_start3A_30 = arith.constant 0 : i32
    %dma_start3A_31 = tpu.memref_slice %arg5[%dma_start3A_29, %dma_start3A_30] : memref<10112x128xf32, #tpu.memory_space<hbm>> -> memref<10112x128xf32, #tpu.memory_space<hbm>>
    tpu.enqueue_indirect_dma source(%dma_start3A_31 : memref<10112x128xf32, #tpu.memory_space<hbm>>) target(%arg16 : memref<128x128xf32, #tpu.memory_space<vmem>>) offsets(%arg9 : memref<128xi32, #tpu.memory_space<vmem>>) semaphore(%arg19 : memref<!tpu.dma_semaphore, #tpu.memory_space<semaphore_mem>>)
    %scan3A = arith.constant 0 : i32
    %scan3A_32 = arith.constant 20 : i32
    %scan3A_33 = arith.addi %scan3A, %scan3A_32 : i32
    %scan3A_34 = arith.constant 1 : i32
    scf.for %scan3A_58 = %scan3A to %scan3A_33 step %scan3A_34  : i32 {
      %mul3A_59 = arith.constant 1 : i32
      %mul3A_60 = arith.muli %scan3A_58, %mul3A_59 : i32
      %add3A_61 = arith.constant 0 : i32
      %add3A_62 = arith.addi %add3A_61, %mul3A_60 : i32
      %mul3A_63 = arith.constant 4 : i32
      %mul3A_64 = arith.muli %mul3A_63, %add3A_62 : i32
      %mul3A_65 = arith.constant 128 : i32
      %mul3A_66 = arith.muli %mul3A_64, %mul3A_65 : i32
      %add3A_67 = arith.addi %mul3A_6, %mul3A_66 : i32
      %dma_wait3A_68 = arith.constant 0 : i32
      %dma_wait3A_69 = arith.constant 0 : i32
      %dma_wait3A_70 = tpu.memref_slice %arg5[%dma_wait3A_68, %dma_wait3A_69] : memref<10112x128xf32, #tpu.memory_space<hbm>> -> memref<10112x128xf32, #tpu.memory_space<hbm>>
      tpu.wait_indirect_dma semaphore(%arg18 : memref<!tpu.dma_semaphore, #tpu.memory_space<semaphore_mem>>) src(%dma_wait3A_70 : memref<10112x128xf32, #tpu.memory_space<hbm>>) dst(%arg15 : memref<128x128xf32, #tpu.memory_space<vmem>>)
      "tpu.region"() ({
        %run_scoped3A = tpu.sem_alloc : memref<!tpu.dma_semaphore, #tpu.memory_space<semaphore_mem>>
        %dma_start3A_156 = arith.constant 0 : i32
        %dma_start3A_157 = arith.constant 0 : i32
        %dma_start3A_158 = tpu.memref_slice %arg17[%dma_start3A_156, %dma_start3A_157] : memref<10112x128xf32, #tpu.memory_space<vmem_shared>> -> memref<10112x128xf32, #tpu.memory_space<vmem_shared>>
        tpu.enqueue_indirect_dma source(%arg15 : memref<128x128xf32, #tpu.memory_space<vmem>>) target(%dma_start3A_158 : memref<10112x128xf32, #tpu.memory_space<vmem_shared>>) offsets(%arg8 : memref<128xi32, #tpu.memory_space<vmem>>) semaphore(%run_scoped3A : memref<!tpu.dma_semaphore, #tpu.memory_space<semaphore_mem>>) {add = true}
        %dma_wait3A_159 = arith.constant 0 : i32
        %dma_wait3A_160 = arith.constant 0 : i32
        %dma_wait3A_161 = tpu.memref_slice %arg17[%dma_wait3A_159, %dma_wait3A_160] : memref<10112x128xf32, #tpu.memory_space<vmem_shared>> -> memref<10112x128xf32, #tpu.memory_space<vmem_shared>>
        tpu.wait_indirect_dma semaphore(%run_scoped3A : memref<!tpu.dma_semaphore, #tpu.memory_space<semaphore_mem>>) src(%arg15 : memref<128x128xf32, #tpu.memory_space<vmem>>) dst(%dma_wait3A_161 : memref<10112x128xf32, #tpu.memory_space<vmem_shared>>)
        tpu.yield
      }) : () -> ()
      %add3A_71 = arith.constant 512 : i32
      %add3A_72 = arith.addi %add3A_67, %add3A_71 : i32
      %dma_start3A_73 = tpu.memref_slice %arg3[%add3A_72] : memref<328704xi32, #tpu.memory_space<hbm>> -> memref<128xi32, #tpu.memory_space<hbm>>
      %dma_start3A_74 = tpu.memref_slice %arg3[%add3A_72] : memref<328704xi32, #tpu.memory_space<hbm>> -> memref<128xi32, #tpu.memory_space<hbm>>
      tpu.enqueue_dma source(%dma_start3A_74 : memref<128xi32, #tpu.memory_space<hbm>>) target(%arg7 : memref<128xi32, #tpu.memory_space<vmem>>) target_semaphore(%arg20 : memref<!tpu.dma_semaphore, #tpu.memory_space<semaphore_mem>>)
      %add3A_75 = arith.constant 512 : i32
      %add3A_76 = arith.addi %add3A_67, %add3A_75 : i32
      %dma_start3A_77 = tpu.memref_slice %arg4[%add3A_76] : memref<328704xi32, #tpu.memory_space<hbm>> -> memref<128xi32, #tpu.memory_space<hbm>>
      %dma_start3A_78 = tpu.memref_slice %arg4[%add3A_76] : memref<328704xi32, #tpu.memory_space<hbm>> -> memref<128xi32, #tpu.memory_space<hbm>>
      tpu.enqueue_dma source(%dma_start3A_78 : memref<128xi32, #tpu.memory_space<hbm>>) target(%arg8 : memref<128xi32, #tpu.memory_space<vmem>>) target_semaphore(%arg20 : memref<!tpu.dma_semaphore, #tpu.memory_space<semaphore_mem>>)
      %dma_wait3A_79 = arith.constant 0 : i32
      %dma_wait3A_80 = tpu.memref_slice %arg3[%dma_wait3A_79] : memref<328704xi32, #tpu.memory_space<hbm>> -> memref<128xi32, #tpu.memory_space<hbm>>
      %dma_wait3A_81 = arith.constant 0 : i32
      %dma_wait3A_82 = tpu.memref_slice %arg3[%dma_wait3A_81] : memref<328704xi32, #tpu.memory_space<hbm>> -> memref<128xi32, #tpu.memory_space<hbm>>
      tpu.wait_dma2 semaphore(%arg22 : memref<!tpu.dma_semaphore, #tpu.memory_space<semaphore_mem>>) src(%dma_wait3A_82 : memref<128xi32, #tpu.memory_space<hbm>>) dst(%arg11 : memref<128xi32, #tpu.memory_space<vmem>>)
      %dma_wait3A_83 = arith.constant 0 : i32
      %dma_wait3A_84 = tpu.memref_slice %arg4[%dma_wait3A_83] : memref<328704xi32, #tpu.memory_space<hbm>> -> memref<128xi32, #tpu.memory_space<hbm>>
      %dma_wait3A_85 = arith.constant 0 : i32
      %dma_wait3A_86 = tpu.memref_slice %arg4[%dma_wait3A_85] : memref<328704xi32, #tpu.memory_space<hbm>> -> memref<128xi32, #tpu.memory_space<hbm>>
      tpu.wait_dma2 semaphore(%arg22 : memref<!tpu.dma_semaphore, #tpu.memory_space<semaphore_mem>>) src(%dma_wait3A_86 : memref<128xi32, #tpu.memory_space<hbm>>) dst(%arg12 : memref<128xi32, #tpu.memory_space<vmem>>)
      %dma_start3A_87 = arith.constant 0 : i32
      %dma_start3A_88 = arith.constant 0 : i32
      %dma_start3A_89 = tpu.memref_slice %arg5[%dma_start3A_87, %dma_start3A_88] : memref<10112x128xf32, #tpu.memory_space<hbm>> -> memref<10112x128xf32, #tpu.memory_space<hbm>>
      tpu.enqueue_indirect_dma source(%dma_start3A_89 : memref<10112x128xf32, #tpu.memory_space<hbm>>) target(%arg15 : memref<128x128xf32, #tpu.memory_space<vmem>>) offsets(%arg11 : memref<128xi32, #tpu.memory_space<vmem>>) semaphore(%arg18 : memref<!tpu.dma_semaphore, #tpu.memory_space<semaphore_mem>>)
      %dma_wait3A_90 = arith.constant 0 : i32
      %dma_wait3A_91 = arith.constant 0 : i32
      %dma_wait3A_92 = tpu.memref_slice %arg5[%dma_wait3A_90, %dma_wait3A_91] : memref<10112x128xf32, #tpu.memory_space<hbm>> -> memref<10112x128xf32, #tpu.memory_space<hbm>>
      tpu.wait_indirect_dma semaphore(%arg19 : memref<!tpu.dma_semaphore, #tpu.memory_space<semaphore_mem>>) src(%dma_wait3A_92 : memref<10112x128xf32, #tpu.memory_space<hbm>>) dst(%arg16 : memref<128x128xf32, #tpu.memory_space<vmem>>)
      "tpu.region"() ({
        %run_scoped3A = tpu.sem_alloc : memref<!tpu.dma_semaphore, #tpu.memory_space<semaphore_mem>>
        %dma_start3A_156 = arith.constant 0 : i32
        %dma_start3A_157 = arith.constant 0 : i32
        %dma_start3A_158 = tpu.memref_slice %arg17[%dma_start3A_156, %dma_start3A_157] : memref<10112x128xf32, #tpu.memory_space<vmem_shared>> -> memref<10112x128xf32, #tpu.memory_space<vmem_shared>>
        tpu.enqueue_indirect_dma source(%arg16 : memref<128x128xf32, #tpu.memory_space<vmem>>) target(%dma_start3A_158 : memref<10112x128xf32, #tpu.memory_space<vmem_shared>>) offsets(%arg10 : memref<128xi32, #tpu.memory_space<vmem>>) semaphore(%run_scoped3A : memref<!tpu.dma_semaphore, #tpu.memory_space<semaphore_mem>>) {add = true}
        %dma_wait3A_159 = arith.constant 0 : i32
        %dma_wait3A_160 = arith.constant 0 : i32
        %dma_wait3A_161 = tpu.memref_slice %arg17[%dma_wait3A_159, %dma_wait3A_160] : memref<10112x128xf32, #tpu.memory_space<vmem_shared>> -> memref<10112x128xf32, #tpu.memory_space<vmem_shared>>
        tpu.wait_indirect_dma semaphore(%run_scoped3A : memref<!tpu.dma_semaphore, #tpu.memory_space<semaphore_mem>>) src(%arg16 : memref<128x128xf32, #tpu.memory_space<vmem>>) dst(%dma_wait3A_161 : memref<10112x128xf32, #tpu.memory_space<vmem_shared>>)
        tpu.yield
      }) : () -> ()
      %add3A_93 = arith.constant 640 : i32
      %add3A_94 = arith.addi %add3A_67, %add3A_93 : i32
      %dma_start3A_95 = tpu.memref_slice %arg3[%add3A_94] : memref<328704xi32, #tpu.memory_space<hbm>> -> memref<128xi32, #tpu.memory_space<hbm>>
      %dma_start3A_96 = tpu.memref_slice %arg3[%add3A_94] : memref<328704xi32, #tpu.memory_space<hbm>> -> memref<128xi32, #tpu.memory_space<hbm>>
      tpu.enqueue_dma source(%dma_start3A_96 : memref<128xi32, #tpu.memory_space<hbm>>) target(%arg9 : memref<128xi32, #tpu.memory_space<vmem>>) target_semaphore(%arg21 : memref<!tpu.dma_semaphore, #tpu.memory_space<semaphore_mem>>)
      %add3A_97 = arith.constant 640 : i32
      %add3A_98 = arith.addi %add3A_67, %add3A_97 : i32
      %dma_start3A_99 = tpu.memref_slice %arg4[%add3A_98] : memref<328704xi32, #tpu.memory_space<hbm>> -> memref<128xi32, #tpu.memory_space<hbm>>
      %dma_start3A_100 = tpu.memref_slice %arg4[%add3A_98] : memref<328704xi32, #tpu.memory_space<hbm>> -> memref<128xi32, #tpu.memory_space<hbm>>
      tpu.enqueue_dma source(%dma_start3A_100 : memref<128xi32, #tpu.memory_space<hbm>>) target(%arg10 : memref<128xi32, #tpu.memory_space<vmem>>) target_semaphore(%arg21 : memref<!tpu.dma_semaphore, #tpu.memory_space<semaphore_mem>>)
      %dma_wait3A_101 = arith.constant 0 : i32
      %dma_wait3A_102 = tpu.memref_slice %arg3[%dma_wait3A_101] : memref<328704xi32, #tpu.memory_space<hbm>> -> memref<128xi32, #tpu.memory_space<hbm>>
      %dma_wait3A_103 = arith.constant 0 : i32
      %dma_wait3A_104 = tpu.memref_slice %arg3[%dma_wait3A_103] : memref<328704xi32, #tpu.memory_space<hbm>> -> memref<128xi32, #tpu.memory_space<hbm>>
      tpu.wait_dma2 semaphore(%arg23 : memref<!tpu.dma_semaphore, #tpu.memory_space<semaphore_mem>>) src(%dma_wait3A_104 : memref<128xi32, #tpu.memory_space<hbm>>) dst(%arg13 : memref<128xi32, #tpu.memory_space<vmem>>)
      %dma_wait3A_105 = arith.constant 0 : i32
      %dma_wait3A_106 = tpu.memref_slice %arg4[%dma_wait3A_105] : memref<328704xi32, #tpu.memory_space<hbm>> -> memref<128xi32, #tpu.memory_space<hbm>>
      %dma_wait3A_107 = arith.constant 0 : i32
      %dma_wait3A_108 = tpu.memref_slice %arg4[%dma_wait3A_107] : memref<328704xi32, #tpu.memory_space<hbm>> -> memref<128xi32, #tpu.memory_space<hbm>>
      tpu.wait_dma2 semaphore(%arg23 : memref<!tpu.dma_semaphore, #tpu.memory_space<semaphore_mem>>) src(%dma_wait3A_108 : memref<128xi32, #tpu.memory_space<hbm>>) dst(%arg14 : memref<128xi32, #tpu.memory_space<vmem>>)
      %dma_start3A_109 = arith.constant 0 : i32
      %dma_start3A_110 = arith.constant 0 : i32
      %dma_start3A_111 = tpu.memref_slice %arg5[%dma_start3A_109, %dma_start3A_110] : memref<10112x128xf32, #tpu.memory_space<hbm>> -> memref<10112x128xf32, #tpu.memory_space<hbm>>
      tpu.enqueue_indirect_dma source(%dma_start3A_111 : memref<10112x128xf32, #tpu.memory_space<hbm>>) target(%arg16 : memref<128x128xf32, #tpu.memory_space<vmem>>) offsets(%arg13 : memref<128xi32, #tpu.memory_space<vmem>>) semaphore(%arg19 : memref<!tpu.dma_semaphore, #tpu.memory_space<semaphore_mem>>)
      %dma_wait3A_112 = arith.constant 0 : i32
      %dma_wait3A_113 = arith.constant 0 : i32
      %dma_wait3A_114 = tpu.memref_slice %arg5[%dma_wait3A_112, %dma_wait3A_113] : memref<10112x128xf32, #tpu.memory_space<hbm>> -> memref<10112x128xf32, #tpu.memory_space<hbm>>
      tpu.wait_indirect_dma semaphore(%arg18 : memref<!tpu.dma_semaphore, #tpu.memory_space<semaphore_mem>>) src(%dma_wait3A_114 : memref<10112x128xf32, #tpu.memory_space<hbm>>) dst(%arg15 : memref<128x128xf32, #tpu.memory_space<vmem>>)
      "tpu.region"() ({
        %run_scoped3A = tpu.sem_alloc : memref<!tpu.dma_semaphore, #tpu.memory_space<semaphore_mem>>
        %dma_start3A_156 = arith.constant 0 : i32
        %dma_start3A_157 = arith.constant 0 : i32
        %dma_start3A_158 = tpu.memref_slice %arg17[%dma_start3A_156, %dma_start3A_157] : memref<10112x128xf32, #tpu.memory_space<vmem_shared>> -> memref<10112x128xf32, #tpu.memory_space<vmem_shared>>
        tpu.enqueue_indirect_dma source(%arg15 : memref<128x128xf32, #tpu.memory_space<vmem>>) target(%dma_start3A_158 : memref<10112x128xf32, #tpu.memory_space<vmem_shared>>) offsets(%arg12 : memref<128xi32, #tpu.memory_space<vmem>>) semaphore(%run_scoped3A : memref<!tpu.dma_semaphore, #tpu.memory_space<semaphore_mem>>) {add = true}
        %dma_wait3A_159 = arith.constant 0 : i32
        %dma_wait3A_160 = arith.constant 0 : i32
        %dma_wait3A_161 = tpu.memref_slice %arg17[%dma_wait3A_159, %dma_wait3A_160] : memref<10112x128xf32, #tpu.memory_space<vmem_shared>> -> memref<10112x128xf32, #tpu.memory_space<vmem_shared>>
        tpu.wait_indirect_dma semaphore(%run_scoped3A : memref<!tpu.dma_semaphore, #tpu.memory_space<semaphore_mem>>) src(%arg15 : memref<128x128xf32, #tpu.memory_space<vmem>>) dst(%dma_wait3A_161 : memref<10112x128xf32, #tpu.memory_space<vmem_shared>>)
        tpu.yield
      }) : () -> ()
      %add3A_115 = arith.constant 768 : i32
      %add3A_116 = arith.addi %add3A_67, %add3A_115 : i32
      %dma_start3A_117 = tpu.memref_slice %arg3[%add3A_116] : memref<328704xi32, #tpu.memory_space<hbm>> -> memref<128xi32, #tpu.memory_space<hbm>>
      %dma_start3A_118 = tpu.memref_slice %arg3[%add3A_116] : memref<328704xi32, #tpu.memory_space<hbm>> -> memref<128xi32, #tpu.memory_space<hbm>>
      tpu.enqueue_dma source(%dma_start3A_118 : memref<128xi32, #tpu.memory_space<hbm>>) target(%arg11 : memref<128xi32, #tpu.memory_space<vmem>>) target_semaphore(%arg22 : memref<!tpu.dma_semaphore, #tpu.memory_space<semaphore_mem>>)
      %add3A_119 = arith.constant 768 : i32
      %add3A_120 = arith.addi %add3A_67, %add3A_119 : i32
      %dma_start3A_121 = tpu.memref_slice %arg4[%add3A_120] : memref<328704xi32, #tpu.memory_space<hbm>> -> memref<128xi32, #tpu.memory_space<hbm>>
      %dma_start3A_122 = tpu.memref_slice %arg4[%add3A_120] : memref<328704xi32, #tpu.memory_space<hbm>> -> memref<128xi32, #tpu.memory_space<hbm>>
      tpu.enqueue_dma source(%dma_start3A_122 : memref<128xi32, #tpu.memory_space<hbm>>) target(%arg12 : memref<128xi32, #tpu.memory_space<vmem>>) target_semaphore(%arg22 : memref<!tpu.dma_semaphore, #tpu.memory_space<semaphore_mem>>)
      %dma_wait3A_123 = arith.constant 0 : i32
      %dma_wait3A_124 = tpu.memref_slice %arg3[%dma_wait3A_123] : memref<328704xi32, #tpu.memory_space<hbm>> -> memref<128xi32, #tpu.memory_space<hbm>>
      %dma_wait3A_125 = arith.constant 0 : i32
      %dma_wait3A_126 = tpu.memref_slice %arg3[%dma_wait3A_125] : memref<328704xi32, #tpu.memory_space<hbm>> -> memref<128xi32, #tpu.memory_space<hbm>>
      tpu.wait_dma2 semaphore(%arg20 : memref<!tpu.dma_semaphore, #tpu.memory_space<semaphore_mem>>) src(%dma_wait3A_126 : memref<128xi32, #tpu.memory_space<hbm>>) dst(%arg7 : memref<128xi32, #tpu.memory_space<vmem>>)
      %dma_wait3A_127 = arith.constant 0 : i32
      %dma_wait3A_128 = tpu.memref_slice %arg4[%dma_wait3A_127] : memref<328704xi32, #tpu.memory_space<hbm>> -> memref<128xi32, #tpu.memory_space<hbm>>
      %dma_wait3A_129 = arith.constant 0 : i32
      %dma_wait3A_130 = tpu.memref_slice %arg4[%dma_wait3A_129] : memref<328704xi32, #tpu.memory_space<hbm>> -> memref<128xi32, #tpu.memory_space<hbm>>
      tpu.wait_dma2 semaphore(%arg20 : memref<!tpu.dma_semaphore, #tpu.memory_space<semaphore_mem>>) src(%dma_wait3A_130 : memref<128xi32, #tpu.memory_space<hbm>>) dst(%arg8 : memref<128xi32, #tpu.memory_space<vmem>>)
      %dma_start3A_131 = arith.constant 0 : i32
      %dma_start3A_132 = arith.constant 0 : i32
      %dma_start3A_133 = tpu.memref_slice %arg5[%dma_start3A_131, %dma_start3A_132] : memref<10112x128xf32, #tpu.memory_space<hbm>> -> memref<10112x128xf32, #tpu.memory_space<hbm>>
      tpu.enqueue_indirect_dma source(%dma_start3A_133 : memref<10112x128xf32, #tpu.memory_space<hbm>>) target(%arg15 : memref<128x128xf32, #tpu.memory_space<vmem>>) offsets(%arg7 : memref<128xi32, #tpu.memory_space<vmem>>) semaphore(%arg18 : memref<!tpu.dma_semaphore, #tpu.memory_space<semaphore_mem>>)
      %dma_wait3A_134 = arith.constant 0 : i32
      %dma_wait3A_135 = arith.constant 0 : i32
      %dma_wait3A_136 = tpu.memref_slice %arg5[%dma_wait3A_134, %dma_wait3A_135] : memref<10112x128xf32, #tpu.memory_space<hbm>> -> memref<10112x128xf32, #tpu.memory_space<hbm>>
      tpu.wait_indirect_dma semaphore(%arg19 : memref<!tpu.dma_semaphore, #tpu.memory_space<semaphore_mem>>) src(%dma_wait3A_136 : memref<10112x128xf32, #tpu.memory_space<hbm>>) dst(%arg16 : memref<128x128xf32, #tpu.memory_space<vmem>>)
      "tpu.region"() ({
        %run_scoped3A = tpu.sem_alloc : memref<!tpu.dma_semaphore, #tpu.memory_space<semaphore_mem>>
        %dma_start3A_156 = arith.constant 0 : i32
        %dma_start3A_157 = arith.constant 0 : i32
        %dma_start3A_158 = tpu.memref_slice %arg17[%dma_start3A_156, %dma_start3A_157] : memref<10112x128xf32, #tpu.memory_space<vmem_shared>> -> memref<10112x128xf32, #tpu.memory_space<vmem_shared>>
        tpu.enqueue_indirect_dma source(%arg16 : memref<128x128xf32, #tpu.memory_space<vmem>>) target(%dma_start3A_158 : memref<10112x128xf32, #tpu.memory_space<vmem_shared>>) offsets(%arg14 : memref<128xi32, #tpu.memory_space<vmem>>) semaphore(%run_scoped3A : memref<!tpu.dma_semaphore, #tpu.memory_space<semaphore_mem>>) {add = true}
        %dma_wait3A_159 = arith.constant 0 : i32
        %dma_wait3A_160 = arith.constant 0 : i32
        %dma_wait3A_161 = tpu.memref_slice %arg17[%dma_wait3A_159, %dma_wait3A_160] : memref<10112x128xf32, #tpu.memory_space<vmem_shared>> -> memref<10112x128xf32, #tpu.memory_space<vmem_shared>>
        tpu.wait_indirect_dma semaphore(%run_scoped3A : memref<!tpu.dma_semaphore, #tpu.memory_space<semaphore_mem>>) src(%arg16 : memref<128x128xf32, #tpu.memory_space<vmem>>) dst(%dma_wait3A_161 : memref<10112x128xf32, #tpu.memory_space<vmem_shared>>)
        tpu.yield
      }) : () -> ()
      %add3A_137 = arith.constant 896 : i32
      %add3A_138 = arith.addi %add3A_67, %add3A_137 : i32
      %dma_start3A_139 = tpu.memref_slice %arg3[%add3A_138] : memref<328704xi32, #tpu.memory_space<hbm>> -> memref<128xi32, #tpu.memory_space<hbm>>
      %dma_start3A_140 = tpu.memref_slice %arg3[%add3A_138] : memref<328704xi32, #tpu.memory_space<hbm>> -> memref<128xi32, #tpu.memory_space<hbm>>
      tpu.enqueue_dma source(%dma_start3A_140 : memref<128xi32, #tpu.memory_space<hbm>>) target(%arg13 : memref<128xi32, #tpu.memory_space<vmem>>) target_semaphore(%arg23 : memref<!tpu.dma_semaphore, #tpu.memory_space<semaphore_mem>>)
      %add3A_141 = arith.constant 896 : i32
      %add3A_142 = arith.addi %add3A_67, %add3A_141 : i32
      %dma_start3A_143 = tpu.memref_slice %arg4[%add3A_142] : memref<328704xi32, #tpu.memory_space<hbm>> -> memref<128xi32, #tpu.memory_space<hbm>>
      %dma_start3A_144 = tpu.memref_slice %arg4[%add3A_142] : memref<328704xi32, #tpu.memory_space<hbm>> -> memref<128xi32, #tpu.memory_space<hbm>>
      tpu.enqueue_dma source(%dma_start3A_144 : memref<128xi32, #tpu.memory_space<hbm>>) target(%arg14 : memref<128xi32, #tpu.memory_space<vmem>>) target_semaphore(%arg23 : memref<!tpu.dma_semaphore, #tpu.memory_space<semaphore_mem>>)
      %dma_wait3A_145 = arith.constant 0 : i32
      %dma_wait3A_146 = tpu.memref_slice %arg3[%dma_wait3A_145] : memref<328704xi32, #tpu.memory_space<hbm>> -> memref<128xi32, #tpu.memory_space<hbm>>
      %dma_wait3A_147 = arith.constant 0 : i32
      %dma_wait3A_148 = tpu.memref_slice %arg3[%dma_wait3A_147] : memref<328704xi32, #tpu.memory_space<hbm>> -> memref<128xi32, #tpu.memory_space<hbm>>
      tpu.wait_dma2 semaphore(%arg21 : memref<!tpu.dma_semaphore, #tpu.memory_space<semaphore_mem>>) src(%dma_wait3A_148 : memref<128xi32, #tpu.memory_space<hbm>>) dst(%arg9 : memref<128xi32, #tpu.memory_space<vmem>>)
      %dma_wait3A_149 = arith.constant 0 : i32
      %dma_wait3A_150 = tpu.memref_slice %arg4[%dma_wait3A_149] : memref<328704xi32, #tpu.memory_space<hbm>> -> memref<128xi32, #tpu.memory_space<hbm>>
      %dma_wait3A_151 = arith.constant 0 : i32
      %dma_wait3A_152 = tpu.memref_slice %arg4[%dma_wait3A_151] : memref<328704xi32, #tpu.memory_space<hbm>> -> memref<128xi32, #tpu.memory_space<hbm>>
      tpu.wait_dma2 semaphore(%arg21 : memref<!tpu.dma_semaphore, #tpu.memory_space<semaphore_mem>>) src(%dma_wait3A_152 : memref<128xi32, #tpu.memory_space<hbm>>) dst(%arg10 : memref<128xi32, #tpu.memory_space<vmem>>)
      %dma_start3A_153 = arith.constant 0 : i32
      %dma_start3A_154 = arith.constant 0 : i32
      %dma_start3A_155 = tpu.memref_slice %arg5[%dma_start3A_153, %dma_start3A_154] : memref<10112x128xf32, #tpu.memory_space<hbm>> -> memref<10112x128xf32, #tpu.memory_space<hbm>>
      tpu.enqueue_indirect_dma source(%dma_start3A_155 : memref<10112x128xf32, #tpu.memory_space<hbm>>) target(%arg16 : memref<128x128xf32, #tpu.memory_space<vmem>>) offsets(%arg9 : memref<128xi32, #tpu.memory_space<vmem>>) semaphore(%arg19 : memref<!tpu.dma_semaphore, #tpu.memory_space<semaphore_mem>>)
    }
    %scan3A_35 = arith.constant 20 : i32
    %dma_wait3A = arith.constant 0 : i32
    %dma_wait3A_36 = arith.constant 0 : i32
    %dma_wait3A_37 = tpu.memref_slice %arg5[%dma_wait3A, %dma_wait3A_36] : memref<10112x128xf32, #tpu.memory_space<hbm>> -> memref<10112x128xf32, #tpu.memory_space<hbm>>
    tpu.wait_indirect_dma semaphore(%arg18 : memref<!tpu.dma_semaphore, #tpu.memory_space<semaphore_mem>>) src(%dma_wait3A_37 : memref<10112x128xf32, #tpu.memory_space<hbm>>) dst(%arg15 : memref<128x128xf32, #tpu.memory_space<vmem>>)
    %dma_wait3A_38 = arith.constant 0 : i32
    %dma_wait3A_39 = arith.constant 0 : i32
    %dma_wait3A_40 = tpu.memref_slice %arg5[%dma_wait3A_38, %dma_wait3A_39] : memref<10112x128xf32, #tpu.memory_space<hbm>> -> memref<10112x128xf32, #tpu.memory_space<hbm>>
    tpu.wait_indirect_dma semaphore(%arg19 : memref<!tpu.dma_semaphore, #tpu.memory_space<semaphore_mem>>) src(%dma_wait3A_40 : memref<10112x128xf32, #tpu.memory_space<hbm>>) dst(%arg16 : memref<128x128xf32, #tpu.memory_space<vmem>>)
    %dma_wait3A_41 = arith.constant 0 : i32
    %dma_wait3A_42 = tpu.memref_slice %arg3[%dma_wait3A_41] : memref<328704xi32, #tpu.memory_space<hbm>> -> memref<128xi32, #tpu.memory_space<hbm>>
    %dma_wait3A_43 = arith.constant 0 : i32
    %dma_wait3A_44 = tpu.memref_slice %arg3[%dma_wait3A_43] : memref<328704xi32, #tpu.memory_space<hbm>> -> memref<128xi32, #tpu.memory_space<hbm>>
    tpu.wait_dma2 semaphore(%arg22 : memref<!tpu.dma_semaphore, #tpu.memory_space<semaphore_mem>>) src(%dma_wait3A_44 : memref<128xi32, #tpu.memory_space<hbm>>) dst(%arg11 : memref<128xi32, #tpu.memory_space<vmem>>)
    %dma_wait3A_45 = arith.constant 0 : i32
    %dma_wait3A_46 = tpu.memref_slice %arg4[%dma_wait3A_45] : memref<328704xi32, #tpu.memory_space<hbm>> -> memref<128xi32, #tpu.memory_space<hbm>>
    %dma_wait3A_47 = arith.constant 0 : i32
    %dma_wait3A_48 = tpu.memref_slice %arg4[%dma_wait3A_47] : memref<328704xi32, #tpu.memory_space<hbm>> -> memref<128xi32, #tpu.memory_space<hbm>>
    tpu.wait_dma2 semaphore(%arg22 : memref<!tpu.dma_semaphore, #tpu.memory_space<semaphore_mem>>) src(%dma_wait3A_48 : memref<128xi32, #tpu.memory_space<hbm>>) dst(%arg12 : memref<128xi32, #tpu.memory_space<vmem>>)
    %dma_wait3A_49 = arith.constant 0 : i32
    %dma_wait3A_50 = tpu.memref_slice %arg3[%dma_wait3A_49] : memref<328704xi32, #tpu.memory_space<hbm>> -> memref<128xi32, #tpu.memory_space<hbm>>
    %dma_wait3A_51 = arith.constant 0 : i32
    %dma_wait3A_52 = tpu.memref_slice %arg3[%dma_wait3A_51] : memref<328704xi32, #tpu.memory_space<hbm>> -> memref<128xi32, #tpu.memory_space<hbm>>
    tpu.wait_dma2 semaphore(%arg23 : memref<!tpu.dma_semaphore, #tpu.memory_space<semaphore_mem>>) src(%dma_wait3A_52 : memref<128xi32, #tpu.memory_space<hbm>>) dst(%arg13 : memref<128xi32, #tpu.memory_space<vmem>>)
    %dma_wait3A_53 = arith.constant 0 : i32
    %dma_wait3A_54 = tpu.memref_slice %arg4[%dma_wait3A_53] : memref<328704xi32, #tpu.memory_space<hbm>> -> memref<128xi32, #tpu.memory_space<hbm>>
    %dma_wait3A_55 = arith.constant 0 : i32
    %dma_wait3A_56 = tpu.memref_slice %arg4[%dma_wait3A_55] : memref<328704xi32, #tpu.memory_space<hbm>> -> memref<128xi32, #tpu.memory_space<hbm>>
    tpu.wait_dma2 semaphore(%arg23 : memref<!tpu.dma_semaphore, #tpu.memory_space<semaphore_mem>>) src(%dma_wait3A_56 : memref<128xi32, #tpu.memory_space<hbm>>) dst(%arg14 : memref<128xi32, #tpu.memory_space<vmem>>)
    %barrier3A_57 = arith.constant 0 : index
    tpu.barrier barrier_id(%barrier3A_57)
    "tpu.region"() ({
      %run_scoped3A = tpu.sem_alloc : memref<!tpu.dma_semaphore, #tpu.memory_space<semaphore_mem>>
      %dma_start3A_58 = arith.constant 0 : i32
      %dma_start3A_59 = tpu.memref_slice %arg6[%arg0, %mul3A_2, %dma_start3A_58] : memref<2x10112x128xf32, #tpu.memory_space<hbm>> -> memref<1x632x128xf32, #tpu.memory_space<hbm>>
      %dma_start3A_60 = tpu.memref_squeeze %dma_start3A_59 : memref<1x632x128xf32, #tpu.memory_space<hbm>> -> memref<632x128xf32, #tpu.memory_space<hbm>>
      %dma_start3A_61 = arith.constant 0 : i32
      %dma_start3A_62 = tpu.memref_slice %arg17[%mul3A_2, %dma_start3A_61] : memref<10112x128xf32, #tpu.memory_space<vmem_shared>> -> memref<632x128xf32, #tpu.memory_space<vmem_shared>>
      tpu.enqueue_dma source(%dma_start3A_62 : memref<632x128xf32, #tpu.memory_space<vmem_shared>>) target(%dma_start3A_60 : memref<632x128xf32, #tpu.memory_space<hbm>>) target_semaphore(%run_scoped3A : memref<!tpu.dma_semaphore, #tpu.memory_space<semaphore_mem>>)
      %dma_wait3A_63 = arith.constant 0 : i32
      %dma_wait3A_64 = tpu.memref_slice %arg6[%arg0, %mul3A_2, %dma_wait3A_63] : memref<2x10112x128xf32, #tpu.memory_space<hbm>> -> memref<1x632x128xf32, #tpu.memory_space<hbm>>
      %dma_wait3A_65 = tpu.memref_squeeze %dma_wait3A_64 : memref<1x632x128xf32, #tpu.memory_space<hbm>> -> memref<632x128xf32, #tpu.memory_space<hbm>>
      %dma_wait3A_66 = arith.constant 0 : i32
      %dma_wait3A_67 = tpu.memref_slice %arg17[%mul3A_2, %dma_wait3A_66] : memref<10112x128xf32, #tpu.memory_space<vmem_shared>> -> memref<632x128xf32, #tpu.memory_space<vmem_shared>>
      tpu.wait_dma2 semaphore(%run_scoped3A : memref<!tpu.dma_semaphore, #tpu.memory_space<semaphore_mem>>) src(%dma_wait3A_67 : memref<632x128xf32, #tpu.memory_space<vmem_shared>>) dst(%dma_wait3A_65 : memref<632x128xf32, #tpu.memory_space<hbm>>)
      tpu.yield
    }) : () -> ()
    return
  }
}

#map = affine_map<(d0, d1) -> (0, 0)>
#map1 = affine_map<(d0, d1) -> (0)>
#map2 = affine_map<(d0, d1) -> (0, 0, 0)>
module attributes {stable_mosaic.version = 14 : i64} {
  func.func @_prop_body(%arg0: i32, %arg1: i32, %arg2: memref<10112x128xf32, #tpu.memory_space<hbm>>, %arg3: memref<328704xi32, #tpu.memory_space<hbm>>, %arg4: memref<328704xi32, #tpu.memory_space<hbm>>, %arg5: memref<10112x128xf32, #tpu.memory_space<hbm>>, %arg6: memref<2x10112x128xf32, #tpu.memory_space<hbm>>, %arg7: memref<128xi32, #tpu.memory_space<vmem>>, %arg8: memref<128xi32, #tpu.memory_space<vmem>>, %arg9: memref<128xi32, #tpu.memory_space<vmem>>, %arg10: memref<128xi32, #tpu.memory_space<vmem>>, %arg11: memref<128xi32, #tpu.memory_space<vmem>>, %arg12: memref<128xi32, #tpu.memory_space<vmem>>, %arg13: memref<128xi32, #tpu.memory_space<vmem>>, %arg14: memref<128xi32, #tpu.memory_space<vmem>>, %arg15: memref<128x128xf32, #tpu.memory_space<vmem>>, %arg16: memref<128x128xf32, #tpu.memory_space<vmem>>, %arg17: memref<10112x128xf32, #tpu.memory_space<vmem_shared>>, %arg18: memref<!tpu.dma_semaphore, #tpu.memory_space<semaphore_mem>>, %arg19: memref<!tpu.dma_semaphore, #tpu.memory_space<semaphore_mem>>, %arg20: memref<!tpu.dma_semaphore, #tpu.memory_space<semaphore_mem>>, %arg21: memref<!tpu.dma_semaphore, #tpu.memory_space<semaphore_mem>>, %arg22: memref<!tpu.dma_semaphore, #tpu.memory_space<semaphore_mem>>, %arg23: memref<!tpu.dma_semaphore, #tpu.memory_space<semaphore_mem>>) attributes {dimension_semantics = [#tpu.dimension_semantics<core_parallel>, #tpu.dimension_semantics<subcore_parallel>], iteration_bounds = array<i64: 2, 16>, scalar_prefetch = 0 : i64, scratch_operands = 17 : i64, tpu.core_type = #tpu.core_type<sc_vector_subcore>, window_params = [{transform_indices = #map}, {transform_indices = #map1}, {transform_indices = #map1}, {transform_indices = #map}, {transform_indices = #map2}]} {
    %mul3A = arith.constant 2 : i32
    %mul3A_0 = arith.muli %arg1, %mul3A : i32
    %add3A = arith.addi %mul3A_0, %arg0 : i32
    %mul3A_1 = arith.constant 632 : i32
    %mul3A_2 = arith.muli %arg1, %mul3A_1 : i32
    "tpu.region"() ({
      %run_scoped3A = tpu.sem_alloc : memref<!tpu.dma_semaphore, #tpu.memory_space<semaphore_mem>>
      %dma_start3A_58 = arith.constant 0 : i32
      %dma_start3A_59 = tpu.memref_slice %arg17[%mul3A_2, %dma_start3A_58] : memref<10112x128xf32, #tpu.memory_space<vmem_shared>> -> memref<632x128xf32, #tpu.memory_space<vmem_shared>>
      %dma_start3A_60 = arith.constant 0 : i32
      %dma_start3A_61 = tpu.memref_slice %arg2[%mul3A_2, %dma_start3A_60] : memref<10112x128xf32, #tpu.memory_space<hbm>> -> memref<632x128xf32, #tpu.memory_space<hbm>>
      tpu.enqueue_dma source(%dma_start3A_61 : memref<632x128xf32, #tpu.memory_space<hbm>>) target(%dma_start3A_59 : memref<632x128xf32, #tpu.memory_space<vmem_shared>>) target_semaphore(%run_scoped3A : memref<!tpu.dma_semaphore, #tpu.memory_space<semaphore_mem>>)
      %dma_wait3A_62 = arith.constant 0 : i32
      %dma_wait3A_63 = tpu.memref_slice %arg17[%mul3A_2, %dma_wait3A_62] : memref<10112x128xf32, #tpu.memory_space<vmem_shared>> -> memref<632x128xf32, #tpu.memory_space<vmem_shared>>
      %dma_wait3A_64 = arith.constant 0 : i32
      %dma_wait3A_65 = tpu.memref_slice %arg2[%mul3A_2, %dma_wait3A_64] : memref<10112x128xf32, #tpu.memory_space<hbm>> -> memref<632x128xf32, #tpu.memory_space<hbm>>
      tpu.wait_dma2 semaphore(%run_scoped3A : memref<!tpu.dma_semaphore, #tpu.memory_space<semaphore_mem>>) src(%dma_wait3A_65 : memref<632x128xf32, #tpu.memory_space<hbm>>) dst(%dma_wait3A_63 : memref<632x128xf32, #tpu.memory_space<vmem_shared>>)
      tpu.yield
    }) : () -> ()
    %mul3A_3 = arith.constant 80 : i32
    %mul3A_4 = arith.muli %add3A, %mul3A_3 : i32
    %mul3A_5 = arith.constant 128 : i32
    %mul3A_6 = arith.muli %mul3A_4, %mul3A_5 : i32
    "tpu.region"() ({
      %run_scoped3A = tpu.sem_alloc : memref<!tpu.dma_semaphore, #tpu.memory_space<semaphore_mem>>
      %dma_start3A_58 = tpu.memref_slice %arg3[%mul3A_6] : memref<328704xi32, #tpu.memory_space<hbm>> -> memref<128xi32, #tpu.memory_space<hbm>>
      %dma_start3A_59 = tpu.memref_slice %arg3[%mul3A_6] : memref<328704xi32, #tpu.memory_space<hbm>> -> memref<128xi32, #tpu.memory_space<hbm>>
      tpu.enqueue_dma source(%dma_start3A_59 : memref<128xi32, #tpu.memory_space<hbm>>) target(%arg7 : memref<128xi32, #tpu.memory_space<vmem>>) target_semaphore(%run_scoped3A : memref<!tpu.dma_semaphore, #tpu.memory_space<semaphore_mem>>)
      %dma_wait3A_60 = tpu.memref_slice %arg3[%mul3A_6] : memref<328704xi32, #tpu.memory_space<hbm>> -> memref<128xi32, #tpu.memory_space<hbm>>
      %dma_wait3A_61 = tpu.memref_slice %arg3[%mul3A_6] : memref<328704xi32, #tpu.memory_space<hbm>> -> memref<128xi32, #tpu.memory_space<hbm>>
      tpu.wait_dma2 semaphore(%run_scoped3A : memref<!tpu.dma_semaphore, #tpu.memory_space<semaphore_mem>>) src(%dma_wait3A_61 : memref<128xi32, #tpu.memory_space<hbm>>) dst(%arg7 : memref<128xi32, #tpu.memory_space<vmem>>)
      tpu.yield
    }) : () -> ()
    "tpu.region"() ({
      %run_scoped3A = tpu.sem_alloc : memref<!tpu.dma_semaphore, #tpu.memory_space<semaphore_mem>>
      %dma_start3A_58 = tpu.memref_slice %arg4[%mul3A_6] : memref<328704xi32, #tpu.memory_space<hbm>> -> memref<128xi32, #tpu.memory_space<hbm>>
      %dma_start3A_59 = tpu.memref_slice %arg4[%mul3A_6] : memref<328704xi32, #tpu.memory_space<hbm>> -> memref<128xi32, #tpu.memory_space<hbm>>
      tpu.enqueue_dma source(%dma_start3A_59 : memref<128xi32, #tpu.memory_space<hbm>>) target(%arg8 : memref<128xi32, #tpu.memory_space<vmem>>) target_semaphore(%run_scoped3A : memref<!tpu.dma_semaphore, #tpu.memory_space<semaphore_mem>>)
      %dma_wait3A_60 = tpu.memref_slice %arg4[%mul3A_6] : memref<328704xi32, #tpu.memory_space<hbm>> -> memref<128xi32, #tpu.memory_space<hbm>>
      %dma_wait3A_61 = tpu.memref_slice %arg4[%mul3A_6] : memref<328704xi32, #tpu.memory_space<hbm>> -> memref<128xi32, #tpu.memory_space<hbm>>
      tpu.wait_dma2 semaphore(%run_scoped3A : memref<!tpu.dma_semaphore, #tpu.memory_space<semaphore_mem>>) src(%dma_wait3A_61 : memref<128xi32, #tpu.memory_space<hbm>>) dst(%arg8 : memref<128xi32, #tpu.memory_space<vmem>>)
      tpu.yield
    }) : () -> ()
    %add3A_7 = arith.constant 128 : i32
    %add3A_8 = arith.addi %mul3A_6, %add3A_7 : i32
    "tpu.region"() ({
      %run_scoped3A = tpu.sem_alloc : memref<!tpu.dma_semaphore, #tpu.memory_space<semaphore_mem>>
      %dma_start3A_58 = tpu.memref_slice %arg3[%add3A_8] : memref<328704xi32, #tpu.memory_space<hbm>> -> memref<128xi32, #tpu.memory_space<hbm>>
      %dma_start3A_59 = tpu.memref_slice %arg3[%add3A_8] : memref<328704xi32, #tpu.memory_space<hbm>> -> memref<128xi32, #tpu.memory_space<hbm>>
      tpu.enqueue_dma source(%dma_start3A_59 : memref<128xi32, #tpu.memory_space<hbm>>) target(%arg9 : memref<128xi32, #tpu.memory_space<vmem>>) target_semaphore(%run_scoped3A : memref<!tpu.dma_semaphore, #tpu.memory_space<semaphore_mem>>)
      %dma_wait3A_60 = tpu.memref_slice %arg3[%add3A_8] : memref<328704xi32, #tpu.memory_space<hbm>> -> memref<128xi32, #tpu.memory_space<hbm>>
      %dma_wait3A_61 = tpu.memref_slice %arg3[%add3A_8] : memref<328704xi32, #tpu.memory_space<hbm>> -> memref<128xi32, #tpu.memory_space<hbm>>
      tpu.wait_dma2 semaphore(%run_scoped3A : memref<!tpu.dma_semaphore, #tpu.memory_space<semaphore_mem>>) src(%dma_wait3A_61 : memref<128xi32, #tpu.memory_space<hbm>>) dst(%arg9 : memref<128xi32, #tpu.memory_space<vmem>>)
      tpu.yield
    }) : () -> ()
    %add3A_9 = arith.constant 128 : i32
    %add3A_10 = arith.addi %mul3A_6, %add3A_9 : i32
    "tpu.region"() ({
      %run_scoped3A = tpu.sem_alloc : memref<!tpu.dma_semaphore, #tpu.memory_space<semaphore_mem>>
      %dma_start3A_58 = tpu.memref_slice %arg4[%add3A_10] : memref<328704xi32, #tpu.memory_space<hbm>> -> memref<128xi32, #tpu.memory_space<hbm>>
      %dma_start3A_59 = tpu.memref_slice %arg4[%add3A_10] : memref<328704xi32, #tpu.memory_space<hbm>> -> memref<128xi32, #tpu.memory_space<hbm>>
      tpu.enqueue_dma source(%dma_start3A_59 : memref<128xi32, #tpu.memory_space<hbm>>) target(%arg10 : memref<128xi32, #tpu.memory_space<vmem>>) target_semaphore(%run_scoped3A : memref<!tpu.dma_semaphore, #tpu.memory_space<semaphore_mem>>)
      %dma_wait3A_60 = tpu.memref_slice %arg4[%add3A_10] : memref<328704xi32, #tpu.memory_space<hbm>> -> memref<128xi32, #tpu.memory_space<hbm>>
      %dma_wait3A_61 = tpu.memref_slice %arg4[%add3A_10] : memref<328704xi32, #tpu.memory_space<hbm>> -> memref<128xi32, #tpu.memory_space<hbm>>
      tpu.wait_dma2 semaphore(%run_scoped3A : memref<!tpu.dma_semaphore, #tpu.memory_space<semaphore_mem>>) src(%dma_wait3A_61 : memref<128xi32, #tpu.memory_space<hbm>>) dst(%arg10 : memref<128xi32, #tpu.memory_space<vmem>>)
      tpu.yield
    }) : () -> ()
    %add3A_11 = arith.constant 256 : i32
    %add3A_12 = arith.addi %mul3A_6, %add3A_11 : i32
    %dma_start3A = tpu.memref_slice %arg3[%add3A_12] : memref<328704xi32, #tpu.memory_space<hbm>> -> memref<128xi32, #tpu.memory_space<hbm>>
    %dma_start3A_13 = tpu.memref_slice %arg3[%add3A_12] : memref<328704xi32, #tpu.memory_space<hbm>> -> memref<128xi32, #tpu.memory_space<hbm>>
    tpu.enqueue_dma source(%dma_start3A_13 : memref<128xi32, #tpu.memory_space<hbm>>) target(%arg11 : memref<128xi32, #tpu.memory_space<vmem>>) target_semaphore(%arg22 : memref<!tpu.dma_semaphore, #tpu.memory_space<semaphore_mem>>)
    %add3A_14 = arith.constant 256 : i32
    %add3A_15 = arith.addi %mul3A_6, %add3A_14 : i32
    %dma_start3A_16 = tpu.memref_slice %arg4[%add3A_15] : memref<328704xi32, #tpu.memory_space<hbm>> -> memref<128xi32, #tpu.memory_space<hbm>>
    %dma_start3A_17 = tpu.memref_slice %arg4[%add3A_15] : memref<328704xi32, #tpu.memory_space<hbm>> -> memref<128xi32, #tpu.memory_space<hbm>>
    tpu.enqueue_dma source(%dma_start3A_17 : memref<128xi32, #tpu.memory_space<hbm>>) target(%arg12 : memref<128xi32, #tpu.memory_space<vmem>>) target_semaphore(%arg22 : memref<!tpu.dma_semaphore, #tpu.memory_space<semaphore_mem>>)
    %add3A_18 = arith.constant 384 : i32
    %add3A_19 = arith.addi %mul3A_6, %add3A_18 : i32
    %dma_start3A_20 = tpu.memref_slice %arg3[%add3A_19] : memref<328704xi32, #tpu.memory_space<hbm>> -> memref<128xi32, #tpu.memory_space<hbm>>
    %dma_start3A_21 = tpu.memref_slice %arg3[%add3A_19] : memref<328704xi32, #tpu.memory_space<hbm>> -> memref<128xi32, #tpu.memory_space<hbm>>
    tpu.enqueue_dma source(%dma_start3A_21 : memref<128xi32, #tpu.memory_space<hbm>>) target(%arg13 : memref<128xi32, #tpu.memory_space<vmem>>) target_semaphore(%arg23 : memref<!tpu.dma_semaphore, #tpu.memory_space<semaphore_mem>>)
    %add3A_22 = arith.constant 384 : i32
    %add3A_23 = arith.addi %mul3A_6, %add3A_22 : i32
    %dma_start3A_24 = tpu.memref_slice %arg4[%add3A_23] : memref<328704xi32, #tpu.memory_space<hbm>> -> memref<128xi32, #tpu.memory_space<hbm>>
    %dma_start3A_25 = tpu.memref_slice %arg4[%add3A_23] : memref<328704xi32, #tpu.memory_space<hbm>> -> memref<128xi32, #tpu.memory_space<hbm>>
    tpu.enqueue_dma source(%dma_start3A_25 : memref<128xi32, #tpu.memory_space<hbm>>) target(%arg14 : memref<128xi32, #tpu.memory_space<vmem>>) target_semaphore(%arg23 : memref<!tpu.dma_semaphore, #tpu.memory_space<semaphore_mem>>)
    %barrier3A = arith.constant 0 : index
    tpu.barrier barrier_id(%barrier3A)
    %dma_start3A_26 = arith.constant 0 : i32
    %dma_start3A_27 = arith.constant 0 : i32
    %dma_start3A_28 = tpu.memref_slice %arg5[%dma_start3A_26, %dma_start3A_27] : memref<10112x128xf32, #tpu.memory_space<hbm>> -> memref<10112x128xf32, #tpu.memory_space<hbm>>
    tpu.enqueue_indirect_dma source(%dma_start3A_28 : memref<10112x128xf32, #tpu.memory_space<hbm>>) target(%arg15 : memref<128x128xf32, #tpu.memory_space<vmem>>) offsets(%arg7 : memref<128xi32, #tpu.memory_space<vmem>>) semaphore(%arg18 : memref<!tpu.dma_semaphore, #tpu.memory_space<semaphore_mem>>)
    %dma_start3A_29 = arith.constant 0 : i32
    %dma_start3A_30 = arith.constant 0 : i32
    %dma_start3A_31 = tpu.memref_slice %arg5[%dma_start3A_29, %dma_start3A_30] : memref<10112x128xf32, #tpu.memory_space<hbm>> -> memref<10112x128xf32, #tpu.memory_space<hbm>>
    tpu.enqueue_indirect_dma source(%dma_start3A_31 : memref<10112x128xf32, #tpu.memory_space<hbm>>) target(%arg16 : memref<128x128xf32, #tpu.memory_space<vmem>>) offsets(%arg9 : memref<128xi32, #tpu.memory_space<vmem>>) semaphore(%arg19 : memref<!tpu.dma_semaphore, #tpu.memory_space<semaphore_mem>>)
    %scan3A = arith.constant 0 : i32
    %scan3A_32 = arith.constant 20 : i32
    %scan3A_33 = arith.addi %scan3A, %scan3A_32 : i32
    %scan3A_34 = arith.constant 1 : i32
    scf.for %scan3A_58 = %scan3A to %scan3A_33 step %scan3A_34  : i32 {
      %mul3A_59 = arith.constant 1 : i32
      %mul3A_60 = arith.muli %scan3A_58, %mul3A_59 : i32
      %add3A_61 = arith.constant 0 : i32
      %add3A_62 = arith.addi %add3A_61, %mul3A_60 : i32
      %mul3A_63 = arith.constant 4 : i32
      %mul3A_64 = arith.muli %mul3A_63, %add3A_62 : i32
      %mul3A_65 = arith.constant 128 : i32
      %mul3A_66 = arith.muli %mul3A_64, %mul3A_65 : i32
      %add3A_67 = arith.addi %mul3A_6, %mul3A_66 : i32
      %dma_wait3A_68 = arith.constant 0 : i32
      %dma_wait3A_69 = arith.constant 0 : i32
      %dma_wait3A_70 = tpu.memref_slice %arg5[%dma_wait3A_68, %dma_wait3A_69] : memref<10112x128xf32, #tpu.memory_space<hbm>> -> memref<10112x128xf32, #tpu.memory_space<hbm>>
      tpu.wait_indirect_dma semaphore(%arg18 : memref<!tpu.dma_semaphore, #tpu.memory_space<semaphore_mem>>) src(%dma_wait3A_70 : memref<10112x128xf32, #tpu.memory_space<hbm>>) dst(%arg15 : memref<128x128xf32, #tpu.memory_space<vmem>>)
      "tpu.region"() ({
        %run_scoped3A = tpu.sem_alloc : memref<!tpu.dma_semaphore, #tpu.memory_space<semaphore_mem>>
        %dma_start3A_156 = arith.constant 0 : i32
        %dma_start3A_157 = arith.constant 0 : i32
        %dma_start3A_158 = tpu.memref_slice %arg17[%dma_start3A_156, %dma_start3A_157] : memref<10112x128xf32, #tpu.memory_space<vmem_shared>> -> memref<10112x128xf32, #tpu.memory_space<vmem_shared>>
        tpu.enqueue_indirect_dma source(%arg15 : memref<128x128xf32, #tpu.memory_space<vmem>>) target(%dma_start3A_158 : memref<10112x128xf32, #tpu.memory_space<vmem_shared>>) offsets(%arg8 : memref<128xi32, #tpu.memory_space<vmem>>) semaphore(%run_scoped3A : memref<!tpu.dma_semaphore, #tpu.memory_space<semaphore_mem>>) {add = true}
        %dma_wait3A_159 = arith.constant 0 : i32
        %dma_wait3A_160 = arith.constant 0 : i32
        %dma_wait3A_161 = tpu.memref_slice %arg17[%dma_wait3A_159, %dma_wait3A_160] : memref<10112x128xf32, #tpu.memory_space<vmem_shared>> -> memref<10112x128xf32, #tpu.memory_space<vmem_shared>>
        tpu.wait_indirect_dma semaphore(%run_scoped3A : memref<!tpu.dma_semaphore, #tpu.memory_space<semaphore_mem>>) src(%arg15 : memref<128x128xf32, #tpu.memory_space<vmem>>) dst(%dma_wait3A_161 : memref<10112x128xf32, #tpu.memory_space<vmem_shared>>)
        tpu.yield
      }) : () -> ()
      %add3A_71 = arith.constant 512 : i32
      %add3A_72 = arith.addi %add3A_67, %add3A_71 : i32
      %dma_start3A_73 = tpu.memref_slice %arg3[%add3A_72] : memref<328704xi32, #tpu.memory_space<hbm>> -> memref<128xi32, #tpu.memory_space<hbm>>
      %dma_start3A_74 = tpu.memref_slice %arg3[%add3A_72] : memref<328704xi32, #tpu.memory_space<hbm>> -> memref<128xi32, #tpu.memory_space<hbm>>
      tpu.enqueue_dma source(%dma_start3A_74 : memref<128xi32, #tpu.memory_space<hbm>>) target(%arg7 : memref<128xi32, #tpu.memory_space<vmem>>) target_semaphore(%arg20 : memref<!tpu.dma_semaphore, #tpu.memory_space<semaphore_mem>>)
      %add3A_75 = arith.constant 512 : i32
      %add3A_76 = arith.addi %add3A_67, %add3A_75 : i32
      %dma_start3A_77 = tpu.memref_slice %arg4[%add3A_76] : memref<328704xi32, #tpu.memory_space<hbm>> -> memref<128xi32, #tpu.memory_space<hbm>>
      %dma_start3A_78 = tpu.memref_slice %arg4[%add3A_76] : memref<328704xi32, #tpu.memory_space<hbm>> -> memref<128xi32, #tpu.memory_space<hbm>>
      tpu.enqueue_dma source(%dma_start3A_78 : memref<128xi32, #tpu.memory_space<hbm>>) target(%arg8 : memref<128xi32, #tpu.memory_space<vmem>>) target_semaphore(%arg20 : memref<!tpu.dma_semaphore, #tpu.memory_space<semaphore_mem>>)
      %dma_wait3A_79 = arith.constant 0 : i32
      %dma_wait3A_80 = tpu.memref_slice %arg3[%dma_wait3A_79] : memref<328704xi32, #tpu.memory_space<hbm>> -> memref<128xi32, #tpu.memory_space<hbm>>
      %dma_wait3A_81 = arith.constant 0 : i32
      %dma_wait3A_82 = tpu.memref_slice %arg3[%dma_wait3A_81] : memref<328704xi32, #tpu.memory_space<hbm>> -> memref<128xi32, #tpu.memory_space<hbm>>
      tpu.wait_dma2 semaphore(%arg22 : memref<!tpu.dma_semaphore, #tpu.memory_space<semaphore_mem>>) src(%dma_wait3A_82 : memref<128xi32, #tpu.memory_space<hbm>>) dst(%arg11 : memref<128xi32, #tpu.memory_space<vmem>>)
      %dma_wait3A_83 = arith.constant 0 : i32
      %dma_wait3A_84 = tpu.memref_slice %arg4[%dma_wait3A_83] : memref<328704xi32, #tpu.memory_space<hbm>> -> memref<128xi32, #tpu.memory_space<hbm>>
      %dma_wait3A_85 = arith.constant 0 : i32
      %dma_wait3A_86 = tpu.memref_slice %arg4[%dma_wait3A_85] : memref<328704xi32, #tpu.memory_space<hbm>> -> memref<128xi32, #tpu.memory_space<hbm>>
      tpu.wait_dma2 semaphore(%arg22 : memref<!tpu.dma_semaphore, #tpu.memory_space<semaphore_mem>>) src(%dma_wait3A_86 : memref<128xi32, #tpu.memory_space<hbm>>) dst(%arg12 : memref<128xi32, #tpu.memory_space<vmem>>)
      %dma_start3A_87 = arith.constant 0 : i32
      %dma_start3A_88 = arith.constant 0 : i32
      %dma_start3A_89 = tpu.memref_slice %arg5[%dma_start3A_87, %dma_start3A_88] : memref<10112x128xf32, #tpu.memory_space<hbm>> -> memref<10112x128xf32, #tpu.memory_space<hbm>>
      tpu.enqueue_indirect_dma source(%dma_start3A_89 : memref<10112x128xf32, #tpu.memory_space<hbm>>) target(%arg15 : memref<128x128xf32, #tpu.memory_space<vmem>>) offsets(%arg11 : memref<128xi32, #tpu.memory_space<vmem>>) semaphore(%arg18 : memref<!tpu.dma_semaphore, #tpu.memory_space<semaphore_mem>>)
      %dma_wait3A_90 = arith.constant 0 : i32
      %dma_wait3A_91 = arith.constant 0 : i32
      %dma_wait3A_92 = tpu.memref_slice %arg5[%dma_wait3A_90, %dma_wait3A_91] : memref<10112x128xf32, #tpu.memory_space<hbm>> -> memref<10112x128xf32, #tpu.memory_space<hbm>>
      tpu.wait_indirect_dma semaphore(%arg19 : memref<!tpu.dma_semaphore, #tpu.memory_space<semaphore_mem>>) src(%dma_wait3A_92 : memref<10112x128xf32, #tpu.memory_space<hbm>>) dst(%arg16 : memref<128x128xf32, #tpu.memory_space<vmem>>)
      "tpu.region"() ({
        %run_scoped3A = tpu.sem_alloc : memref<!tpu.dma_semaphore, #tpu.memory_space<semaphore_mem>>
        %dma_start3A_156 = arith.constant 0 : i32
        %dma_start3A_157 = arith.constant 0 : i32
        %dma_start3A_158 = tpu.memref_slice %arg17[%dma_start3A_156, %dma_start3A_157] : memref<10112x128xf32, #tpu.memory_space<vmem_shared>> -> memref<10112x128xf32, #tpu.memory_space<vmem_shared>>
        tpu.enqueue_indirect_dma source(%arg16 : memref<128x128xf32, #tpu.memory_space<vmem>>) target(%dma_start3A_158 : memref<10112x128xf32, #tpu.memory_space<vmem_shared>>) offsets(%arg10 : memref<128xi32, #tpu.memory_space<vmem>>) semaphore(%run_scoped3A : memref<!tpu.dma_semaphore, #tpu.memory_space<semaphore_mem>>) {add = true}
        %dma_wait3A_159 = arith.constant 0 : i32
        %dma_wait3A_160 = arith.constant 0 : i32
        %dma_wait3A_161 = tpu.memref_slice %arg17[%dma_wait3A_159, %dma_wait3A_160] : memref<10112x128xf32, #tpu.memory_space<vmem_shared>> -> memref<10112x128xf32, #tpu.memory_space<vmem_shared>>
        tpu.wait_indirect_dma semaphore(%run_scoped3A : memref<!tpu.dma_semaphore, #tpu.memory_space<semaphore_mem>>) src(%arg16 : memref<128x128xf32, #tpu.memory_space<vmem>>) dst(%dma_wait3A_161 : memref<10112x128xf32, #tpu.memory_space<vmem_shared>>)
        tpu.yield
      }) : () -> ()
      %add3A_93 = arith.constant 640 : i32
      %add3A_94 = arith.addi %add3A_67, %add3A_93 : i32
      %dma_start3A_95 = tpu.memref_slice %arg3[%add3A_94] : memref<328704xi32, #tpu.memory_space<hbm>> -> memref<128xi32, #tpu.memory_space<hbm>>
      %dma_start3A_96 = tpu.memref_slice %arg3[%add3A_94] : memref<328704xi32, #tpu.memory_space<hbm>> -> memref<128xi32, #tpu.memory_space<hbm>>
      tpu.enqueue_dma source(%dma_start3A_96 : memref<128xi32, #tpu.memory_space<hbm>>) target(%arg9 : memref<128xi32, #tpu.memory_space<vmem>>) target_semaphore(%arg21 : memref<!tpu.dma_semaphore, #tpu.memory_space<semaphore_mem>>)
      %add3A_97 = arith.constant 640 : i32
      %add3A_98 = arith.addi %add3A_67, %add3A_97 : i32
      %dma_start3A_99 = tpu.memref_slice %arg4[%add3A_98] : memref<328704xi32, #tpu.memory_space<hbm>> -> memref<128xi32, #tpu.memory_space<hbm>>
      %dma_start3A_100 = tpu.memref_slice %arg4[%add3A_98] : memref<328704xi32, #tpu.memory_space<hbm>> -> memref<128xi32, #tpu.memory_space<hbm>>
      tpu.enqueue_dma source(%dma_start3A_100 : memref<128xi32, #tpu.memory_space<hbm>>) target(%arg10 : memref<128xi32, #tpu.memory_space<vmem>>) target_semaphore(%arg21 : memref<!tpu.dma_semaphore, #tpu.memory_space<semaphore_mem>>)
      %dma_wait3A_101 = arith.constant 0 : i32
      %dma_wait3A_102 = tpu.memref_slice %arg3[%dma_wait3A_101] : memref<328704xi32, #tpu.memory_space<hbm>> -> memref<128xi32, #tpu.memory_space<hbm>>
      %dma_wait3A_103 = arith.constant 0 : i32
      %dma_wait3A_104 = tpu.memref_slice %arg3[%dma_wait3A_103] : memref<328704xi32, #tpu.memory_space<hbm>> -> memref<128xi32, #tpu.memory_space<hbm>>
      tpu.wait_dma2 semaphore(%arg23 : memref<!tpu.dma_semaphore, #tpu.memory_space<semaphore_mem>>) src(%dma_wait3A_104 : memref<128xi32, #tpu.memory_space<hbm>>) dst(%arg13 : memref<128xi32, #tpu.memory_space<vmem>>)
      %dma_wait3A_105 = arith.constant 0 : i32
      %dma_wait3A_106 = tpu.memref_slice %arg4[%dma_wait3A_105] : memref<328704xi32, #tpu.memory_space<hbm>> -> memref<128xi32, #tpu.memory_space<hbm>>
      %dma_wait3A_107 = arith.constant 0 : i32
      %dma_wait3A_108 = tpu.memref_slice %arg4[%dma_wait3A_107] : memref<328704xi32, #tpu.memory_space<hbm>> -> memref<128xi32, #tpu.memory_space<hbm>>
      tpu.wait_dma2 semaphore(%arg23 : memref<!tpu.dma_semaphore, #tpu.memory_space<semaphore_mem>>) src(%dma_wait3A_108 : memref<128xi32, #tpu.memory_space<hbm>>) dst(%arg14 : memref<128xi32, #tpu.memory_space<vmem>>)
      %dma_start3A_109 = arith.constant 0 : i32
      %dma_start3A_110 = arith.constant 0 : i32
      %dma_start3A_111 = tpu.memref_slice %arg5[%dma_start3A_109, %dma_start3A_110] : memref<10112x128xf32, #tpu.memory_space<hbm>> -> memref<10112x128xf32, #tpu.memory_space<hbm>>
      tpu.enqueue_indirect_dma source(%dma_start3A_111 : memref<10112x128xf32, #tpu.memory_space<hbm>>) target(%arg16 : memref<128x128xf32, #tpu.memory_space<vmem>>) offsets(%arg13 : memref<128xi32, #tpu.memory_space<vmem>>) semaphore(%arg19 : memref<!tpu.dma_semaphore, #tpu.memory_space<semaphore_mem>>)
      %dma_wait3A_112 = arith.constant 0 : i32
      %dma_wait3A_113 = arith.constant 0 : i32
      %dma_wait3A_114 = tpu.memref_slice %arg5[%dma_wait3A_112, %dma_wait3A_113] : memref<10112x128xf32, #tpu.memory_space<hbm>> -> memref<10112x128xf32, #tpu.memory_space<hbm>>
      tpu.wait_indirect_dma semaphore(%arg18 : memref<!tpu.dma_semaphore, #tpu.memory_space<semaphore_mem>>) src(%dma_wait3A_114 : memref<10112x128xf32, #tpu.memory_space<hbm>>) dst(%arg15 : memref<128x128xf32, #tpu.memory_space<vmem>>)
      "tpu.region"() ({
        %run_scoped3A = tpu.sem_alloc : memref<!tpu.dma_semaphore, #tpu.memory_space<semaphore_mem>>
        %dma_start3A_156 = arith.constant 0 : i32
        %dma_start3A_157 = arith.constant 0 : i32
        %dma_start3A_158 = tpu.memref_slice %arg17[%dma_start3A_156, %dma_start3A_157] : memref<10112x128xf32, #tpu.memory_space<vmem_shared>> -> memref<10112x128xf32, #tpu.memory_space<vmem_shared>>
        tpu.enqueue_indirect_dma source(%arg15 : memref<128x128xf32, #tpu.memory_space<vmem>>) target(%dma_start3A_158 : memref<10112x128xf32, #tpu.memory_space<vmem_shared>>) offsets(%arg12 : memref<128xi32, #tpu.memory_space<vmem>>) semaphore(%run_scoped3A : memref<!tpu.dma_semaphore, #tpu.memory_space<semaphore_mem>>) {add = true}
        %dma_wait3A_159 = arith.constant 0 : i32
        %dma_wait3A_160 = arith.constant 0 : i32
        %dma_wait3A_161 = tpu.memref_slice %arg17[%dma_wait3A_159, %dma_wait3A_160] : memref<10112x128xf32, #tpu.memory_space<vmem_shared>> -> memref<10112x128xf32, #tpu.memory_space<vmem_shared>>
        tpu.wait_indirect_dma semaphore(%run_scoped3A : memref<!tpu.dma_semaphore, #tpu.memory_space<semaphore_mem>>) src(%arg15 : memref<128x128xf32, #tpu.memory_space<vmem>>) dst(%dma_wait3A_161 : memref<10112x128xf32, #tpu.memory_space<vmem_shared>>)
        tpu.yield
      }) : () -> ()
      %add3A_115 = arith.constant 768 : i32
      %add3A_116 = arith.addi %add3A_67, %add3A_115 : i32
      %dma_start3A_117 = tpu.memref_slice %arg3[%add3A_116] : memref<328704xi32, #tpu.memory_space<hbm>> -> memref<128xi32, #tpu.memory_space<hbm>>
      %dma_start3A_118 = tpu.memref_slice %arg3[%add3A_116] : memref<328704xi32, #tpu.memory_space<hbm>> -> memref<128xi32, #tpu.memory_space<hbm>>
      tpu.enqueue_dma source(%dma_start3A_118 : memref<128xi32, #tpu.memory_space<hbm>>) target(%arg11 : memref<128xi32, #tpu.memory_space<vmem>>) target_semaphore(%arg22 : memref<!tpu.dma_semaphore, #tpu.memory_space<semaphore_mem>>)
      %add3A_119 = arith.constant 768 : i32
      %add3A_120 = arith.addi %add3A_67, %add3A_119 : i32
      %dma_start3A_121 = tpu.memref_slice %arg4[%add3A_120] : memref<328704xi32, #tpu.memory_space<hbm>> -> memref<128xi32, #tpu.memory_space<hbm>>
      %dma_start3A_122 = tpu.memref_slice %arg4[%add3A_120] : memref<328704xi32, #tpu.memory_space<hbm>> -> memref<128xi32, #tpu.memory_space<hbm>>
      tpu.enqueue_dma source(%dma_start3A_122 : memref<128xi32, #tpu.memory_space<hbm>>) target(%arg12 : memref<128xi32, #tpu.memory_space<vmem>>) target_semaphore(%arg22 : memref<!tpu.dma_semaphore, #tpu.memory_space<semaphore_mem>>)
      %dma_wait3A_123 = arith.constant 0 : i32
      %dma_wait3A_124 = tpu.memref_slice %arg3[%dma_wait3A_123] : memref<328704xi32, #tpu.memory_space<hbm>> -> memref<128xi32, #tpu.memory_space<hbm>>
      %dma_wait3A_125 = arith.constant 0 : i32
      %dma_wait3A_126 = tpu.memref_slice %arg3[%dma_wait3A_125] : memref<328704xi32, #tpu.memory_space<hbm>> -> memref<128xi32, #tpu.memory_space<hbm>>
      tpu.wait_dma2 semaphore(%arg20 : memref<!tpu.dma_semaphore, #tpu.memory_space<semaphore_mem>>) src(%dma_wait3A_126 : memref<128xi32, #tpu.memory_space<hbm>>) dst(%arg7 : memref<128xi32, #tpu.memory_space<vmem>>)
      %dma_wait3A_127 = arith.constant 0 : i32
      %dma_wait3A_128 = tpu.memref_slice %arg4[%dma_wait3A_127] : memref<328704xi32, #tpu.memory_space<hbm>> -> memref<128xi32, #tpu.memory_space<hbm>>
      %dma_wait3A_129 = arith.constant 0 : i32
      %dma_wait3A_130 = tpu.memref_slice %arg4[%dma_wait3A_129] : memref<328704xi32, #tpu.memory_space<hbm>> -> memref<128xi32, #tpu.memory_space<hbm>>
      tpu.wait_dma2 semaphore(%arg20 : memref<!tpu.dma_semaphore, #tpu.memory_space<semaphore_mem>>) src(%dma_wait3A_130 : memref<128xi32, #tpu.memory_space<hbm>>) dst(%arg8 : memref<128xi32, #tpu.memory_space<vmem>>)
      %dma_start3A_131 = arith.constant 0 : i32
      %dma_start3A_132 = arith.constant 0 : i32
      %dma_start3A_133 = tpu.memref_slice %arg5[%dma_start3A_131, %dma_start3A_132] : memref<10112x128xf32, #tpu.memory_space<hbm>> -> memref<10112x128xf32, #tpu.memory_space<hbm>>
      tpu.enqueue_indirect_dma source(%dma_start3A_133 : memref<10112x128xf32, #tpu.memory_space<hbm>>) target(%arg15 : memref<128x128xf32, #tpu.memory_space<vmem>>) offsets(%arg7 : memref<128xi32, #tpu.memory_space<vmem>>) semaphore(%arg18 : memref<!tpu.dma_semaphore, #tpu.memory_space<semaphore_mem>>)
      %dma_wait3A_134 = arith.constant 0 : i32
      %dma_wait3A_135 = arith.constant 0 : i32
      %dma_wait3A_136 = tpu.memref_slice %arg5[%dma_wait3A_134, %dma_wait3A_135] : memref<10112x128xf32, #tpu.memory_space<hbm>> -> memref<10112x128xf32, #tpu.memory_space<hbm>>
      tpu.wait_indirect_dma semaphore(%arg19 : memref<!tpu.dma_semaphore, #tpu.memory_space<semaphore_mem>>) src(%dma_wait3A_136 : memref<10112x128xf32, #tpu.memory_space<hbm>>) dst(%arg16 : memref<128x128xf32, #tpu.memory_space<vmem>>)
      "tpu.region"() ({
        %run_scoped3A = tpu.sem_alloc : memref<!tpu.dma_semaphore, #tpu.memory_space<semaphore_mem>>
        %dma_start3A_156 = arith.constant 0 : i32
        %dma_start3A_157 = arith.constant 0 : i32
        %dma_start3A_158 = tpu.memref_slice %arg17[%dma_start3A_156, %dma_start3A_157] : memref<10112x128xf32, #tpu.memory_space<vmem_shared>> -> memref<10112x128xf32, #tpu.memory_space<vmem_shared>>
        tpu.enqueue_indirect_dma source(%arg16 : memref<128x128xf32, #tpu.memory_space<vmem>>) target(%dma_start3A_158 : memref<10112x128xf32, #tpu.memory_space<vmem_shared>>) offsets(%arg14 : memref<128xi32, #tpu.memory_space<vmem>>) semaphore(%run_scoped3A : memref<!tpu.dma_semaphore, #tpu.memory_space<semaphore_mem>>) {add = true}
        %dma_wait3A_159 = arith.constant 0 : i32
        %dma_wait3A_160 = arith.constant 0 : i32
        %dma_wait3A_161 = tpu.memref_slice %arg17[%dma_wait3A_159, %dma_wait3A_160] : memref<10112x128xf32, #tpu.memory_space<vmem_shared>> -> memref<10112x128xf32, #tpu.memory_space<vmem_shared>>
        tpu.wait_indirect_dma semaphore(%run_scoped3A : memref<!tpu.dma_semaphore, #tpu.memory_space<semaphore_mem>>) src(%arg16 : memref<128x128xf32, #tpu.memory_space<vmem>>) dst(%dma_wait3A_161 : memref<10112x128xf32, #tpu.memory_space<vmem_shared>>)
        tpu.yield
      }) : () -> ()
      %add3A_137 = arith.constant 896 : i32
      %add3A_138 = arith.addi %add3A_67, %add3A_137 : i32
      %dma_start3A_139 = tpu.memref_slice %arg3[%add3A_138] : memref<328704xi32, #tpu.memory_space<hbm>> -> memref<128xi32, #tpu.memory_space<hbm>>
      %dma_start3A_140 = tpu.memref_slice %arg3[%add3A_138] : memref<328704xi32, #tpu.memory_space<hbm>> -> memref<128xi32, #tpu.memory_space<hbm>>
      tpu.enqueue_dma source(%dma_start3A_140 : memref<128xi32, #tpu.memory_space<hbm>>) target(%arg13 : memref<128xi32, #tpu.memory_space<vmem>>) target_semaphore(%arg23 : memref<!tpu.dma_semaphore, #tpu.memory_space<semaphore_mem>>)
      %add3A_141 = arith.constant 896 : i32
      %add3A_142 = arith.addi %add3A_67, %add3A_141 : i32
      %dma_start3A_143 = tpu.memref_slice %arg4[%add3A_142] : memref<328704xi32, #tpu.memory_space<hbm>> -> memref<128xi32, #tpu.memory_space<hbm>>
      %dma_start3A_144 = tpu.memref_slice %arg4[%add3A_142] : memref<328704xi32, #tpu.memory_space<hbm>> -> memref<128xi32, #tpu.memory_space<hbm>>
      tpu.enqueue_dma source(%dma_start3A_144 : memref<128xi32, #tpu.memory_space<hbm>>) target(%arg14 : memref<128xi32, #tpu.memory_space<vmem>>) target_semaphore(%arg23 : memref<!tpu.dma_semaphore, #tpu.memory_space<semaphore_mem>>)
      %dma_wait3A_145 = arith.constant 0 : i32
      %dma_wait3A_146 = tpu.memref_slice %arg3[%dma_wait3A_145] : memref<328704xi32, #tpu.memory_space<hbm>> -> memref<128xi32, #tpu.memory_space<hbm>>
      %dma_wait3A_147 = arith.constant 0 : i32
      %dma_wait3A_148 = tpu.memref_slice %arg3[%dma_wait3A_147] : memref<328704xi32, #tpu.memory_space<hbm>> -> memref<128xi32, #tpu.memory_space<hbm>>
      tpu.wait_dma2 semaphore(%arg21 : memref<!tpu.dma_semaphore, #tpu.memory_space<semaphore_mem>>) src(%dma_wait3A_148 : memref<128xi32, #tpu.memory_space<hbm>>) dst(%arg9 : memref<128xi32, #tpu.memory_space<vmem>>)
      %dma_wait3A_149 = arith.constant 0 : i32
      %dma_wait3A_150 = tpu.memref_slice %arg4[%dma_wait3A_149] : memref<328704xi32, #tpu.memory_space<hbm>> -> memref<128xi32, #tpu.memory_space<hbm>>
      %dma_wait3A_151 = arith.constant 0 : i32
      %dma_wait3A_152 = tpu.memref_slice %arg4[%dma_wait3A_151] : memref<328704xi32, #tpu.memory_space<hbm>> -> memref<128xi32, #tpu.memory_space<hbm>>
      tpu.wait_dma2 semaphore(%arg21 : memref<!tpu.dma_semaphore, #tpu.memory_space<semaphore_mem>>) src(%dma_wait3A_152 : memref<128xi32, #tpu.memory_space<hbm>>) dst(%arg10 : memref<128xi32, #tpu.memory_space<vmem>>)
      %dma_start3A_153 = arith.constant 0 : i32
      %dma_start3A_154 = arith.constant 0 : i32
      %dma_start3A_155 = tpu.memref_slice %arg5[%dma_start3A_153, %dma_start3A_154] : memref<10112x128xf32, #tpu.memory_space<hbm>> -> memref<10112x128xf32, #tpu.memory_space<hbm>>
      tpu.enqueue_indirect_dma source(%dma_start3A_155 : memref<10112x128xf32, #tpu.memory_space<hbm>>) target(%arg16 : memref<128x128xf32, #tpu.memory_space<vmem>>) offsets(%arg9 : memref<128xi32, #tpu.memory_space<vmem>>) semaphore(%arg19 : memref<!tpu.dma_semaphore, #tpu.memory_space<semaphore_mem>>)
    }
    %scan3A_35 = arith.constant 20 : i32
    %dma_wait3A = arith.constant 0 : i32
    %dma_wait3A_36 = arith.constant 0 : i32
    %dma_wait3A_37 = tpu.memref_slice %arg5[%dma_wait3A, %dma_wait3A_36] : memref<10112x128xf32, #tpu.memory_space<hbm>> -> memref<10112x128xf32, #tpu.memory_space<hbm>>
    tpu.wait_indirect_dma semaphore(%arg18 : memref<!tpu.dma_semaphore, #tpu.memory_space<semaphore_mem>>) src(%dma_wait3A_37 : memref<10112x128xf32, #tpu.memory_space<hbm>>) dst(%arg15 : memref<128x128xf32, #tpu.memory_space<vmem>>)
    %dma_wait3A_38 = arith.constant 0 : i32
    %dma_wait3A_39 = arith.constant 0 : i32
    %dma_wait3A_40 = tpu.memref_slice %arg5[%dma_wait3A_38, %dma_wait3A_39] : memref<10112x128xf32, #tpu.memory_space<hbm>> -> memref<10112x128xf32, #tpu.memory_space<hbm>>
    tpu.wait_indirect_dma semaphore(%arg19 : memref<!tpu.dma_semaphore, #tpu.memory_space<semaphore_mem>>) src(%dma_wait3A_40 : memref<10112x128xf32, #tpu.memory_space<hbm>>) dst(%arg16 : memref<128x128xf32, #tpu.memory_space<vmem>>)
    %dma_wait3A_41 = arith.constant 0 : i32
    %dma_wait3A_42 = tpu.memref_slice %arg3[%dma_wait3A_41] : memref<328704xi32, #tpu.memory_space<hbm>> -> memref<128xi32, #tpu.memory_space<hbm>>
    %dma_wait3A_43 = arith.constant 0 : i32
    %dma_wait3A_44 = tpu.memref_slice %arg3[%dma_wait3A_43] : memref<328704xi32, #tpu.memory_space<hbm>> -> memref<128xi32, #tpu.memory_space<hbm>>
    tpu.wait_dma2 semaphore(%arg22 : memref<!tpu.dma_semaphore, #tpu.memory_space<semaphore_mem>>) src(%dma_wait3A_44 : memref<128xi32, #tpu.memory_space<hbm>>) dst(%arg11 : memref<128xi32, #tpu.memory_space<vmem>>)
    %dma_wait3A_45 = arith.constant 0 : i32
    %dma_wait3A_46 = tpu.memref_slice %arg4[%dma_wait3A_45] : memref<328704xi32, #tpu.memory_space<hbm>> -> memref<128xi32, #tpu.memory_space<hbm>>
    %dma_wait3A_47 = arith.constant 0 : i32
    %dma_wait3A_48 = tpu.memref_slice %arg4[%dma_wait3A_47] : memref<328704xi32, #tpu.memory_space<hbm>> -> memref<128xi32, #tpu.memory_space<hbm>>
    tpu.wait_dma2 semaphore(%arg22 : memref<!tpu.dma_semaphore, #tpu.memory_space<semaphore_mem>>) src(%dma_wait3A_48 : memref<128xi32, #tpu.memory_space<hbm>>) dst(%arg12 : memref<128xi32, #tpu.memory_space<vmem>>)
    %dma_wait3A_49 = arith.constant 0 : i32
    %dma_wait3A_50 = tpu.memref_slice %arg3[%dma_wait3A_49] : memref<328704xi32, #tpu.memory_space<hbm>> -> memref<128xi32, #tpu.memory_space<hbm>>
    %dma_wait3A_51 = arith.constant 0 : i32
    %dma_wait3A_52 = tpu.memref_slice %arg3[%dma_wait3A_51] : memref<328704xi32, #tpu.memory_space<hbm>> -> memref<128xi32, #tpu.memory_space<hbm>>
    tpu.wait_dma2 semaphore(%arg23 : memref<!tpu.dma_semaphore, #tpu.memory_space<semaphore_mem>>) src(%dma_wait3A_52 : memref<128xi32, #tpu.memory_space<hbm>>) dst(%arg13 : memref<128xi32, #tpu.memory_space<vmem>>)
    %dma_wait3A_53 = arith.constant 0 : i32
    %dma_wait3A_54 = tpu.memref_slice %arg4[%dma_wait3A_53] : memref<328704xi32, #tpu.memory_space<hbm>> -> memref<128xi32, #tpu.memory_space<hbm>>
    %dma_wait3A_55 = arith.constant 0 : i32
    %dma_wait3A_56 = tpu.memref_slice %arg4[%dma_wait3A_55] : memref<328704xi32, #tpu.memory_space<hbm>> -> memref<128xi32, #tpu.memory_space<hbm>>
    tpu.wait_dma2 semaphore(%arg23 : memref<!tpu.dma_semaphore, #tpu.memory_space<semaphore_mem>>) src(%dma_wait3A_56 : memref<128xi32, #tpu.memory_space<hbm>>) dst(%arg14 : memref<128xi32, #tpu.memory_space<vmem>>)
    %barrier3A_57 = arith.constant 0 : index
    tpu.barrier barrier_id(%barrier3A_57)
    "tpu.region"() ({
      %run_scoped3A = tpu.sem_alloc : memref<!tpu.dma_semaphore, #tpu.memory_space<semaphore_mem>>
      %dma_start3A_58 = arith.constant 0 : i32
      %dma_start3A_59 = tpu.memref_slice %arg6[%arg0, %mul3A_2, %dma_start3A_58] : memref<2x10112x128xf32, #tpu.memory_space<hbm>> -> memref<1x632x128xf32, #tpu.memory_space<hbm>>
      %dma_start3A_60 = tpu.memref_squeeze %dma_start3A_59 : memref<1x632x128xf32, #tpu.memory_space<hbm>> -> memref<632x128xf32, #tpu.memory_space<hbm>>
      %dma_start3A_61 = arith.constant 0 : i32
      %dma_start3A_62 = tpu.memref_slice %arg17[%mul3A_2, %dma_start3A_61] : memref<10112x128xf32, #tpu.memory_space<vmem_shared>> -> memref<632x128xf32, #tpu.memory_space<vmem_shared>>
      tpu.enqueue_dma source(%dma_start3A_62 : memref<632x128xf32, #tpu.memory_space<vmem_shared>>) target(%dma_start3A_60 : memref<632x128xf32, #tpu.memory_space<hbm>>) target_semaphore(%run_scoped3A : memref<!tpu.dma_semaphore, #tpu.memory_space<semaphore_mem>>)
      %dma_wait3A_63 = arith.constant 0 : i32
      %dma_wait3A_64 = tpu.memref_slice %arg6[%arg0, %mul3A_2, %dma_wait3A_63] : memref<2x10112x128xf32, #tpu.memory_space<hbm>> -> memref<1x632x128xf32, #tpu.memory_space<hbm>>
      %dma_wait3A_65 = tpu.memref_squeeze %dma_wait3A_64 : memref<1x632x128xf32, #tpu.memory_space<hbm>> -> memref<632x128xf32, #tpu.memory_space<hbm>>
      %dma_wait3A_66 = arith.constant 0 : i32
      %dma_wait3A_67 = tpu.memref_slice %arg17[%mul3A_2, %dma_wait3A_66] : memref<10112x128xf32, #tpu.memory_space<vmem_shared>> -> memref<632x128xf32, #tpu.memory_space<vmem_shared>>
      tpu.wait_dma2 semaphore(%run_scoped3A : memref<!tpu.dma_semaphore, #tpu.memory_space<semaphore_mem>>) src(%dma_wait3A_67 : memref<632x128xf32, #tpu.memory_space<vmem_shared>>) dst(%dma_wait3A_65 : memref<632x128xf32, #tpu.memory_space<hbm>>)
      tpu.yield
    }) : () -> ()
    return
  }
}

#map = affine_map<(d0, d1) -> (0, 0)>
#map1 = affine_map<(d0, d1) -> (0)>
#map2 = affine_map<(d0, d1) -> (0, 0, 0)>
module attributes {stable_mosaic.version = 14 : i64} {
  func.func @_prop_body(%arg0: i32, %arg1: i32, %arg2: memref<10112x128xf32, #tpu.memory_space<hbm>>, %arg3: memref<328704xi32, #tpu.memory_space<hbm>>, %arg4: memref<328704xi32, #tpu.memory_space<hbm>>, %arg5: memref<10112x128xf32, #tpu.memory_space<hbm>>, %arg6: memref<2x10112x128xf32, #tpu.memory_space<hbm>>, %arg7: memref<128xi32, #tpu.memory_space<vmem>>, %arg8: memref<128xi32, #tpu.memory_space<vmem>>, %arg9: memref<128xi32, #tpu.memory_space<vmem>>, %arg10: memref<128xi32, #tpu.memory_space<vmem>>, %arg11: memref<128xi32, #tpu.memory_space<vmem>>, %arg12: memref<128xi32, #tpu.memory_space<vmem>>, %arg13: memref<128xi32, #tpu.memory_space<vmem>>, %arg14: memref<128xi32, #tpu.memory_space<vmem>>, %arg15: memref<128x128xf32, #tpu.memory_space<vmem>>, %arg16: memref<128x128xf32, #tpu.memory_space<vmem>>, %arg17: memref<10112x128xf32, #tpu.memory_space<vmem_shared>>, %arg18: memref<!tpu.dma_semaphore, #tpu.memory_space<semaphore_mem>>, %arg19: memref<!tpu.dma_semaphore, #tpu.memory_space<semaphore_mem>>, %arg20: memref<!tpu.dma_semaphore, #tpu.memory_space<semaphore_mem>>, %arg21: memref<!tpu.dma_semaphore, #tpu.memory_space<semaphore_mem>>, %arg22: memref<!tpu.dma_semaphore, #tpu.memory_space<semaphore_mem>>, %arg23: memref<!tpu.dma_semaphore, #tpu.memory_space<semaphore_mem>>) attributes {dimension_semantics = [#tpu.dimension_semantics<core_parallel>, #tpu.dimension_semantics<subcore_parallel>], iteration_bounds = array<i64: 2, 16>, scalar_prefetch = 0 : i64, scratch_operands = 17 : i64, tpu.core_type = #tpu.core_type<sc_vector_subcore>, window_params = [{transform_indices = #map}, {transform_indices = #map1}, {transform_indices = #map1}, {transform_indices = #map}, {transform_indices = #map2}]} {
    %mul3A = arith.constant 2 : i32
    %mul3A_0 = arith.muli %arg1, %mul3A : i32
    %add3A = arith.addi %mul3A_0, %arg0 : i32
    %mul3A_1 = arith.constant 632 : i32
    %mul3A_2 = arith.muli %arg1, %mul3A_1 : i32
    "tpu.region"() ({
      %run_scoped3A = tpu.sem_alloc : memref<!tpu.dma_semaphore, #tpu.memory_space<semaphore_mem>>
      %dma_start3A_58 = arith.constant 0 : i32
      %dma_start3A_59 = tpu.memref_slice %arg17[%mul3A_2, %dma_start3A_58] : memref<10112x128xf32, #tpu.memory_space<vmem_shared>> -> memref<632x128xf32, #tpu.memory_space<vmem_shared>>
      %dma_start3A_60 = arith.constant 0 : i32
      %dma_start3A_61 = tpu.memref_slice %arg2[%mul3A_2, %dma_start3A_60] : memref<10112x128xf32, #tpu.memory_space<hbm>> -> memref<632x128xf32, #tpu.memory_space<hbm>>
      tpu.enqueue_dma source(%dma_start3A_61 : memref<632x128xf32, #tpu.memory_space<hbm>>) target(%dma_start3A_59 : memref<632x128xf32, #tpu.memory_space<vmem_shared>>) target_semaphore(%run_scoped3A : memref<!tpu.dma_semaphore, #tpu.memory_space<semaphore_mem>>)
      %dma_wait3A_62 = arith.constant 0 : i32
      %dma_wait3A_63 = tpu.memref_slice %arg17[%mul3A_2, %dma_wait3A_62] : memref<10112x128xf32, #tpu.memory_space<vmem_shared>> -> memref<632x128xf32, #tpu.memory_space<vmem_shared>>
      %dma_wait3A_64 = arith.constant 0 : i32
      %dma_wait3A_65 = tpu.memref_slice %arg2[%mul3A_2, %dma_wait3A_64] : memref<10112x128xf32, #tpu.memory_space<hbm>> -> memref<632x128xf32, #tpu.memory_space<hbm>>
      tpu.wait_dma2 semaphore(%run_scoped3A : memref<!tpu.dma_semaphore, #tpu.memory_space<semaphore_mem>>) src(%dma_wait3A_65 : memref<632x128xf32, #tpu.memory_space<hbm>>) dst(%dma_wait3A_63 : memref<632x128xf32, #tpu.memory_space<vmem_shared>>)
      tpu.yield
    }) : () -> ()
    %mul3A_3 = arith.constant 80 : i32
    %mul3A_4 = arith.muli %add3A, %mul3A_3 : i32
    %mul3A_5 = arith.constant 128 : i32
    %mul3A_6 = arith.muli %mul3A_4, %mul3A_5 : i32
    "tpu.region"() ({
      %run_scoped3A = tpu.sem_alloc : memref<!tpu.dma_semaphore, #tpu.memory_space<semaphore_mem>>
      %dma_start3A_58 = tpu.memref_slice %arg3[%mul3A_6] : memref<328704xi32, #tpu.memory_space<hbm>> -> memref<128xi32, #tpu.memory_space<hbm>>
      %dma_start3A_59 = tpu.memref_slice %arg3[%mul3A_6] : memref<328704xi32, #tpu.memory_space<hbm>> -> memref<128xi32, #tpu.memory_space<hbm>>
      tpu.enqueue_dma source(%dma_start3A_59 : memref<128xi32, #tpu.memory_space<hbm>>) target(%arg7 : memref<128xi32, #tpu.memory_space<vmem>>) target_semaphore(%run_scoped3A : memref<!tpu.dma_semaphore, #tpu.memory_space<semaphore_mem>>)
      %dma_wait3A_60 = tpu.memref_slice %arg3[%mul3A_6] : memref<328704xi32, #tpu.memory_space<hbm>> -> memref<128xi32, #tpu.memory_space<hbm>>
      %dma_wait3A_61 = tpu.memref_slice %arg3[%mul3A_6] : memref<328704xi32, #tpu.memory_space<hbm>> -> memref<128xi32, #tpu.memory_space<hbm>>
      tpu.wait_dma2 semaphore(%run_scoped3A : memref<!tpu.dma_semaphore, #tpu.memory_space<semaphore_mem>>) src(%dma_wait3A_61 : memref<128xi32, #tpu.memory_space<hbm>>) dst(%arg7 : memref<128xi32, #tpu.memory_space<vmem>>)
      tpu.yield
    }) : () -> ()
    "tpu.region"() ({
      %run_scoped3A = tpu.sem_alloc : memref<!tpu.dma_semaphore, #tpu.memory_space<semaphore_mem>>
      %dma_start3A_58 = tpu.memref_slice %arg4[%mul3A_6] : memref<328704xi32, #tpu.memory_space<hbm>> -> memref<128xi32, #tpu.memory_space<hbm>>
      %dma_start3A_59 = tpu.memref_slice %arg4[%mul3A_6] : memref<328704xi32, #tpu.memory_space<hbm>> -> memref<128xi32, #tpu.memory_space<hbm>>
      tpu.enqueue_dma source(%dma_start3A_59 : memref<128xi32, #tpu.memory_space<hbm>>) target(%arg8 : memref<128xi32, #tpu.memory_space<vmem>>) target_semaphore(%run_scoped3A : memref<!tpu.dma_semaphore, #tpu.memory_space<semaphore_mem>>)
      %dma_wait3A_60 = tpu.memref_slice %arg4[%mul3A_6] : memref<328704xi32, #tpu.memory_space<hbm>> -> memref<128xi32, #tpu.memory_space<hbm>>
      %dma_wait3A_61 = tpu.memref_slice %arg4[%mul3A_6] : memref<328704xi32, #tpu.memory_space<hbm>> -> memref<128xi32, #tpu.memory_space<hbm>>
      tpu.wait_dma2 semaphore(%run_scoped3A : memref<!tpu.dma_semaphore, #tpu.memory_space<semaphore_mem>>) src(%dma_wait3A_61 : memref<128xi32, #tpu.memory_space<hbm>>) dst(%arg8 : memref<128xi32, #tpu.memory_space<vmem>>)
      tpu.yield
    }) : () -> ()
    %add3A_7 = arith.constant 128 : i32
    %add3A_8 = arith.addi %mul3A_6, %add3A_7 : i32
    "tpu.region"() ({
      %run_scoped3A = tpu.sem_alloc : memref<!tpu.dma_semaphore, #tpu.memory_space<semaphore_mem>>
      %dma_start3A_58 = tpu.memref_slice %arg3[%add3A_8] : memref<328704xi32, #tpu.memory_space<hbm>> -> memref<128xi32, #tpu.memory_space<hbm>>
      %dma_start3A_59 = tpu.memref_slice %arg3[%add3A_8] : memref<328704xi32, #tpu.memory_space<hbm>> -> memref<128xi32, #tpu.memory_space<hbm>>
      tpu.enqueue_dma source(%dma_start3A_59 : memref<128xi32, #tpu.memory_space<hbm>>) target(%arg9 : memref<128xi32, #tpu.memory_space<vmem>>) target_semaphore(%run_scoped3A : memref<!tpu.dma_semaphore, #tpu.memory_space<semaphore_mem>>)
      %dma_wait3A_60 = tpu.memref_slice %arg3[%add3A_8] : memref<328704xi32, #tpu.memory_space<hbm>> -> memref<128xi32, #tpu.memory_space<hbm>>
      %dma_wait3A_61 = tpu.memref_slice %arg3[%add3A_8] : memref<328704xi32, #tpu.memory_space<hbm>> -> memref<128xi32, #tpu.memory_space<hbm>>
      tpu.wait_dma2 semaphore(%run_scoped3A : memref<!tpu.dma_semaphore, #tpu.memory_space<semaphore_mem>>) src(%dma_wait3A_61 : memref<128xi32, #tpu.memory_space<hbm>>) dst(%arg9 : memref<128xi32, #tpu.memory_space<vmem>>)
      tpu.yield
    }) : () -> ()
    %add3A_9 = arith.constant 128 : i32
    %add3A_10 = arith.addi %mul3A_6, %add3A_9 : i32
    "tpu.region"() ({
      %run_scoped3A = tpu.sem_alloc : memref<!tpu.dma_semaphore, #tpu.memory_space<semaphore_mem>>
      %dma_start3A_58 = tpu.memref_slice %arg4[%add3A_10] : memref<328704xi32, #tpu.memory_space<hbm>> -> memref<128xi32, #tpu.memory_space<hbm>>
      %dma_start3A_59 = tpu.memref_slice %arg4[%add3A_10] : memref<328704xi32, #tpu.memory_space<hbm>> -> memref<128xi32, #tpu.memory_space<hbm>>
      tpu.enqueue_dma source(%dma_start3A_59 : memref<128xi32, #tpu.memory_space<hbm>>) target(%arg10 : memref<128xi32, #tpu.memory_space<vmem>>) target_semaphore(%run_scoped3A : memref<!tpu.dma_semaphore, #tpu.memory_space<semaphore_mem>>)
      %dma_wait3A_60 = tpu.memref_slice %arg4[%add3A_10] : memref<328704xi32, #tpu.memory_space<hbm>> -> memref<128xi32, #tpu.memory_space<hbm>>
      %dma_wait3A_61 = tpu.memref_slice %arg4[%add3A_10] : memref<328704xi32, #tpu.memory_space<hbm>> -> memref<128xi32, #tpu.memory_space<hbm>>
      tpu.wait_dma2 semaphore(%run_scoped3A : memref<!tpu.dma_semaphore, #tpu.memory_space<semaphore_mem>>) src(%dma_wait3A_61 : memref<128xi32, #tpu.memory_space<hbm>>) dst(%arg10 : memref<128xi32, #tpu.memory_space<vmem>>)
      tpu.yield
    }) : () -> ()
    %add3A_11 = arith.constant 256 : i32
    %add3A_12 = arith.addi %mul3A_6, %add3A_11 : i32
    %dma_start3A = tpu.memref_slice %arg3[%add3A_12] : memref<328704xi32, #tpu.memory_space<hbm>> -> memref<128xi32, #tpu.memory_space<hbm>>
    %dma_start3A_13 = tpu.memref_slice %arg3[%add3A_12] : memref<328704xi32, #tpu.memory_space<hbm>> -> memref<128xi32, #tpu.memory_space<hbm>>
    tpu.enqueue_dma source(%dma_start3A_13 : memref<128xi32, #tpu.memory_space<hbm>>) target(%arg11 : memref<128xi32, #tpu.memory_space<vmem>>) target_semaphore(%arg22 : memref<!tpu.dma_semaphore, #tpu.memory_space<semaphore_mem>>)
    %add3A_14 = arith.constant 256 : i32
    %add3A_15 = arith.addi %mul3A_6, %add3A_14 : i32
    %dma_start3A_16 = tpu.memref_slice %arg4[%add3A_15] : memref<328704xi32, #tpu.memory_space<hbm>> -> memref<128xi32, #tpu.memory_space<hbm>>
    %dma_start3A_17 = tpu.memref_slice %arg4[%add3A_15] : memref<328704xi32, #tpu.memory_space<hbm>> -> memref<128xi32, #tpu.memory_space<hbm>>
    tpu.enqueue_dma source(%dma_start3A_17 : memref<128xi32, #tpu.memory_space<hbm>>) target(%arg12 : memref<128xi32, #tpu.memory_space<vmem>>) target_semaphore(%arg22 : memref<!tpu.dma_semaphore, #tpu.memory_space<semaphore_mem>>)
    %add3A_18 = arith.constant 384 : i32
    %add3A_19 = arith.addi %mul3A_6, %add3A_18 : i32
    %dma_start3A_20 = tpu.memref_slice %arg3[%add3A_19] : memref<328704xi32, #tpu.memory_space<hbm>> -> memref<128xi32, #tpu.memory_space<hbm>>
    %dma_start3A_21 = tpu.memref_slice %arg3[%add3A_19] : memref<328704xi32, #tpu.memory_space<hbm>> -> memref<128xi32, #tpu.memory_space<hbm>>
    tpu.enqueue_dma source(%dma_start3A_21 : memref<128xi32, #tpu.memory_space<hbm>>) target(%arg13 : memref<128xi32, #tpu.memory_space<vmem>>) target_semaphore(%arg23 : memref<!tpu.dma_semaphore, #tpu.memory_space<semaphore_mem>>)
    %add3A_22 = arith.constant 384 : i32
    %add3A_23 = arith.addi %mul3A_6, %add3A_22 : i32
    %dma_start3A_24 = tpu.memref_slice %arg4[%add3A_23] : memref<328704xi32, #tpu.memory_space<hbm>> -> memref<128xi32, #tpu.memory_space<hbm>>
    %dma_start3A_25 = tpu.memref_slice %arg4[%add3A_23] : memref<328704xi32, #tpu.memory_space<hbm>> -> memref<128xi32, #tpu.memory_space<hbm>>
    tpu.enqueue_dma source(%dma_start3A_25 : memref<128xi32, #tpu.memory_space<hbm>>) target(%arg14 : memref<128xi32, #tpu.memory_space<vmem>>) target_semaphore(%arg23 : memref<!tpu.dma_semaphore, #tpu.memory_space<semaphore_mem>>)
    %barrier3A = arith.constant 0 : index
    tpu.barrier barrier_id(%barrier3A)
    %dma_start3A_26 = arith.constant 0 : i32
    %dma_start3A_27 = arith.constant 0 : i32
    %dma_start3A_28 = tpu.memref_slice %arg5[%dma_start3A_26, %dma_start3A_27] : memref<10112x128xf32, #tpu.memory_space<hbm>> -> memref<10112x128xf32, #tpu.memory_space<hbm>>
    tpu.enqueue_indirect_dma source(%dma_start3A_28 : memref<10112x128xf32, #tpu.memory_space<hbm>>) target(%arg15 : memref<128x128xf32, #tpu.memory_space<vmem>>) offsets(%arg7 : memref<128xi32, #tpu.memory_space<vmem>>) semaphore(%arg18 : memref<!tpu.dma_semaphore, #tpu.memory_space<semaphore_mem>>)
    %dma_start3A_29 = arith.constant 0 : i32
    %dma_start3A_30 = arith.constant 0 : i32
    %dma_start3A_31 = tpu.memref_slice %arg5[%dma_start3A_29, %dma_start3A_30] : memref<10112x128xf32, #tpu.memory_space<hbm>> -> memref<10112x128xf32, #tpu.memory_space<hbm>>
    tpu.enqueue_indirect_dma source(%dma_start3A_31 : memref<10112x128xf32, #tpu.memory_space<hbm>>) target(%arg16 : memref<128x128xf32, #tpu.memory_space<vmem>>) offsets(%arg9 : memref<128xi32, #tpu.memory_space<vmem>>) semaphore(%arg19 : memref<!tpu.dma_semaphore, #tpu.memory_space<semaphore_mem>>)
    %scan3A = arith.constant 0 : i32
    %scan3A_32 = arith.constant 20 : i32
    %scan3A_33 = arith.addi %scan3A, %scan3A_32 : i32
    %scan3A_34 = arith.constant 1 : i32
    scf.for %scan3A_58 = %scan3A to %scan3A_33 step %scan3A_34  : i32 {
      %mul3A_59 = arith.constant 1 : i32
      %mul3A_60 = arith.muli %scan3A_58, %mul3A_59 : i32
      %add3A_61 = arith.constant 0 : i32
      %add3A_62 = arith.addi %add3A_61, %mul3A_60 : i32
      %mul3A_63 = arith.constant 4 : i32
      %mul3A_64 = arith.muli %mul3A_63, %add3A_62 : i32
      %mul3A_65 = arith.constant 128 : i32
      %mul3A_66 = arith.muli %mul3A_64, %mul3A_65 : i32
      %add3A_67 = arith.addi %mul3A_6, %mul3A_66 : i32
      %dma_wait3A_68 = arith.constant 0 : i32
      %dma_wait3A_69 = arith.constant 0 : i32
      %dma_wait3A_70 = tpu.memref_slice %arg5[%dma_wait3A_68, %dma_wait3A_69] : memref<10112x128xf32, #tpu.memory_space<hbm>> -> memref<10112x128xf32, #tpu.memory_space<hbm>>
      tpu.wait_indirect_dma semaphore(%arg18 : memref<!tpu.dma_semaphore, #tpu.memory_space<semaphore_mem>>) src(%dma_wait3A_70 : memref<10112x128xf32, #tpu.memory_space<hbm>>) dst(%arg15 : memref<128x128xf32, #tpu.memory_space<vmem>>)
      "tpu.region"() ({
        %run_scoped3A = tpu.sem_alloc : memref<!tpu.dma_semaphore, #tpu.memory_space<semaphore_mem>>
        %dma_start3A_156 = arith.constant 0 : i32
        %dma_start3A_157 = arith.constant 0 : i32
        %dma_start3A_158 = tpu.memref_slice %arg17[%dma_start3A_156, %dma_start3A_157] : memref<10112x128xf32, #tpu.memory_space<vmem_shared>> -> memref<10112x128xf32, #tpu.memory_space<vmem_shared>>
        tpu.enqueue_indirect_dma source(%arg15 : memref<128x128xf32, #tpu.memory_space<vmem>>) target(%dma_start3A_158 : memref<10112x128xf32, #tpu.memory_space<vmem_shared>>) offsets(%arg8 : memref<128xi32, #tpu.memory_space<vmem>>) semaphore(%run_scoped3A : memref<!tpu.dma_semaphore, #tpu.memory_space<semaphore_mem>>) {add = true}
        %dma_wait3A_159 = arith.constant 0 : i32
        %dma_wait3A_160 = arith.constant 0 : i32
        %dma_wait3A_161 = tpu.memref_slice %arg17[%dma_wait3A_159, %dma_wait3A_160] : memref<10112x128xf32, #tpu.memory_space<vmem_shared>> -> memref<10112x128xf32, #tpu.memory_space<vmem_shared>>
        tpu.wait_indirect_dma semaphore(%run_scoped3A : memref<!tpu.dma_semaphore, #tpu.memory_space<semaphore_mem>>) src(%arg15 : memref<128x128xf32, #tpu.memory_space<vmem>>) dst(%dma_wait3A_161 : memref<10112x128xf32, #tpu.memory_space<vmem_shared>>)
        tpu.yield
      }) : () -> ()
      %add3A_71 = arith.constant 512 : i32
      %add3A_72 = arith.addi %add3A_67, %add3A_71 : i32
      %dma_start3A_73 = tpu.memref_slice %arg3[%add3A_72] : memref<328704xi32, #tpu.memory_space<hbm>> -> memref<128xi32, #tpu.memory_space<hbm>>
      %dma_start3A_74 = tpu.memref_slice %arg3[%add3A_72] : memref<328704xi32, #tpu.memory_space<hbm>> -> memref<128xi32, #tpu.memory_space<hbm>>
      tpu.enqueue_dma source(%dma_start3A_74 : memref<128xi32, #tpu.memory_space<hbm>>) target(%arg7 : memref<128xi32, #tpu.memory_space<vmem>>) target_semaphore(%arg20 : memref<!tpu.dma_semaphore, #tpu.memory_space<semaphore_mem>>)
      %add3A_75 = arith.constant 512 : i32
      %add3A_76 = arith.addi %add3A_67, %add3A_75 : i32
      %dma_start3A_77 = tpu.memref_slice %arg4[%add3A_76] : memref<328704xi32, #tpu.memory_space<hbm>> -> memref<128xi32, #tpu.memory_space<hbm>>
      %dma_start3A_78 = tpu.memref_slice %arg4[%add3A_76] : memref<328704xi32, #tpu.memory_space<hbm>> -> memref<128xi32, #tpu.memory_space<hbm>>
      tpu.enqueue_dma source(%dma_start3A_78 : memref<128xi32, #tpu.memory_space<hbm>>) target(%arg8 : memref<128xi32, #tpu.memory_space<vmem>>) target_semaphore(%arg20 : memref<!tpu.dma_semaphore, #tpu.memory_space<semaphore_mem>>)
      %dma_wait3A_79 = arith.constant 0 : i32
      %dma_wait3A_80 = tpu.memref_slice %arg3[%dma_wait3A_79] : memref<328704xi32, #tpu.memory_space<hbm>> -> memref<128xi32, #tpu.memory_space<hbm>>
      %dma_wait3A_81 = arith.constant 0 : i32
      %dma_wait3A_82 = tpu.memref_slice %arg3[%dma_wait3A_81] : memref<328704xi32, #tpu.memory_space<hbm>> -> memref<128xi32, #tpu.memory_space<hbm>>
      tpu.wait_dma2 semaphore(%arg22 : memref<!tpu.dma_semaphore, #tpu.memory_space<semaphore_mem>>) src(%dma_wait3A_82 : memref<128xi32, #tpu.memory_space<hbm>>) dst(%arg11 : memref<128xi32, #tpu.memory_space<vmem>>)
      %dma_wait3A_83 = arith.constant 0 : i32
      %dma_wait3A_84 = tpu.memref_slice %arg4[%dma_wait3A_83] : memref<328704xi32, #tpu.memory_space<hbm>> -> memref<128xi32, #tpu.memory_space<hbm>>
      %dma_wait3A_85 = arith.constant 0 : i32
      %dma_wait3A_86 = tpu.memref_slice %arg4[%dma_wait3A_85] : memref<328704xi32, #tpu.memory_space<hbm>> -> memref<128xi32, #tpu.memory_space<hbm>>
      tpu.wait_dma2 semaphore(%arg22 : memref<!tpu.dma_semaphore, #tpu.memory_space<semaphore_mem>>) src(%dma_wait3A_86 : memref<128xi32, #tpu.memory_space<hbm>>) dst(%arg12 : memref<128xi32, #tpu.memory_space<vmem>>)
      %dma_start3A_87 = arith.constant 0 : i32
      %dma_start3A_88 = arith.constant 0 : i32
      %dma_start3A_89 = tpu.memref_slice %arg5[%dma_start3A_87, %dma_start3A_88] : memref<10112x128xf32, #tpu.memory_space<hbm>> -> memref<10112x128xf32, #tpu.memory_space<hbm>>
      tpu.enqueue_indirect_dma source(%dma_start3A_89 : memref<10112x128xf32, #tpu.memory_space<hbm>>) target(%arg15 : memref<128x128xf32, #tpu.memory_space<vmem>>) offsets(%arg11 : memref<128xi32, #tpu.memory_space<vmem>>) semaphore(%arg18 : memref<!tpu.dma_semaphore, #tpu.memory_space<semaphore_mem>>)
      %dma_wait3A_90 = arith.constant 0 : i32
      %dma_wait3A_91 = arith.constant 0 : i32
      %dma_wait3A_92 = tpu.memref_slice %arg5[%dma_wait3A_90, %dma_wait3A_91] : memref<10112x128xf32, #tpu.memory_space<hbm>> -> memref<10112x128xf32, #tpu.memory_space<hbm>>
      tpu.wait_indirect_dma semaphore(%arg19 : memref<!tpu.dma_semaphore, #tpu.memory_space<semaphore_mem>>) src(%dma_wait3A_92 : memref<10112x128xf32, #tpu.memory_space<hbm>>) dst(%arg16 : memref<128x128xf32, #tpu.memory_space<vmem>>)
      "tpu.region"() ({
        %run_scoped3A = tpu.sem_alloc : memref<!tpu.dma_semaphore, #tpu.memory_space<semaphore_mem>>
        %dma_start3A_156 = arith.constant 0 : i32
        %dma_start3A_157 = arith.constant 0 : i32
        %dma_start3A_158 = tpu.memref_slice %arg17[%dma_start3A_156, %dma_start3A_157] : memref<10112x128xf32, #tpu.memory_space<vmem_shared>> -> memref<10112x128xf32, #tpu.memory_space<vmem_shared>>
        tpu.enqueue_indirect_dma source(%arg16 : memref<128x128xf32, #tpu.memory_space<vmem>>) target(%dma_start3A_158 : memref<10112x128xf32, #tpu.memory_space<vmem_shared>>) offsets(%arg10 : memref<128xi32, #tpu.memory_space<vmem>>) semaphore(%run_scoped3A : memref<!tpu.dma_semaphore, #tpu.memory_space<semaphore_mem>>) {add = true}
        %dma_wait3A_159 = arith.constant 0 : i32
        %dma_wait3A_160 = arith.constant 0 : i32
        %dma_wait3A_161 = tpu.memref_slice %arg17[%dma_wait3A_159, %dma_wait3A_160] : memref<10112x128xf32, #tpu.memory_space<vmem_shared>> -> memref<10112x128xf32, #tpu.memory_space<vmem_shared>>
        tpu.wait_indirect_dma semaphore(%run_scoped3A : memref<!tpu.dma_semaphore, #tpu.memory_space<semaphore_mem>>) src(%arg16 : memref<128x128xf32, #tpu.memory_space<vmem>>) dst(%dma_wait3A_161 : memref<10112x128xf32, #tpu.memory_space<vmem_shared>>)
        tpu.yield
      }) : () -> ()
      %add3A_93 = arith.constant 640 : i32
      %add3A_94 = arith.addi %add3A_67, %add3A_93 : i32
      %dma_start3A_95 = tpu.memref_slice %arg3[%add3A_94] : memref<328704xi32, #tpu.memory_space<hbm>> -> memref<128xi32, #tpu.memory_space<hbm>>
      %dma_start3A_96 = tpu.memref_slice %arg3[%add3A_94] : memref<328704xi32, #tpu.memory_space<hbm>> -> memref<128xi32, #tpu.memory_space<hbm>>
      tpu.enqueue_dma source(%dma_start3A_96 : memref<128xi32, #tpu.memory_space<hbm>>) target(%arg9 : memref<128xi32, #tpu.memory_space<vmem>>) target_semaphore(%arg21 : memref<!tpu.dma_semaphore, #tpu.memory_space<semaphore_mem>>)
      %add3A_97 = arith.constant 640 : i32
      %add3A_98 = arith.addi %add3A_67, %add3A_97 : i32
      %dma_start3A_99 = tpu.memref_slice %arg4[%add3A_98] : memref<328704xi32, #tpu.memory_space<hbm>> -> memref<128xi32, #tpu.memory_space<hbm>>
      %dma_start3A_100 = tpu.memref_slice %arg4[%add3A_98] : memref<328704xi32, #tpu.memory_space<hbm>> -> memref<128xi32, #tpu.memory_space<hbm>>
      tpu.enqueue_dma source(%dma_start3A_100 : memref<128xi32, #tpu.memory_space<hbm>>) target(%arg10 : memref<128xi32, #tpu.memory_space<vmem>>) target_semaphore(%arg21 : memref<!tpu.dma_semaphore, #tpu.memory_space<semaphore_mem>>)
      %dma_wait3A_101 = arith.constant 0 : i32
      %dma_wait3A_102 = tpu.memref_slice %arg3[%dma_wait3A_101] : memref<328704xi32, #tpu.memory_space<hbm>> -> memref<128xi32, #tpu.memory_space<hbm>>
      %dma_wait3A_103 = arith.constant 0 : i32
      %dma_wait3A_104 = tpu.memref_slice %arg3[%dma_wait3A_103] : memref<328704xi32, #tpu.memory_space<hbm>> -> memref<128xi32, #tpu.memory_space<hbm>>
      tpu.wait_dma2 semaphore(%arg23 : memref<!tpu.dma_semaphore, #tpu.memory_space<semaphore_mem>>) src(%dma_wait3A_104 : memref<128xi32, #tpu.memory_space<hbm>>) dst(%arg13 : memref<128xi32, #tpu.memory_space<vmem>>)
      %dma_wait3A_105 = arith.constant 0 : i32
      %dma_wait3A_106 = tpu.memref_slice %arg4[%dma_wait3A_105] : memref<328704xi32, #tpu.memory_space<hbm>> -> memref<128xi32, #tpu.memory_space<hbm>>
      %dma_wait3A_107 = arith.constant 0 : i32
      %dma_wait3A_108 = tpu.memref_slice %arg4[%dma_wait3A_107] : memref<328704xi32, #tpu.memory_space<hbm>> -> memref<128xi32, #tpu.memory_space<hbm>>
      tpu.wait_dma2 semaphore(%arg23 : memref<!tpu.dma_semaphore, #tpu.memory_space<semaphore_mem>>) src(%dma_wait3A_108 : memref<128xi32, #tpu.memory_space<hbm>>) dst(%arg14 : memref<128xi32, #tpu.memory_space<vmem>>)
      %dma_start3A_109 = arith.constant 0 : i32
      %dma_start3A_110 = arith.constant 0 : i32
      %dma_start3A_111 = tpu.memref_slice %arg5[%dma_start3A_109, %dma_start3A_110] : memref<10112x128xf32, #tpu.memory_space<hbm>> -> memref<10112x128xf32, #tpu.memory_space<hbm>>
      tpu.enqueue_indirect_dma source(%dma_start3A_111 : memref<10112x128xf32, #tpu.memory_space<hbm>>) target(%arg16 : memref<128x128xf32, #tpu.memory_space<vmem>>) offsets(%arg13 : memref<128xi32, #tpu.memory_space<vmem>>) semaphore(%arg19 : memref<!tpu.dma_semaphore, #tpu.memory_space<semaphore_mem>>)
      %dma_wait3A_112 = arith.constant 0 : i32
      %dma_wait3A_113 = arith.constant 0 : i32
      %dma_wait3A_114 = tpu.memref_slice %arg5[%dma_wait3A_112, %dma_wait3A_113] : memref<10112x128xf32, #tpu.memory_space<hbm>> -> memref<10112x128xf32, #tpu.memory_space<hbm>>
      tpu.wait_indirect_dma semaphore(%arg18 : memref<!tpu.dma_semaphore, #tpu.memory_space<semaphore_mem>>) src(%dma_wait3A_114 : memref<10112x128xf32, #tpu.memory_space<hbm>>) dst(%arg15 : memref<128x128xf32, #tpu.memory_space<vmem>>)
      "tpu.region"() ({
        %run_scoped3A = tpu.sem_alloc : memref<!tpu.dma_semaphore, #tpu.memory_space<semaphore_mem>>
        %dma_start3A_156 = arith.constant 0 : i32
        %dma_start3A_157 = arith.constant 0 : i32
        %dma_start3A_158 = tpu.memref_slice %arg17[%dma_start3A_156, %dma_start3A_157] : memref<10112x128xf32, #tpu.memory_space<vmem_shared>> -> memref<10112x128xf32, #tpu.memory_space<vmem_shared>>
        tpu.enqueue_indirect_dma source(%arg15 : memref<128x128xf32, #tpu.memory_space<vmem>>) target(%dma_start3A_158 : memref<10112x128xf32, #tpu.memory_space<vmem_shared>>) offsets(%arg12 : memref<128xi32, #tpu.memory_space<vmem>>) semaphore(%run_scoped3A : memref<!tpu.dma_semaphore, #tpu.memory_space<semaphore_mem>>) {add = true}
        %dma_wait3A_159 = arith.constant 0 : i32
        %dma_wait3A_160 = arith.constant 0 : i32
        %dma_wait3A_161 = tpu.memref_slice %arg17[%dma_wait3A_159, %dma_wait3A_160] : memref<10112x128xf32, #tpu.memory_space<vmem_shared>> -> memref<10112x128xf32, #tpu.memory_space<vmem_shared>>
        tpu.wait_indirect_dma semaphore(%run_scoped3A : memref<!tpu.dma_semaphore, #tpu.memory_space<semaphore_mem>>) src(%arg15 : memref<128x128xf32, #tpu.memory_space<vmem>>) dst(%dma_wait3A_161 : memref<10112x128xf32, #tpu.memory_space<vmem_shared>>)
        tpu.yield
      }) : () -> ()
      %add3A_115 = arith.constant 768 : i32
      %add3A_116 = arith.addi %add3A_67, %add3A_115 : i32
      %dma_start3A_117 = tpu.memref_slice %arg3[%add3A_116] : memref<328704xi32, #tpu.memory_space<hbm>> -> memref<128xi32, #tpu.memory_space<hbm>>
      %dma_start3A_118 = tpu.memref_slice %arg3[%add3A_116] : memref<328704xi32, #tpu.memory_space<hbm>> -> memref<128xi32, #tpu.memory_space<hbm>>
      tpu.enqueue_dma source(%dma_start3A_118 : memref<128xi32, #tpu.memory_space<hbm>>) target(%arg11 : memref<128xi32, #tpu.memory_space<vmem>>) target_semaphore(%arg22 : memref<!tpu.dma_semaphore, #tpu.memory_space<semaphore_mem>>)
      %add3A_119 = arith.constant 768 : i32
      %add3A_120 = arith.addi %add3A_67, %add3A_119 : i32
      %dma_start3A_121 = tpu.memref_slice %arg4[%add3A_120] : memref<328704xi32, #tpu.memory_space<hbm>> -> memref<128xi32, #tpu.memory_space<hbm>>
      %dma_start3A_122 = tpu.memref_slice %arg4[%add3A_120] : memref<328704xi32, #tpu.memory_space<hbm>> -> memref<128xi32, #tpu.memory_space<hbm>>
      tpu.enqueue_dma source(%dma_start3A_122 : memref<128xi32, #tpu.memory_space<hbm>>) target(%arg12 : memref<128xi32, #tpu.memory_space<vmem>>) target_semaphore(%arg22 : memref<!tpu.dma_semaphore, #tpu.memory_space<semaphore_mem>>)
      %dma_wait3A_123 = arith.constant 0 : i32
      %dma_wait3A_124 = tpu.memref_slice %arg3[%dma_wait3A_123] : memref<328704xi32, #tpu.memory_space<hbm>> -> memref<128xi32, #tpu.memory_space<hbm>>
      %dma_wait3A_125 = arith.constant 0 : i32
      %dma_wait3A_126 = tpu.memref_slice %arg3[%dma_wait3A_125] : memref<328704xi32, #tpu.memory_space<hbm>> -> memref<128xi32, #tpu.memory_space<hbm>>
      tpu.wait_dma2 semaphore(%arg20 : memref<!tpu.dma_semaphore, #tpu.memory_space<semaphore_mem>>) src(%dma_wait3A_126 : memref<128xi32, #tpu.memory_space<hbm>>) dst(%arg7 : memref<128xi32, #tpu.memory_space<vmem>>)
      %dma_wait3A_127 = arith.constant 0 : i32
      %dma_wait3A_128 = tpu.memref_slice %arg4[%dma_wait3A_127] : memref<328704xi32, #tpu.memory_space<hbm>> -> memref<128xi32, #tpu.memory_space<hbm>>
      %dma_wait3A_129 = arith.constant 0 : i32
      %dma_wait3A_130 = tpu.memref_slice %arg4[%dma_wait3A_129] : memref<328704xi32, #tpu.memory_space<hbm>> -> memref<128xi32, #tpu.memory_space<hbm>>
      tpu.wait_dma2 semaphore(%arg20 : memref<!tpu.dma_semaphore, #tpu.memory_space<semaphore_mem>>) src(%dma_wait3A_130 : memref<128xi32, #tpu.memory_space<hbm>>) dst(%arg8 : memref<128xi32, #tpu.memory_space<vmem>>)
      %dma_start3A_131 = arith.constant 0 : i32
      %dma_start3A_132 = arith.constant 0 : i32
      %dma_start3A_133 = tpu.memref_slice %arg5[%dma_start3A_131, %dma_start3A_132] : memref<10112x128xf32, #tpu.memory_space<hbm>> -> memref<10112x128xf32, #tpu.memory_space<hbm>>
      tpu.enqueue_indirect_dma source(%dma_start3A_133 : memref<10112x128xf32, #tpu.memory_space<hbm>>) target(%arg15 : memref<128x128xf32, #tpu.memory_space<vmem>>) offsets(%arg7 : memref<128xi32, #tpu.memory_space<vmem>>) semaphore(%arg18 : memref<!tpu.dma_semaphore, #tpu.memory_space<semaphore_mem>>)
      %dma_wait3A_134 = arith.constant 0 : i32
      %dma_wait3A_135 = arith.constant 0 : i32
      %dma_wait3A_136 = tpu.memref_slice %arg5[%dma_wait3A_134, %dma_wait3A_135] : memref<10112x128xf32, #tpu.memory_space<hbm>> -> memref<10112x128xf32, #tpu.memory_space<hbm>>
      tpu.wait_indirect_dma semaphore(%arg19 : memref<!tpu.dma_semaphore, #tpu.memory_space<semaphore_mem>>) src(%dma_wait3A_136 : memref<10112x128xf32, #tpu.memory_space<hbm>>) dst(%arg16 : memref<128x128xf32, #tpu.memory_space<vmem>>)
      "tpu.region"() ({
        %run_scoped3A = tpu.sem_alloc : memref<!tpu.dma_semaphore, #tpu.memory_space<semaphore_mem>>
        %dma_start3A_156 = arith.constant 0 : i32
        %dma_start3A_157 = arith.constant 0 : i32
        %dma_start3A_158 = tpu.memref_slice %arg17[%dma_start3A_156, %dma_start3A_157] : memref<10112x128xf32, #tpu.memory_space<vmem_shared>> -> memref<10112x128xf32, #tpu.memory_space<vmem_shared>>
        tpu.enqueue_indirect_dma source(%arg16 : memref<128x128xf32, #tpu.memory_space<vmem>>) target(%dma_start3A_158 : memref<10112x128xf32, #tpu.memory_space<vmem_shared>>) offsets(%arg14 : memref<128xi32, #tpu.memory_space<vmem>>) semaphore(%run_scoped3A : memref<!tpu.dma_semaphore, #tpu.memory_space<semaphore_mem>>) {add = true}
        %dma_wait3A_159 = arith.constant 0 : i32
        %dma_wait3A_160 = arith.constant 0 : i32
        %dma_wait3A_161 = tpu.memref_slice %arg17[%dma_wait3A_159, %dma_wait3A_160] : memref<10112x128xf32, #tpu.memory_space<vmem_shared>> -> memref<10112x128xf32, #tpu.memory_space<vmem_shared>>
        tpu.wait_indirect_dma semaphore(%run_scoped3A : memref<!tpu.dma_semaphore, #tpu.memory_space<semaphore_mem>>) src(%arg16 : memref<128x128xf32, #tpu.memory_space<vmem>>) dst(%dma_wait3A_161 : memref<10112x128xf32, #tpu.memory_space<vmem_shared>>)
        tpu.yield
      }) : () -> ()
      %add3A_137 = arith.constant 896 : i32
      %add3A_138 = arith.addi %add3A_67, %add3A_137 : i32
      %dma_start3A_139 = tpu.memref_slice %arg3[%add3A_138] : memref<328704xi32, #tpu.memory_space<hbm>> -> memref<128xi32, #tpu.memory_space<hbm>>
      %dma_start3A_140 = tpu.memref_slice %arg3[%add3A_138] : memref<328704xi32, #tpu.memory_space<hbm>> -> memref<128xi32, #tpu.memory_space<hbm>>
      tpu.enqueue_dma source(%dma_start3A_140 : memref<128xi32, #tpu.memory_space<hbm>>) target(%arg13 : memref<128xi32, #tpu.memory_space<vmem>>) target_semaphore(%arg23 : memref<!tpu.dma_semaphore, #tpu.memory_space<semaphore_mem>>)
      %add3A_141 = arith.constant 896 : i32
      %add3A_142 = arith.addi %add3A_67, %add3A_141 : i32
      %dma_start3A_143 = tpu.memref_slice %arg4[%add3A_142] : memref<328704xi32, #tpu.memory_space<hbm>> -> memref<128xi32, #tpu.memory_space<hbm>>
      %dma_start3A_144 = tpu.memref_slice %arg4[%add3A_142] : memref<328704xi32, #tpu.memory_space<hbm>> -> memref<128xi32, #tpu.memory_space<hbm>>
      tpu.enqueue_dma source(%dma_start3A_144 : memref<128xi32, #tpu.memory_space<hbm>>) target(%arg14 : memref<128xi32, #tpu.memory_space<vmem>>) target_semaphore(%arg23 : memref<!tpu.dma_semaphore, #tpu.memory_space<semaphore_mem>>)
      %dma_wait3A_145 = arith.constant 0 : i32
      %dma_wait3A_146 = tpu.memref_slice %arg3[%dma_wait3A_145] : memref<328704xi32, #tpu.memory_space<hbm>> -> memref<128xi32, #tpu.memory_space<hbm>>
      %dma_wait3A_147 = arith.constant 0 : i32
      %dma_wait3A_148 = tpu.memref_slice %arg3[%dma_wait3A_147] : memref<328704xi32, #tpu.memory_space<hbm>> -> memref<128xi32, #tpu.memory_space<hbm>>
      tpu.wait_dma2 semaphore(%arg21 : memref<!tpu.dma_semaphore, #tpu.memory_space<semaphore_mem>>) src(%dma_wait3A_148 : memref<128xi32, #tpu.memory_space<hbm>>) dst(%arg9 : memref<128xi32, #tpu.memory_space<vmem>>)
      %dma_wait3A_149 = arith.constant 0 : i32
      %dma_wait3A_150 = tpu.memref_slice %arg4[%dma_wait3A_149] : memref<328704xi32, #tpu.memory_space<hbm>> -> memref<128xi32, #tpu.memory_space<hbm>>
      %dma_wait3A_151 = arith.constant 0 : i32
      %dma_wait3A_152 = tpu.memref_slice %arg4[%dma_wait3A_151] : memref<328704xi32, #tpu.memory_space<hbm>> -> memref<128xi32, #tpu.memory_space<hbm>>
      tpu.wait_dma2 semaphore(%arg21 : memref<!tpu.dma_semaphore, #tpu.memory_space<semaphore_mem>>) src(%dma_wait3A_152 : memref<128xi32, #tpu.memory_space<hbm>>) dst(%arg10 : memref<128xi32, #tpu.memory_space<vmem>>)
      %dma_start3A_153 = arith.constant 0 : i32
      %dma_start3A_154 = arith.constant 0 : i32
      %dma_start3A_155 = tpu.memref_slice %arg5[%dma_start3A_153, %dma_start3A_154] : memref<10112x128xf32, #tpu.memory_space<hbm>> -> memref<10112x128xf32, #tpu.memory_space<hbm>>
      tpu.enqueue_indirect_dma source(%dma_start3A_155 : memref<10112x128xf32, #tpu.memory_space<hbm>>) target(%arg16 : memref<128x128xf32, #tpu.memory_space<vmem>>) offsets(%arg9 : memref<128xi32, #tpu.memory_space<vmem>>) semaphore(%arg19 : memref<!tpu.dma_semaphore, #tpu.memory_space<semaphore_mem>>)
    }
    %scan3A_35 = arith.constant 20 : i32
    %dma_wait3A = arith.constant 0 : i32
    %dma_wait3A_36 = arith.constant 0 : i32
    %dma_wait3A_37 = tpu.memref_slice %arg5[%dma_wait3A, %dma_wait3A_36] : memref<10112x128xf32, #tpu.memory_space<hbm>> -> memref<10112x128xf32, #tpu.memory_space<hbm>>
    tpu.wait_indirect_dma semaphore(%arg18 : memref<!tpu.dma_semaphore, #tpu.memory_space<semaphore_mem>>) src(%dma_wait3A_37 : memref<10112x128xf32, #tpu.memory_space<hbm>>) dst(%arg15 : memref<128x128xf32, #tpu.memory_space<vmem>>)
    %dma_wait3A_38 = arith.constant 0 : i32
    %dma_wait3A_39 = arith.constant 0 : i32
    %dma_wait3A_40 = tpu.memref_slice %arg5[%dma_wait3A_38, %dma_wait3A_39] : memref<10112x128xf32, #tpu.memory_space<hbm>> -> memref<10112x128xf32, #tpu.memory_space<hbm>>
    tpu.wait_indirect_dma semaphore(%arg19 : memref<!tpu.dma_semaphore, #tpu.memory_space<semaphore_mem>>) src(%dma_wait3A_40 : memref<10112x128xf32, #tpu.memory_space<hbm>>) dst(%arg16 : memref<128x128xf32, #tpu.memory_space<vmem>>)
    %dma_wait3A_41 = arith.constant 0 : i32
    %dma_wait3A_42 = tpu.memref_slice %arg3[%dma_wait3A_41] : memref<328704xi32, #tpu.memory_space<hbm>> -> memref<128xi32, #tpu.memory_space<hbm>>
    %dma_wait3A_43 = arith.constant 0 : i32
    %dma_wait3A_44 = tpu.memref_slice %arg3[%dma_wait3A_43] : memref<328704xi32, #tpu.memory_space<hbm>> -> memref<128xi32, #tpu.memory_space<hbm>>
    tpu.wait_dma2 semaphore(%arg22 : memref<!tpu.dma_semaphore, #tpu.memory_space<semaphore_mem>>) src(%dma_wait3A_44 : memref<128xi32, #tpu.memory_space<hbm>>) dst(%arg11 : memref<128xi32, #tpu.memory_space<vmem>>)
    %dma_wait3A_45 = arith.constant 0 : i32
    %dma_wait3A_46 = tpu.memref_slice %arg4[%dma_wait3A_45] : memref<328704xi32, #tpu.memory_space<hbm>> -> memref<128xi32, #tpu.memory_space<hbm>>
    %dma_wait3A_47 = arith.constant 0 : i32
    %dma_wait3A_48 = tpu.memref_slice %arg4[%dma_wait3A_47] : memref<328704xi32, #tpu.memory_space<hbm>> -> memref<128xi32, #tpu.memory_space<hbm>>
    tpu.wait_dma2 semaphore(%arg22 : memref<!tpu.dma_semaphore, #tpu.memory_space<semaphore_mem>>) src(%dma_wait3A_48 : memref<128xi32, #tpu.memory_space<hbm>>) dst(%arg12 : memref<128xi32, #tpu.memory_space<vmem>>)
    %dma_wait3A_49 = arith.constant 0 : i32
    %dma_wait3A_50 = tpu.memref_slice %arg3[%dma_wait3A_49] : memref<328704xi32, #tpu.memory_space<hbm>> -> memref<128xi32, #tpu.memory_space<hbm>>
    %dma_wait3A_51 = arith.constant 0 : i32
    %dma_wait3A_52 = tpu.memref_slice %arg3[%dma_wait3A_51] : memref<328704xi32, #tpu.memory_space<hbm>> -> memref<128xi32, #tpu.memory_space<hbm>>
    tpu.wait_dma2 semaphore(%arg23 : memref<!tpu.dma_semaphore, #tpu.memory_space<semaphore_mem>>) src(%dma_wait3A_52 : memref<128xi32, #tpu.memory_space<hbm>>) dst(%arg13 : memref<128xi32, #tpu.memory_space<vmem>>)
    %dma_wait3A_53 = arith.constant 0 : i32
    %dma_wait3A_54 = tpu.memref_slice %arg4[%dma_wait3A_53] : memref<328704xi32, #tpu.memory_space<hbm>> -> memref<128xi32, #tpu.memory_space<hbm>>
    %dma_wait3A_55 = arith.constant 0 : i32
    %dma_wait3A_56 = tpu.memref_slice %arg4[%dma_wait3A_55] : memref<328704xi32, #tpu.memory_space<hbm>> -> memref<128xi32, #tpu.memory_space<hbm>>
    tpu.wait_dma2 semaphore(%arg23 : memref<!tpu.dma_semaphore, #tpu.memory_space<semaphore_mem>>) src(%dma_wait3A_56 : memref<128xi32, #tpu.memory_space<hbm>>) dst(%arg14 : memref<128xi32, #tpu.memory_space<vmem>>)
    %barrier3A_57 = arith.constant 0 : index
    tpu.barrier barrier_id(%barrier3A_57)
    "tpu.region"() ({
      %run_scoped3A = tpu.sem_alloc : memref<!tpu.dma_semaphore, #tpu.memory_space<semaphore_mem>>
      %dma_start3A_58 = arith.constant 0 : i32
      %dma_start3A_59 = tpu.memref_slice %arg6[%arg0, %mul3A_2, %dma_start3A_58] : memref<2x10112x128xf32, #tpu.memory_space<hbm>> -> memref<1x632x128xf32, #tpu.memory_space<hbm>>
      %dma_start3A_60 = tpu.memref_squeeze %dma_start3A_59 : memref<1x632x128xf32, #tpu.memory_space<hbm>> -> memref<632x128xf32, #tpu.memory_space<hbm>>
      %dma_start3A_61 = arith.constant 0 : i32
      %dma_start3A_62 = tpu.memref_slice %arg17[%mul3A_2, %dma_start3A_61] : memref<10112x128xf32, #tpu.memory_space<vmem_shared>> -> memref<632x128xf32, #tpu.memory_space<vmem_shared>>
      tpu.enqueue_dma source(%dma_start3A_62 : memref<632x128xf32, #tpu.memory_space<vmem_shared>>) target(%dma_start3A_60 : memref<632x128xf32, #tpu.memory_space<hbm>>) target_semaphore(%run_scoped3A : memref<!tpu.dma_semaphore, #tpu.memory_space<semaphore_mem>>)
      %dma_wait3A_63 = arith.constant 0 : i32
      %dma_wait3A_64 = tpu.memref_slice %arg6[%arg0, %mul3A_2, %dma_wait3A_63] : memref<2x10112x128xf32, #tpu.memory_space<hbm>> -> memref<1x632x128xf32, #tpu.memory_space<hbm>>
      %dma_wait3A_65 = tpu.memref_squeeze %dma_wait3A_64 : memref<1x632x128xf32, #tpu.memory_space<hbm>> -> memref<632x128xf32, #tpu.memory_space<hbm>>
      %dma_wait3A_66 = arith.constant 0 : i32
      %dma_wait3A_67 = tpu.memref_slice %arg17[%mul3A_2, %dma_wait3A_66] : memref<10112x128xf32, #tpu.memory_space<vmem_shared>> -> memref<632x128xf32, #tpu.memory_space<vmem_shared>>
      tpu.wait_dma2 semaphore(%run_scoped3A : memref<!tpu.dma_semaphore, #tpu.memory_space<semaphore_mem>>) src(%dma_wait3A_67 : memref<632x128xf32, #tpu.memory_space<vmem_shared>>) dst(%dma_wait3A_65 : memref<632x128xf32, #tpu.memory_space<hbm>>)
      tpu.yield
    }) : () -> ()
    return
  }
}

#map = affine_map<(d0, d1) -> (0, 0)>
#map1 = affine_map<(d0, d1) -> (0)>
#map2 = affine_map<(d0, d1) -> (0, 0, 0)>
module attributes {stable_mosaic.version = 14 : i64} {
  func.func @_prop_body(%arg0: i32, %arg1: i32, %arg2: memref<10112x128xf32, #tpu.memory_space<hbm>>, %arg3: memref<328704xi32, #tpu.memory_space<hbm>>, %arg4: memref<328704xi32, #tpu.memory_space<hbm>>, %arg5: memref<10112x128xf32, #tpu.memory_space<hbm>>, %arg6: memref<2x10112x128xf32, #tpu.memory_space<hbm>>, %arg7: memref<128xi32, #tpu.memory_space<vmem>>, %arg8: memref<128xi32, #tpu.memory_space<vmem>>, %arg9: memref<128xi32, #tpu.memory_space<vmem>>, %arg10: memref<128xi32, #tpu.memory_space<vmem>>, %arg11: memref<128xi32, #tpu.memory_space<vmem>>, %arg12: memref<128xi32, #tpu.memory_space<vmem>>, %arg13: memref<128xi32, #tpu.memory_space<vmem>>, %arg14: memref<128xi32, #tpu.memory_space<vmem>>, %arg15: memref<128x128xf32, #tpu.memory_space<vmem>>, %arg16: memref<128x128xf32, #tpu.memory_space<vmem>>, %arg17: memref<10112x128xf32, #tpu.memory_space<vmem_shared>>, %arg18: memref<!tpu.dma_semaphore, #tpu.memory_space<semaphore_mem>>, %arg19: memref<!tpu.dma_semaphore, #tpu.memory_space<semaphore_mem>>, %arg20: memref<!tpu.dma_semaphore, #tpu.memory_space<semaphore_mem>>, %arg21: memref<!tpu.dma_semaphore, #tpu.memory_space<semaphore_mem>>, %arg22: memref<!tpu.dma_semaphore, #tpu.memory_space<semaphore_mem>>, %arg23: memref<!tpu.dma_semaphore, #tpu.memory_space<semaphore_mem>>) attributes {dimension_semantics = [#tpu.dimension_semantics<core_parallel>, #tpu.dimension_semantics<subcore_parallel>], iteration_bounds = array<i64: 2, 16>, scalar_prefetch = 0 : i64, scratch_operands = 17 : i64, tpu.core_type = #tpu.core_type<sc_vector_subcore>, window_params = [{transform_indices = #map}, {transform_indices = #map1}, {transform_indices = #map1}, {transform_indices = #map}, {transform_indices = #map2}]} {
    %mul3A = arith.constant 2 : i32
    %mul3A_0 = arith.muli %arg1, %mul3A : i32
    %add3A = arith.addi %mul3A_0, %arg0 : i32
    %mul3A_1 = arith.constant 632 : i32
    %mul3A_2 = arith.muli %arg1, %mul3A_1 : i32
    "tpu.region"() ({
      %run_scoped3A = tpu.sem_alloc : memref<!tpu.dma_semaphore, #tpu.memory_space<semaphore_mem>>
      %dma_start3A_58 = arith.constant 0 : i32
      %dma_start3A_59 = tpu.memref_slice %arg17[%mul3A_2, %dma_start3A_58] : memref<10112x128xf32, #tpu.memory_space<vmem_shared>> -> memref<632x128xf32, #tpu.memory_space<vmem_shared>>
      %dma_start3A_60 = arith.constant 0 : i32
      %dma_start3A_61 = tpu.memref_slice %arg2[%mul3A_2, %dma_start3A_60] : memref<10112x128xf32, #tpu.memory_space<hbm>> -> memref<632x128xf32, #tpu.memory_space<hbm>>
      tpu.enqueue_dma source(%dma_start3A_61 : memref<632x128xf32, #tpu.memory_space<hbm>>) target(%dma_start3A_59 : memref<632x128xf32, #tpu.memory_space<vmem_shared>>) target_semaphore(%run_scoped3A : memref<!tpu.dma_semaphore, #tpu.memory_space<semaphore_mem>>)
      %dma_wait3A_62 = arith.constant 0 : i32
      %dma_wait3A_63 = tpu.memref_slice %arg17[%mul3A_2, %dma_wait3A_62] : memref<10112x128xf32, #tpu.memory_space<vmem_shared>> -> memref<632x128xf32, #tpu.memory_space<vmem_shared>>
      %dma_wait3A_64 = arith.constant 0 : i32
      %dma_wait3A_65 = tpu.memref_slice %arg2[%mul3A_2, %dma_wait3A_64] : memref<10112x128xf32, #tpu.memory_space<hbm>> -> memref<632x128xf32, #tpu.memory_space<hbm>>
      tpu.wait_dma2 semaphore(%run_scoped3A : memref<!tpu.dma_semaphore, #tpu.memory_space<semaphore_mem>>) src(%dma_wait3A_65 : memref<632x128xf32, #tpu.memory_space<hbm>>) dst(%dma_wait3A_63 : memref<632x128xf32, #tpu.memory_space<vmem_shared>>)
      tpu.yield
    }) : () -> ()
    %mul3A_3 = arith.constant 80 : i32
    %mul3A_4 = arith.muli %add3A, %mul3A_3 : i32
    %mul3A_5 = arith.constant 128 : i32
    %mul3A_6 = arith.muli %mul3A_4, %mul3A_5 : i32
    "tpu.region"() ({
      %run_scoped3A = tpu.sem_alloc : memref<!tpu.dma_semaphore, #tpu.memory_space<semaphore_mem>>
      %dma_start3A_58 = tpu.memref_slice %arg3[%mul3A_6] : memref<328704xi32, #tpu.memory_space<hbm>> -> memref<128xi32, #tpu.memory_space<hbm>>
      %dma_start3A_59 = tpu.memref_slice %arg3[%mul3A_6] : memref<328704xi32, #tpu.memory_space<hbm>> -> memref<128xi32, #tpu.memory_space<hbm>>
      tpu.enqueue_dma source(%dma_start3A_59 : memref<128xi32, #tpu.memory_space<hbm>>) target(%arg7 : memref<128xi32, #tpu.memory_space<vmem>>) target_semaphore(%run_scoped3A : memref<!tpu.dma_semaphore, #tpu.memory_space<semaphore_mem>>)
      %dma_wait3A_60 = tpu.memref_slice %arg3[%mul3A_6] : memref<328704xi32, #tpu.memory_space<hbm>> -> memref<128xi32, #tpu.memory_space<hbm>>
      %dma_wait3A_61 = tpu.memref_slice %arg3[%mul3A_6] : memref<328704xi32, #tpu.memory_space<hbm>> -> memref<128xi32, #tpu.memory_space<hbm>>
      tpu.wait_dma2 semaphore(%run_scoped3A : memref<!tpu.dma_semaphore, #tpu.memory_space<semaphore_mem>>) src(%dma_wait3A_61 : memref<128xi32, #tpu.memory_space<hbm>>) dst(%arg7 : memref<128xi32, #tpu.memory_space<vmem>>)
      tpu.yield
    }) : () -> ()
    "tpu.region"() ({
      %run_scoped3A = tpu.sem_alloc : memref<!tpu.dma_semaphore, #tpu.memory_space<semaphore_mem>>
      %dma_start3A_58 = tpu.memref_slice %arg4[%mul3A_6] : memref<328704xi32, #tpu.memory_space<hbm>> -> memref<128xi32, #tpu.memory_space<hbm>>
      %dma_start3A_59 = tpu.memref_slice %arg4[%mul3A_6] : memref<328704xi32, #tpu.memory_space<hbm>> -> memref<128xi32, #tpu.memory_space<hbm>>
      tpu.enqueue_dma source(%dma_start3A_59 : memref<128xi32, #tpu.memory_space<hbm>>) target(%arg8 : memref<128xi32, #tpu.memory_space<vmem>>) target_semaphore(%run_scoped3A : memref<!tpu.dma_semaphore, #tpu.memory_space<semaphore_mem>>)
      %dma_wait3A_60 = tpu.memref_slice %arg4[%mul3A_6] : memref<328704xi32, #tpu.memory_space<hbm>> -> memref<128xi32, #tpu.memory_space<hbm>>
      %dma_wait3A_61 = tpu.memref_slice %arg4[%mul3A_6] : memref<328704xi32, #tpu.memory_space<hbm>> -> memref<128xi32, #tpu.memory_space<hbm>>
      tpu.wait_dma2 semaphore(%run_scoped3A : memref<!tpu.dma_semaphore, #tpu.memory_space<semaphore_mem>>) src(%dma_wait3A_61 : memref<128xi32, #tpu.memory_space<hbm>>) dst(%arg8 : memref<128xi32, #tpu.memory_space<vmem>>)
      tpu.yield
    }) : () -> ()
    %add3A_7 = arith.constant 128 : i32
    %add3A_8 = arith.addi %mul3A_6, %add3A_7 : i32
    "tpu.region"() ({
      %run_scoped3A = tpu.sem_alloc : memref<!tpu.dma_semaphore, #tpu.memory_space<semaphore_mem>>
      %dma_start3A_58 = tpu.memref_slice %arg3[%add3A_8] : memref<328704xi32, #tpu.memory_space<hbm>> -> memref<128xi32, #tpu.memory_space<hbm>>
      %dma_start3A_59 = tpu.memref_slice %arg3[%add3A_8] : memref<328704xi32, #tpu.memory_space<hbm>> -> memref<128xi32, #tpu.memory_space<hbm>>
      tpu.enqueue_dma source(%dma_start3A_59 : memref<128xi32, #tpu.memory_space<hbm>>) target(%arg9 : memref<128xi32, #tpu.memory_space<vmem>>) target_semaphore(%run_scoped3A : memref<!tpu.dma_semaphore, #tpu.memory_space<semaphore_mem>>)
      %dma_wait3A_60 = tpu.memref_slice %arg3[%add3A_8] : memref<328704xi32, #tpu.memory_space<hbm>> -> memref<128xi32, #tpu.memory_space<hbm>>
      %dma_wait3A_61 = tpu.memref_slice %arg3[%add3A_8] : memref<328704xi32, #tpu.memory_space<hbm>> -> memref<128xi32, #tpu.memory_space<hbm>>
      tpu.wait_dma2 semaphore(%run_scoped3A : memref<!tpu.dma_semaphore, #tpu.memory_space<semaphore_mem>>) src(%dma_wait3A_61 : memref<128xi32, #tpu.memory_space<hbm>>) dst(%arg9 : memref<128xi32, #tpu.memory_space<vmem>>)
      tpu.yield
    }) : () -> ()
    %add3A_9 = arith.constant 128 : i32
    %add3A_10 = arith.addi %mul3A_6, %add3A_9 : i32
    "tpu.region"() ({
      %run_scoped3A = tpu.sem_alloc : memref<!tpu.dma_semaphore, #tpu.memory_space<semaphore_mem>>
      %dma_start3A_58 = tpu.memref_slice %arg4[%add3A_10] : memref<328704xi32, #tpu.memory_space<hbm>> -> memref<128xi32, #tpu.memory_space<hbm>>
      %dma_start3A_59 = tpu.memref_slice %arg4[%add3A_10] : memref<328704xi32, #tpu.memory_space<hbm>> -> memref<128xi32, #tpu.memory_space<hbm>>
      tpu.enqueue_dma source(%dma_start3A_59 : memref<128xi32, #tpu.memory_space<hbm>>) target(%arg10 : memref<128xi32, #tpu.memory_space<vmem>>) target_semaphore(%run_scoped3A : memref<!tpu.dma_semaphore, #tpu.memory_space<semaphore_mem>>)
      %dma_wait3A_60 = tpu.memref_slice %arg4[%add3A_10] : memref<328704xi32, #tpu.memory_space<hbm>> -> memref<128xi32, #tpu.memory_space<hbm>>
      %dma_wait3A_61 = tpu.memref_slice %arg4[%add3A_10] : memref<328704xi32, #tpu.memory_space<hbm>> -> memref<128xi32, #tpu.memory_space<hbm>>
      tpu.wait_dma2 semaphore(%run_scoped3A : memref<!tpu.dma_semaphore, #tpu.memory_space<semaphore_mem>>) src(%dma_wait3A_61 : memref<128xi32, #tpu.memory_space<hbm>>) dst(%arg10 : memref<128xi32, #tpu.memory_space<vmem>>)
      tpu.yield
    }) : () -> ()
    %add3A_11 = arith.constant 256 : i32
    %add3A_12 = arith.addi %mul3A_6, %add3A_11 : i32
    %dma_start3A = tpu.memref_slice %arg3[%add3A_12] : memref<328704xi32, #tpu.memory_space<hbm>> -> memref<128xi32, #tpu.memory_space<hbm>>
    %dma_start3A_13 = tpu.memref_slice %arg3[%add3A_12] : memref<328704xi32, #tpu.memory_space<hbm>> -> memref<128xi32, #tpu.memory_space<hbm>>
    tpu.enqueue_dma source(%dma_start3A_13 : memref<128xi32, #tpu.memory_space<hbm>>) target(%arg11 : memref<128xi32, #tpu.memory_space<vmem>>) target_semaphore(%arg22 : memref<!tpu.dma_semaphore, #tpu.memory_space<semaphore_mem>>)
    %add3A_14 = arith.constant 256 : i32
    %add3A_15 = arith.addi %mul3A_6, %add3A_14 : i32
    %dma_start3A_16 = tpu.memref_slice %arg4[%add3A_15] : memref<328704xi32, #tpu.memory_space<hbm>> -> memref<128xi32, #tpu.memory_space<hbm>>
    %dma_start3A_17 = tpu.memref_slice %arg4[%add3A_15] : memref<328704xi32, #tpu.memory_space<hbm>> -> memref<128xi32, #tpu.memory_space<hbm>>
    tpu.enqueue_dma source(%dma_start3A_17 : memref<128xi32, #tpu.memory_space<hbm>>) target(%arg12 : memref<128xi32, #tpu.memory_space<vmem>>) target_semaphore(%arg22 : memref<!tpu.dma_semaphore, #tpu.memory_space<semaphore_mem>>)
    %add3A_18 = arith.constant 384 : i32
    %add3A_19 = arith.addi %mul3A_6, %add3A_18 : i32
    %dma_start3A_20 = tpu.memref_slice %arg3[%add3A_19] : memref<328704xi32, #tpu.memory_space<hbm>> -> memref<128xi32, #tpu.memory_space<hbm>>
    %dma_start3A_21 = tpu.memref_slice %arg3[%add3A_19] : memref<328704xi32, #tpu.memory_space<hbm>> -> memref<128xi32, #tpu.memory_space<hbm>>
    tpu.enqueue_dma source(%dma_start3A_21 : memref<128xi32, #tpu.memory_space<hbm>>) target(%arg13 : memref<128xi32, #tpu.memory_space<vmem>>) target_semaphore(%arg23 : memref<!tpu.dma_semaphore, #tpu.memory_space<semaphore_mem>>)
    %add3A_22 = arith.constant 384 : i32
    %add3A_23 = arith.addi %mul3A_6, %add3A_22 : i32
    %dma_start3A_24 = tpu.memref_slice %arg4[%add3A_23] : memref<328704xi32, #tpu.memory_space<hbm>> -> memref<128xi32, #tpu.memory_space<hbm>>
    %dma_start3A_25 = tpu.memref_slice %arg4[%add3A_23] : memref<328704xi32, #tpu.memory_space<hbm>> -> memref<128xi32, #tpu.memory_space<hbm>>
    tpu.enqueue_dma source(%dma_start3A_25 : memref<128xi32, #tpu.memory_space<hbm>>) target(%arg14 : memref<128xi32, #tpu.memory_space<vmem>>) target_semaphore(%arg23 : memref<!tpu.dma_semaphore, #tpu.memory_space<semaphore_mem>>)
    %barrier3A = arith.constant 0 : index
    tpu.barrier barrier_id(%barrier3A)
    %dma_start3A_26 = arith.constant 0 : i32
    %dma_start3A_27 = arith.constant 0 : i32
    %dma_start3A_28 = tpu.memref_slice %arg5[%dma_start3A_26, %dma_start3A_27] : memref<10112x128xf32, #tpu.memory_space<hbm>> -> memref<10112x128xf32, #tpu.memory_space<hbm>>
    tpu.enqueue_indirect_dma source(%dma_start3A_28 : memref<10112x128xf32, #tpu.memory_space<hbm>>) target(%arg15 : memref<128x128xf32, #tpu.memory_space<vmem>>) offsets(%arg7 : memref<128xi32, #tpu.memory_space<vmem>>) semaphore(%arg18 : memref<!tpu.dma_semaphore, #tpu.memory_space<semaphore_mem>>)
    %dma_start3A_29 = arith.constant 0 : i32
    %dma_start3A_30 = arith.constant 0 : i32
    %dma_start3A_31 = tpu.memref_slice %arg5[%dma_start3A_29, %dma_start3A_30] : memref<10112x128xf32, #tpu.memory_space<hbm>> -> memref<10112x128xf32, #tpu.memory_space<hbm>>
    tpu.enqueue_indirect_dma source(%dma_start3A_31 : memref<10112x128xf32, #tpu.memory_space<hbm>>) target(%arg16 : memref<128x128xf32, #tpu.memory_space<vmem>>) offsets(%arg9 : memref<128xi32, #tpu.memory_space<vmem>>) semaphore(%arg19 : memref<!tpu.dma_semaphore, #tpu.memory_space<semaphore_mem>>)
    %scan3A = arith.constant 0 : i32
    %scan3A_32 = arith.constant 20 : i32
    %scan3A_33 = arith.addi %scan3A, %scan3A_32 : i32
    %scan3A_34 = arith.constant 1 : i32
    scf.for %scan3A_58 = %scan3A to %scan3A_33 step %scan3A_34  : i32 {
      %mul3A_59 = arith.constant 1 : i32
      %mul3A_60 = arith.muli %scan3A_58, %mul3A_59 : i32
      %add3A_61 = arith.constant 0 : i32
      %add3A_62 = arith.addi %add3A_61, %mul3A_60 : i32
      %mul3A_63 = arith.constant 4 : i32
      %mul3A_64 = arith.muli %mul3A_63, %add3A_62 : i32
      %mul3A_65 = arith.constant 128 : i32
      %mul3A_66 = arith.muli %mul3A_64, %mul3A_65 : i32
      %add3A_67 = arith.addi %mul3A_6, %mul3A_66 : i32
      %dma_wait3A_68 = arith.constant 0 : i32
      %dma_wait3A_69 = arith.constant 0 : i32
      %dma_wait3A_70 = tpu.memref_slice %arg5[%dma_wait3A_68, %dma_wait3A_69] : memref<10112x128xf32, #tpu.memory_space<hbm>> -> memref<10112x128xf32, #tpu.memory_space<hbm>>
      tpu.wait_indirect_dma semaphore(%arg18 : memref<!tpu.dma_semaphore, #tpu.memory_space<semaphore_mem>>) src(%dma_wait3A_70 : memref<10112x128xf32, #tpu.memory_space<hbm>>) dst(%arg15 : memref<128x128xf32, #tpu.memory_space<vmem>>)
      "tpu.region"() ({
        %run_scoped3A = tpu.sem_alloc : memref<!tpu.dma_semaphore, #tpu.memory_space<semaphore_mem>>
        %dma_start3A_156 = arith.constant 0 : i32
        %dma_start3A_157 = arith.constant 0 : i32
        %dma_start3A_158 = tpu.memref_slice %arg17[%dma_start3A_156, %dma_start3A_157] : memref<10112x128xf32, #tpu.memory_space<vmem_shared>> -> memref<10112x128xf32, #tpu.memory_space<vmem_shared>>
        tpu.enqueue_indirect_dma source(%arg15 : memref<128x128xf32, #tpu.memory_space<vmem>>) target(%dma_start3A_158 : memref<10112x128xf32, #tpu.memory_space<vmem_shared>>) offsets(%arg8 : memref<128xi32, #tpu.memory_space<vmem>>) semaphore(%run_scoped3A : memref<!tpu.dma_semaphore, #tpu.memory_space<semaphore_mem>>) {add = true}
        %dma_wait3A_159 = arith.constant 0 : i32
        %dma_wait3A_160 = arith.constant 0 : i32
        %dma_wait3A_161 = tpu.memref_slice %arg17[%dma_wait3A_159, %dma_wait3A_160] : memref<10112x128xf32, #tpu.memory_space<vmem_shared>> -> memref<10112x128xf32, #tpu.memory_space<vmem_shared>>
        tpu.wait_indirect_dma semaphore(%run_scoped3A : memref<!tpu.dma_semaphore, #tpu.memory_space<semaphore_mem>>) src(%arg15 : memref<128x128xf32, #tpu.memory_space<vmem>>) dst(%dma_wait3A_161 : memref<10112x128xf32, #tpu.memory_space<vmem_shared>>)
        tpu.yield
      }) : () -> ()
      %add3A_71 = arith.constant 512 : i32
      %add3A_72 = arith.addi %add3A_67, %add3A_71 : i32
      %dma_start3A_73 = tpu.memref_slice %arg3[%add3A_72] : memref<328704xi32, #tpu.memory_space<hbm>> -> memref<128xi32, #tpu.memory_space<hbm>>
      %dma_start3A_74 = tpu.memref_slice %arg3[%add3A_72] : memref<328704xi32, #tpu.memory_space<hbm>> -> memref<128xi32, #tpu.memory_space<hbm>>
      tpu.enqueue_dma source(%dma_start3A_74 : memref<128xi32, #tpu.memory_space<hbm>>) target(%arg7 : memref<128xi32, #tpu.memory_space<vmem>>) target_semaphore(%arg20 : memref<!tpu.dma_semaphore, #tpu.memory_space<semaphore_mem>>)
      %add3A_75 = arith.constant 512 : i32
      %add3A_76 = arith.addi %add3A_67, %add3A_75 : i32
      %dma_start3A_77 = tpu.memref_slice %arg4[%add3A_76] : memref<328704xi32, #tpu.memory_space<hbm>> -> memref<128xi32, #tpu.memory_space<hbm>>
      %dma_start3A_78 = tpu.memref_slice %arg4[%add3A_76] : memref<328704xi32, #tpu.memory_space<hbm>> -> memref<128xi32, #tpu.memory_space<hbm>>
      tpu.enqueue_dma source(%dma_start3A_78 : memref<128xi32, #tpu.memory_space<hbm>>) target(%arg8 : memref<128xi32, #tpu.memory_space<vmem>>) target_semaphore(%arg20 : memref<!tpu.dma_semaphore, #tpu.memory_space<semaphore_mem>>)
      %dma_wait3A_79 = arith.constant 0 : i32
      %dma_wait3A_80 = tpu.memref_slice %arg3[%dma_wait3A_79] : memref<328704xi32, #tpu.memory_space<hbm>> -> memref<128xi32, #tpu.memory_space<hbm>>
      %dma_wait3A_81 = arith.constant 0 : i32
      %dma_wait3A_82 = tpu.memref_slice %arg3[%dma_wait3A_81] : memref<328704xi32, #tpu.memory_space<hbm>> -> memref<128xi32, #tpu.memory_space<hbm>>
      tpu.wait_dma2 semaphore(%arg22 : memref<!tpu.dma_semaphore, #tpu.memory_space<semaphore_mem>>) src(%dma_wait3A_82 : memref<128xi32, #tpu.memory_space<hbm>>) dst(%arg11 : memref<128xi32, #tpu.memory_space<vmem>>)
      %dma_wait3A_83 = arith.constant 0 : i32
      %dma_wait3A_84 = tpu.memref_slice %arg4[%dma_wait3A_83] : memref<328704xi32, #tpu.memory_space<hbm>> -> memref<128xi32, #tpu.memory_space<hbm>>
      %dma_wait3A_85 = arith.constant 0 : i32
      %dma_wait3A_86 = tpu.memref_slice %arg4[%dma_wait3A_85] : memref<328704xi32, #tpu.memory_space<hbm>> -> memref<128xi32, #tpu.memory_space<hbm>>
      tpu.wait_dma2 semaphore(%arg22 : memref<!tpu.dma_semaphore, #tpu.memory_space<semaphore_mem>>) src(%dma_wait3A_86 : memref<128xi32, #tpu.memory_space<hbm>>) dst(%arg12 : memref<128xi32, #tpu.memory_space<vmem>>)
      %dma_start3A_87 = arith.constant 0 : i32
      %dma_start3A_88 = arith.constant 0 : i32
      %dma_start3A_89 = tpu.memref_slice %arg5[%dma_start3A_87, %dma_start3A_88] : memref<10112x128xf32, #tpu.memory_space<hbm>> -> memref<10112x128xf32, #tpu.memory_space<hbm>>
      tpu.enqueue_indirect_dma source(%dma_start3A_89 : memref<10112x128xf32, #tpu.memory_space<hbm>>) target(%arg15 : memref<128x128xf32, #tpu.memory_space<vmem>>) offsets(%arg11 : memref<128xi32, #tpu.memory_space<vmem>>) semaphore(%arg18 : memref<!tpu.dma_semaphore, #tpu.memory_space<semaphore_mem>>)
      %dma_wait3A_90 = arith.constant 0 : i32
      %dma_wait3A_91 = arith.constant 0 : i32
      %dma_wait3A_92 = tpu.memref_slice %arg5[%dma_wait3A_90, %dma_wait3A_91] : memref<10112x128xf32, #tpu.memory_space<hbm>> -> memref<10112x128xf32, #tpu.memory_space<hbm>>
      tpu.wait_indirect_dma semaphore(%arg19 : memref<!tpu.dma_semaphore, #tpu.memory_space<semaphore_mem>>) src(%dma_wait3A_92 : memref<10112x128xf32, #tpu.memory_space<hbm>>) dst(%arg16 : memref<128x128xf32, #tpu.memory_space<vmem>>)
      "tpu.region"() ({
        %run_scoped3A = tpu.sem_alloc : memref<!tpu.dma_semaphore, #tpu.memory_space<semaphore_mem>>
        %dma_start3A_156 = arith.constant 0 : i32
        %dma_start3A_157 = arith.constant 0 : i32
        %dma_start3A_158 = tpu.memref_slice %arg17[%dma_start3A_156, %dma_start3A_157] : memref<10112x128xf32, #tpu.memory_space<vmem_shared>> -> memref<10112x128xf32, #tpu.memory_space<vmem_shared>>
        tpu.enqueue_indirect_dma source(%arg16 : memref<128x128xf32, #tpu.memory_space<vmem>>) target(%dma_start3A_158 : memref<10112x128xf32, #tpu.memory_space<vmem_shared>>) offsets(%arg10 : memref<128xi32, #tpu.memory_space<vmem>>) semaphore(%run_scoped3A : memref<!tpu.dma_semaphore, #tpu.memory_space<semaphore_mem>>) {add = true}
        %dma_wait3A_159 = arith.constant 0 : i32
        %dma_wait3A_160 = arith.constant 0 : i32
        %dma_wait3A_161 = tpu.memref_slice %arg17[%dma_wait3A_159, %dma_wait3A_160] : memref<10112x128xf32, #tpu.memory_space<vmem_shared>> -> memref<10112x128xf32, #tpu.memory_space<vmem_shared>>
        tpu.wait_indirect_dma semaphore(%run_scoped3A : memref<!tpu.dma_semaphore, #tpu.memory_space<semaphore_mem>>) src(%arg16 : memref<128x128xf32, #tpu.memory_space<vmem>>) dst(%dma_wait3A_161 : memref<10112x128xf32, #tpu.memory_space<vmem_shared>>)
        tpu.yield
      }) : () -> ()
      %add3A_93 = arith.constant 640 : i32
      %add3A_94 = arith.addi %add3A_67, %add3A_93 : i32
      %dma_start3A_95 = tpu.memref_slice %arg3[%add3A_94] : memref<328704xi32, #tpu.memory_space<hbm>> -> memref<128xi32, #tpu.memory_space<hbm>>
      %dma_start3A_96 = tpu.memref_slice %arg3[%add3A_94] : memref<328704xi32, #tpu.memory_space<hbm>> -> memref<128xi32, #tpu.memory_space<hbm>>
      tpu.enqueue_dma source(%dma_start3A_96 : memref<128xi32, #tpu.memory_space<hbm>>) target(%arg9 : memref<128xi32, #tpu.memory_space<vmem>>) target_semaphore(%arg21 : memref<!tpu.dma_semaphore, #tpu.memory_space<semaphore_mem>>)
      %add3A_97 = arith.constant 640 : i32
      %add3A_98 = arith.addi %add3A_67, %add3A_97 : i32
      %dma_start3A_99 = tpu.memref_slice %arg4[%add3A_98] : memref<328704xi32, #tpu.memory_space<hbm>> -> memref<128xi32, #tpu.memory_space<hbm>>
      %dma_start3A_100 = tpu.memref_slice %arg4[%add3A_98] : memref<328704xi32, #tpu.memory_space<hbm>> -> memref<128xi32, #tpu.memory_space<hbm>>
      tpu.enqueue_dma source(%dma_start3A_100 : memref<128xi32, #tpu.memory_space<hbm>>) target(%arg10 : memref<128xi32, #tpu.memory_space<vmem>>) target_semaphore(%arg21 : memref<!tpu.dma_semaphore, #tpu.memory_space<semaphore_mem>>)
      %dma_wait3A_101 = arith.constant 0 : i32
      %dma_wait3A_102 = tpu.memref_slice %arg3[%dma_wait3A_101] : memref<328704xi32, #tpu.memory_space<hbm>> -> memref<128xi32, #tpu.memory_space<hbm>>
      %dma_wait3A_103 = arith.constant 0 : i32
      %dma_wait3A_104 = tpu.memref_slice %arg3[%dma_wait3A_103] : memref<328704xi32, #tpu.memory_space<hbm>> -> memref<128xi32, #tpu.memory_space<hbm>>
      tpu.wait_dma2 semaphore(%arg23 : memref<!tpu.dma_semaphore, #tpu.memory_space<semaphore_mem>>) src(%dma_wait3A_104 : memref<128xi32, #tpu.memory_space<hbm>>) dst(%arg13 : memref<128xi32, #tpu.memory_space<vmem>>)
      %dma_wait3A_105 = arith.constant 0 : i32
      %dma_wait3A_106 = tpu.memref_slice %arg4[%dma_wait3A_105] : memref<328704xi32, #tpu.memory_space<hbm>> -> memref<128xi32, #tpu.memory_space<hbm>>
      %dma_wait3A_107 = arith.constant 0 : i32
      %dma_wait3A_108 = tpu.memref_slice %arg4[%dma_wait3A_107] : memref<328704xi32, #tpu.memory_space<hbm>> -> memref<128xi32, #tpu.memory_space<hbm>>
      tpu.wait_dma2 semaphore(%arg23 : memref<!tpu.dma_semaphore, #tpu.memory_space<semaphore_mem>>) src(%dma_wait3A_108 : memref<128xi32, #tpu.memory_space<hbm>>) dst(%arg14 : memref<128xi32, #tpu.memory_space<vmem>>)
      %dma_start3A_109 = arith.constant 0 : i32
      %dma_start3A_110 = arith.constant 0 : i32
      %dma_start3A_111 = tpu.memref_slice %arg5[%dma_start3A_109, %dma_start3A_110] : memref<10112x128xf32, #tpu.memory_space<hbm>> -> memref<10112x128xf32, #tpu.memory_space<hbm>>
      tpu.enqueue_indirect_dma source(%dma_start3A_111 : memref<10112x128xf32, #tpu.memory_space<hbm>>) target(%arg16 : memref<128x128xf32, #tpu.memory_space<vmem>>) offsets(%arg13 : memref<128xi32, #tpu.memory_space<vmem>>) semaphore(%arg19 : memref<!tpu.dma_semaphore, #tpu.memory_space<semaphore_mem>>)
      %dma_wait3A_112 = arith.constant 0 : i32
      %dma_wait3A_113 = arith.constant 0 : i32
      %dma_wait3A_114 = tpu.memref_slice %arg5[%dma_wait3A_112, %dma_wait3A_113] : memref<10112x128xf32, #tpu.memory_space<hbm>> -> memref<10112x128xf32, #tpu.memory_space<hbm>>
      tpu.wait_indirect_dma semaphore(%arg18 : memref<!tpu.dma_semaphore, #tpu.memory_space<semaphore_mem>>) src(%dma_wait3A_114 : memref<10112x128xf32, #tpu.memory_space<hbm>>) dst(%arg15 : memref<128x128xf32, #tpu.memory_space<vmem>>)
      "tpu.region"() ({
        %run_scoped3A = tpu.sem_alloc : memref<!tpu.dma_semaphore, #tpu.memory_space<semaphore_mem>>
        %dma_start3A_156 = arith.constant 0 : i32
        %dma_start3A_157 = arith.constant 0 : i32
        %dma_start3A_158 = tpu.memref_slice %arg17[%dma_start3A_156, %dma_start3A_157] : memref<10112x128xf32, #tpu.memory_space<vmem_shared>> -> memref<10112x128xf32, #tpu.memory_space<vmem_shared>>
        tpu.enqueue_indirect_dma source(%arg15 : memref<128x128xf32, #tpu.memory_space<vmem>>) target(%dma_start3A_158 : memref<10112x128xf32, #tpu.memory_space<vmem_shared>>) offsets(%arg12 : memref<128xi32, #tpu.memory_space<vmem>>) semaphore(%run_scoped3A : memref<!tpu.dma_semaphore, #tpu.memory_space<semaphore_mem>>) {add = true}
        %dma_wait3A_159 = arith.constant 0 : i32
        %dma_wait3A_160 = arith.constant 0 : i32
        %dma_wait3A_161 = tpu.memref_slice %arg17[%dma_wait3A_159, %dma_wait3A_160] : memref<10112x128xf32, #tpu.memory_space<vmem_shared>> -> memref<10112x128xf32, #tpu.memory_space<vmem_shared>>
        tpu.wait_indirect_dma semaphore(%run_scoped3A : memref<!tpu.dma_semaphore, #tpu.memory_space<semaphore_mem>>) src(%arg15 : memref<128x128xf32, #tpu.memory_space<vmem>>) dst(%dma_wait3A_161 : memref<10112x128xf32, #tpu.memory_space<vmem_shared>>)
        tpu.yield
      }) : () -> ()
      %add3A_115 = arith.constant 768 : i32
      %add3A_116 = arith.addi %add3A_67, %add3A_115 : i32
      %dma_start3A_117 = tpu.memref_slice %arg3[%add3A_116] : memref<328704xi32, #tpu.memory_space<hbm>> -> memref<128xi32, #tpu.memory_space<hbm>>
      %dma_start3A_118 = tpu.memref_slice %arg3[%add3A_116] : memref<328704xi32, #tpu.memory_space<hbm>> -> memref<128xi32, #tpu.memory_space<hbm>>
      tpu.enqueue_dma source(%dma_start3A_118 : memref<128xi32, #tpu.memory_space<hbm>>) target(%arg11 : memref<128xi32, #tpu.memory_space<vmem>>) target_semaphore(%arg22 : memref<!tpu.dma_semaphore, #tpu.memory_space<semaphore_mem>>)
      %add3A_119 = arith.constant 768 : i32
      %add3A_120 = arith.addi %add3A_67, %add3A_119 : i32
      %dma_start3A_121 = tpu.memref_slice %arg4[%add3A_120] : memref<328704xi32, #tpu.memory_space<hbm>> -> memref<128xi32, #tpu.memory_space<hbm>>
      %dma_start3A_122 = tpu.memref_slice %arg4[%add3A_120] : memref<328704xi32, #tpu.memory_space<hbm>> -> memref<128xi32, #tpu.memory_space<hbm>>
      tpu.enqueue_dma source(%dma_start3A_122 : memref<128xi32, #tpu.memory_space<hbm>>) target(%arg12 : memref<128xi32, #tpu.memory_space<vmem>>) target_semaphore(%arg22 : memref<!tpu.dma_semaphore, #tpu.memory_space<semaphore_mem>>)
      %dma_wait3A_123 = arith.constant 0 : i32
      %dma_wait3A_124 = tpu.memref_slice %arg3[%dma_wait3A_123] : memref<328704xi32, #tpu.memory_space<hbm>> -> memref<128xi32, #tpu.memory_space<hbm>>
      %dma_wait3A_125 = arith.constant 0 : i32
      %dma_wait3A_126 = tpu.memref_slice %arg3[%dma_wait3A_125] : memref<328704xi32, #tpu.memory_space<hbm>> -> memref<128xi32, #tpu.memory_space<hbm>>
      tpu.wait_dma2 semaphore(%arg20 : memref<!tpu.dma_semaphore, #tpu.memory_space<semaphore_mem>>) src(%dma_wait3A_126 : memref<128xi32, #tpu.memory_space<hbm>>) dst(%arg7 : memref<128xi32, #tpu.memory_space<vmem>>)
      %dma_wait3A_127 = arith.constant 0 : i32
      %dma_wait3A_128 = tpu.memref_slice %arg4[%dma_wait3A_127] : memref<328704xi32, #tpu.memory_space<hbm>> -> memref<128xi32, #tpu.memory_space<hbm>>
      %dma_wait3A_129 = arith.constant 0 : i32
      %dma_wait3A_130 = tpu.memref_slice %arg4[%dma_wait3A_129] : memref<328704xi32, #tpu.memory_space<hbm>> -> memref<128xi32, #tpu.memory_space<hbm>>
      tpu.wait_dma2 semaphore(%arg20 : memref<!tpu.dma_semaphore, #tpu.memory_space<semaphore_mem>>) src(%dma_wait3A_130 : memref<128xi32, #tpu.memory_space<hbm>>) dst(%arg8 : memref<128xi32, #tpu.memory_space<vmem>>)
      %dma_start3A_131 = arith.constant 0 : i32
      %dma_start3A_132 = arith.constant 0 : i32
      %dma_start3A_133 = tpu.memref_slice %arg5[%dma_start3A_131, %dma_start3A_132] : memref<10112x128xf32, #tpu.memory_space<hbm>> -> memref<10112x128xf32, #tpu.memory_space<hbm>>
      tpu.enqueue_indirect_dma source(%dma_start3A_133 : memref<10112x128xf32, #tpu.memory_space<hbm>>) target(%arg15 : memref<128x128xf32, #tpu.memory_space<vmem>>) offsets(%arg7 : memref<128xi32, #tpu.memory_space<vmem>>) semaphore(%arg18 : memref<!tpu.dma_semaphore, #tpu.memory_space<semaphore_mem>>)
      %dma_wait3A_134 = arith.constant 0 : i32
      %dma_wait3A_135 = arith.constant 0 : i32
      %dma_wait3A_136 = tpu.memref_slice %arg5[%dma_wait3A_134, %dma_wait3A_135] : memref<10112x128xf32, #tpu.memory_space<hbm>> -> memref<10112x128xf32, #tpu.memory_space<hbm>>
      tpu.wait_indirect_dma semaphore(%arg19 : memref<!tpu.dma_semaphore, #tpu.memory_space<semaphore_mem>>) src(%dma_wait3A_136 : memref<10112x128xf32, #tpu.memory_space<hbm>>) dst(%arg16 : memref<128x128xf32, #tpu.memory_space<vmem>>)
      "tpu.region"() ({
        %run_scoped3A = tpu.sem_alloc : memref<!tpu.dma_semaphore, #tpu.memory_space<semaphore_mem>>
        %dma_start3A_156 = arith.constant 0 : i32
        %dma_start3A_157 = arith.constant 0 : i32
        %dma_start3A_158 = tpu.memref_slice %arg17[%dma_start3A_156, %dma_start3A_157] : memref<10112x128xf32, #tpu.memory_space<vmem_shared>> -> memref<10112x128xf32, #tpu.memory_space<vmem_shared>>
        tpu.enqueue_indirect_dma source(%arg16 : memref<128x128xf32, #tpu.memory_space<vmem>>) target(%dma_start3A_158 : memref<10112x128xf32, #tpu.memory_space<vmem_shared>>) offsets(%arg14 : memref<128xi32, #tpu.memory_space<vmem>>) semaphore(%run_scoped3A : memref<!tpu.dma_semaphore, #tpu.memory_space<semaphore_mem>>) {add = true}
        %dma_wait3A_159 = arith.constant 0 : i32
        %dma_wait3A_160 = arith.constant 0 : i32
        %dma_wait3A_161 = tpu.memref_slice %arg17[%dma_wait3A_159, %dma_wait3A_160] : memref<10112x128xf32, #tpu.memory_space<vmem_shared>> -> memref<10112x128xf32, #tpu.memory_space<vmem_shared>>
        tpu.wait_indirect_dma semaphore(%run_scoped3A : memref<!tpu.dma_semaphore, #tpu.memory_space<semaphore_mem>>) src(%arg16 : memref<128x128xf32, #tpu.memory_space<vmem>>) dst(%dma_wait3A_161 : memref<10112x128xf32, #tpu.memory_space<vmem_shared>>)
        tpu.yield
      }) : () -> ()
      %add3A_137 = arith.constant 896 : i32
      %add3A_138 = arith.addi %add3A_67, %add3A_137 : i32
      %dma_start3A_139 = tpu.memref_slice %arg3[%add3A_138] : memref<328704xi32, #tpu.memory_space<hbm>> -> memref<128xi32, #tpu.memory_space<hbm>>
      %dma_start3A_140 = tpu.memref_slice %arg3[%add3A_138] : memref<328704xi32, #tpu.memory_space<hbm>> -> memref<128xi32, #tpu.memory_space<hbm>>
      tpu.enqueue_dma source(%dma_start3A_140 : memref<128xi32, #tpu.memory_space<hbm>>) target(%arg13 : memref<128xi32, #tpu.memory_space<vmem>>) target_semaphore(%arg23 : memref<!tpu.dma_semaphore, #tpu.memory_space<semaphore_mem>>)
      %add3A_141 = arith.constant 896 : i32
      %add3A_142 = arith.addi %add3A_67, %add3A_141 : i32
      %dma_start3A_143 = tpu.memref_slice %arg4[%add3A_142] : memref<328704xi32, #tpu.memory_space<hbm>> -> memref<128xi32, #tpu.memory_space<hbm>>
      %dma_start3A_144 = tpu.memref_slice %arg4[%add3A_142] : memref<328704xi32, #tpu.memory_space<hbm>> -> memref<128xi32, #tpu.memory_space<hbm>>
      tpu.enqueue_dma source(%dma_start3A_144 : memref<128xi32, #tpu.memory_space<hbm>>) target(%arg14 : memref<128xi32, #tpu.memory_space<vmem>>) target_semaphore(%arg23 : memref<!tpu.dma_semaphore, #tpu.memory_space<semaphore_mem>>)
      %dma_wait3A_145 = arith.constant 0 : i32
      %dma_wait3A_146 = tpu.memref_slice %arg3[%dma_wait3A_145] : memref<328704xi32, #tpu.memory_space<hbm>> -> memref<128xi32, #tpu.memory_space<hbm>>
      %dma_wait3A_147 = arith.constant 0 : i32
      %dma_wait3A_148 = tpu.memref_slice %arg3[%dma_wait3A_147] : memref<328704xi32, #tpu.memory_space<hbm>> -> memref<128xi32, #tpu.memory_space<hbm>>
      tpu.wait_dma2 semaphore(%arg21 : memref<!tpu.dma_semaphore, #tpu.memory_space<semaphore_mem>>) src(%dma_wait3A_148 : memref<128xi32, #tpu.memory_space<hbm>>) dst(%arg9 : memref<128xi32, #tpu.memory_space<vmem>>)
      %dma_wait3A_149 = arith.constant 0 : i32
      %dma_wait3A_150 = tpu.memref_slice %arg4[%dma_wait3A_149] : memref<328704xi32, #tpu.memory_space<hbm>> -> memref<128xi32, #tpu.memory_space<hbm>>
      %dma_wait3A_151 = arith.constant 0 : i32
      %dma_wait3A_152 = tpu.memref_slice %arg4[%dma_wait3A_151] : memref<328704xi32, #tpu.memory_space<hbm>> -> memref<128xi32, #tpu.memory_space<hbm>>
      tpu.wait_dma2 semaphore(%arg21 : memref<!tpu.dma_semaphore, #tpu.memory_space<semaphore_mem>>) src(%dma_wait3A_152 : memref<128xi32, #tpu.memory_space<hbm>>) dst(%arg10 : memref<128xi32, #tpu.memory_space<vmem>>)
      %dma_start3A_153 = arith.constant 0 : i32
      %dma_start3A_154 = arith.constant 0 : i32
      %dma_start3A_155 = tpu.memref_slice %arg5[%dma_start3A_153, %dma_start3A_154] : memref<10112x128xf32, #tpu.memory_space<hbm>> -> memref<10112x128xf32, #tpu.memory_space<hbm>>
      tpu.enqueue_indirect_dma source(%dma_start3A_155 : memref<10112x128xf32, #tpu.memory_space<hbm>>) target(%arg16 : memref<128x128xf32, #tpu.memory_space<vmem>>) offsets(%arg9 : memref<128xi32, #tpu.memory_space<vmem>>) semaphore(%arg19 : memref<!tpu.dma_semaphore, #tpu.memory_space<semaphore_mem>>)
    }
    %scan3A_35 = arith.constant 20 : i32
    %dma_wait3A = arith.constant 0 : i32
    %dma_wait3A_36 = arith.constant 0 : i32
    %dma_wait3A_37 = tpu.memref_slice %arg5[%dma_wait3A, %dma_wait3A_36] : memref<10112x128xf32, #tpu.memory_space<hbm>> -> memref<10112x128xf32, #tpu.memory_space<hbm>>
    tpu.wait_indirect_dma semaphore(%arg18 : memref<!tpu.dma_semaphore, #tpu.memory_space<semaphore_mem>>) src(%dma_wait3A_37 : memref<10112x128xf32, #tpu.memory_space<hbm>>) dst(%arg15 : memref<128x128xf32, #tpu.memory_space<vmem>>)
    %dma_wait3A_38 = arith.constant 0 : i32
    %dma_wait3A_39 = arith.constant 0 : i32
    %dma_wait3A_40 = tpu.memref_slice %arg5[%dma_wait3A_38, %dma_wait3A_39] : memref<10112x128xf32, #tpu.memory_space<hbm>> -> memref<10112x128xf32, #tpu.memory_space<hbm>>
    tpu.wait_indirect_dma semaphore(%arg19 : memref<!tpu.dma_semaphore, #tpu.memory_space<semaphore_mem>>) src(%dma_wait3A_40 : memref<10112x128xf32, #tpu.memory_space<hbm>>) dst(%arg16 : memref<128x128xf32, #tpu.memory_space<vmem>>)
    %dma_wait3A_41 = arith.constant 0 : i32
    %dma_wait3A_42 = tpu.memref_slice %arg3[%dma_wait3A_41] : memref<328704xi32, #tpu.memory_space<hbm>> -> memref<128xi32, #tpu.memory_space<hbm>>
    %dma_wait3A_43 = arith.constant 0 : i32
    %dma_wait3A_44 = tpu.memref_slice %arg3[%dma_wait3A_43] : memref<328704xi32, #tpu.memory_space<hbm>> -> memref<128xi32, #tpu.memory_space<hbm>>
    tpu.wait_dma2 semaphore(%arg22 : memref<!tpu.dma_semaphore, #tpu.memory_space<semaphore_mem>>) src(%dma_wait3A_44 : memref<128xi32, #tpu.memory_space<hbm>>) dst(%arg11 : memref<128xi32, #tpu.memory_space<vmem>>)
    %dma_wait3A_45 = arith.constant 0 : i32
    %dma_wait3A_46 = tpu.memref_slice %arg4[%dma_wait3A_45] : memref<328704xi32, #tpu.memory_space<hbm>> -> memref<128xi32, #tpu.memory_space<hbm>>
    %dma_wait3A_47 = arith.constant 0 : i32
    %dma_wait3A_48 = tpu.memref_slice %arg4[%dma_wait3A_47] : memref<328704xi32, #tpu.memory_space<hbm>> -> memref<128xi32, #tpu.memory_space<hbm>>
    tpu.wait_dma2 semaphore(%arg22 : memref<!tpu.dma_semaphore, #tpu.memory_space<semaphore_mem>>) src(%dma_wait3A_48 : memref<128xi32, #tpu.memory_space<hbm>>) dst(%arg12 : memref<128xi32, #tpu.memory_space<vmem>>)
    %dma_wait3A_49 = arith.constant 0 : i32
    %dma_wait3A_50 = tpu.memref_slice %arg3[%dma_wait3A_49] : memref<328704xi32, #tpu.memory_space<hbm>> -> memref<128xi32, #tpu.memory_space<hbm>>
    %dma_wait3A_51 = arith.constant 0 : i32
    %dma_wait3A_52 = tpu.memref_slice %arg3[%dma_wait3A_51] : memref<328704xi32, #tpu.memory_space<hbm>> -> memref<128xi32, #tpu.memory_space<hbm>>
    tpu.wait_dma2 semaphore(%arg23 : memref<!tpu.dma_semaphore, #tpu.memory_space<semaphore_mem>>) src(%dma_wait3A_52 : memref<128xi32, #tpu.memory_space<hbm>>) dst(%arg13 : memref<128xi32, #tpu.memory_space<vmem>>)
    %dma_wait3A_53 = arith.constant 0 : i32
    %dma_wait3A_54 = tpu.memref_slice %arg4[%dma_wait3A_53] : memref<328704xi32, #tpu.memory_space<hbm>> -> memref<128xi32, #tpu.memory_space<hbm>>
    %dma_wait3A_55 = arith.constant 0 : i32
    %dma_wait3A_56 = tpu.memref_slice %arg4[%dma_wait3A_55] : memref<328704xi32, #tpu.memory_space<hbm>> -> memref<128xi32, #tpu.memory_space<hbm>>
    tpu.wait_dma2 semaphore(%arg23 : memref<!tpu.dma_semaphore, #tpu.memory_space<semaphore_mem>>) src(%dma_wait3A_56 : memref<128xi32, #tpu.memory_space<hbm>>) dst(%arg14 : memref<128xi32, #tpu.memory_space<vmem>>)
    %barrier3A_57 = arith.constant 0 : index
    tpu.barrier barrier_id(%barrier3A_57)
    "tpu.region"() ({
      %run_scoped3A = tpu.sem_alloc : memref<!tpu.dma_semaphore, #tpu.memory_space<semaphore_mem>>
      %dma_start3A_58 = arith.constant 0 : i32
      %dma_start3A_59 = tpu.memref_slice %arg6[%arg0, %mul3A_2, %dma_start3A_58] : memref<2x10112x128xf32, #tpu.memory_space<hbm>> -> memref<1x632x128xf32, #tpu.memory_space<hbm>>
      %dma_start3A_60 = tpu.memref_squeeze %dma_start3A_59 : memref<1x632x128xf32, #tpu.memory_space<hbm>> -> memref<632x128xf32, #tpu.memory_space<hbm>>
      %dma_start3A_61 = arith.constant 0 : i32
      %dma_start3A_62 = tpu.memref_slice %arg17[%mul3A_2, %dma_start3A_61] : memref<10112x128xf32, #tpu.memory_space<vmem_shared>> -> memref<632x128xf32, #tpu.memory_space<vmem_shared>>
      tpu.enqueue_dma source(%dma_start3A_62 : memref<632x128xf32, #tpu.memory_space<vmem_shared>>) target(%dma_start3A_60 : memref<632x128xf32, #tpu.memory_space<hbm>>) target_semaphore(%run_scoped3A : memref<!tpu.dma_semaphore, #tpu.memory_space<semaphore_mem>>)
      %dma_wait3A_63 = arith.constant 0 : i32
      %dma_wait3A_64 = tpu.memref_slice %arg6[%arg0, %mul3A_2, %dma_wait3A_63] : memref<2x10112x128xf32, #tpu.memory_space<hbm>> -> memref<1x632x128xf32, #tpu.memory_space<hbm>>
      %dma_wait3A_65 = tpu.memref_squeeze %dma_wait3A_64 : memref<1x632x128xf32, #tpu.memory_space<hbm>> -> memref<632x128xf32, #tpu.memory_space<hbm>>
      %dma_wait3A_66 = arith.constant 0 : i32
      %dma_wait3A_67 = tpu.memref_slice %arg17[%mul3A_2, %dma_wait3A_66] : memref<10112x128xf32, #tpu.memory_space<vmem_shared>> -> memref<632x128xf32, #tpu.memory_space<vmem_shared>>
      tpu.wait_dma2 semaphore(%run_scoped3A : memref<!tpu.dma_semaphore, #tpu.memory_space<semaphore_mem>>) src(%dma_wait3A_67 : memref<632x128xf32, #tpu.memory_space<vmem_shared>>) dst(%dma_wait3A_65 : memref<632x128xf32, #tpu.memory_space<hbm>>)
      tpu.yield
    }) : () -> ()
    return
  }
}

module attributes {stable_mosaic.version = 14 : i64} {
  func.func @_scale_body(%arg0: i32, %arg1: memref<2x1024x128xf32, #tpu.memory_space<vmem>>, %arg2: memref<1024x128xf32, #tpu.memory_space<vmem>>, %arg3: memref<1024x128xf32, #tpu.memory_space<vmem>>, %arg4: memref<1024x128xf32, #tpu.memory_space<vmem>>) attributes {dimension_semantics = [#tpu.dimension_semantics<arbitrary>], iteration_bounds = array<i64: 10>, scalar_prefetch = 0 : i64, scratch_operands = 0 : i64, tpu.core_type = #tpu.core_type<tc>, window_params = [{transform_indices = @transform_0, window_bounds = array<i64: 2, 1024, 128>}, {transform_indices = @transform_1, window_bounds = array<i64: 1024, 128>}, {transform_indices = @transform_2, window_bounds = array<i64: 1024, 128>}, {transform_indices = @transform_3, window_bounds = array<i64: 1024, 128>}]} {
    %get3A = arith.constant 0 : index
    %get3A_0 = arith.constant 0 : index
    %get3A_1 = arith.constant 0 : index
    %get3A_2 = vector.load %arg1[%get3A, %get3A_0, %get3A_1] : memref<2x1024x128xf32, #tpu.memory_space<vmem>>, vector<1x1024x1xf32>
    %get3A_3 = vector.shape_cast %get3A_2 : vector<1x1024x1xf32> to vector<1024x1xf32>
    %get3A_4 = arith.constant 1 : index
    %get3A_5 = arith.constant 0 : index
    %get3A_6 = arith.constant 0 : index
    %get3A_7 = vector.load %arg1[%get3A_4, %get3A_5, %get3A_6] : memref<2x1024x128xf32, #tpu.memory_space<vmem>>, vector<1x1024x1xf32>
    %get3A_8 = vector.shape_cast %get3A_7 : vector<1x1024x1xf32> to vector<1024x1xf32>
    %add3A = arith.addf %get3A_3, %get3A_8 : vector<1024x1xf32>
    %add3A_9 = arith.constant 1.000000e+00 : f32
    %add3A_10 = vector.broadcast %add3A_9 : f32 to vector<1024x1xf32>
    %add3A_11 = arith.addf %add3A, %add3A_10 : vector<1024x1xf32>
    %rsqrt3A = math.rsqrt %add3A_11 : vector<1024x1xf32>
    %get3A_12 = arith.constant 0 : index
    %get3A_13 = arith.constant 0 : index
    %get3A_14 = vector.load %arg2[%get3A_12, %get3A_13] : memref<1024x128xf32, #tpu.memory_space<vmem>>, vector<1024x128xf32>
    %mul3A = vector.broadcast %rsqrt3A : vector<1024x1xf32> to vector<1024x128xf32>
    %mul3A_15 = arith.mulf %get3A_14, %mul3A : vector<1024x128xf32>
    %swap3A = arith.constant 0 : index
    %swap3A_16 = arith.constant 0 : index
    %swap3A_17 = vector.load %arg3[%swap3A, %swap3A_16] : memref<1024x128xf32, #tpu.memory_space<vmem>>, vector<1024x128xf32>
    tpu.vector_store %arg3[%swap3A, %swap3A_16], %mul3A_15 {strides = array<i32>} : memref<1024x128xf32, #tpu.memory_space<vmem>>, vector<1024x128xf32>,
    %broadcast_in_dim3A = vector.shape_cast %rsqrt3A : vector<1024x1xf32> to vector<1024x1xf32>
    %broadcast_in_dim3A_18 = vector.broadcast %broadcast_in_dim3A : vector<1024x1xf32> to vector<1024x128xf32>
    %swap3A_19 = arith.constant 0 : index
    %swap3A_20 = arith.constant 0 : index
    %swap3A_21 = vector.load %arg4[%swap3A_19, %swap3A_20] : memref<1024x128xf32, #tpu.memory_space<vmem>>, vector<1024x128xf32>
    tpu.vector_store %arg4[%swap3A_19, %swap3A_20], %broadcast_in_dim3A_18 {strides = array<i32>} : memref<1024x128xf32, #tpu.memory_space<vmem>>, vector<1024x128xf32>,
    return
  }
  func.func @transform_0(%arg0: i32) -> (i32, i32, i32) {
    %c0_i32 = arith.constant 0 : i32
    %c0_i32_0 = arith.constant 0 : i32
    %c0_i32_1 = arith.constant 0 : i32
    return %c0_i32, %arg0, %c0_i32_0 : i32, i32, i32
  }
  func.func @transform_1(%arg0: i32) -> (i32, i32) {
    %c0_i32 = arith.constant 0 : i32
    %c0_i32_0 = arith.constant 0 : i32
    return %arg0, %c0_i32 : i32, i32
  }
  func.func @transform_2(%arg0: i32) -> (i32, i32) {
    %c0_i32 = arith.constant 0 : i32
    %c0_i32_0 = arith.constant 0 : i32
    return %arg0, %c0_i32 : i32, i32
  }
  func.func @transform_3(%arg0: i32) -> (i32, i32) {
    %c0_i32 = arith.constant 0 : i32
    %c0_i32_0 = arith.constant 0 : i32
    return %arg0, %c0_i32 : i32, i32
  }
}

module attributes {stable_mosaic.version = 14 : i64} {
  func.func @_mm1_body(%arg0: i32, %arg1: memref<2x1024x128xf32, #tpu.memory_space<vmem>>, %arg2: memref<1024x128xf32, #tpu.memory_space<vmem>>, %arg3: memref<1024x128xf32, #tpu.memory_space<vmem>>, %arg4: memref<128x512xf32, #tpu.memory_space<vmem>>, %arg5: memref<1x512xf32, #tpu.memory_space<vmem>>, %arg6: memref<1024x128xf32, #tpu.memory_space<vmem>>, %arg7: memref<1024x128xf32, #tpu.memory_space<vmem>>, %arg8: memref<1024x128xf32, #tpu.memory_space<vmem>>, %arg9: memref<1024x128xf32, #tpu.memory_space<vmem>>) attributes {dimension_semantics = [#tpu.dimension_semantics<arbitrary>], iteration_bounds = array<i64: 10>, scalar_prefetch = 0 : i64, scratch_operands = 0 : i64, tpu.core_type = #tpu.core_type<tc>, window_params = [{transform_indices = @transform_0, window_bounds = array<i64: 2, 1024, 128>}, {transform_indices = @transform_1, window_bounds = array<i64: 1024, 128>}, {transform_indices = @transform_2, window_bounds = array<i64: 1024, 128>}, {pipeline_mode = #tpu.pipeline_mode<synchronous>, transform_indices = @transform_3, window_bounds = array<i64: 128, 512>}, {pipeline_mode = #tpu.pipeline_mode<synchronous>, transform_indices = @transform_4, window_bounds = array<i64: 1, 512>}, {transform_indices = @transform_5, window_bounds = array<i64: 1024, 128>}, {transform_indices = @transform_6, window_bounds = array<i64: 1024, 128>}, {transform_indices = @transform_7, window_bounds = array<i64: 1024, 128>}, {transform_indices = @transform_8, window_bounds = array<i64: 1024, 128>}]} {
    %get3A = arith.constant 0 : index
    %get3A_0 = arith.constant 0 : index
    %get3A_1 = vector.load %arg3[%get3A, %get3A_0] : memref<1024x128xf32, #tpu.memory_space<vmem>>, vector<1024x128xf32>
    %get3A_2 = arith.constant 0 : index
    %get3A_3 = arith.constant 0 : index
    %get3A_4 = arith.constant 0 : index
    %get3A_5 = vector.load %arg1[%get3A_2, %get3A_3, %get3A_4] : memref<2x1024x128xf32, #tpu.memory_space<vmem>>, vector<1x1024x128xf32>
    %get3A_6 = vector.shape_cast %get3A_5 : vector<1x1024x128xf32> to vector<1024x128xf32>
    %get3A_7 = arith.constant 1 : index
    %get3A_8 = arith.constant 0 : index
    %get3A_9 = arith.constant 0 : index
    %get3A_10 = vector.load %arg1[%get3A_7, %get3A_8, %get3A_9] : memref<2x1024x128xf32, #tpu.memory_space<vmem>>, vector<1x1024x128xf32>
    %get3A_11 = vector.shape_cast %get3A_10 : vector<1x1024x128xf32> to vector<1024x128xf32>
    %add3A = arith.addf %get3A_6, %get3A_11 : vector<1024x128xf32>
    %get3A_12 = arith.constant 0 : index
    %get3A_13 = arith.constant 0 : index
    %get3A_14 = vector.load %arg2[%get3A_12, %get3A_13] : memref<1024x128xf32, #tpu.memory_space<vmem>>, vector<1024x128xf32>
    %add3A_15 = arith.addf %add3A, %get3A_14 : vector<1024x128xf32>
    %mul3A = arith.mulf %add3A_15, %get3A_1 : vector<1024x128xf32>
    %get3A_16 = arith.constant 0 : index
    %get3A_17 = arith.constant 0 : index
    %get3A_18 = vector.load %arg4[%get3A_16, %get3A_17] : memref<128x512xf32, #tpu.memory_space<vmem>>, vector<128x512xf32>
    %dot_general3A = arith.constant dense<0.000000e+00> : vector<1024x512xf32>
    %dot_general3A_19 = tpu.matmul %mul3A, %get3A_18, %dot_general3A {dimension_numbers = #tpu.dot_dimension_numbers<[1], [0], [0], [1], [0, 0, 1, 1], [], []>, transpose_lhs_hint = false} : vector<1024x128xf32>, vector<128x512xf32>, vector<1024x512xf32> -> vector<1024x512xf32>
    %get3A_20 = arith.constant 0 : index
    %get3A_21 = arith.constant 0 : index
    %get3A_22 = vector.load %arg5[%get3A_20, %get3A_21] : memref<1x512xf32, #tpu.memory_space<vmem>>, vector<1x512xf32>
    %add3A_23 = vector.broadcast %get3A_22 : vector<1x512xf32> to vector<1024x512xf32>
    %add3A_24 = arith.addf %dot_general3A_19, %add3A_23 : vector<1024x512xf32>
    %max3A = arith.constant 0.000000e+00 : f32
    %max3A_25 = vector.broadcast %max3A : f32 to vector<1024x512xf32>
    %max3A_26 = arith.maximumf %add3A_24, %max3A_25 : vector<1024x512xf32>
    %slice3A = vector.extract_strided_slice %get3A_1 {offsets = [0, 0], sizes = [1024, 1], strides = [1, 1]} : vector<1024x128xf32> to vector<1024x1xf32>
    %mul3A_27 = vector.broadcast %slice3A : vector<1024x1xf32> to vector<1024x512xf32>
    %mul3A_28 = arith.mulf %max3A_26, %mul3A_27 : vector<1024x512xf32>
    %slice3A_29 = vector.extract_strided_slice %mul3A_28 {offsets = [0, 0], sizes = [1024, 128], strides = [1, 1]} : vector<1024x512xf32> to vector<1024x128xf32>
    %swap3A = arith.constant 0 : index
    %swap3A_30 = arith.constant 0 : index
    %swap3A_31 = vector.load %arg6[%swap3A, %swap3A_30] : memref<1024x128xf32, #tpu.memory_space<vmem>>, vector<1024x128xf32>
    tpu.vector_store %arg6[%swap3A, %swap3A_30], %slice3A_29 {strides = array<i32>} : memref<1024x128xf32, #tpu.memory_space<vmem>>, vector<1024x128xf32>,
    %slice3A_32 = vector.extract_strided_slice %mul3A_28 {offsets = [0, 128], sizes = [1024, 128], strides = [1, 1]} : vector<1024x512xf32> to vector<1024x128xf32>
    %swap3A_33 = arith.constant 0 : index
    %swap3A_34 = arith.constant 0 : index
    %swap3A_35 = vector.load %arg7[%swap3A_33, %swap3A_34] : memref<1024x128xf32, #tpu.memory_space<vmem>>, vector<1024x128xf32>
    tpu.vector_store %arg7[%swap3A_33, %swap3A_34], %slice3A_32 {strides = array<i32>} : memref<1024x128xf32, #tpu.memory_space<vmem>>, vector<1024x128xf32>,
    %slice3A_36 = vector.extract_strided_slice %mul3A_28 {offsets = [0, 256], sizes = [1024, 128], strides = [1, 1]} : vector<1024x512xf32> to vector<1024x128xf32>
    %swap3A_37 = arith.constant 0 : index
    %swap3A_38 = arith.constant 0 : index
    %swap3A_39 = vector.load %arg8[%swap3A_37, %swap3A_38] : memref<1024x128xf32, #tpu.memory_space<vmem>>, vector<1024x128xf32>
    tpu.vector_store %arg8[%swap3A_37, %swap3A_38], %slice3A_36 {strides = array<i32>} : memref<1024x128xf32, #tpu.memory_space<vmem>>, vector<1024x128xf32>,
    %slice3A_40 = vector.extract_strided_slice %mul3A_28 {offsets = [0, 384], sizes = [1024, 128], strides = [1, 1]} : vector<1024x512xf32> to vector<1024x128xf32>
    %swap3A_41 = arith.constant 0 : index
    %swap3A_42 = arith.constant 0 : index
    %swap3A_43 = vector.load %arg9[%swap3A_41, %swap3A_42] : memref<1024x128xf32, #tpu.memory_space<vmem>>, vector<1024x128xf32>
    tpu.vector_store %arg9[%swap3A_41, %swap3A_42], %slice3A_40 {strides = array<i32>} : memref<1024x128xf32, #tpu.memory_space<vmem>>, vector<1024x128xf32>,
    return
  }
  func.func @transform_0(%arg0: i32) -> (i32, i32, i32) {
    %c0_i32 = arith.constant 0 : i32
    %c0_i32_0 = arith.constant 0 : i32
    %c0_i32_1 = arith.constant 0 : i32
    return %c0_i32, %arg0, %c0_i32_0 : i32, i32, i32
  }
  func.func @transform_1(%arg0: i32) -> (i32, i32) {
    %c0_i32 = arith.constant 0 : i32
    %c0_i32_0 = arith.constant 0 : i32
    return %arg0, %c0_i32 : i32, i32
  }
  func.func @transform_2(%arg0: i32) -> (i32, i32) {
    %c0_i32 = arith.constant 0 : i32
    %c0_i32_0 = arith.constant 0 : i32
    return %arg0, %c0_i32 : i32, i32
  }
  func.func @transform_3(%arg0: i32) -> (i32, i32) {
    %c0_i32 = arith.constant 0 : i32
    %c0_i32_0 = arith.constant 0 : i32
    %c0_i32_1 = arith.constant 0 : i32
    return %c0_i32, %c0_i32_0 : i32, i32
  }
  func.func @transform_4(%arg0: i32) -> (i32, i32) {
    %c0_i32 = arith.constant 0 : i32
    %c0_i32_0 = arith.constant 0 : i32
    %c0_i32_1 = arith.constant 0 : i32
    return %c0_i32, %c0_i32_0 : i32, i32
  }
  func.func @transform_5(%arg0: i32) -> (i32, i32) {
    %c0_i32 = arith.constant 0 : i32
    %c0_i32_0 = arith.constant 0 : i32
    return %arg0, %c0_i32 : i32, i32
  }
  func.func @transform_6(%arg0: i32) -> (i32, i32) {
    %c0_i32 = arith.constant 0 : i32
    %c0_i32_0 = arith.constant 0 : i32
    return %arg0, %c0_i32 : i32, i32
  }
  func.func @transform_7(%arg0: i32) -> (i32, i32) {
    %c0_i32 = arith.constant 0 : i32
    %c0_i32_0 = arith.constant 0 : i32
    return %arg0, %c0_i32 : i32, i32
  }
  func.func @transform_8(%arg0: i32) -> (i32, i32) {
    %c0_i32 = arith.constant 0 : i32
    %c0_i32_0 = arith.constant 0 : i32
    return %arg0, %c0_i32 : i32, i32
  }
}

module attributes {stable_mosaic.version = 14 : i64} {
  func.func @_mm2_body(%arg0: i32, %arg1: memref<2x1024x128xf32, #tpu.memory_space<vmem>>, %arg2: memref<2x1024x128xf32, #tpu.memory_space<vmem>>, %arg3: memref<2x1024x128xf32, #tpu.memory_space<vmem>>, %arg4: memref<2x1024x128xf32, #tpu.memory_space<vmem>>, %arg5: memref<1024x128xf32, #tpu.memory_space<vmem>>, %arg6: memref<1024x128xf32, #tpu.memory_space<vmem>>, %arg7: memref<1024x128xf32, #tpu.memory_space<vmem>>, %arg8: memref<1024x128xf32, #tpu.memory_space<vmem>>, %arg9: memref<1024x128xf32, #tpu.memory_space<vmem>>, %arg10: memref<1024x128xf32, #tpu.memory_space<vmem>>, %arg11: memref<512x768xf32, #tpu.memory_space<vmem>>, %arg12: memref<768x768xf32, #tpu.memory_space<vmem>>, %arg13: memref<1x768xf32, #tpu.memory_space<vmem>>, %arg14: memref<1x768xf32, #tpu.memory_space<vmem>>, %arg15: memref<1024x896xf32, #tpu.memory_space<vmem>>) attributes {dimension_semantics = [#tpu.dimension_semantics<arbitrary>], iteration_bounds = array<i64: 10>, scalar_prefetch = 0 : i64, scratch_operands = 0 : i64, tpu.core_type = #tpu.core_type<tc>, window_params = [{transform_indices = @transform_0, window_bounds = array<i64: 2, 1024, 128>}, {transform_indices = @transform_1, window_bounds = array<i64: 2, 1024, 128>}, {transform_indices = @transform_2, window_bounds = array<i64: 2, 1024, 128>}, {transform_indices = @transform_3, window_bounds = array<i64: 2, 1024, 128>}, {transform_indices = @transform_4, window_bounds = array<i64: 1024, 128>}, {transform_indices = @transform_5, window_bounds = array<i64: 1024, 128>}, {transform_indices = @transform_6, window_bounds = array<i64: 1024, 128>}, {transform_indices = @transform_7, window_bounds = array<i64: 1024, 128>}, {transform_indices = @transform_8, window_bounds = array<i64: 1024, 128>}, {transform_indices = @transform_9, window_bounds = array<i64: 1024, 128>}, {pipeline_mode = #tpu.pipeline_mode<synchronous>, transform_indices = @transform_10, window_bounds = array<i64: 512, 768>}, {pipeline_mode = #tpu.pipeline_mode<synchronous>, transform_indices = @transform_11, window_bounds = array<i64: 768, 768>}, {pipeline_mode = #tpu.pipeline_mode<synchronous>, transform_indices = @transform_12, window_bounds = array<i64: 1, 768>}, {pipeline_mode = #tpu.pipeline_mode<synchronous>, transform_indices = @transform_13, window_bounds = array<i64: 1, 768>}, {transform_indices = @transform_14, window_bounds = array<i64: 1024, 896>}]} {
    %get3A = arith.constant 0 : index
    %get3A_0 = arith.constant 0 : index
    %get3A_1 = vector.load %arg9[%get3A, %get3A_0] : memref<1024x128xf32, #tpu.memory_space<vmem>>, vector<1024x128xf32>
    %get3A_2 = arith.constant 0 : index
    %get3A_3 = arith.constant 0 : index
    %get3A_4 = vector.load %arg13[%get3A_2, %get3A_3] : memref<1x768xf32, #tpu.memory_space<vmem>>, vector<1x768xf32>
    %broadcast_in_dim3A = vector.shape_cast %get3A_4 : vector<1x768xf32> to vector<1x768xf32>
    %broadcast_in_dim3A_5 = vector.broadcast %broadcast_in_dim3A : vector<1x768xf32> to vector<1024x768xf32>
    %get3A_6 = arith.constant 0 : index
    %get3A_7 = arith.constant 0 : index
    %get3A_8 = arith.constant 0 : index
    %get3A_9 = vector.load %arg1[%get3A_6, %get3A_7, %get3A_8] : memref<2x1024x128xf32, #tpu.memory_space<vmem>>, vector<1x1024x128xf32>
    %get3A_10 = vector.shape_cast %get3A_9 : vector<1x1024x128xf32> to vector<1024x128xf32>
    %get3A_11 = arith.constant 1 : index
    %get3A_12 = arith.constant 0 : index
    %get3A_13 = arith.constant 0 : index
    %get3A_14 = vector.load %arg1[%get3A_11, %get3A_12, %get3A_13] : memref<2x1024x128xf32, #tpu.memory_space<vmem>>, vector<1x1024x128xf32>
    %get3A_15 = vector.shape_cast %get3A_14 : vector<1x1024x128xf32> to vector<1024x128xf32>
    %add3A = arith.addf %get3A_10, %get3A_15 : vector<1024x128xf32>
    %get3A_16 = arith.constant 0 : index
    %get3A_17 = arith.constant 0 : index
    %get3A_18 = vector.load %arg5[%get3A_16, %get3A_17] : memref<1024x128xf32, #tpu.memory_space<vmem>>, vector<1024x128xf32>
    %add3A_19 = arith.addf %add3A, %get3A_18 : vector<1024x128xf32>
    %mul3A = arith.mulf %add3A_19, %get3A_1 : vector<1024x128xf32>
    %get3A_20 = arith.constant 0 : index
    %get3A_21 = arith.constant 0 : index
    %get3A_22 = vector.load %arg11[%get3A_20, %get3A_21] : memref<512x768xf32, #tpu.memory_space<vmem>>, vector<128x768xf32>
    %dot_general3A = arith.constant dense<0.000000e+00> : vector<1024x768xf32>
    %dot_general3A_23 = tpu.matmul %mul3A, %get3A_22, %dot_general3A {dimension_numbers = #tpu.dot_dimension_numbers<[1], [0], [0], [1], [0, 0, 1, 1], [], []>, transpose_lhs_hint = false} : vector<1024x128xf32>, vector<128x768xf32>, vector<1024x768xf32> -> vector<1024x768xf32>
    %add3A_24 = arith.addf %broadcast_in_dim3A_5, %dot_general3A_23 : vector<1024x768xf32>
    %get3A_25 = arith.constant 0 : index
    %get3A_26 = arith.constant 0 : index
    %get3A_27 = arith.constant 0 : index
    %get3A_28 = vector.load %arg2[%get3A_25, %get3A_26, %get3A_27] : memref<2x1024x128xf32, #tpu.memory_space<vmem>>, vector<1x1024x128xf32>
    %get3A_29 = vector.shape_cast %get3A_28 : vector<1x1024x128xf32> to vector<1024x128xf32>
    %get3A_30 = arith.constant 1 : index
    %get3A_31 = arith.constant 0 : index
    %get3A_32 = arith.constant 0 : index
    %get3A_33 = vector.load %arg2[%get3A_30, %get3A_31, %get3A_32] : memref<2x1024x128xf32, #tpu.memory_space<vmem>>, vector<1x1024x128xf32>
    %get3A_34 = vector.shape_cast %get3A_33 : vector<1x1024x128xf32> to vector<1024x128xf32>
    %add3A_35 = arith.addf %get3A_29, %get3A_34 : vector<1024x128xf32>
    %get3A_36 = arith.constant 0 : index
    %get3A_37 = arith.constant 0 : index
    %get3A_38 = vector.load %arg6[%get3A_36, %get3A_37] : memref<1024x128xf32, #tpu.memory_space<vmem>>, vector<1024x128xf32>
    %add3A_39 = arith.addf %add3A_35, %get3A_38 : vector<1024x128xf32>
    %mul3A_40 = arith.mulf %add3A_39, %get3A_1 : vector<1024x128xf32>
    %get3A_41 = arith.constant 128 : index
    %get3A_42 = arith.constant 0 : index
    %get3A_43 = vector.load %arg11[%get3A_41, %get3A_42] : memref<512x768xf32, #tpu.memory_space<vmem>>, vector<128x768xf32>
    %dot_general3A_44 = arith.constant dense<0.000000e+00> : vector<1024x768xf32>
    %dot_general3A_45 = tpu.matmul %mul3A_40, %get3A_43, %dot_general3A_44 {dimension_numbers = #tpu.dot_dimension_numbers<[1], [0], [0], [1], [0, 0, 1, 1], [], []>, transpose_lhs_hint = false} : vector<1024x128xf32>, vector<128x768xf32>, vector<1024x768xf32> -> vector<1024x768xf32>
    %add3A_46 = arith.addf %add3A_24, %dot_general3A_45 : vector<1024x768xf32>
    %get3A_47 = arith.constant 0 : index
    %get3A_48 = arith.constant 0 : index
    %get3A_49 = arith.constant 0 : index
    %get3A_50 = vector.load %arg3[%get3A_47, %get3A_48, %get3A_49] : memref<2x1024x128xf32, #tpu.memory_space<vmem>>, vector<1x1024x128xf32>
    %get3A_51 = vector.shape_cast %get3A_50 : vector<1x1024x128xf32> to vector<1024x128xf32>
    %get3A_52 = arith.constant 1 : index
    %get3A_53 = arith.constant 0 : index
    %get3A_54 = arith.constant 0 : index
    %get3A_55 = vector.load %arg3[%get3A_52, %get3A_53, %get3A_54] : memref<2x1024x128xf32, #tpu.memory_space<vmem>>, vector<1x1024x128xf32>
    %get3A_56 = vector.shape_cast %get3A_55 : vector<1x1024x128xf32> to vector<1024x128xf32>
    %add3A_57 = arith.addf %get3A_51, %get3A_56 : vector<1024x128xf32>
    %get3A_58 = arith.constant 0 : index
    %get3A_59 = arith.constant 0 : index
    %get3A_60 = vector.load %arg7[%get3A_58, %get3A_59] : memref<1024x128xf32, #tpu.memory_space<vmem>>, vector<1024x128xf32>
    %add3A_61 = arith.addf %add3A_57, %get3A_60 : vector<1024x128xf32>
    %mul3A_62 = arith.mulf %add3A_61, %get3A_1 : vector<1024x128xf32>
    %get3A_63 = arith.constant 256 : index
    %get3A_64 = arith.constant 0 : index
    %get3A_65 = vector.load %arg11[%get3A_63, %get3A_64] : memref<512x768xf32, #tpu.memory_space<vmem>>, vector<128x768xf32>
    %dot_general3A_66 = arith.constant dense<0.000000e+00> : vector<1024x768xf32>
    %dot_general3A_67 = tpu.matmul %mul3A_62, %get3A_65, %dot_general3A_66 {dimension_numbers = #tpu.dot_dimension_numbers<[1], [0], [0], [1], [0, 0, 1, 1], [], []>, transpose_lhs_hint = false} : vector<1024x128xf32>, vector<128x768xf32>, vector<1024x768xf32> -> vector<1024x768xf32>
    %add3A_68 = arith.addf %add3A_46, %dot_general3A_67 : vector<1024x768xf32>
    %get3A_69 = arith.constant 0 : index
    %get3A_70 = arith.constant 0 : index
    %get3A_71 = arith.constant 0 : index
    %get3A_72 = vector.load %arg4[%get3A_69, %get3A_70, %get3A_71] : memref<2x1024x128xf32, #tpu.memory_space<vmem>>, vector<1x1024x128xf32>
    %get3A_73 = vector.shape_cast %get3A_72 : vector<1x1024x128xf32> to vector<1024x128xf32>
    %get3A_74 = arith.constant 1 : index
    %get3A_75 = arith.constant 0 : index
    %get3A_76 = arith.constant 0 : index
    %get3A_77 = vector.load %arg4[%get3A_74, %get3A_75, %get3A_76] : memref<2x1024x128xf32, #tpu.memory_space<vmem>>, vector<1x1024x128xf32>
    %get3A_78 = vector.shape_cast %get3A_77 : vector<1x1024x128xf32> to vector<1024x128xf32>
    %add3A_79 = arith.addf %get3A_73, %get3A_78 : vector<1024x128xf32>
    %get3A_80 = arith.constant 0 : index
    %get3A_81 = arith.constant 0 : index
    %get3A_82 = vector.load %arg8[%get3A_80, %get3A_81] : memref<1024x128xf32, #tpu.memory_space<vmem>>, vector<1024x128xf32>
    %add3A_83 = arith.addf %add3A_79, %get3A_82 : vector<1024x128xf32>
    %mul3A_84 = arith.mulf %add3A_83, %get3A_1 : vector<1024x128xf32>
    %get3A_85 = arith.constant 384 : index
    %get3A_86 = arith.constant 0 : index
    %get3A_87 = vector.load %arg11[%get3A_85, %get3A_86] : memref<512x768xf32, #tpu.memory_space<vmem>>, vector<128x768xf32>
    %dot_general3A_88 = arith.constant dense<0.000000e+00> : vector<1024x768xf32>
    %dot_general3A_89 = tpu.matmul %mul3A_84, %get3A_87, %dot_general3A_88 {dimension_numbers = #tpu.dot_dimension_numbers<[1], [0], [0], [1], [0, 0, 1, 1], [], []>, transpose_lhs_hint = false} : vector<1024x128xf32>, vector<128x768xf32>, vector<1024x768xf32> -> vector<1024x768xf32>
    %add3A_90 = arith.addf %add3A_68, %dot_general3A_89 : vector<1024x768xf32>
    %get3A_91 = arith.constant 0 : index
    %get3A_92 = arith.constant 0 : index
    %get3A_93 = vector.load %arg12[%get3A_91, %get3A_92] : memref<768x768xf32, #tpu.memory_space<vmem>>, vector<768x768xf32>
    %dot_general3A_94 = arith.constant dense<0.000000e+00> : vector<1024x768xf32>
    %dot_general3A_95 = tpu.matmul %add3A_90, %get3A_93, %dot_general3A_94 {dimension_numbers = #tpu.dot_dimension_numbers<[1], [0], [0], [1], [0, 0, 1, 1], [], []>, transpose_lhs_hint = false} : vector<1024x768xf32>, vector<768x768xf32>, vector<1024x768xf32> -> vector<1024x768xf32>
    %get3A_96 = arith.constant 0 : index
    %get3A_97 = arith.constant 0 : index
    %get3A_98 = vector.load %arg14[%get3A_96, %get3A_97] : memref<1x768xf32, #tpu.memory_space<vmem>>, vector<1x768xf32>
    %add3A_99 = vector.broadcast %get3A_98 : vector<1x768xf32> to vector<1024x768xf32>
    %add3A_100 = arith.addf %dot_general3A_95, %add3A_99 : vector<1024x768xf32>
    %max3A = arith.constant 0.000000e+00 : f32
    %max3A_101 = vector.broadcast %max3A : f32 to vector<1024x768xf32>
    %max3A_102 = arith.maximumf %add3A_100, %max3A_101 : vector<1024x768xf32>
    %get3A_103 = arith.constant 0 : index
    %get3A_104 = arith.constant 0 : index
    %get3A_105 = vector.load %arg10[%get3A_103, %get3A_104] : memref<1024x128xf32, #tpu.memory_space<vmem>>, vector<1024x128xf32>
    %swap3A = arith.constant 0 : index
    %swap3A_106 = arith.constant 0 : index
    %swap3A_107 = vector.load %arg15[%swap3A, %swap3A_106] : memref<1024x896xf32, #tpu.memory_space<vmem>>, vector<1024x128xf32>
    tpu.vector_store %arg15[%swap3A, %swap3A_106], %get3A_105 {strides = array<i32>} : memref<1024x896xf32, #tpu.memory_space<vmem>>, vector<1024x128xf32>,
    %swap3A_108 = arith.constant 0 : index
    %swap3A_109 = arith.constant 128 : index
    %swap3A_110 = vector.load %arg15[%swap3A_108, %swap3A_109] : memref<1024x896xf32, #tpu.memory_space<vmem>>, vector<1024x768xf32>
    tpu.vector_store %arg15[%swap3A_108, %swap3A_109], %max3A_102 {strides = array<i32>} : memref<1024x896xf32, #tpu.memory_space<vmem>>, vector<1024x768xf32>,
    return
  }
  func.func @transform_0(%arg0: i32) -> (i32, i32, i32) {
    %c0_i32 = arith.constant 0 : i32
    %c0_i32_0 = arith.constant 0 : i32
    %c0_i32_1 = arith.constant 0 : i32
    return %c0_i32, %arg0, %c0_i32_0 : i32, i32, i32
  }
  func.func @transform_1(%arg0: i32) -> (i32, i32, i32) {
    %c0_i32 = arith.constant 0 : i32
    %c0_i32_0 = arith.constant 0 : i32
    %c0_i32_1 = arith.constant 0 : i32
    return %c0_i32, %arg0, %c0_i32_0 : i32, i32, i32
  }
  func.func @transform_2(%arg0: i32) -> (i32, i32, i32) {
    %c0_i32 = arith.constant 0 : i32
    %c0_i32_0 = arith.constant 0 : i32
    %c0_i32_1 = arith.constant 0 : i32
    return %c0_i32, %arg0, %c0_i32_0 : i32, i32, i32
  }
  func.func @transform_3(%arg0: i32) -> (i32, i32, i32) {
    %c0_i32 = arith.constant 0 : i32
    %c0_i32_0 = arith.constant 0 : i32
    %c0_i32_1 = arith.constant 0 : i32
    return %c0_i32, %arg0, %c0_i32_0 : i32, i32, i32
  }
  func.func @transform_4(%arg0: i32) -> (i32, i32) {
    %c0_i32 = arith.constant 0 : i32
    %c0_i32_0 = arith.constant 0 : i32
    return %arg0, %c0_i32 : i32, i32
  }
  func.func @transform_5(%arg0: i32) -> (i32, i32) {
    %c0_i32 = arith.constant 0 : i32
    %c0_i32_0 = arith.constant 0 : i32
    return %arg0, %c0_i32 : i32, i32
  }
  func.func @transform_6(%arg0: i32) -> (i32, i32) {
    %c0_i32 = arith.constant 0 : i32
    %c0_i32_0 = arith.constant 0 : i32
    return %arg0, %c0_i32 : i32, i32
  }
  func.func @transform_7(%arg0: i32) -> (i32, i32) {
    %c0_i32 = arith.constant 0 : i32
    %c0_i32_0 = arith.constant 0 : i32
    return %arg0, %c0_i32 : i32, i32
  }
  func.func @transform_8(%arg0: i32) -> (i32, i32) {
    %c0_i32 = arith.constant 0 : i32
    %c0_i32_0 = arith.constant 0 : i32
    return %arg0, %c0_i32 : i32, i32
  }
  func.func @transform_9(%arg0: i32) -> (i32, i32) {
    %c0_i32 = arith.constant 0 : i32
    %c0_i32_0 = arith.constant 0 : i32
    return %arg0, %c0_i32 : i32, i32
  }
  func.func @transform_10(%arg0: i32) -> (i32, i32) {
    %c0_i32 = arith.constant 0 : i32
    %c0_i32_0 = arith.constant 0 : i32
    %c0_i32_1 = arith.constant 0 : i32
    return %c0_i32, %c0_i32_0 : i32, i32
  }
  func.func @transform_11(%arg0: i32) -> (i32, i32) {
    %c0_i32 = arith.constant 0 : i32
    %c0_i32_0 = arith.constant 0 : i32
    %c0_i32_1 = arith.constant 0 : i32
    return %c0_i32, %c0_i32_0 : i32, i32
  }
  func.func @transform_12(%arg0: i32) -> (i32, i32) {
    %c0_i32 = arith.constant 0 : i32
    %c0_i32_0 = arith.constant 0 : i32
    %c0_i32_1 = arith.constant 0 : i32
    return %c0_i32, %c0_i32_0 : i32, i32
  }
  func.func @transform_13(%arg0: i32) -> (i32, i32) {
    %c0_i32 = arith.constant 0 : i32
    %c0_i32_0 = arith.constant 0 : i32
    %c0_i32_1 = arith.constant 0 : i32
    return %c0_i32, %c0_i32_0 : i32, i32
  }
  func.func @transform_14(%arg0: i32) -> (i32, i32) {
    %c0_i32 = arith.constant 0 : i32
    %c0_i32_0 = arith.constant 0 : i32
    return %arg0, %c0_i32 : i32, i32
  }
}

</mosaic_0001>

<sc_bundles>
// kernel: kernel.11.cloned.1.call-start
scs
__scs_entry_jumppad:
0x0: {  	(pc) =	sbr.rel $0x88, $3  }
0x1: {  	(tag) =	ssettag $0x0;
	lr =	simm.s32 $0x1  }
0x2: {  	[smem:$0x3F99] =	sst lr;
	_ =	strace $0xD0000000  }
0x3: {  	_ = 	snop  }
0x4: {  	_ = 	snop  }
0x5: {  	_ = 	snop  }
0x6: {  	_ = 	snop  }
0x7: {  	_ = 	snop  }
__scs_overlays_trampoline_lowered:
0x8: {  	[smem:$0x3FA8] =	sst s0  }
0x9: {  	[smem:$0x3FA9] =	sst s1  }
0xa: {  	[smem:$0x3FAA] =	sst s2  }
0xb: {  	[smem:$0x3FAB] =	sst s3  }
0xc: {  	[smem:$0x3FAC] =	sst s4  }
0xd: {  	[smem:$0x3FAD] =	sst s5  }
0xe: {  	[smem:$0x3FAE] =	sst s6  }
0xf: {  	[smem:$0x3FAF] =	sst s7  }
0x10: {  	[smem:$0x3FB0] =	sst s8  }
0x11: {  	[smem:$0x3FB1] =	sst s9;
	s0 =	simm.s32 @!p0 $0x0  }
0x12: {  	s1 =	sld [smem:$0x3F97];
	s0 =	simm.s32 @p0 $0x1  }
0x13: {  	[smem:$0x3FB2] =	sst s0;
	s0 =	simm.s32 @!p1 $0x0  }
0x14: {  	s2 =	sld [smem:$0x3F96];
	s0 =	simm.s32 @p1 $0x1  }
0x15: {  	[smem:$0x3FB3] =	sst s0;
	s0 =	simm.s32 @!p2 $0x0  }
0x16: {  	s3 =	sld [smem:$0x3FDB];
	s0 =	simm.s32 @p2 $0x1  }
0x17: {  	s4 =	simm.s32 $0x1BF5;
	[smem:$0x3FB5] =	sst s0  }
0x18: {  	s0 =	sld [smem:$0x3F98];
	_ =	swait.ge [sflag:s4], $0x0  }
0x19: {  	s7 =	sld [smem:$0x3F99]  }
0x1a: {  	s8 =	sadd.s32 $0xFFFFE003, lr  }
0x1b: {  	s9 =	sadd.s32 $0xFFFFFEF7, lr;
	s5 =	simm.s32 $0xFFFFFFFF;
	p2 =	slt.u32 s8, $0xFFFFF086  }
0x1c: {  	p1 =	slt.u32 s9, $0xF7A;
	s5 =	simm.s32 @!p2 $0x0  }
0x1d: {  	s5 =	simm.s32 @p1 $0x1;
	p0 =	seq.s32 s7, s2  }
0x1e: {  	s7 =	smul.u32 @!p0 $0xF7A, s2;
	p2 =	seq.s32 @!p0 s5, $0x0  }
0x1f: {  	s9 =	smul.u32 $0xF7A, s1;
	s8 =	simm.s32 @!p0 $0x1BF5;
	p2 =	por !p2, p0  }
0x20: {  	[sflag:s8] =	ssyncset.s32 @!p0 $0xFFFFF086;
	s6 =	sadd.s32 @!p0 s3, s7;
	s7 =	simm.s32 @!p0 $0x108  }
0x21: {  	s3 =	sadd.s32 s3, s9;
	s6 =	sadd.s32 @!p0 $0x88, s6;
	s7 =	simm.s32 @p2 $0x1082  }
0x22: {  	[simem:s7], [sflag:s8] =	dma.local @!p0 [hbm:s6], $0xF7A  }
0x23: {  	s9 =	sor.u32 $0xD0000000, s2;
	s6 =	simm.s32 $0x108;
	_ =	swait.ge @!p0 [sflag:s8], $0x0  }
0x24: {  	s3 =	sadd.s32 $0x88, s3;
	s6 =	simm.s32 @!p1 $0x1082;
	[sflag:s4] =	ssyncset.s32 $0xFFFFF086  }
0x25: {  	[simem:s6], [sflag:s4] =	dma.local [hbm:s3], $0xF7A  }
0x26: {  	[smem:$0x3F99] =	sst s1;
	(tag) =	ssettag s2;
	_ =	strace s9  }
0x27: {  	s1 =	sld [smem:$0x3FA9]  }
0x28: {  	s2 =	sld [smem:$0x3FAA]  }
0x29: {  	s4 =	sld [smem:$0x3FAC]  }
0x2a: {  	p0 =	seq.s32 s5, $0x0;
	s5 =	sld [smem:$0x3FAD]  }
0x2b: {  	s6 =	sld [smem:$0x3FAE]  }
0x2c: {  	s7 =	sld [smem:$0x3FAF]  }
0x2d: {  	s3 =	simm.s32 $0x108;
	s8 =	sld [smem:$0x3FB0]  }
0x2e: {  	s3 =	simm.s32 @!p0 $0x1082;
	s9 =	sld [smem:$0x3FB1]  }
0x2f: {  	lr =	sadd.s32 s0, s3;
	s0 =	sld [smem:$0x3FA8]  }
0x30: {  	s3 =	sld [smem:$0x3FAB]  }
0x31: {  	[smem:$0x3FB4] =	sst s10  }
0x32: {  	s10 =	sld [smem:$0x3FB2];
	_ =	sdelay $0x3  }
0x33: {  	p0 =	seq.s32 s10, $0x1;
	s10 =	sld [smem:$0x3FB4];
	_ =	sdelay $0x3  }
0x34: {  	[smem:$0x3FB4] =	sst s10  }
0x35: {  	s10 =	sld [smem:$0x3FB3];
	_ =	sdelay $0x3  }
0x36: {  	p1 =	seq.s32 s10, $0x1;
	s10 =	sld [smem:$0x3FB4];
	_ =	sdelay $0x3  }
0x37: {  	[smem:$0x3FB4] =	sst s10  }
0x38: {  	s10 =	sld [smem:$0x3FB5]  }
0x39: {  	_ = 	snop;
	(pc) =	sbr.ind lr, $3  }
0x3a: {  	_ = 	snop  }
0x3b: {  	_ = 	snop  }
0x3c: {  	p2 =	seq.s32 s10, $0x1;
	s10 =	sld [smem:$0x3FB4]  }
0x3d: {  	_ =	shalt  }
0x3e: {  	_ =	shalt  }
0x3f: {  	_ =	shalt  }
0x40: {  	_ =	shalt  }
0x41: {  	_ =	shalt  }
0x42: {  	_ =	shalt  }
0x43: {  	_ =	shalt  }
0x44: {  	_ =	shalt  }
0x45: {  	_ =	shalt  }
0x46: {  	_ =	shalt  }
0x47: {  	_ =	shalt  }
0x48: {  	_ =	shalt  }
0x49: {  	_ =	shalt  }
0x4a: {  	_ =	shalt  }
0x4b: {  	_ =	shalt  }
0x4c: {  	_ =	shalt  }
0x4d: {  	_ =	shalt  }
0x4e: {  	_ =	shalt  }
0x4f: {  	_ =	shalt  }
0x50: {  	_ =	shalt  }
0x51: {  	_ =	shalt  }
0x52: {  	_ =	shalt  }
0x53: {  	_ =	shalt  }
0x54: {  	_ =	shalt  }
0x55: {  	_ =	shalt  }
0x56: {  	_ =	shalt  }
0x57: {  	_ =	shalt  }
0x58: {  	_ =	shalt  }
0x59: {  	_ =	shalt  }
0x5a: {  	_ =	shalt  }
0x5b: {  	_ =	shalt  }
0x5c: {  	_ =	shalt  }
0x5d: {  	_ =	shalt  }
0x5e: {  	_ =	shalt  }
0x5f: {  	_ =	shalt  }
0x60: {  	_ =	shalt  }
0x61: {  	_ =	shalt  }
0x62: {  	_ =	shalt  }
0x63: {  	_ =	shalt  }
0x64: {  	_ =	shalt  }
0x65: {  	_ =	shalt  }
0x66: {  	_ =	shalt  }
0x67: {  	_ =	shalt  }
0x68: {  	_ =	shalt  }
0x69: {  	_ =	shalt  }
0x6a: {  	_ =	shalt  }
0x6b: {  	_ =	shalt  }
0x6c: {  	_ =	shalt  }
0x6d: {  	_ =	shalt  }
0x6e: {  	_ =	shalt  }
0x6f: {  	_ =	shalt  }
0x70: {  	_ =	shalt  }
0x71: {  	_ =	shalt  }
0x72: {  	_ =	shalt  }
0x73: {  	_ =	shalt  }
0x74: {  	_ =	shalt  }
0x75: {  	_ =	shalt  }
0x76: {  	_ =	shalt  }
0x77: {  	_ =	shalt  }
0x78: {  	_ =	shalt  }
0x79: {  	_ =	shalt  }
0x7a: {  	_ =	shalt  }
0x7b: {  	_ =	shalt  }
0x7c: {  	_ =	shalt  }
0x7d: {  	_ =	shalt  }
0x7e: {  	_ =	shalt  }
0x7f: {  	_ =	shalt  }
0x80: {  	_ =	shalt  }
0x81: {  	_ =	shalt  }
0x82: {  	_ =	shalt  }
0x83: {  	_ =	shalt  }
0x84: {  	_ =	shalt  }
0x85: {  	_ =	shalt  }
0x86: {  	_ =	shalt  }
0x87: {  	_ =	shalt  }
.Lfunc_end0:
.L_simem_size_0:
called_computation_lowered:
.L_overlay_start_0:
0x88: {  	s2 =	sld [smem:$0x3FD9]  }
0x89: {  	s3 =	sld [smem:$0x3FFE];
	_ =	sdelay $0x1  }
0x8a: {  	s1 =	srdreg.scid  }
0x8b: {  	s0 =	sand.u32 $0x1, s1  }
0x8c: {  	s17 =	sshll.u32 s0, $0xA;
	s2 =	sadd.s32 s3, s2  }
0x8d: {  	s2 =	sadd.s32 s2, s17  }
0x8e: {  	[smem:$0x3FC0] =	sst s2  }
0x8f: {  	_ = 	snop  }
0x90: {  	s2 =	sld [smem:$0x3FD0];
	(tm) =	ssettm $0x1  }
0x91: {  	s18 =	sld [smem:$0x3FFB];
	_ =	sdelay $0x3  }
0x92: {  	_ =	strace s18  }
0x93: {  	s3 =	sld [smem:$0x3FFC];
	_ =	sdelay $0x3  }
0x94: {  	_ =	strace s3  }
0x95: {  	s3 =	sld [smem:$0x3FFD];
	_ =	sdelay $0x3  }
0x96: {  	_ =	strace s3  }
0x97: {  	_ =	strace $0x8FFFFFFF  }
0x98: {  	s19 =	sld [smem:$0x3FDB];
	_ =	sdelay $0x1  }
0x99: {  	s4 =	simm.s32 $_scs_section_size  }
0x9a: {  	s5 =	simm.s32 $_size__tile_overlayer_lowered;
	s6 =	simm.s32 $_tile_overlayer_lowered  }
0x9b: {  	s22 =	simm.s32 $0x1BFF;
	s21 =	sshll.u32 s6, $0x1;
	s3 =	sadd.s32 s4, s19  }
0x9c: {  	s7 =	simm.s32 $0x0;
	s20 =	sshll.u32 s5, $0x1;
	s5 =	sadd.s32 s21, s3  }
0x9d: {  	[timem:s7], [sflag:s22] =	dma.local [hbm:s5], s20  }
0x9e: {  	_ =	swait.ge [sflag:s22], s20  }
0x9f: {  	s4 =	ssub.s32 $0x0, s20;
	[sflag:s22] =	ssyncset.done $0x0  }
0xa0: {  	[sflag:s22] =	ssyncadd.s32 s4;
	_ =	sdelay $0x1  }
0xa1: {  	s23 =	simm.s32 $0x1B8B  }
0xa2: {  	_ =	swait.ge [sflag:s23], $0x1  }
0xa3: {  	[sflag:s23] =	ssyncset.done $0x0  }
0xa4: {  	s25 =	simm.s32 $0x1B8E;
	s24 =	sld [smem:$0x3FFE];
	[sflag:s23] =	ssyncadd.s32 $0xFFFFFFFF  }
0xa5: {  	s26 =	simm.s32 $execute0_lowered;
	[smem:$0x3FD2] =	sst s25  }
0xa6: {  	s5 =	sshll.u32 s26, $0x1;
	_ =	strace $0x80000046;
	[dreg:$0x1] =	wrdreg $0xFFFFFFFF  }
0xa7: {  	s28 =	simm.s32 $_size_execute0_lowered;
	s3 =	sadd.s32 s3, s5;
	[dreg:$0x0] =	wrdreg $0x0  }
0xa8: {  	s5 =	sshll.u32 s28, $0x1;
	[dreg:$0x2] =	wrdreg s3  }
0xa9: {  	[dreg:$0x3] =	wrdreg s5  }
0xaa: {  	[dreg:$0x4] =	wrdreg $0xC0  }
0xab: {  	_ =	task [dreg:s7], $0x5FFFF  }
0xac: {  	[dreg:$0x1] =	wrdreg $0xFFFFFFFF  }
0xad: {  	[dreg:$0x0] =	wrdreg $0x60  }
0xae: {  	[dreg:$0x2] =	wrdreg s24  }
0xaf: {  	[dreg:$0x3] =	wrdreg s2  }
0xb0: {  	[dreg:$0x4] =	wrdreg $0x41000  }
0xb1: {  	[dreg:$0x5] =	wrdreg $0x9  }
0xb2: {  	_ =	task.clear_ibuf [dreg:s7], $0x6FFFF;
	_ =	strace $0x90000046  }
0xb3: {  	s29 =	simm.s32 $0x9;
	_ =	strace $0x80000048  }
0xb4: {  	_ =	swait.ge [sflag:s29], $0x1  }
0xb5: {  	[sflag:s29] =	ssyncadd.s32 $0xFFFFFFFF  }
0xb6: {  	_ =	strace $0x90000048  }
0xb7: {  	_ =	sfence  }
0xb8: {  	s30 =	sld [smem:$0x0];
	_ =	sdelay $0x2  }
0xb9: {  	s31 =	sshll.u32 s1, $0xD;
	s1 =	sshrl.u32 s1, $0x2  }
0xba: {  	s3 =	sand.u32 $0x4000, s31;
	s1 =	sadd.s32 s1, s30  }
0xbb: {  	s0 =	sor.u32 s3, s0;
	s1 =	sshll.u32 s1, $0x11  }
0xbc: {  	s0 =	sor.u32 s1, s0  }
0xbd: {  	s0 =	sadd.s32 $0x8F2B, s0  }
0xbe: {  	[sflag:s0] =	ssyncadd.remote.s32 $0x1  }
0xbf: {  	_ =	sfence.sel $0xFFFF  }
0xc0: {  	[dreg:$0x0] =	wrdreg $0xFFFFFFFF;
	(pc) =	sbr.abs _section_cstart, $3  }
0xc1: {  	[dreg:$0x1] =	wrdreg $0xFFFFFFFF  }
0xc2: {  	_ =	task.clear_ibuf [dreg:s7], $0x2FFFF;
	_ =	strace $0x9FFFFFFF  }
0xc3: {  	(tm) =	ssettm $0x7FFFFFFF  }
tec
execute0_lowered:
.L_overlay_start_1:
0x0: {  	(tag) =	ssettag $0x1  }
0x1: {  	s5 =	rddreg [dreg:$0x0]  }
0x2: {  	s9 =	rddreg [dreg:$0x1]  }
0x3: {  	s2 =	rddreg [dreg:$0x2]  }
0x4: {  	s0 =	stileid.u32;
	s1 =	rddreg [dreg:$0x3];
	s3 =	simm.s32 $0x0  }
0x5: {  	s7 =	srdreg.scid;
	s17 =	simm.s32 $0x1;
	s18 =	simm.s32 $0x2  }
0x6: {  	s19 =	simm.s32 $0x0;
	s8 =	smul.u32 $0x13C00, s0;
	[smem:$0x7FF] =	sst s3  }
0x7: {  	s7 =	sand.u32 $0x1, s7;
	s10 =	sshll.u32 s0, $0x1;
	s12 =	smul.u32 $0x4F000, s0  }
0x8: {  	s13 =	sadd.s32 $0x5200, s5;
	s15 =	smul.u32 $0x5000, s0;
	s28 =	sshll.u32 s0, $0x6  }
0x9: {  	_ =	strace $0x80000047;
	s11 =	ssub.s32 $0x2, s7;
	s26 =	smul.u32 $0x13C000, s7  }
0xa: {  	s10 =	sor.u32 s7, s10;
	s16 =	smul.u32 $0x2800, s7;
	s4 =	sshrl.u32 s8, $0x3  }
0xb: {  	s24 =	sshrl.u32 s11, $0x1;
	s10 =	smul.u32 $0x2800, s10;
	s25 =	sshrl.u32 s12, $0x2  }
0xc: {  	s6 =	sadd.s32 s4, s5;
	s4 =	sadd.s32 $0x23800, s5;
	s11 =	ssub.s32 s11, s24  }
0xd: {  	s14 =	sadd.s32 s25, s2;
	s29 =	sadd.s32 s8, s26;
	s30 =	sadd.s32 s16, s15  }
0xe: {  	s16 =	simm.s32 $0x100;
	s5 =	sadd.s32 $0x24000, s6;
	s10 =	sshrl.u32 s10, $0x3  }
0xf: {  	s6 =	sor.u32 $0x1C03, s28;
	s15 =	sor.u32 $0x180, s30;
	s12 =	sor.u32 $0x100, s30  }
0x10: {  	s7 =	sadd.s32 s13, s10;
	s10 =	sshrl.u32 s29, $0x3;
	s31 =	sshrl.u32 s15, $0x3  }
0x11: {  	s12 =	sshrl.u32 s12, $0x3;
	s15 =	simm.s32 $0x80;
	s8 =	sadd.s32 $0x10, s7  }
0x12: {  	s9 =	sadd.s32 s9, s10;
	s10 =	smax.u32 s11, $0x1;
	s11 =	sadd.s32 s31, s13  }
0x13: {  	s12 =	sadd.s32 s12, s13;
	s13 =	sshrl.u32 s14, $0x3;
	s14 =	simm.s32 $0x3  }
.LBB2_1:
0x14: {  	[spmem:s13], [sflag:s6] =	dma.local [hbm:s5], $0x2780  }
0x15: {  	_ =	swait.ge [sflag:s14], $0x2780  }
0x16: {  	[sflag:s14] =	ssyncset.done $0x0  }
0x17: {  	[sflag:s14] =	ssyncadd.s32 $0xFFFFD880  }
0x18: {  	[tilespmem:s3], [sflag:$0x1] =	stream.linear.gather [hbm4b:s7+s3], $0x80, $0x38;
	[tilespmem:$0x17D00] =	vst v63  }
0x19: {  	_ = 	snop  }
0x1a: {  	[tilespmem:s15], [sflag:$0x2] =	stream.linear.gather [hbm4b:s8+s3], $0x80, $0x38;
	[tilespmem:$0x17D00] =	vst v63  }
0x1b: {  	_ = 	snop  }
0x1c: {  	[tilespmem:s16], [sflag:$0x3] =	stream.linear.gather [hbm4b:s4+s3], $0x4000, $0x38;
	[tilespmem:$0x17D00] =	vst v63  }
0x1d: {  	_ =	swait.ge [sflag:s14], $0x4000  }
0x1e: {  	[sflag:s14] =	ssyncset.done $0x0  }
0x1f: {  	[sflag:s14] =	ssyncadd.s32 $0xFFFFC000  }
0x20: {  	[bflag:$0x0] =	sbarrier.arrive $0xFFFF  }
0x21: {  	_ =	swait.ge [sflag:s17], $0x80  }
0x22: {  	[sflag:s17] =	ssyncset.done $0x0  }
0x23: {  	[sflag:s17] =	ssyncadd.s32 $0xFFFFFF80  }
0x24: {  	[spmem:s2] =	stream.indirect.scatter.add.f32 [tilespmem:s16], [sflag:$0x3], $0x80, s3, s15, $0xb8;
	[tilespmem:$0x17D00] =	vst v63  }
0x25: {  	_ =	swait.ge [sflag:s14], $0x4000  }
0x26: {  	[sflag:s14] =	ssyncset.done $0x0  }
0x27: {  	s20 =	sadd.s32 $0x0, s12;
	[sflag:s14] =	ssyncadd.s32 $0xFFFFC000  }
0x28: {  	[tilespmem:s3], [sflag:$0x1] =	stream.linear.gather [hbm4b:s20+s3], $0x80, $0x38;
	[tilespmem:$0x17D00] =	vst v63  }
0x29: {  	_ =	swait.ge [sflag:s18], $0x80  }
0x2a: {  	[sflag:s18] =	ssyncset.done $0x0  }
0x2b: {  	[sflag:s18] =	ssyncadd.s32 $0xFFFFFF80  }
0x2c: {  	[spmem:s2] =	stream.indirect.scatter.add.f32 [tilespmem:s16], [sflag:$0x3], $0x80, s15, s15, $0xb8;
	[tilespmem:$0x17D00] =	vst v63  }
0x2d: {  	_ =	swait.ge [sflag:s14], $0x4000  }
0x2e: {  	[sflag:s14] =	ssyncset.done $0x0  }
0x2f: {  	s21 =	sadd.s32 $0x0, s11;
	s20 =	simm.s32 $0x20;
	[sflag:s14] =	ssyncadd.s32 $0xFFFFC000  }
.LBB2_2:
0x30: {  	[tilespmem:s15], [sflag:$0x2] =	stream.linear.gather [hbm4b:s21+s3], $0x80, $0x38;
	[tilespmem:$0x17D00] =	vst v63  }
0x31: {  	s21 =	smov.u32 s20  }
0x32: {  	p0 =	sne.s32 s20, $0x4E0;
	s20 =	sadd.s32 $0x20, s20;
	_ =	swait.ge [sflag:s17], $0x80  }
0x33: {  	[sflag:s17] =	ssyncset.done $0x0  }
0x34: {  	[sflag:s17] =	ssyncadd.s32 $0xFFFFFF80  }
0x35: {  	[spmem:s2] =	stream.indirect.scatter.add.f32 [tilespmem:s16], [sflag:$0x3], $0x80, s3, s15, $0xb8;
	[tilespmem:$0x17D00] =	vst v63  }
0x36: {  	_ =	swait.ge [sflag:s14], $0x4000  }
0x37: {  	[sflag:s14] =	ssyncset.done $0x0  }
0x38: {  	s22 =	sadd.s32 s21, s12;
	[sflag:s14] =	ssyncadd.s32 $0xFFFFC000  }
0x39: {  	[tilespmem:s3], [sflag:$0x1] =	stream.linear.gather [hbm4b:s22+s3], $0x80, $0x38;
	[tilespmem:$0x17D00] =	vst v63  }
0x3a: {  	_ =	swait.ge [sflag:s18], $0x80  }
0x3b: {  	[sflag:s18] =	ssyncset.done $0x0  }
.Ltmp0:
0x3c: {  	[sflag:s18] =	ssyncadd.s32 $0xFFFFFF80;
	(pc) =	sbr.rel @p0 .LBB2_2-.Ltmp0, $4  }
0x3d: {  	[spmem:s2] =	stream.indirect.scatter.add.f32 [tilespmem:s16], [sflag:$0x3], $0x80, s15, s15, $0xb8;
	[tilespmem:$0x17D00] =	vst v63  }
0x3e: {  	_ =	swait.ge [sflag:s14], $0x4000  }
0x3f: {  	[sflag:s14] =	ssyncset.done $0x0  }
0x40: {  	s21 =	sadd.s32 s21, s11;
	[sflag:s14] =	ssyncadd.s32 $0xFFFFC000  }
0x41: {  	[tilespmem:s15], [sflag:$0x2] =	stream.linear.gather [hbm4b:s21+s3], $0x80, $0x38;
	[tilespmem:$0x17D00] =	vst v63  }
0x42: {  	_ =	swait.ge [sflag:s17], $0x80  }
0x43: {  	[sflag:s17] =	ssyncset.done $0x0  }
0x44: {  	[sflag:s17] =	ssyncadd.s32 $0xFFFFFF80  }
0x45: {  	_ =	swait.ge [sflag:s18], $0x80  }
0x46: {  	s19 =	sadd.s32 $0x1, s19;
	[sflag:s18] =	ssyncset.done $0x0  }
0x47: {  	p0 =	sne.s32 s19, s10;
	[sflag:s18] =	ssyncadd.s32 $0xFFFFFF80  }
.Ltmp1:
0x48: {  	[bflag:$0x0] =	sbarrier.arrive $0xFFFF;
	(pc) =	sbr.rel @p0 .LBB2_1-.Ltmp1, $4  }
0x49: {  	[hbm:s9], [sflag:s6] =	dma.local [spmem:s13], $0x2780  }
0x4a: {  	_ =	swait.ge [sflag:s14], $0x2780  }
0x4b: {  	[sflag:s14] =	ssyncset.done $0x0  }
0x4c: {  	[sflag:s14] =	ssyncadd.s32 $0xFFFFD880  }
0x4d: {  	_ =	sfence.sel $0x180000  }
0x4e: {  	[bflag:$0x0] =	sbarrier.arrive $0xFFFF  }
0x4f: {  	p0 =	sne.s32 s0, $0x0;
	_ =	strace $0x90000047  }
0x50: {  	s0 =	sadd.s32 @!p0 $0x100000, s1;
	[bflag:$0x2] =	sbarrier.arrive $0xFFFF  }
0x51: {  	[sflag:s0] =	ssyncadd.tile.s32 @!p0 $0x1;
	_ =	shalt  }
.Lfunc_end2:
_tile_overlayer_lowered:
.L_overlay_start_2:
0x52: {  	(tag) =	ssettag $0x2  }
0x53: {  	s0 =	rddreg [dreg:$0x0];
	s2 =	stileid.u32  }
0x54: {  	s1 =	rddreg [dreg:$0x1];
	p0 =	sne.s32 s2, $0x0  }
0x55: {  	s3 =	rddreg [dreg:$0x2];
	[bflag:$0x3] =	sbarrier.arrive $0xFFFF;
	s2 =	simm.s32 @!p0 $0x1C03  }
0x56: {  	[timem:s3], [sflag:s2] =	dma.local @!p0 [hbm:s0], s1  }
0x57: {  	s0 =	simm.s32 @!p0 $0x3  }
0x58: {  	_ =	swait.ge @!p0 [sflag:s0], s1  }
0x59: {  	s1 =	ssub.s32 @!p0 $0x0, s1;
	[sflag:s0] =	ssyncset.done @!p0 $0x0  }
0x5a: {  	[sflag:s0] =	ssyncadd.s32 @!p0 s1  }
0x5b: {  	[bflag:$0x3] =	sbarrier.arrive $0xFFFF  }
0x5c: {  	_ =	shalt  }

// kernel: kernel.14.cloned.1.call-start
scs
__scs_entry_jumppad:
0x0: {  	(pc) =	sbr.rel $0x88, $3  }
0x1: {  	(tag) =	ssettag $0x0;
	lr =	simm.s32 $0x1  }
0x2: {  	[smem:$0x3F99] =	sst lr;
	_ =	strace $0xD0000000  }
0x3: {  	_ = 	snop  }
0x4: {  	_ = 	snop  }
0x5: {  	_ = 	snop  }
0x6: {  	_ = 	snop  }
0x7: {  	_ = 	snop  }
__scs_overlays_trampoline_lowered:
0x8: {  	[smem:$0x3FA8] =	sst s0  }
0x9: {  	[smem:$0x3FA9] =	sst s1  }
0xa: {  	[smem:$0x3FAA] =	sst s2  }
0xb: {  	[smem:$0x3FAB] =	sst s3  }
0xc: {  	[smem:$0x3FAC] =	sst s4  }
0xd: {  	[smem:$0x3FAD] =	sst s5  }
0xe: {  	[smem:$0x3FAE] =	sst s6  }
0xf: {  	[smem:$0x3FAF] =	sst s7  }
0x10: {  	[smem:$0x3FB0] =	sst s8  }
0x11: {  	[smem:$0x3FB1] =	sst s9;
	s0 =	simm.s32 @!p0 $0x0  }
0x12: {  	s1 =	sld [smem:$0x3F97];
	s0 =	simm.s32 @p0 $0x1  }
0x13: {  	[smem:$0x3FB2] =	sst s0;
	s0 =	simm.s32 @!p1 $0x0  }
0x14: {  	s2 =	sld [smem:$0x3F96];
	s0 =	simm.s32 @p1 $0x1  }
0x15: {  	[smem:$0x3FB3] =	sst s0;
	s0 =	simm.s32 @!p2 $0x0  }
0x16: {  	s3 =	sld [smem:$0x3FDB];
	s0 =	simm.s32 @p2 $0x1  }
0x17: {  	s4 =	simm.s32 $0x1BF5;
	[smem:$0x3FB5] =	sst s0  }
0x18: {  	s0 =	sld [smem:$0x3F98];
	_ =	swait.ge [sflag:s4], $0x0  }
0x19: {  	s7 =	sld [smem:$0x3F99]  }
0x1a: {  	s8 =	sadd.s32 $0xFFFFE003, lr  }
0x1b: {  	s9 =	sadd.s32 $0xFFFFFEF7, lr;
	s5 =	simm.s32 $0xFFFFFFFF;
	p2 =	slt.u32 s8, $0xFFFFF086  }
0x1c: {  	p1 =	slt.u32 s9, $0xF7A;
	s5 =	simm.s32 @!p2 $0x0  }
0x1d: {  	s5 =	simm.s32 @p1 $0x1;
	p0 =	seq.s32 s7, s2  }
0x1e: {  	s7 =	smul.u32 @!p0 $0xF7A, s2;
	p2 =	seq.s32 @!p0 s5, $0x0  }
0x1f: {  	s9 =	smul.u32 $0xF7A, s1;
	s8 =	simm.s32 @!p0 $0x1BF5;
	p2 =	por !p2, p0  }
0x20: {  	[sflag:s8] =	ssyncset.s32 @!p0 $0xFFFFF086;
	s6 =	sadd.s32 @!p0 s3, s7;
	s7 =	simm.s32 @!p0 $0x108  }
0x21: {  	s3 =	sadd.s32 s3, s9;
	s6 =	sadd.s32 @!p0 $0x88, s6;
	s7 =	simm.s32 @p2 $0x1082  }
0x22: {  	[simem:s7], [sflag:s8] =	dma.local @!p0 [hbm:s6], $0xF7A  }
0x23: {  	s9 =	sor.u32 $0xD0000000, s2;
	s6 =	simm.s32 $0x108;
	_ =	swait.ge @!p0 [sflag:s8], $0x0  }
0x24: {  	s3 =	sadd.s32 $0x88, s3;
	s6 =	simm.s32 @!p1 $0x1082;
	[sflag:s4] =	ssyncset.s32 $0xFFFFF086  }
0x25: {  	[simem:s6], [sflag:s4] =	dma.local [hbm:s3], $0xF7A  }
0x26: {  	[smem:$0x3F99] =	sst s1;
	(tag) =	ssettag s2;
	_ =	strace s9  }
0x27: {  	s1 =	sld [smem:$0x3FA9]  }
0x28: {  	s2 =	sld [smem:$0x3FAA]  }
0x29: {  	s4 =	sld [smem:$0x3FAC]  }
0x2a: {  	p0 =	seq.s32 s5, $0x0;
	s5 =	sld [smem:$0x3FAD]  }
0x2b: {  	s6 =	sld [smem:$0x3FAE]  }
0x2c: {  	s7 =	sld [smem:$0x3FAF]  }
0x2d: {  	s3 =	simm.s32 $0x108;
	s8 =	sld [smem:$0x3FB0]  }
0x2e: {  	s3 =	simm.s32 @!p0 $0x1082;
	s9 =	sld [smem:$0x3FB1]  }
0x2f: {  	lr =	sadd.s32 s0, s3;
	s0 =	sld [smem:$0x3FA8]  }
0x30: {  	s3 =	sld [smem:$0x3FAB]  }
0x31: {  	[smem:$0x3FB4] =	sst s10  }
0x32: {  	s10 =	sld [smem:$0x3FB2];
	_ =	sdelay $0x3  }
0x33: {  	p0 =	seq.s32 s10, $0x1;
	s10 =	sld [smem:$0x3FB4];
	_ =	sdelay $0x3  }
0x34: {  	[smem:$0x3FB4] =	sst s10  }
0x35: {  	s10 =	sld [smem:$0x3FB3];
	_ =	sdelay $0x3  }
0x36: {  	p1 =	seq.s32 s10, $0x1;
	s10 =	sld [smem:$0x3FB4];
	_ =	sdelay $0x3  }
0x37: {  	[smem:$0x3FB4] =	sst s10  }
0x38: {  	s10 =	sld [smem:$0x3FB5]  }
0x39: {  	_ = 	snop;
	(pc) =	sbr.ind lr, $3  }
0x3a: {  	_ = 	snop  }
0x3b: {  	_ = 	snop  }
0x3c: {  	p2 =	seq.s32 s10, $0x1;
	s10 =	sld [smem:$0x3FB4]  }
0x3d: {  	_ =	shalt  }
0x3e: {  	_ =	shalt  }
0x3f: {  	_ =	shalt  }
0x40: {  	_ =	shalt  }
0x41: {  	_ =	shalt  }
0x42: {  	_ =	shalt  }
0x43: {  	_ =	shalt  }
0x44: {  	_ =	shalt  }
0x45: {  	_ =	shalt  }
0x46: {  	_ =	shalt  }
0x47: {  	_ =	shalt  }
0x48: {  	_ =	shalt  }
0x49: {  	_ =	shalt  }
0x4a: {  	_ =	shalt  }
0x4b: {  	_ =	shalt  }
0x4c: {  	_ =	shalt  }
0x4d: {  	_ =	shalt  }
0x4e: {  	_ =	shalt  }
0x4f: {  	_ =	shalt  }
0x50: {  	_ =	shalt  }
0x51: {  	_ =	shalt  }
0x52: {  	_ =	shalt  }
0x53: {  	_ =	shalt  }
0x54: {  	_ =	shalt  }
0x55: {  	_ =	shalt  }
0x56: {  	_ =	shalt  }
0x57: {  	_ =	shalt  }
0x58: {  	_ =	shalt  }
0x59: {  	_ =	shalt  }
0x5a: {  	_ =	shalt  }
0x5b: {  	_ =	shalt  }
0x5c: {  	_ =	shalt  }
0x5d: {  	_ =	shalt  }
0x5e: {  	_ =	shalt  }
0x5f: {  	_ =	shalt  }
0x60: {  	_ =	shalt  }
0x61: {  	_ =	shalt  }
0x62: {  	_ =	shalt  }
0x63: {  	_ =	shalt  }
0x64: {  	_ =	shalt  }
0x65: {  	_ =	shalt  }
0x66: {  	_ =	shalt  }
0x67: {  	_ =	shalt  }
0x68: {  	_ =	shalt  }
0x69: {  	_ =	shalt  }
0x6a: {  	_ =	shalt  }
0x6b: {  	_ =	shalt  }
0x6c: {  	_ =	shalt  }
0x6d: {  	_ =	shalt  }
0x6e: {  	_ =	shalt  }
0x6f: {  	_ =	shalt  }
0x70: {  	_ =	shalt  }
0x71: {  	_ =	shalt  }
0x72: {  	_ =	shalt  }
0x73: {  	_ =	shalt  }
0x74: {  	_ =	shalt  }
0x75: {  	_ =	shalt  }
0x76: {  	_ =	shalt  }
0x77: {  	_ =	shalt  }
0x78: {  	_ =	shalt  }
0x79: {  	_ =	shalt  }
0x7a: {  	_ =	shalt  }
0x7b: {  	_ =	shalt  }
0x7c: {  	_ =	shalt  }
0x7d: {  	_ =	shalt  }
0x7e: {  	_ =	shalt  }
0x7f: {  	_ =	shalt  }
0x80: {  	_ =	shalt  }
0x81: {  	_ =	shalt  }
0x82: {  	_ =	shalt  }
0x83: {  	_ =	shalt  }
0x84: {  	_ =	shalt  }
0x85: {  	_ =	shalt  }
0x86: {  	_ =	shalt  }
0x87: {  	_ =	shalt  }
.Lfunc_end0:
.L_simem_size_0:
called_computation.1_lowered:
.L_overlay_start_0:
0x88: {  	s2 =	sld [smem:$0x3FD9]  }
0x89: {  	s3 =	sld [smem:$0x3FFE];
	_ =	sdelay $0x1  }
0x8a: {  	s1 =	srdreg.scid  }
0x8b: {  	s0 =	sand.u32 $0x1, s1  }
0x8c: {  	s17 =	sshll.u32 s0, $0xA;
	s2 =	sadd.s32 s3, s2  }
0x8d: {  	s2 =	sadd.s32 s2, s17  }
0x8e: {  	[smem:$0x3FC0] =	sst s2  }
0x8f: {  	_ = 	snop  }
0x90: {  	s2 =	sld [smem:$0x3FD0];
	(tm) =	ssettm $0x1  }
0x91: {  	s18 =	sld [smem:$0x3FFB];
	_ =	sdelay $0x3  }
0x92: {  	_ =	strace s18  }
0x93: {  	s3 =	sld [smem:$0x3FFC];
	_ =	sdelay $0x3  }
0x94: {  	_ =	strace s3  }
0x95: {  	s3 =	sld [smem:$0x3FFD];
	_ =	sdelay $0x3  }
0x96: {  	_ =	strace s3  }
0x97: {  	_ =	strace $0x8FFFFFFF  }
0x98: {  	s19 =	sld [smem:$0x3FDB];
	_ =	sdelay $0x1  }
0x99: {  	s4 =	simm.s32 $_scs_section_size  }
0x9a: {  	s5 =	simm.s32 $_size__tile_overlayer_lowered;
	s6 =	simm.s32 $_tile_overlayer_lowered  }
0x9b: {  	s22 =	simm.s32 $0x1BFF;
	s21 =	sshll.u32 s6, $0x1;
	s3 =	sadd.s32 s4, s19  }
0x9c: {  	s7 =	simm.s32 $0x0;
	s20 =	sshll.u32 s5, $0x1;
	s5 =	sadd.s32 s21, s3  }
0x9d: {  	[timem:s7], [sflag:s22] =	dma.local [hbm:s5], s20  }
0x9e: {  	_ =	swait.ge [sflag:s22], s20  }
0x9f: {  	s4 =	ssub.s32 $0x0, s20;
	[sflag:s22] =	ssyncset.done $0x0  }
0xa0: {  	[sflag:s22] =	ssyncadd.s32 s4;
	_ =	sdelay $0x1  }
0xa1: {  	s23 =	simm.s32 $0x1B8B  }
0xa2: {  	_ =	swait.ge [sflag:s23], $0x1  }
0xa3: {  	[sflag:s23] =	ssyncset.done $0x0  }
0xa4: {  	s25 =	simm.s32 $0x1B8E;
	s24 =	sld [smem:$0x3FFE];
	[sflag:s23] =	ssyncadd.s32 $0xFFFFFFFF  }
0xa5: {  	s26 =	simm.s32 $execute0_lowered;
	[smem:$0x3FD2] =	sst s25  }
0xa6: {  	s5 =	sshll.u32 s26, $0x1;
	_ =	strace $0x80000049;
	[dreg:$0x1] =	wrdreg $0xFFFFFFFF  }
0xa7: {  	s28 =	simm.s32 $_size_execute0_lowered;
	s3 =	sadd.s32 s3, s5;
	[dreg:$0x0] =	wrdreg $0x0  }
0xa8: {  	s5 =	sshll.u32 s28, $0x1;
	[dreg:$0x2] =	wrdreg s3  }
0xa9: {  	[dreg:$0x3] =	wrdreg s5  }
0xaa: {  	[dreg:$0x4] =	wrdreg $0xC0  }
0xab: {  	_ =	task [dreg:s7], $0x5FFFF  }
0xac: {  	[dreg:$0x1] =	wrdreg $0xFFFFFFFF  }
0xad: {  	[dreg:$0x0] =	wrdreg $0x60  }
0xae: {  	[dreg:$0x2] =	wrdreg s24  }
0xaf: {  	[dreg:$0x3] =	wrdreg s2  }
0xb0: {  	[dreg:$0x4] =	wrdreg $0x84000  }
0xb1: {  	[dreg:$0x5] =	wrdreg $0x9  }
0xb2: {  	_ =	task.clear_ibuf [dreg:s7], $0x6FFFF;
	_ =	strace $0x90000049  }
0xb3: {  	s29 =	simm.s32 $0x9;
	_ =	strace $0x8000004B  }
0xb4: {  	_ =	swait.ge [sflag:s29], $0x1  }
0xb5: {  	[sflag:s29] =	ssyncadd.s32 $0xFFFFFFFF  }
0xb6: {  	_ =	strace $0x9000004B  }
0xb7: {  	_ =	sfence  }
0xb8: {  	s30 =	sld [smem:$0x0];
	_ =	sdelay $0x2  }
0xb9: {  	s31 =	sshll.u32 s1, $0xD;
	s1 =	sshrl.u32 s1, $0x2  }
0xba: {  	s3 =	sand.u32 $0x4000, s31;
	s1 =	sadd.s32 s1, s30  }
0xbb: {  	s0 =	sor.u32 s3, s0;
	s1 =	sshll.u32 s1, $0x11  }
0xbc: {  	s0 =	sor.u32 s1, s0  }
0xbd: {  	s0 =	sadd.s32 $0x8F2B, s0  }
0xbe: {  	[sflag:s0] =	ssyncadd.remote.s32 $0x1  }
0xbf: {  	_ =	sfence.sel $0xFFFF  }
0xc0: {  	[dreg:$0x0] =	wrdreg $0xFFFFFFFF;
	(pc) =	sbr.abs _section_cstart, $3  }
0xc1: {  	[dreg:$0x1] =	wrdreg $0xFFFFFFFF  }
0xc2: {  	_ =	task.clear_ibuf [dreg:s7], $0x2FFFF;
	_ =	strace $0x9FFFFFFF  }
0xc3: {  	(tm) =	ssettm $0x7FFFFFFF  }
tec
execute0_lowered:
.L_overlay_start_1:
0x0: {  	(tag) =	ssettag $0x1  }
0x1: {  	s0 =	rddreg [dreg:$0x0]  }
0x2: {  	s1 =	rddreg [dreg:$0x1]  }
0x3: {  	s13 =	stileid.u32;
	s2 =	rddreg [dreg:$0x2];
	s3 =	simm.s32 $0x0  }
0x4: {  	s18 =	srdreg.scid;
	s28 =	simm.s32 $0x300;
	s29 =	simm.s32 $0x380  }
0x5: {  	s30 =	simm.s32 $0x400;
	s31 =	simm.s32 $0x4400;
	s5 =	smul.u32 $0x13C00, s13  }
0x6: {  	[smem:$0x7FF] =	sst s3;
	s8 =	sadd.s32 $0x19600, s0;
	s9 =	sadd.s32 $0xF400, s0  }
0x7: {  	s10 =	sand.u32 $0x1, s18;
	s7 =	smul.u32 $0x4F000, s13;
	s11 =	sshll.u32 s13, $0x1  }
0x8: {  	s20 =	sshll.u32 s13, $0x6;
	s23 =	smul.u32 $0x5000, s13;
	_ =	strace $0x8000004A  }
0x9: {  	s19 =	ssub.s32 $0x2, s10;
	s11 =	sor.u32 s10, s11;
	s14 =	smul.u32 $0x2800, s10  }
0xa: {  	s10 =	smul.u32 $0x13C000, s10;
	s4 =	sshrl.u32 s5, $0x3;
	s12 =	sshrl.u32 s19, $0x1  }
0xb: {  	s7 =	sshrl.u32 s7, $0x2;
	s11 =	smul.u32 $0x2800, s11;
	s6 =	sadd.s32 s4, s0  }
0xc: {  	s4 =	sadd.s32 $0x73000, s0;
	s0 =	ssub.s32 s19, s12;
	s7 =	sadd.s32 s7, s2  }
0xd: {  	s5 =	sadd.s32 s5, s10;
	s10 =	simm.s32 $0x0;
	[dreg:$0x9] =	wrdreg s7  }
0xe: {  	s6 =	sadd.s32 $0x24000, s6;
	s7 =	sor.u32 $0x1C07, s20;
	s21 =	sshrl.u32 s11, $0x3  }
0xf: {  	s5 =	sshrl.u32 s5, $0x3;
	[dreg:$0xa] =	wrdreg s6;
	s11 =	sadd.s32 s8, s21  }
0x10: {  	s22 =	sadd.s32 s9, s21;
	s24 =	sor.u32 $0x10, s21;
	[dreg:$0xb] =	wrdreg s11  }
0x11: {  	s25 =	sor.u32 $0x20, s21;
	[dreg:$0xc] =	wrdreg s22;
	s15 =	sadd.s32 s8, s24  }
0x12: {  	s6 =	sor.u32 $0x30, s21;
	s12 =	sadd.s32 s9, s24;
	[dreg:$0xd] =	wrdreg s15  }
0x13: {  	s26 =	sadd.s32 s8, s25;
	s11 =	sadd.s32 s14, s23;
	[dreg:$0xe] =	wrdreg s12  }
0x14: {  	s16 =	sadd.s32 s8, s6;
	s6 =	sadd.s32 s9, s6;
	[dreg:$0xf] =	wrdreg s26  }
0x15: {  	s15 =	sadd.s32 s9, s25;
	[dreg:$0x11] =	wrdreg s16;
	s17 =	sor.u32 $0x380, s11  }
0x16: {  	[dreg:$0x12] =	wrdreg s6;
	s20 =	sor.u32 $0x300, s11;
	s16 =	sadd.s32 s1, s5  }
0x17: {  	s23 =	sor.u32 $0x280, s11;
	s25 =	sor.u32 $0x200, s11;
	s1 =	simm.s32 $0x1  }
0x18: {  	[dreg:$0x10] =	wrdreg s15;
	s18 =	sshrl.u32 s17, $0x3;
	s21 =	sshrl.u32 s20, $0x3  }
0x19: {  	s17 =	smax.u32 s0, $0x1;
	s0 =	sshrl.u32 s23, $0x3;
	s5 =	sshrl.u32 s25, $0x3  }
0x1a: {  	s23 =	simm.s32 $0x100;
	s25 =	simm.s32 $0x200;
	s19 =	sadd.s32 s18, s9  }
0x1b: {  	s6 =	sadd.s32 s18, s8;
	s22 =	sadd.s32 s21, s9;
	[dreg:$0x4] =	wrdreg s19  }
0x1c: {  	s24 =	sadd.s32 s21, s8;
	s26 =	sadd.s32 s0, s9;
	[dreg:$0x5] =	wrdreg s6  }
0x1d: {  	s18 =	sadd.s32 s0, s8;
	s20 =	sadd.s32 s5, s8;
	[dreg:$0x6] =	wrdreg s22  }
0x1e: {  	s21 =	simm.s32 $0x7;
	s0 =	simm.s32 $0x5;
	[dreg:$0x7] =	wrdreg s24  }
0x1f: {  	s8 =	simm.s32 $0x3;
	[dreg:$0x8] =	wrdreg s26;
	s19 =	sadd.s32 s5, s9  }
0x20: {  	s22 =	simm.s32 $0x80;
	s24 =	simm.s32 $0x180;
	s26 =	simm.s32 $0x280  }
0x21: {  	s5 =	simm.s32 $0x2;
	s6 =	simm.s32 $0x6;
	s9 =	simm.s32 $0x4  }
.LBB2_1:
0x22: {  	s11 =	rddreg [dreg:$0x9]  }
0x23: {  	s12 =	rddreg [dreg:$0xa];
	s11 =	sshrl.u32 s11, $0x3  }
0x24: {  	[spmem:s11], [sflag:s7] =	dma.local [hbm:s12], $0x2780  }
0x25: {  	_ =	swait.ge [sflag:s21], $0x2780  }
0x26: {  	[sflag:s21] =	ssyncset.done $0x0  }
0x27: {  	s14 =	rddreg [dreg:$0xb];
	[sflag:s21] =	ssyncadd.s32 $0xFFFFD880  }
0x28: {  	[tilespmem:s3], [sflag:$0x7] =	stream.linear.gather [hbm4b:s14+s3], $0x80, $0x38;
	[tilespmem:$0x1C000] =	vst v63  }
0x29: {  	_ =	swait.ge [sflag:s21], $0x80  }
0x2a: {  	[sflag:s21] =	ssyncset.done $0x0  }
0x2b: {  	s15 =	rddreg [dreg:$0xc];
	[sflag:s21] =	ssyncadd.s32 $0xFFFFFF80  }
0x2c: {  	[tilespmem:s22], [sflag:$0x7] =	stream.linear.gather [hbm4b:s15+s3], $0x80, $0x38;
	[tilespmem:$0x1C000] =	vst v63  }
0x2d: {  	_ =	swait.ge [sflag:s21], $0x80  }
0x2e: {  	[sflag:s21] =	ssyncset.done $0x0  }
0x2f: {  	s13 =	rddreg [dreg:$0xd];
	[sflag:s21] =	ssyncadd.s32 $0xFFFFFF80  }
0x30: {  	[tilespmem:s23], [sflag:$0x7] =	stream.linear.gather [hbm4b:s13+s3], $0x80, $0x38;
	[tilespmem:$0x1C000] =	vst v63  }
0x31: {  	_ =	swait.ge [sflag:s21], $0x80  }
0x32: {  	[sflag:s21] =	ssyncset.done $0x0  }
0x33: {  	s14 =	rddreg [dreg:$0xe];
	[sflag:s21] =	ssyncadd.s32 $0xFFFFFF80  }
0x34: {  	[tilespmem:s24], [sflag:$0x7] =	stream.linear.gather [hbm4b:s14+s3], $0x80, $0x38;
	[tilespmem:$0x1C000] =	vst v63  }
0x35: {  	_ =	swait.ge [sflag:s21], $0x80  }
0x36: {  	[sflag:s21] =	ssyncset.done $0x0  }
0x37: {  	s15 =	rddreg [dreg:$0xf];
	[sflag:s21] =	ssyncadd.s32 $0xFFFFFF80  }
0x38: {  	[tilespmem:s25], [sflag:$0x5] =	stream.linear.gather [hbm4b:s15+s3], $0x80, $0x38;
	[tilespmem:$0x1C000] =	vst v63  }
0x39: {  	s13 =	rddreg [dreg:$0x10]  }
0x3a: {  	[tilespmem:s26], [sflag:$0x5] =	stream.linear.gather [hbm4b:s13+s3], $0x80, $0x38;
	[tilespmem:$0x1C000] =	vst v63  }
0x3b: {  	s14 =	rddreg [dreg:$0x11]  }
0x3c: {  	[tilespmem:s28], [sflag:$0x6] =	stream.linear.gather [hbm4b:s14+s3], $0x80, $0x38;
	[tilespmem:$0x1C000] =	vst v63  }
0x3d: {  	s15 =	rddreg [dreg:$0x12]  }
0x3e: {  	[tilespmem:s29], [sflag:$0x6] =	stream.linear.gather [hbm4b:s15+s3], $0x80, $0x38;
	[tilespmem:$0x1C000] =	vst v63  }
0x3f: {  	[bflag:$0x0] =	sbarrier.arrive $0xFFFF  }
0x40: {  	[tilespmem:s30], [sflag:$0x1] =	stream.indirect.gather [hbm4b:s4+s22], $0x80, s3, s22, $0xb8;
	[tilespmem:$0x1C000] =	vst v63  }
0x41: {  	_ = 	snop  }
0x42: {  	[tilespmem:s31], [sflag:$0x2] =	stream.indirect.gather [hbm4b:s4+s22], $0x80, s23, s22, $0xb8;
	[tilespmem:$0x1C000] =	vst v63  }
0x43: {  	_ =	swait.ge [sflag:s1], $0x4000  }
0x44: {  	[sflag:s1] =	ssyncset.done $0x0  }
0x45: {  	[sflag:s1] =	ssyncadd.s32 $0xFFFFC000  }
0x46: {  	[spmem:s2] =	stream.indirect.scatter.add.f32 [tilespmem:s30], [sflag:$0x7], $0x80, s22, s22, $0xb8;
	[tilespmem:$0x1C000] =	vst v63  }
0x47: {  	_ =	swait.ge [sflag:s21], $0x4000  }
0x48: {  	[sflag:s21] =	ssyncset.done $0x0  }
0x49: {  	s13 =	sadd.s32 $0x0, s20;
	[sflag:s21] =	ssyncadd.s32 $0xFFFFC000  }
0x4a: {  	[tilespmem:s3], [sflag:$0x3] =	stream.linear.gather [hbm4b:s13+s3], $0x80, $0x38;
	[tilespmem:$0x1C000] =	vst v63  }
0x4b: {  	s14 =	sadd.s32 $0x0, s19  }
0x4c: {  	[tilespmem:s22], [sflag:$0x3] =	stream.linear.gather [hbm4b:s14+s3], $0x80, $0x38;
	[tilespmem:$0x1C000] =	vst v63  }
0x4d: {  	_ =	swait.ge [sflag:s0], $0x80  }
0x4e: {  	[sflag:s0] =	ssyncset.done $0x0  }
0x4f: {  	[sflag:s0] =	ssyncadd.s32 $0xFFFFFF80  }
0x50: {  	_ =	swait.ge [sflag:s0], $0x80  }
0x51: {  	[sflag:s0] =	ssyncset.done $0x0  }
0x52: {  	[sflag:s0] =	ssyncadd.s32 $0xFFFFFF80  }
0x53: {  	[tilespmem:s30], [sflag:$0x1] =	stream.indirect.gather [hbm4b:s4+s22], $0x80, s25, s22, $0xb8;
	[tilespmem:$0x1C000] =	vst v63  }
0x54: {  	_ =	swait.ge [sflag:s5], $0x4000  }
0x55: {  	[sflag:s5] =	ssyncset.done $0x0  }
0x56: {  	[sflag:s5] =	ssyncadd.s32 $0xFFFFC000  }
0x57: {  	[spmem:s2] =	stream.indirect.scatter.add.f32 [tilespmem:s31], [sflag:$0x7], $0x80, s24, s22, $0xb8;
	[tilespmem:$0x1C000] =	vst v63  }
0x58: {  	_ =	swait.ge [sflag:s21], $0x4000  }
0x59: {  	[sflag:s21] =	ssyncset.done $0x0  }
0x5a: {  	s13 =	sadd.s32 $0x0, s18;
	s15 =	rddreg [dreg:$0x8];
	[sflag:s21] =	ssyncadd.s32 $0xFFFFC000  }
0x5b: {  	[tilespmem:s23], [sflag:$0x4] =	stream.linear.gather [hbm4b:s13+s3], $0x80, $0x38;
	[tilespmem:$0x1C000] =	vst v63  }
0x5c: {  	s12 =	sadd.s32 $0x0, s15  }
0x5d: {  	[tilespmem:s24], [sflag:$0x4] =	stream.linear.gather [hbm4b:s12+s3], $0x80, $0x38;
	[tilespmem:$0x1C000] =	vst v63  }
0x5e: {  	_ =	swait.ge [sflag:s6], $0x80  }
0x5f: {  	[sflag:s6] =	ssyncset.done $0x0  }
0x60: {  	[sflag:s6] =	ssyncadd.s32 $0xFFFFFF80  }
0x61: {  	_ =	swait.ge [sflag:s6], $0x80  }
0x62: {  	[sflag:s6] =	ssyncset.done $0x0  }
0x63: {  	[sflag:s6] =	ssyncadd.s32 $0xFFFFFF80  }
0x64: {  	[tilespmem:s31], [sflag:$0x2] =	stream.indirect.gather [hbm4b:s4+s22], $0x80, s28, s22, $0xb8;
	[tilespmem:$0x1C000] =	vst v63  }
0x65: {  	_ =	swait.ge [sflag:s1], $0x4000  }
0x66: {  	[sflag:s1] =	ssyncset.done $0x0  }
0x67: {  	[sflag:s1] =	ssyncadd.s32 $0xFFFFC000  }
0x68: {  	[spmem:s2] =	stream.indirect.scatter.add.f32 [tilespmem:s30], [sflag:$0x7], $0x80, s26, s22, $0xb8;
	[tilespmem:$0x1C000] =	vst v63  }
0x69: {  	_ =	swait.ge [sflag:s21], $0x4000  }
0x6a: {  	s13 =	rddreg [dreg:$0x7];
	[sflag:s21] =	ssyncset.done $0x0  }
0x6b: {  	s14 =	rddreg [dreg:$0x6];
	[sflag:s21] =	ssyncadd.s32 $0xFFFFC000;
	s12 =	sadd.s32 $0x0, s13  }
0x6c: {  	[tilespmem:s25], [sflag:$0x5] =	stream.linear.gather [hbm4b:s12+s3], $0x80, $0x38;
	[tilespmem:$0x1C000] =	vst v63  }
0x6d: {  	s15 =	sadd.s32 $0x0, s14  }
0x6e: {  	[tilespmem:s26], [sflag:$0x5] =	stream.linear.gather [hbm4b:s15+s3], $0x80, $0x38;
	[tilespmem:$0x1C000] =	vst v63  }
0x6f: {  	_ =	swait.ge [sflag:s8], $0x80  }
0x70: {  	[sflag:s8] =	ssyncset.done $0x0  }
0x71: {  	[sflag:s8] =	ssyncadd.s32 $0xFFFFFF80  }
0x72: {  	_ =	swait.ge [sflag:s8], $0x80  }
0x73: {  	[sflag:s8] =	ssyncset.done $0x0  }
0x74: {  	[sflag:s8] =	ssyncadd.s32 $0xFFFFFF80  }
0x75: {  	[tilespmem:s30], [sflag:$0x1] =	stream.indirect.gather [hbm4b:s4+s22], $0x80, s3, s22, $0xb8;
	[tilespmem:$0x1C000] =	vst v63  }
0x76: {  	_ =	swait.ge [sflag:s5], $0x4000  }
0x77: {  	[sflag:s5] =	ssyncset.done $0x0  }
0x78: {  	[sflag:s5] =	ssyncadd.s32 $0xFFFFC000  }
0x79: {  	[spmem:s2] =	stream.indirect.scatter.add.f32 [tilespmem:s31], [sflag:$0x7], $0x80, s29, s22, $0xb8;
	[tilespmem:$0x1C000] =	vst v63  }
0x7a: {  	_ =	swait.ge [sflag:s21], $0x4000  }
0x7b: {  	s13 =	rddreg [dreg:$0x5];
	[sflag:s21] =	ssyncset.done $0x0  }
0x7c: {  	s14 =	rddreg [dreg:$0x4];
	[sflag:s21] =	ssyncadd.s32 $0xFFFFC000;
	s12 =	sadd.s32 $0x0, s13  }
0x7d: {  	[tilespmem:s28], [sflag:$0x6] =	stream.linear.gather [hbm4b:s12+s3], $0x80, $0x38;
	[tilespmem:$0x1C000] =	vst v63  }
0x7e: {  	s15 =	sadd.s32 $0x0, s14  }
0x7f: {  	[tilespmem:s29], [sflag:$0x6] =	stream.linear.gather [hbm4b:s15+s3], $0x80, $0x38;
	[tilespmem:$0x1C000] =	vst v63  }
0x80: {  	_ =	swait.ge [sflag:s9], $0x80  }
0x81: {  	[sflag:s9] =	ssyncset.done $0x0  }
0x82: {  	[sflag:s9] =	ssyncadd.s32 $0xFFFFFF80  }
0x83: {  	_ =	swait.ge [sflag:s9], $0x80  }
0x84: {  	[sflag:s9] =	ssyncset.done $0x0  }
0x85: {  	s12 =	simm.s32 $0x40;
	[sflag:s9] =	ssyncadd.s32 $0xFFFFFF80  }
.LBB2_2:
0x86: {  	[tilespmem:s31], [sflag:$0x2] =	stream.indirect.gather [hbm4b:s4+s22], $0x80, s23, s22, $0xb8;
	[tilespmem:$0x1C000] =	vst v63  }
0x87: {  	_ =	swait.ge [sflag:s1], $0x4000  }
0x88: {  	[sflag:s1] =	ssyncset.done $0x0  }
0x89: {  	[sflag:s1] =	ssyncadd.s32 $0xFFFFC000  }
0x8a: {  	[spmem:s2] =	stream.indirect.scatter.add.f32 [tilespmem:s30], [sflag:$0x7], $0x80, s22, s22, $0xb8;
	[tilespmem:$0x1C000] =	vst v63  }
0x8b: {  	_ =	swait.ge [sflag:s21], $0x4000  }
0x8c: {  	s13 =	smov.u32 s12;
	[sflag:s21] =	ssyncset.done $0x0  }
0x8d: {  	s14 =	sadd.s32 s13, s20;
	[sflag:s21] =	ssyncadd.s32 $0xFFFFC000  }
0x8e: {  	[tilespmem:s3], [sflag:$0x3] =	stream.linear.gather [hbm4b:s14+s3], $0x80, $0x38;
	[tilespmem:$0x1C000] =	vst v63  }
0x8f: {  	s15 =	sadd.s32 s13, s19  }
0x90: {  	[tilespmem:s22], [sflag:$0x3] =	stream.linear.gather [hbm4b:s15+s3], $0x80, $0x38;
	[tilespmem:$0x1C000] =	vst v63  }
0x91: {  	_ =	swait.ge [sflag:s0], $0x80  }
0x92: {  	[sflag:s0] =	ssyncset.done $0x0  }
0x93: {  	[sflag:s0] =	ssyncadd.s32 $0xFFFFFF80  }
0x94: {  	_ =	swait.ge [sflag:s0], $0x80  }
0x95: {  	[sflag:s0] =	ssyncset.done $0x0  }
0x96: {  	[sflag:s0] =	ssyncadd.s32 $0xFFFFFF80  }
0x97: {  	[tilespmem:s30], [sflag:$0x1] =	stream.indirect.gather [hbm4b:s4+s22], $0x80, s25, s22, $0xb8;
	[tilespmem:$0x1C000] =	vst v63  }
0x98: {  	_ =	swait.ge [sflag:s5], $0x4000  }
0x99: {  	[sflag:s5] =	ssyncset.done $0x0  }
0x9a: {  	[sflag:s5] =	ssyncadd.s32 $0xFFFFC000  }
0x9b: {  	[spmem:s2] =	stream.indirect.scatter.add.f32 [tilespmem:s31], [sflag:$0x7], $0x80, s24, s22, $0xb8;
	[tilespmem:$0x1C000] =	vst v63  }
0x9c: {  	_ =	swait.ge [sflag:s21], $0x4000  }
0x9d: {  	[sflag:s21] =	ssyncset.done $0x0  }
0x9e: {  	s15 =	sadd.s32 s13, s18;
	s14 =	rddreg [dreg:$0x8];
	[sflag:s21] =	ssyncadd.s32 $0xFFFFC000  }
0x9f: {  	[tilespmem:s23], [sflag:$0x4] =	stream.linear.gather [hbm4b:s15+s3], $0x80, $0x38;
	[tilespmem:$0x1C000] =	vst v63  }
0xa0: {  	s14 =	sadd.s32 s13, s14  }
0xa1: {  	[tilespmem:s24], [sflag:$0x4] =	stream.linear.gather [hbm4b:s14+s3], $0x80, $0x38;
	[tilespmem:$0x1C000] =	vst v63  }
0xa2: {  	_ =	swait.ge [sflag:s6], $0x80  }
0xa3: {  	[sflag:s6] =	ssyncset.done $0x0  }
0xa4: {  	[sflag:s6] =	ssyncadd.s32 $0xFFFFFF80  }
0xa5: {  	_ =	swait.ge [sflag:s6], $0x80  }
0xa6: {  	[sflag:s6] =	ssyncset.done $0x0  }
0xa7: {  	[sflag:s6] =	ssyncadd.s32 $0xFFFFFF80  }
0xa8: {  	[tilespmem:s31], [sflag:$0x2] =	stream.indirect.gather [hbm4b:s4+s22], $0x80, s28, s22, $0xb8;
	[tilespmem:$0x1C000] =	vst v63  }
0xa9: {  	_ =	swait.ge [sflag:s1], $0x4000  }
0xaa: {  	[sflag:s1] =	ssyncset.done $0x0  }
0xab: {  	[sflag:s1] =	ssyncadd.s32 $0xFFFFC000  }
0xac: {  	[spmem:s2] =	stream.indirect.scatter.add.f32 [tilespmem:s30], [sflag:$0x7], $0x80, s26, s22, $0xb8;
	[tilespmem:$0x1C000] =	vst v63  }
0xad: {  	_ =	swait.ge [sflag:s21], $0x4000  }
0xae: {  	s14 =	rddreg [dreg:$0x7];
	[sflag:s21] =	ssyncset.done $0x0  }
0xaf: {  	s15 =	rddreg [dreg:$0x6];
	[sflag:s21] =	ssyncadd.s32 $0xFFFFC000;
	s14 =	sadd.s32 s13, s14  }
0xb0: {  	[tilespmem:s25], [sflag:$0x5] =	stream.linear.gather [hbm4b:s14+s3], $0x80, $0x38;
	[tilespmem:$0x1C000] =	vst v63  }
0xb1: {  	s15 =	sadd.s32 s13, s15  }
0xb2: {  	[tilespmem:s26], [sflag:$0x5] =	stream.linear.gather [hbm4b:s15+s3], $0x80, $0x38;
	[tilespmem:$0x1C000] =	vst v63  }
0xb3: {  	_ =	swait.ge [sflag:s8], $0x80  }
0xb4: {  	[sflag:s8] =	ssyncset.done $0x0  }
0xb5: {  	[sflag:s8] =	ssyncadd.s32 $0xFFFFFF80  }
0xb6: {  	_ =	swait.ge [sflag:s8], $0x80  }
0xb7: {  	[sflag:s8] =	ssyncset.done $0x0  }
0xb8: {  	[sflag:s8] =	ssyncadd.s32 $0xFFFFFF80  }
0xb9: {  	[tilespmem:s30], [sflag:$0x1] =	stream.indirect.gather [hbm4b:s4+s22], $0x80, s3, s22, $0xb8;
	[tilespmem:$0x1C000] =	vst v63  }
0xba: {  	_ =	swait.ge [sflag:s5], $0x4000  }
0xbb: {  	[sflag:s5] =	ssyncset.done $0x0  }
0xbc: {  	[sflag:s5] =	ssyncadd.s32 $0xFFFFC000  }
0xbd: {  	[spmem:s2] =	stream.indirect.scatter.add.f32 [tilespmem:s31], [sflag:$0x7], $0x80, s29, s22, $0xb8;
	[tilespmem:$0x1C000] =	vst v63  }
0xbe: {  	_ =	swait.ge [sflag:s21], $0x4000  }
0xbf: {  	s14 =	rddreg [dreg:$0x5];
	[sflag:s21] =	ssyncset.done $0x0  }
0xc0: {  	s15 =	rddreg [dreg:$0x4];
	[sflag:s21] =	ssyncadd.s32 $0xFFFFC000;
	s14 =	sadd.s32 s13, s14  }
0xc1: {  	[tilespmem:s28], [sflag:$0x6] =	stream.linear.gather [hbm4b:s14+s3], $0x80, $0x38;
	[tilespmem:$0x1C000] =	vst v63  }
0xc2: {  	s13 =	sadd.s32 s13, s15  }
0xc3: {  	[tilespmem:s29], [sflag:$0x6] =	stream.linear.gather [hbm4b:s13+s3], $0x80, $0x38;
	[tilespmem:$0x1C000] =	vst v63  }
0xc4: {  	p0 =	sne.s32 s12, $0x4C0;
	_ =	swait.ge [sflag:s9], $0x80  }
.Ltmp0:
0xc5: {  	[sflag:s9] =	ssyncset.done $0x0;
	(pc) =	sbr.rel @p0 .LBB2_2-.Ltmp0, $4  }
0xc6: {  	[sflag:s9] =	ssyncadd.s32 $0xFFFFFF80  }
0xc7: {  	_ =	swait.ge [sflag:s9], $0x80  }
0xc8: {  	[sflag:s9] =	ssyncset.done $0x0  }
0xc9: {  	s12 =	sadd.s32 $0x40, s12;
	[sflag:s9] =	ssyncadd.s32 $0xFFFFFF80  }
0xca: {  	[tilespmem:s31], [sflag:$0x2] =	stream.indirect.gather [hbm4b:s4+s22], $0x80, s23, s22, $0xb8;
	[tilespmem:$0x1C000] =	vst v63  }
0xcb: {  	_ =	swait.ge [sflag:s1], $0x4000  }
0xcc: {  	[sflag:s1] =	ssyncset.done $0x0  }
0xcd: {  	[sflag:s1] =	ssyncadd.s32 $0xFFFFC000  }
0xce: {  	_ =	swait.ge [sflag:s5], $0x4000  }
0xcf: {  	[sflag:s5] =	ssyncset.done $0x0  }
0xd0: {  	[sflag:s5] =	ssyncadd.s32 $0xFFFFC000  }
0xd1: {  	_ =	swait.ge [sflag:s0], $0x80  }
0xd2: {  	[sflag:s0] =	ssyncset.done $0x0  }
0xd3: {  	[sflag:s0] =	ssyncadd.s32 $0xFFFFFF80  }
0xd4: {  	_ =	swait.ge [sflag:s0], $0x80  }
0xd5: {  	[sflag:s0] =	ssyncset.done $0x0  }
0xd6: {  	[sflag:s0] =	ssyncadd.s32 $0xFFFFFF80  }
0xd7: {  	_ =	swait.ge [sflag:s6], $0x80  }
0xd8: {  	[sflag:s6] =	ssyncset.done $0x0  }
0xd9: {  	[sflag:s6] =	ssyncadd.s32 $0xFFFFFF80  }
0xda: {  	_ =	swait.ge [sflag:s6], $0x80  }
0xdb: {  	s10 =	sadd.s32 $0x1, s10;
	[sflag:s6] =	ssyncset.done $0x0  }
0xdc: {  	p0 =	sne.s32 s10, s17;
	[sflag:s6] =	ssyncadd.s32 $0xFFFFFF80  }
.Ltmp1:
0xdd: {  	[bflag:$0x0] =	sbarrier.arrive $0xFFFF;
	(pc) =	sbr.rel @p0 .LBB2_1-.Ltmp1, $4  }
0xde: {  	[hbm:s16], [sflag:s7] =	dma.local [spmem:s11], $0x2780  }
0xdf: {  	_ =	swait.ge [sflag:s21], $0x2780  }
0xe0: {  	[sflag:s21] =	ssyncset.done $0x0  }
0xe1: {  	[sflag:s21] =	ssyncadd.s32 $0xFFFFD880  }
0xe2: {  	_ =	sfence.sel $0x180000  }
0xe3: {  	[bflag:$0x0] =	sbarrier.arrive $0xFFFF  }
0xe4: {  	_ =	strace $0x9000004A  }
0xe5: {  	s0 =	stileid.u32;
	[bflag:$0x2] =	sbarrier.arrive $0xFFFF  }
0xe6: {  	p0 =	sne.s32 s0, $0x0;
	s0 =	rddreg [dreg:$0x3]  }
0xe7: {  	s0 =	sadd.s32 @!p0 $0x100000, s0  }
0xe8: {  	[sflag:s0] =	ssyncadd.tile.s32 @!p0 $0x1;
	_ =	shalt  }
.Lfunc_end2:
_tile_overlayer_lowered:
.L_overlay_start_2:
0xe9: {  	(tag) =	ssettag $0x2  }
0xea: {  	s0 =	rddreg [dreg:$0x0];
	s2 =	stileid.u32  }
0xeb: {  	s1 =	rddreg [dreg:$0x1];
	p0 =	sne.s32 s2, $0x0  }
0xec: {  	s3 =	rddreg [dreg:$0x2];
	[bflag:$0x3] =	sbarrier.arrive $0xFFFF;
	s2 =	simm.s32 @!p0 $0x1C07  }
0xed: {  	[timem:s3], [sflag:s2] =	dma.local @!p0 [hbm:s0], s1  }
0xee: {  	s0 =	simm.s32 @!p0 $0x7  }
0xef: {  	_ =	swait.ge @!p0 [sflag:s0], s1  }
0xf0: {  	s1 =	ssub.s32 @!p0 $0x0, s1;
	[sflag:s0] =	ssyncset.done @!p0 $0x0  }
0xf1: {  	[sflag:s0] =	ssyncadd.s32 @!p0 s1  }
0xf2: {  	[bflag:$0x3] =	sbarrier.arrive $0xFFFF  }
0xf3: {  	_ =	shalt  }

// kernel: kernel.17.cloned.1.call-start
scs
__scs_entry_jumppad:
0x0: {  	(pc) =	sbr.rel $0x88, $3  }
0x1: {  	(tag) =	ssettag $0x0;
	lr =	simm.s32 $0x1  }
0x2: {  	[smem:$0x3F99] =	sst lr;
	_ =	strace $0xD0000000  }
0x3: {  	_ = 	snop  }
0x4: {  	_ = 	snop  }
0x5: {  	_ = 	snop  }
0x6: {  	_ = 	snop  }
0x7: {  	_ = 	snop  }
__scs_overlays_trampoline_lowered:
0x8: {  	[smem:$0x3FA8] =	sst s0  }
0x9: {  	[smem:$0x3FA9] =	sst s1  }
0xa: {  	[smem:$0x3FAA] =	sst s2  }
0xb: {  	[smem:$0x3FAB] =	sst s3  }
0xc: {  	[smem:$0x3FAC] =	sst s4  }
0xd: {  	[smem:$0x3FAD] =	sst s5  }
0xe: {  	[smem:$0x3FAE] =	sst s6  }
0xf: {  	[smem:$0x3FAF] =	sst s7  }
0x10: {  	[smem:$0x3FB0] =	sst s8  }
0x11: {  	[smem:$0x3FB1] =	sst s9;
	s0 =	simm.s32 @!p0 $0x0  }
0x12: {  	s1 =	sld [smem:$0x3F97];
	s0 =	simm.s32 @p0 $0x1  }
0x13: {  	[smem:$0x3FB2] =	sst s0;
	s0 =	simm.s32 @!p1 $0x0  }
0x14: {  	s2 =	sld [smem:$0x3F96];
	s0 =	simm.s32 @p1 $0x1  }
0x15: {  	[smem:$0x3FB3] =	sst s0;
	s0 =	simm.s32 @!p2 $0x0  }
0x16: {  	s3 =	sld [smem:$0x3FDB];
	s0 =	simm.s32 @p2 $0x1  }
0x17: {  	s4 =	simm.s32 $0x1BF5;
	[smem:$0x3FB5] =	sst s0  }
0x18: {  	s0 =	sld [smem:$0x3F98];
	_ =	swait.ge [sflag:s4], $0x0  }
0x19: {  	s7 =	sld [smem:$0x3F99]  }
0x1a: {  	s8 =	sadd.s32 $0xFFFFE003, lr  }
0x1b: {  	s9 =	sadd.s32 $0xFFFFFEF7, lr;
	s5 =	simm.s32 $0xFFFFFFFF;
	p2 =	slt.u32 s8, $0xFFFFF086  }
0x1c: {  	p1 =	slt.u32 s9, $0xF7A;
	s5 =	simm.s32 @!p2 $0x0  }
0x1d: {  	s5 =	simm.s32 @p1 $0x1;
	p0 =	seq.s32 s7, s2  }
0x1e: {  	s7 =	smul.u32 @!p0 $0xF7A, s2;
	p2 =	seq.s32 @!p0 s5, $0x0  }
0x1f: {  	s9 =	smul.u32 $0xF7A, s1;
	s8 =	simm.s32 @!p0 $0x1BF5;
	p2 =	por !p2, p0  }
0x20: {  	[sflag:s8] =	ssyncset.s32 @!p0 $0xFFFFF086;
	s6 =	sadd.s32 @!p0 s3, s7;
	s7 =	simm.s32 @!p0 $0x108  }
0x21: {  	s3 =	sadd.s32 s3, s9;
	s6 =	sadd.s32 @!p0 $0x88, s6;
	s7 =	simm.s32 @p2 $0x1082  }
0x22: {  	[simem:s7], [sflag:s8] =	dma.local @!p0 [hbm:s6], $0xF7A  }
0x23: {  	s9 =	sor.u32 $0xD0000000, s2;
	s6 =	simm.s32 $0x108;
	_ =	swait.ge @!p0 [sflag:s8], $0x0  }
0x24: {  	s3 =	sadd.s32 $0x88, s3;
	s6 =	simm.s32 @!p1 $0x1082;
	[sflag:s4] =	ssyncset.s32 $0xFFFFF086  }
0x25: {  	[simem:s6], [sflag:s4] =	dma.local [hbm:s3], $0xF7A  }
0x26: {  	[smem:$0x3F99] =	sst s1;
	(tag) =	ssettag s2;
	_ =	strace s9  }
0x27: {  	s1 =	sld [smem:$0x3FA9]  }
0x28: {  	s2 =	sld [smem:$0x3FAA]  }
0x29: {  	s4 =	sld [smem:$0x3FAC]  }
0x2a: {  	p0 =	seq.s32 s5, $0x0;
	s5 =	sld [smem:$0x3FAD]  }
0x2b: {  	s6 =	sld [smem:$0x3FAE]  }
0x2c: {  	s7 =	sld [smem:$0x3FAF]  }
0x2d: {  	s3 =	simm.s32 $0x108;
	s8 =	sld [smem:$0x3FB0]  }
0x2e: {  	s3 =	simm.s32 @!p0 $0x1082;
	s9 =	sld [smem:$0x3FB1]  }
0x2f: {  	lr =	sadd.s32 s0, s3;
	s0 =	sld [smem:$0x3FA8]  }
0x30: {  	s3 =	sld [smem:$0x3FAB]  }
0x31: {  	[smem:$0x3FB4] =	sst s10  }
0x32: {  	s10 =	sld [smem:$0x3FB2];
	_ =	sdelay $0x3  }
0x33: {  	p0 =	seq.s32 s10, $0x1;
	s10 =	sld [smem:$0x3FB4];
	_ =	sdelay $0x3  }
0x34: {  	[smem:$0x3FB4] =	sst s10  }
0x35: {  	s10 =	sld [smem:$0x3FB3];
	_ =	sdelay $0x3  }
0x36: {  	p1 =	seq.s32 s10, $0x1;
	s10 =	sld [smem:$0x3FB4];
	_ =	sdelay $0x3  }
0x37: {  	[smem:$0x3FB4] =	sst s10  }
0x38: {  	s10 =	sld [smem:$0x3FB5]  }
0x39: {  	_ = 	snop;
	(pc) =	sbr.ind lr, $3  }
0x3a: {  	_ = 	snop  }
0x3b: {  	_ = 	snop  }
0x3c: {  	p2 =	seq.s32 s10, $0x1;
	s10 =	sld [smem:$0x3FB4]  }
0x3d: {  	_ =	shalt  }
0x3e: {  	_ =	shalt  }
0x3f: {  	_ =	shalt  }
0x40: {  	_ =	shalt  }
0x41: {  	_ =	shalt  }
0x42: {  	_ =	shalt  }
0x43: {  	_ =	shalt  }
0x44: {  	_ =	shalt  }
0x45: {  	_ =	shalt  }
0x46: {  	_ =	shalt  }
0x47: {  	_ =	shalt  }
0x48: {  	_ =	shalt  }
0x49: {  	_ =	shalt  }
0x4a: {  	_ =	shalt  }
0x4b: {  	_ =	shalt  }
0x4c: {  	_ =	shalt  }
0x4d: {  	_ =	shalt  }
0x4e: {  	_ =	shalt  }
0x4f: {  	_ =	shalt  }
0x50: {  	_ =	shalt  }
0x51: {  	_ =	shalt  }
0x52: {  	_ =	shalt  }
0x53: {  	_ =	shalt  }
0x54: {  	_ =	shalt  }
0x55: {  	_ =	shalt  }
0x56: {  	_ =	shalt  }
0x57: {  	_ =	shalt  }
0x58: {  	_ =	shalt  }
0x59: {  	_ =	shalt  }
0x5a: {  	_ =	shalt  }
0x5b: {  	_ =	shalt  }
0x5c: {  	_ =	shalt  }
0x5d: {  	_ =	shalt  }
0x5e: {  	_ =	shalt  }
0x5f: {  	_ =	shalt  }
0x60: {  	_ =	shalt  }
0x61: {  	_ =	shalt  }
0x62: {  	_ =	shalt  }
0x63: {  	_ =	shalt  }
0x64: {  	_ =	shalt  }
0x65: {  	_ =	shalt  }
0x66: {  	_ =	shalt  }
0x67: {  	_ =	shalt  }
0x68: {  	_ =	shalt  }
0x69: {  	_ =	shalt  }
0x6a: {  	_ =	shalt  }
0x6b: {  	_ =	shalt  }
0x6c: {  	_ =	shalt  }
0x6d: {  	_ =	shalt  }
0x6e: {  	_ =	shalt  }
0x6f: {  	_ =	shalt  }
0x70: {  	_ =	shalt  }
0x71: {  	_ =	shalt  }
0x72: {  	_ =	shalt  }
0x73: {  	_ =	shalt  }
0x74: {  	_ =	shalt  }
0x75: {  	_ =	shalt  }
0x76: {  	_ =	shalt  }
0x77: {  	_ =	shalt  }
0x78: {  	_ =	shalt  }
0x79: {  	_ =	shalt  }
0x7a: {  	_ =	shalt  }
0x7b: {  	_ =	shalt  }
0x7c: {  	_ =	shalt  }
0x7d: {  	_ =	shalt  }
0x7e: {  	_ =	shalt  }
0x7f: {  	_ =	shalt  }
0x80: {  	_ =	shalt  }
0x81: {  	_ =	shalt  }
0x82: {  	_ =	shalt  }
0x83: {  	_ =	shalt  }
0x84: {  	_ =	shalt  }
0x85: {  	_ =	shalt  }
0x86: {  	_ =	shalt  }
0x87: {  	_ =	shalt  }
.Lfunc_end0:
.L_simem_size_0:
called_computation.2_lowered:
.L_overlay_start_0:
0x88: {  	s2 =	sld [smem:$0x3FD9]  }
0x89: {  	s3 =	sld [smem:$0x3FFE];
	_ =	sdelay $0x1  }
0x8a: {  	s1 =	srdreg.scid  }
0x8b: {  	s0 =	sand.u32 $0x1, s1  }
0x8c: {  	s17 =	sshll.u32 s0, $0xA;
	s2 =	sadd.s32 s3, s2  }
0x8d: {  	s2 =	sadd.s32 s2, s17  }
0x8e: {  	[smem:$0x3FC0] =	sst s2  }
0x8f: {  	_ = 	snop  }
0x90: {  	s2 =	sld [smem:$0x3FD0];
	(tm) =	ssettm $0x1  }
0x91: {  	s18 =	sld [smem:$0x3FFB];
	_ =	sdelay $0x3  }
0x92: {  	_ =	strace s18  }
0x93: {  	s3 =	sld [smem:$0x3FFC];
	_ =	sdelay $0x3  }
0x94: {  	_ =	strace s3  }
0x95: {  	s3 =	sld [smem:$0x3FFD];
	_ =	sdelay $0x3  }
0x96: {  	_ =	strace s3  }
0x97: {  	_ =	strace $0x8FFFFFFF  }
0x98: {  	s19 =	sld [smem:$0x3FDB];
	_ =	sdelay $0x1  }
0x99: {  	s4 =	simm.s32 $_scs_section_size  }
0x9a: {  	s5 =	simm.s32 $_size__tile_overlayer_lowered;
	s6 =	simm.s32 $_tile_overlayer_lowered  }
0x9b: {  	s22 =	simm.s32 $0x1BFF;
	s21 =	sshll.u32 s6, $0x1;
	s3 =	sadd.s32 s4, s19  }
0x9c: {  	s7 =	simm.s32 $0x0;
	s20 =	sshll.u32 s5, $0x1;
	s5 =	sadd.s32 s21, s3  }
0x9d: {  	[timem:s7], [sflag:s22] =	dma.local [hbm:s5], s20  }
0x9e: {  	_ =	swait.ge [sflag:s22], s20  }
0x9f: {  	s4 =	ssub.s32 $0x0, s20;
	[sflag:s22] =	ssyncset.done $0x0  }
0xa0: {  	[sflag:s22] =	ssyncadd.s32 s4;
	_ =	sdelay $0x1  }
0xa1: {  	s23 =	simm.s32 $0x1B8B  }
0xa2: {  	_ =	swait.ge [sflag:s23], $0x1  }
0xa3: {  	[sflag:s23] =	ssyncset.done $0x0  }
0xa4: {  	s25 =	simm.s32 $0x1B8E;
	s24 =	sld [smem:$0x3FFE];
	[sflag:s23] =	ssyncadd.s32 $0xFFFFFFFF  }
0xa5: {  	s26 =	simm.s32 $execute0_lowered;
	[smem:$0x3FD2] =	sst s25  }
0xa6: {  	s5 =	sshll.u32 s26, $0x1;
	_ =	strace $0x8000004C;
	[dreg:$0x1] =	wrdreg $0xFFFFFFFF  }
0xa7: {  	s28 =	simm.s32 $_size_execute0_lowered;
	s3 =	sadd.s32 s3, s5;
	[dreg:$0x0] =	wrdreg $0x0  }
0xa8: {  	s5 =	sshll.u32 s28, $0x1;
	[dreg:$0x2] =	wrdreg s3  }
0xa9: {  	[dreg:$0x3] =	wrdreg s5  }
0xaa: {  	[dreg:$0x4] =	wrdreg $0xC0  }
0xab: {  	_ =	task [dreg:s7], $0x5FFFF  }
0xac: {  	[dreg:$0x1] =	wrdreg $0xFFFFFFFF  }
0xad: {  	[dreg:$0x0] =	wrdreg $0x60  }
0xae: {  	[dreg:$0x2] =	wrdreg s24  }
0xaf: {  	[dreg:$0x3] =	wrdreg s2  }
0xb0: {  	[dreg:$0x4] =	wrdreg $0x84000  }
0xb1: {  	[dreg:$0x5] =	wrdreg $0x9  }
0xb2: {  	_ =	task.clear_ibuf [dreg:s7], $0x6FFFF;
	_ =	strace $0x9000004C  }
0xb3: {  	s29 =	simm.s32 $0x9;
	_ =	strace $0x8000004E  }
0xb4: {  	_ =	swait.ge [sflag:s29], $0x1  }
0xb5: {  	[sflag:s29] =	ssyncadd.s32 $0xFFFFFFFF  }
0xb6: {  	_ =	strace $0x9000004E  }
0xb7: {  	_ =	sfence  }
0xb8: {  	s30 =	sld [smem:$0x0];
	_ =	sdelay $0x2  }
0xb9: {  	s31 =	sshll.u32 s1, $0xD;
	s1 =	sshrl.u32 s1, $0x2  }
0xba: {  	s3 =	sand.u32 $0x4000, s31;
	s1 =	sadd.s32 s1, s30  }
0xbb: {  	s0 =	sor.u32 s3, s0;
	s1 =	sshll.u32 s1, $0x11  }
0xbc: {  	s0 =	sor.u32 s1, s0  }
0xbd: {  	s0 =	sadd.s32 $0x8F2B, s0  }
0xbe: {  	[sflag:s0] =	ssyncadd.remote.s32 $0x1  }
0xbf: {  	_ =	sfence.sel $0xFFFF  }
0xc0: {  	[dreg:$0x0] =	wrdreg $0xFFFFFFFF;
	(pc) =	sbr.abs _section_cstart, $3  }
0xc1: {  	[dreg:$0x1] =	wrdreg $0xFFFFFFFF  }
0xc2: {  	_ =	task.clear_ibuf [dreg:s7], $0x2FFFF;
	_ =	strace $0x9FFFFFFF  }
0xc3: {  	(tm) =	ssettm $0x7FFFFFFF  }
tec
execute0_lowered:
.L_overlay_start_1:
0x0: {  	(tag) =	ssettag $0x1  }
0x1: {  	s0 =	rddreg [dreg:$0x0]  }
0x2: {  	s2 =	rddreg [dreg:$0x1]  }
0x3: {  	s3 =	rddreg [dreg:$0x2]  }
0x4: {  	s12 =	stileid.u32;
	s5 =	srdreg.scid  }
0x5: {  	s4 =	simm.s32 $0x0;
	s28 =	simm.s32 $0x300;
	s29 =	simm.s32 $0x380  }
0x6: {  	s30 =	simm.s32 $0x400;
	s31 =	simm.s32 $0x4400;
	s1 =	smul.u32 $0x13C00, s12  }
0x7: {  	s5 =	sand.u32 $0x1, s5;
	[smem:$0x7FF] =	sst s4;
	s21 =	smul.u32 $0x4F000, s12  }
0x8: {  	s8 =	sadd.s32 $0x19600, s0;
	s9 =	sadd.s32 $0xF400, s0;
	s24 =	smul.u32 $0x5000, s12  }
0x9: {  	s10 =	sshll.u32 s12, $0x1;
	s23 =	sshll.u32 s12, $0x6;
	s7 =	smul.u32 $0x13C000, s5  }
0xa: {  	_ =	strace $0x8000004D;
	s22 =	ssub.s32 $0x2, s5;
	s10 =	sor.u32 s5, s10  }
0xb: {  	s5 =	smul.u32 $0x2800, s5;
	s6 =	sshrl.u32 s1, $0x3;
	s11 =	sshrl.u32 s22, $0x1  }
0xc: {  	s10 =	smul.u32 $0x2800, s10;
	s6 =	sadd.s32 s6, s0;
	s1 =	sadd.s32 s1, s7  }
0xd: {  	s7 =	sshrl.u32 s21, $0x2;
	s5 =	sadd.s32 s5, s24;
	s1 =	sshrl.u32 s1, $0x3  }
0xe: {  	s7 =	sadd.s32 s7, s3;
	s6 =	sadd.s32 $0x24000, s6;
	s10 =	sshrl.u32 s10, $0x3  }
0xf: {  	s17 =	sor.u32 $0x380, s5;
	s21 =	sor.u32 $0x300, s5;
	s24 =	sor.u32 $0x280, s5  }
0x10: {  	s5 =	sor.u32 $0x200, s5;
	s0 =	sadd.s32 s1, s0;
	[dreg:$0x9] =	wrdreg s7  }
0x11: {  	s1 =	ssub.s32 s22, s11;
	[dreg:$0xa] =	wrdreg s6;
	s7 =	sor.u32 $0x1C07, s23  }
0x12: {  	s25 =	sor.u32 $0x10, s10;
	s26 =	sadd.s32 s8, s10;
	s13 =	sadd.s32 s9, s10  }
0x13: {  	s15 =	sor.u32 $0x20, s10;
	s10 =	sor.u32 $0x30, s10;
	[dreg:$0xb] =	wrdreg s26  }
0x14: {  	s19 =	sshrl.u32 s17, $0x3;
	[dreg:$0xc] =	wrdreg s13;
	s14 =	sadd.s32 s8, s25  }
0x15: {  	s22 =	sshrl.u32 s21, $0x3;
	s6 =	sadd.s32 s9, s25;
	[dreg:$0xd] =	wrdreg s14  }
0x16: {  	s5 =	sshrl.u32 s5, $0x3;
	s16 =	sadd.s32 s8, s15;
	[dreg:$0xe] =	wrdreg s6  }
0x17: {  	s21 =	simm.s32 $0x7;
	s18 =	sadd.s32 s8, s10;
	[dreg:$0xf] =	wrdreg s16  }
0x18: {  	s10 =	sadd.s32 s9, s10;
	s20 =	sadd.s32 s19, s9;
	[dreg:$0x11] =	wrdreg s18  }
0x19: {  	s23 =	sadd.s32 s22, s9;
	s17 =	smax.u32 s1, $0x1;
	[dreg:$0x12] =	wrdreg s10  }
0x1a: {  	s25 =	sadd.s32 s22, s8;
	s22 =	simm.s32 $0x80;
	[dreg:$0x4] =	wrdreg s20  }
0x1b: {  	s1 =	simm.s32 $0x1;
	s6 =	sadd.s32 s9, s15;
	[dreg:$0x6] =	wrdreg s23  }
0x1c: {  	s16 =	sadd.s32 $0x111000, s0;
	s0 =	sshrl.u32 s24, $0x3;
	[dreg:$0x7] =	wrdreg s25  }
0x1d: {  	s20 =	sadd.s32 s5, s8;
	s23 =	simm.s32 $0x100;
	s24 =	simm.s32 $0x180  }
0x1e: {  	s25 =	simm.s32 $0x200;
	s10 =	simm.s32 $0x0;
	[dreg:$0x10] =	wrdreg s6  }
0x1f: {  	s6 =	sadd.s32 s19, s8;
	s26 =	sadd.s32 s0, s9;
	s18 =	sadd.s32 s0, s8  }
0x20: {  	s19 =	sadd.s32 s5, s9;
	s0 =	simm.s32 $0x5;
	s5 =	simm.s32 $0x2  }
0x21: {  	s8 =	simm.s32 $0x3;
	s9 =	simm.s32 $0x4;
	[dreg:$0x5] =	wrdreg s6  }
0x22: {  	[dreg:$0x8] =	wrdreg s26;
	s26 =	simm.s32 $0x280;
	s6 =	simm.s32 $0x6  }
.LBB2_1:
0x23: {  	s11 =	rddreg [dreg:$0x9]  }
0x24: {  	s12 =	rddreg [dreg:$0xa];
	s11 =	sshrl.u32 s11, $0x3  }
0x25: {  	[spmem:s11], [sflag:s7] =	dma.local [hbm:s12], $0x2780  }
0x26: {  	_ =	swait.ge [sflag:s21], $0x2780  }
0x27: {  	[sflag:s21] =	ssyncset.done $0x0  }
0x28: {  	s14 =	rddreg [dreg:$0xb];
	[sflag:s21] =	ssyncadd.s32 $0xFFFFD880  }
0x29: {  	[tilespmem:s4], [sflag:$0x7] =	stream.linear.gather [hbm4b:s14+s4], $0x80, $0x38;
	[tilespmem:$0x1C000] =	vst v63  }
0x2a: {  	_ =	swait.ge [sflag:s21], $0x80  }
0x2b: {  	[sflag:s21] =	ssyncset.done $0x0  }
0x2c: {  	s15 =	rddreg [dreg:$0xc];
	[sflag:s21] =	ssyncadd.s32 $0xFFFFFF80  }
0x2d: {  	[tilespmem:s22], [sflag:$0x7] =	stream.linear.gather [hbm4b:s15+s4], $0x80, $0x38;
	[tilespmem:$0x1C000] =	vst v63  }
0x2e: {  	_ =	swait.ge [sflag:s21], $0x80  }
0x2f: {  	[sflag:s21] =	ssyncset.done $0x0  }
0x30: {  	s13 =	rddreg [dreg:$0xd];
	[sflag:s21] =	ssyncadd.s32 $0xFFFFFF80  }
0x31: {  	[tilespmem:s23], [sflag:$0x7] =	stream.linear.gather [hbm4b:s13+s4], $0x80, $0x38;
	[tilespmem:$0x1C000] =	vst v63  }
0x32: {  	_ =	swait.ge [sflag:s21], $0x80  }
0x33: {  	[sflag:s21] =	ssyncset.done $0x0  }
0x34: {  	s14 =	rddreg [dreg:$0xe];
	[sflag:s21] =	ssyncadd.s32 $0xFFFFFF80  }
0x35: {  	[tilespmem:s24], [sflag:$0x7] =	stream.linear.gather [hbm4b:s14+s4], $0x80, $0x38;
	[tilespmem:$0x1C000] =	vst v63  }
0x36: {  	_ =	swait.ge [sflag:s21], $0x80  }
0x37: {  	[sflag:s21] =	ssyncset.done $0x0  }
0x38: {  	s15 =	rddreg [dreg:$0xf];
	[sflag:s21] =	ssyncadd.s32 $0xFFFFFF80  }
0x39: {  	[tilespmem:s25], [sflag:$0x5] =	stream.linear.gather [hbm4b:s15+s4], $0x80, $0x38;
	[tilespmem:$0x1C000] =	vst v63  }
0x3a: {  	s13 =	rddreg [dreg:$0x10]  }
0x3b: {  	[tilespmem:s26], [sflag:$0x5] =	stream.linear.gather [hbm4b:s13+s4], $0x80, $0x38;
	[tilespmem:$0x1C000] =	vst v63  }
0x3c: {  	s14 =	rddreg [dreg:$0x11]  }
0x3d: {  	[tilespmem:s28], [sflag:$0x6] =	stream.linear.gather [hbm4b:s14+s4], $0x80, $0x38;
	[tilespmem:$0x1C000] =	vst v63  }
0x3e: {  	s15 =	rddreg [dreg:$0x12]  }
0x3f: {  	[tilespmem:s29], [sflag:$0x6] =	stream.linear.gather [hbm4b:s15+s4], $0x80, $0x38;
	[tilespmem:$0x1C000] =	vst v63  }
0x40: {  	[bflag:$0x0] =	sbarrier.arrive $0xFFFF  }
0x41: {  	[tilespmem:s30], [sflag:$0x1] =	stream.indirect.gather [hbm4b:s2+s22], $0x80, s4, s22, $0xb8;
	[tilespmem:$0x1C000] =	vst v63  }
0x42: {  	_ = 	snop  }
0x43: {  	[tilespmem:s31], [sflag:$0x2] =	stream.indirect.gather [hbm4b:s2+s22], $0x80, s23, s22, $0xb8;
	[tilespmem:$0x1C000] =	vst v63  }
0x44: {  	_ =	swait.ge [sflag:s1], $0x4000  }
0x45: {  	[sflag:s1] =	ssyncset.done $0x0  }
0x46: {  	[sflag:s1] =	ssyncadd.s32 $0xFFFFC000  }
0x47: {  	[spmem:s3] =	stream.indirect.scatter.add.f32 [tilespmem:s30], [sflag:$0x7], $0x80, s22, s22, $0xb8;
	[tilespmem:$0x1C000] =	vst v63  }
0x48: {  	_ =	swait.ge [sflag:s21], $0x4000  }
0x49: {  	[sflag:s21] =	ssyncset.done $0x0  }
0x4a: {  	s13 =	sadd.s32 $0x0, s20;
	[sflag:s21] =	ssyncadd.s32 $0xFFFFC000  }
0x4b: {  	[tilespmem:s4], [sflag:$0x3] =	stream.linear.gather [hbm4b:s13+s4], $0x80, $0x38;
	[tilespmem:$0x1C000] =	vst v63  }
0x4c: {  	s14 =	sadd.s32 $0x0, s19  }
0x4d: {  	[tilespmem:s22], [sflag:$0x3] =	stream.linear.gather [hbm4b:s14+s4], $0x80, $0x38;
	[tilespmem:$0x1C000] =	vst v63  }
0x4e: {  	_ =	swait.ge [sflag:s0], $0x80  }
0x4f: {  	[sflag:s0] =	ssyncset.done $0x0  }
0x50: {  	[sflag:s0] =	ssyncadd.s32 $0xFFFFFF80  }
0x51: {  	_ =	swait.ge [sflag:s0], $0x80  }
0x52: {  	[sflag:s0] =	ssyncset.done $0x0  }
0x53: {  	[sflag:s0] =	ssyncadd.s32 $0xFFFFFF80  }
0x54: {  	[tilespmem:s30], [sflag:$0x1] =	stream.indirect.gather [hbm4b:s2+s22], $0x80, s25, s22, $0xb8;
	[tilespmem:$0x1C000] =	vst v63  }
0x55: {  	_ =	swait.ge [sflag:s5], $0x4000  }
0x56: {  	[sflag:s5] =	ssyncset.done $0x0  }
0x57: {  	[sflag:s5] =	ssyncadd.s32 $0xFFFFC000  }
0x58: {  	[spmem:s3] =	stream.indirect.scatter.add.f32 [tilespmem:s31], [sflag:$0x7], $0x80, s24, s22, $0xb8;
	[tilespmem:$0x1C000] =	vst v63  }
0x59: {  	_ =	swait.ge [sflag:s21], $0x4000  }
0x5a: {  	[sflag:s21] =	ssyncset.done $0x0  }
0x5b: {  	s13 =	sadd.s32 $0x0, s18;
	s15 =	rddreg [dreg:$0x8];
	[sflag:s21] =	ssyncadd.s32 $0xFFFFC000  }
0x5c: {  	[tilespmem:s23], [sflag:$0x4] =	stream.linear.gather [hbm4b:s13+s4], $0x80, $0x38;
	[tilespmem:$0x1C000] =	vst v63  }
0x5d: {  	s12 =	sadd.s32 $0x0, s15  }
0x5e: {  	[tilespmem:s24], [sflag:$0x4] =	stream.linear.gather [hbm4b:s12+s4], $0x80, $0x38;
	[tilespmem:$0x1C000] =	vst v63  }
0x5f: {  	_ =	swait.ge [sflag:s6], $0x80  }
0x60: {  	[sflag:s6] =	ssyncset.done $0x0  }
0x61: {  	[sflag:s6] =	ssyncadd.s32 $0xFFFFFF80  }
0x62: {  	_ =	swait.ge [sflag:s6], $0x80  }
0x63: {  	[sflag:s6] =	ssyncset.done $0x0  }
0x64: {  	[sflag:s6] =	ssyncadd.s32 $0xFFFFFF80  }
0x65: {  	[tilespmem:s31], [sflag:$0x2] =	stream.indirect.gather [hbm4b:s2+s22], $0x80, s28, s22, $0xb8;
	[tilespmem:$0x1C000] =	vst v63  }
0x66: {  	_ =	swait.ge [sflag:s1], $0x4000  }
0x67: {  	[sflag:s1] =	ssyncset.done $0x0  }
0x68: {  	[sflag:s1] =	ssyncadd.s32 $0xFFFFC000  }
0x69: {  	[spmem:s3] =	stream.indirect.scatter.add.f32 [tilespmem:s30], [sflag:$0x7], $0x80, s26, s22, $0xb8;
	[tilespmem:$0x1C000] =	vst v63  }
0x6a: {  	_ =	swait.ge [sflag:s21], $0x4000  }
0x6b: {  	s13 =	rddreg [dreg:$0x7];
	[sflag:s21] =	ssyncset.done $0x0  }
0x6c: {  	s14 =	rddreg [dreg:$0x6];
	[sflag:s21] =	ssyncadd.s32 $0xFFFFC000;
	s12 =	sadd.s32 $0x0, s13  }
0x6d: {  	[tilespmem:s25], [sflag:$0x5] =	stream.linear.gather [hbm4b:s12+s4], $0x80, $0x38;
	[tilespmem:$0x1C000] =	vst v63  }
0x6e: {  	s15 =	sadd.s32 $0x0, s14  }
0x6f: {  	[tilespmem:s26], [sflag:$0x5] =	stream.linear.gather [hbm4b:s15+s4], $0x80, $0x38;
	[tilespmem:$0x1C000] =	vst v63  }
0x70: {  	_ =	swait.ge [sflag:s8], $0x80  }
0x71: {  	[sflag:s8] =	ssyncset.done $0x0  }
0x72: {  	[sflag:s8] =	ssyncadd.s32 $0xFFFFFF80  }
0x73: {  	_ =	swait.ge [sflag:s8], $0x80  }
0x74: {  	[sflag:s8] =	ssyncset.done $0x0  }
0x75: {  	[sflag:s8] =	ssyncadd.s32 $0xFFFFFF80  }
0x76: {  	[tilespmem:s30], [sflag:$0x1] =	stream.indirect.gather [hbm4b:s2+s22], $0x80, s4, s22, $0xb8;
	[tilespmem:$0x1C000] =	vst v63  }
0x77: {  	_ =	swait.ge [sflag:s5], $0x4000  }
0x78: {  	[sflag:s5] =	ssyncset.done $0x0  }
0x79: {  	[sflag:s5] =	ssyncadd.s32 $0xFFFFC000  }
0x7a: {  	[spmem:s3] =	stream.indirect.scatter.add.f32 [tilespmem:s31], [sflag:$0x7], $0x80, s29, s22, $0xb8;
	[tilespmem:$0x1C000] =	vst v63  }
0x7b: {  	_ =	swait.ge [sflag:s21], $0x4000  }
0x7c: {  	s13 =	rddreg [dreg:$0x5];
	[sflag:s21] =	ssyncset.done $0x0  }
0x7d: {  	s14 =	rddreg [dreg:$0x4];
	[sflag:s21] =	ssyncadd.s32 $0xFFFFC000;
	s12 =	sadd.s32 $0x0, s13  }
0x7e: {  	[tilespmem:s28], [sflag:$0x6] =	stream.linear.gather [hbm4b:s12+s4], $0x80, $0x38;
	[tilespmem:$0x1C000] =	vst v63  }
0x7f: {  	s15 =	sadd.s32 $0x0, s14  }
0x80: {  	[tilespmem:s29], [sflag:$0x6] =	stream.linear.gather [hbm4b:s15+s4], $0x80, $0x38;
	[tilespmem:$0x1C000] =	vst v63  }
0x81: {  	_ =	swait.ge [sflag:s9], $0x80  }
0x82: {  	[sflag:s9] =	ssyncset.done $0x0  }
0x83: {  	[sflag:s9] =	ssyncadd.s32 $0xFFFFFF80  }
0x84: {  	_ =	swait.ge [sflag:s9], $0x80  }
0x85: {  	[sflag:s9] =	ssyncset.done $0x0  }
0x86: {  	s12 =	simm.s32 $0x40;
	[sflag:s9] =	ssyncadd.s32 $0xFFFFFF80  }
.LBB2_2:
0x87: {  	[tilespmem:s31], [sflag:$0x2] =	stream.indirect.gather [hbm4b:s2+s22], $0x80, s23, s22, $0xb8;
	[tilespmem:$0x1C000] =	vst v63  }
0x88: {  	_ =	swait.ge [sflag:s1], $0x4000  }
0x89: {  	[sflag:s1] =	ssyncset.done $0x0  }
0x8a: {  	[sflag:s1] =	ssyncadd.s32 $0xFFFFC000  }
0x8b: {  	[spmem:s3] =	stream.indirect.scatter.add.f32 [tilespmem:s30], [sflag:$0x7], $0x80, s22, s22, $0xb8;
	[tilespmem:$0x1C000] =	vst v63  }
0x8c: {  	_ =	swait.ge [sflag:s21], $0x4000  }
0x8d: {  	s13 =	smov.u32 s12;
	[sflag:s21] =	ssyncset.done $0x0  }
0x8e: {  	s14 =	sadd.s32 s13, s20;
	[sflag:s21] =	ssyncadd.s32 $0xFFFFC000  }
0x8f: {  	[tilespmem:s4], [sflag:$0x3] =	stream.linear.gather [hbm4b:s14+s4], $0x80, $0x38;
	[tilespmem:$0x1C000] =	vst v63  }
0x90: {  	s15 =	sadd.s32 s13, s19  }
0x91: {  	[tilespmem:s22], [sflag:$0x3] =	stream.linear.gather [hbm4b:s15+s4], $0x80, $0x38;
	[tilespmem:$0x1C000] =	vst v63  }
0x92: {  	_ =	swait.ge [sflag:s0], $0x80  }
0x93: {  	[sflag:s0] =	ssyncset.done $0x0  }
0x94: {  	[sflag:s0] =	ssyncadd.s32 $0xFFFFFF80  }
0x95: {  	_ =	swait.ge [sflag:s0], $0x80  }
0x96: {  	[sflag:s0] =	ssyncset.done $0x0  }
0x97: {  	[sflag:s0] =	ssyncadd.s32 $0xFFFFFF80  }
0x98: {  	[tilespmem:s30], [sflag:$0x1] =	stream.indirect.gather [hbm4b:s2+s22], $0x80, s25, s22, $0xb8;
	[tilespmem:$0x1C000] =	vst v63  }
0x99: {  	_ =	swait.ge [sflag:s5], $0x4000  }
0x9a: {  	[sflag:s5] =	ssyncset.done $0x0  }
0x9b: {  	[sflag:s5] =	ssyncadd.s32 $0xFFFFC000  }
0x9c: {  	[spmem:s3] =	stream.indirect.scatter.add.f32 [tilespmem:s31], [sflag:$0x7], $0x80, s24, s22, $0xb8;
	[tilespmem:$0x1C000] =	vst v63  }
0x9d: {  	_ =	swait.ge [sflag:s21], $0x4000  }
0x9e: {  	[sflag:s21] =	ssyncset.done $0x0  }
0x9f: {  	s15 =	sadd.s32 s13, s18;
	s14 =	rddreg [dreg:$0x8];
	[sflag:s21] =	ssyncadd.s32 $0xFFFFC000  }
0xa0: {  	[tilespmem:s23], [sflag:$0x4] =	stream.linear.gather [hbm4b:s15+s4], $0x80, $0x38;
	[tilespmem:$0x1C000] =	vst v63  }
0xa1: {  	s14 =	sadd.s32 s13, s14  }
0xa2: {  	[tilespmem:s24], [sflag:$0x4] =	stream.linear.gather [hbm4b:s14+s4], $0x80, $0x38;
	[tilespmem:$0x1C000] =	vst v63  }
0xa3: {  	_ =	swait.ge [sflag:s6], $0x80  }
0xa4: {  	[sflag:s6] =	ssyncset.done $0x0  }
0xa5: {  	[sflag:s6] =	ssyncadd.s32 $0xFFFFFF80  }
0xa6: {  	_ =	swait.ge [sflag:s6], $0x80  }
0xa7: {  	[sflag:s6] =	ssyncset.done $0x0  }
0xa8: {  	[sflag:s6] =	ssyncadd.s32 $0xFFFFFF80  }
0xa9: {  	[tilespmem:s31], [sflag:$0x2] =	stream.indirect.gather [hbm4b:s2+s22], $0x80, s28, s22, $0xb8;
	[tilespmem:$0x1C000] =	vst v63  }
0xaa: {  	_ =	swait.ge [sflag:s1], $0x4000  }
0xab: {  	[sflag:s1] =	ssyncset.done $0x0  }
0xac: {  	[sflag:s1] =	ssyncadd.s32 $0xFFFFC000  }
0xad: {  	[spmem:s3] =	stream.indirect.scatter.add.f32 [tilespmem:s30], [sflag:$0x7], $0x80, s26, s22, $0xb8;
	[tilespmem:$0x1C000] =	vst v63  }
0xae: {  	_ =	swait.ge [sflag:s21], $0x4000  }
0xaf: {  	s14 =	rddreg [dreg:$0x7];
	[sflag:s21] =	ssyncset.done $0x0  }
0xb0: {  	s15 =	rddreg [dreg:$0x6];
	[sflag:s21] =	ssyncadd.s32 $0xFFFFC000;
	s14 =	sadd.s32 s13, s14  }
0xb1: {  	[tilespmem:s25], [sflag:$0x5] =	stream.linear.gather [hbm4b:s14+s4], $0x80, $0x38;
	[tilespmem:$0x1C000] =	vst v63  }
0xb2: {  	s15 =	sadd.s32 s13, s15  }
0xb3: {  	[tilespmem:s26], [sflag:$0x5] =	stream.linear.gather [hbm4b:s15+s4], $0x80, $0x38;
	[tilespmem:$0x1C000] =	vst v63  }
0xb4: {  	_ =	swait.ge [sflag:s8], $0x80  }
0xb5: {  	[sflag:s8] =	ssyncset.done $0x0  }
0xb6: {  	[sflag:s8] =	ssyncadd.s32 $0xFFFFFF80  }
0xb7: {  	_ =	swait.ge [sflag:s8], $0x80  }
0xb8: {  	[sflag:s8] =	ssyncset.done $0x0  }
0xb9: {  	[sflag:s8] =	ssyncadd.s32 $0xFFFFFF80  }
0xba: {  	[tilespmem:s30], [sflag:$0x1] =	stream.indirect.gather [hbm4b:s2+s22], $0x80, s4, s22, $0xb8;
	[tilespmem:$0x1C000] =	vst v63  }
0xbb: {  	_ =	swait.ge [sflag:s5], $0x4000  }
0xbc: {  	[sflag:s5] =	ssyncset.done $0x0  }
0xbd: {  	[sflag:s5] =	ssyncadd.s32 $0xFFFFC000  }
0xbe: {  	[spmem:s3] =	stream.indirect.scatter.add.f32 [tilespmem:s31], [sflag:$0x7], $0x80, s29, s22, $0xb8;
	[tilespmem:$0x1C000] =	vst v63  }
0xbf: {  	_ =	swait.ge [sflag:s21], $0x4000  }
0xc0: {  	s14 =	rddreg [dreg:$0x5];
	[sflag:s21] =	ssyncset.done $0x0  }
0xc1: {  	s15 =	rddreg [dreg:$0x4];
	[sflag:s21] =	ssyncadd.s32 $0xFFFFC000;
	s14 =	sadd.s32 s13, s14  }
0xc2: {  	[tilespmem:s28], [sflag:$0x6] =	stream.linear.gather [hbm4b:s14+s4], $0x80, $0x38;
	[tilespmem:$0x1C000] =	vst v63  }
0xc3: {  	s13 =	sadd.s32 s13, s15  }
0xc4: {  	[tilespmem:s29], [sflag:$0x6] =	stream.linear.gather [hbm4b:s13+s4], $0x80, $0x38;
	[tilespmem:$0x1C000] =	vst v63  }
0xc5: {  	p0 =	sne.s32 s12, $0x4C0;
	_ =	swait.ge [sflag:s9], $0x80  }
.Ltmp0:
0xc6: {  	[sflag:s9] =	ssyncset.done $0x0;
	(pc) =	sbr.rel @p0 .LBB2_2-.Ltmp0, $4  }
0xc7: {  	[sflag:s9] =	ssyncadd.s32 $0xFFFFFF80  }
0xc8: {  	_ =	swait.ge [sflag:s9], $0x80  }
0xc9: {  	[sflag:s9] =	ssyncset.done $0x0  }
0xca: {  	s12 =	sadd.s32 $0x40, s12;
	[sflag:s9] =	ssyncadd.s32 $0xFFFFFF80  }
0xcb: {  	[tilespmem:s31], [sflag:$0x2] =	stream.indirect.gather [hbm4b:s2+s22], $0x80, s23, s22, $0xb8;
	[tilespmem:$0x1C000] =	vst v63  }
0xcc: {  	_ =	swait.ge [sflag:s1], $0x4000  }
0xcd: {  	[sflag:s1] =	ssyncset.done $0x0  }
0xce: {  	[sflag:s1] =	ssyncadd.s32 $0xFFFFC000  }
0xcf: {  	_ =	swait.ge [sflag:s5], $0x4000  }
0xd0: {  	[sflag:s5] =	ssyncset.done $0x0  }
0xd1: {  	[sflag:s5] =	ssyncadd.s32 $0xFFFFC000  }
0xd2: {  	_ =	swait.ge [sflag:s0], $0x80  }
0xd3: {  	[sflag:s0] =	ssyncset.done $0x0  }
0xd4: {  	[sflag:s0] =	ssyncadd.s32 $0xFFFFFF80  }
0xd5: {  	_ =	swait.ge [sflag:s0], $0x80  }
0xd6: {  	[sflag:s0] =	ssyncset.done $0x0  }
0xd7: {  	[sflag:s0] =	ssyncadd.s32 $0xFFFFFF80  }
0xd8: {  	_ =	swait.ge [sflag:s6], $0x80  }
0xd9: {  	[sflag:s6] =	ssyncset.done $0x0  }
0xda: {  	[sflag:s6] =	ssyncadd.s32 $0xFFFFFF80  }
0xdb: {  	_ =	swait.ge [sflag:s6], $0x80  }
0xdc: {  	s10 =	sadd.s32 $0x1, s10;
	[sflag:s6] =	ssyncset.done $0x0  }
0xdd: {  	p0 =	sne.s32 s10, s17;
	[sflag:s6] =	ssyncadd.s32 $0xFFFFFF80  }
.Ltmp1:
0xde: {  	[bflag:$0x0] =	sbarrier.arrive $0xFFFF;
	(pc) =	sbr.rel @p0 .LBB2_1-.Ltmp1, $4  }
0xdf: {  	[hbm:s16], [sflag:s7] =	dma.local [spmem:s11], $0x2780  }
0xe0: {  	_ =	swait.ge [sflag:s21], $0x2780  }
0xe1: {  	[sflag:s21] =	ssyncset.done $0x0  }
0xe2: {  	[sflag:s21] =	ssyncadd.s32 $0xFFFFD880  }
0xe3: {  	_ =	sfence.sel $0x180000  }
0xe4: {  	[bflag:$0x0] =	sbarrier.arrive $0xFFFF  }
0xe5: {  	_ =	strace $0x9000004D  }
0xe6: {  	s0 =	stileid.u32;
	[bflag:$0x2] =	sbarrier.arrive $0xFFFF  }
0xe7: {  	p0 =	sne.s32 s0, $0x0;
	s0 =	rddreg [dreg:$0x3]  }
0xe8: {  	s0 =	sadd.s32 @!p0 $0x100000, s0  }
0xe9: {  	[sflag:s0] =	ssyncadd.tile.s32 @!p0 $0x1;
	_ =	shalt  }
.Lfunc_end2:
_tile_overlayer_lowered:
.L_overlay_start_2:
0xea: {  	(tag) =	ssettag $0x2  }
0xeb: {  	s0 =	rddreg [dreg:$0x0];
	s2 =	stileid.u32  }
0xec: {  	s1 =	rddreg [dreg:$0x1];
	p0 =	sne.s32 s2, $0x0  }
0xed: {  	s3 =	rddreg [dreg:$0x2];
	[bflag:$0x3] =	sbarrier.arrive $0xFFFF;
	s2 =	simm.s32 @!p0 $0x1C07  }
0xee: {  	[timem:s3], [sflag:s2] =	dma.local @!p0 [hbm:s0], s1  }
0xef: {  	s0 =	simm.s32 @!p0 $0x7  }
0xf0: {  	_ =	swait.ge @!p0 [sflag:s0], s1  }
0xf1: {  	s1 =	ssub.s32 @!p0 $0x0, s1;
	[sflag:s0] =	ssyncset.done @!p0 $0x0  }
0xf2: {  	[sflag:s0] =	ssyncadd.s32 @!p0 s1  }
0xf3: {  	[bflag:$0x3] =	sbarrier.arrive $0xFFFF  }
0xf4: {  	_ =	shalt  }

// kernel: kernel.20.cloned.1.call-start
scs
__scs_entry_jumppad:
0x0: {  	(pc) =	sbr.rel $0x88, $3  }
0x1: {  	(tag) =	ssettag $0x0;
	lr =	simm.s32 $0x1  }
0x2: {  	[smem:$0x3F99] =	sst lr;
	_ =	strace $0xD0000000  }
0x3: {  	_ = 	snop  }
0x4: {  	_ = 	snop  }
0x5: {  	_ = 	snop  }
0x6: {  	_ = 	snop  }
0x7: {  	_ = 	snop  }
__scs_overlays_trampoline_lowered:
0x8: {  	[smem:$0x3FA8] =	sst s0  }
0x9: {  	[smem:$0x3FA9] =	sst s1  }
0xa: {  	[smem:$0x3FAA] =	sst s2  }
0xb: {  	[smem:$0x3FAB] =	sst s3  }
0xc: {  	[smem:$0x3FAC] =	sst s4  }
0xd: {  	[smem:$0x3FAD] =	sst s5  }
0xe: {  	[smem:$0x3FAE] =	sst s6  }
0xf: {  	[smem:$0x3FAF] =	sst s7  }
0x10: {  	[smem:$0x3FB0] =	sst s8  }
0x11: {  	[smem:$0x3FB1] =	sst s9;
	s0 =	simm.s32 @!p0 $0x0  }
0x12: {  	s1 =	sld [smem:$0x3F97];
	s0 =	simm.s32 @p0 $0x1  }
0x13: {  	[smem:$0x3FB2] =	sst s0;
	s0 =	simm.s32 @!p1 $0x0  }
0x14: {  	s2 =	sld [smem:$0x3F96];
	s0 =	simm.s32 @p1 $0x1  }
0x15: {  	[smem:$0x3FB3] =	sst s0;
	s0 =	simm.s32 @!p2 $0x0  }
0x16: {  	s3 =	sld [smem:$0x3FDB];
	s0 =	simm.s32 @p2 $0x1  }
0x17: {  	s4 =	simm.s32 $0x1BF5;
	[smem:$0x3FB5] =	sst s0  }
0x18: {  	s0 =	sld [smem:$0x3F98];
	_ =	swait.ge [sflag:s4], $0x0  }
0x19: {  	s7 =	sld [smem:$0x3F99]  }
0x1a: {  	s8 =	sadd.s32 $0xFFFFE003, lr  }
0x1b: {  	s9 =	sadd.s32 $0xFFFFFEF7, lr;
	s5 =	simm.s32 $0xFFFFFFFF;
	p2 =	slt.u32 s8, $0xFFFFF086  }
0x1c: {  	p1 =	slt.u32 s9, $0xF7A;
	s5 =	simm.s32 @!p2 $0x0  }
0x1d: {  	s5 =	simm.s32 @p1 $0x1;
	p0 =	seq.s32 s7, s2  }
0x1e: {  	s7 =	smul.u32 @!p0 $0xF7A, s2;
	p2 =	seq.s32 @!p0 s5, $0x0  }
0x1f: {  	s9 =	smul.u32 $0xF7A, s1;
	s8 =	simm.s32 @!p0 $0x1BF5;
	p2 =	por !p2, p0  }
0x20: {  	[sflag:s8] =	ssyncset.s32 @!p0 $0xFFFFF086;
	s6 =	sadd.s32 @!p0 s3, s7;
	s7 =	simm.s32 @!p0 $0x108  }
0x21: {  	s3 =	sadd.s32 s3, s9;
	s6 =	sadd.s32 @!p0 $0x88, s6;
	s7 =	simm.s32 @p2 $0x1082  }
0x22: {  	[simem:s7], [sflag:s8] =	dma.local @!p0 [hbm:s6], $0xF7A  }
0x23: {  	s9 =	sor.u32 $0xD0000000, s2;
	s6 =	simm.s32 $0x108;
	_ =	swait.ge @!p0 [sflag:s8], $0x0  }
0x24: {  	s3 =	sadd.s32 $0x88, s3;
	s6 =	simm.s32 @!p1 $0x1082;
	[sflag:s4] =	ssyncset.s32 $0xFFFFF086  }
0x25: {  	[simem:s6], [sflag:s4] =	dma.local [hbm:s3], $0xF7A  }
0x26: {  	[smem:$0x3F99] =	sst s1;
	(tag) =	ssettag s2;
	_ =	strace s9  }
0x27: {  	s1 =	sld [smem:$0x3FA9]  }
0x28: {  	s2 =	sld [smem:$0x3FAA]  }
0x29: {  	s4 =	sld [smem:$0x3FAC]  }
0x2a: {  	p0 =	seq.s32 s5, $0x0;
	s5 =	sld [smem:$0x3FAD]  }
0x2b: {  	s6 =	sld [smem:$0x3FAE]  }
0x2c: {  	s7 =	sld [smem:$0x3FAF]  }
0x2d: {  	s3 =	simm.s32 $0x108;
	s8 =	sld [smem:$0x3FB0]  }
0x2e: {  	s3 =	simm.s32 @!p0 $0x1082;
	s9 =	sld [smem:$0x3FB1]  }
0x2f: {  	lr =	sadd.s32 s0, s3;
	s0 =	sld [smem:$0x3FA8]  }
0x30: {  	s3 =	sld [smem:$0x3FAB]  }
0x31: {  	[smem:$0x3FB4] =	sst s10  }
0x32: {  	s10 =	sld [smem:$0x3FB2];
	_ =	sdelay $0x3  }
0x33: {  	p0 =	seq.s32 s10, $0x1;
	s10 =	sld [smem:$0x3FB4];
	_ =	sdelay $0x3  }
0x34: {  	[smem:$0x3FB4] =	sst s10  }
0x35: {  	s10 =	sld [smem:$0x3FB3];
	_ =	sdelay $0x3  }
0x36: {  	p1 =	seq.s32 s10, $0x1;
	s10 =	sld [smem:$0x3FB4];
	_ =	sdelay $0x3  }
0x37: {  	[smem:$0x3FB4] =	sst s10  }
0x38: {  	s10 =	sld [smem:$0x3FB5]  }
0x39: {  	_ = 	snop;
	(pc) =	sbr.ind lr, $3  }
0x3a: {  	_ = 	snop  }
0x3b: {  	_ = 	snop  }
0x3c: {  	p2 =	seq.s32 s10, $0x1;
	s10 =	sld [smem:$0x3FB4]  }
0x3d: {  	_ =	shalt  }
0x3e: {  	_ =	shalt  }
0x3f: {  	_ =	shalt  }
0x40: {  	_ =	shalt  }
0x41: {  	_ =	shalt  }
0x42: {  	_ =	shalt  }
0x43: {  	_ =	shalt  }
0x44: {  	_ =	shalt  }
0x45: {  	_ =	shalt  }
0x46: {  	_ =	shalt  }
0x47: {  	_ =	shalt  }
0x48: {  	_ =	shalt  }
0x49: {  	_ =	shalt  }
0x4a: {  	_ =	shalt  }
0x4b: {  	_ =	shalt  }
0x4c: {  	_ =	shalt  }
0x4d: {  	_ =	shalt  }
0x4e: {  	_ =	shalt  }
0x4f: {  	_ =	shalt  }
0x50: {  	_ =	shalt  }
0x51: {  	_ =	shalt  }
0x52: {  	_ =	shalt  }
0x53: {  	_ =	shalt  }
0x54: {  	_ =	shalt  }
0x55: {  	_ =	shalt  }
0x56: {  	_ =	shalt  }
0x57: {  	_ =	shalt  }
0x58: {  	_ =	shalt  }
0x59: {  	_ =	shalt  }
0x5a: {  	_ =	shalt  }
0x5b: {  	_ =	shalt  }
0x5c: {  	_ =	shalt  }
0x5d: {  	_ =	shalt  }
0x5e: {  	_ =	shalt  }
0x5f: {  	_ =	shalt  }
0x60: {  	_ =	shalt  }
0x61: {  	_ =	shalt  }
0x62: {  	_ =	shalt  }
0x63: {  	_ =	shalt  }
0x64: {  	_ =	shalt  }
0x65: {  	_ =	shalt  }
0x66: {  	_ =	shalt  }
0x67: {  	_ =	shalt  }
0x68: {  	_ =	shalt  }
0x69: {  	_ =	shalt  }
0x6a: {  	_ =	shalt  }
0x6b: {  	_ =	shalt  }
0x6c: {  	_ =	shalt  }
0x6d: {  	_ =	shalt  }
0x6e: {  	_ =	shalt  }
0x6f: {  	_ =	shalt  }
0x70: {  	_ =	shalt  }
0x71: {  	_ =	shalt  }
0x72: {  	_ =	shalt  }
0x73: {  	_ =	shalt  }
0x74: {  	_ =	shalt  }
0x75: {  	_ =	shalt  }
0x76: {  	_ =	shalt  }
0x77: {  	_ =	shalt  }
0x78: {  	_ =	shalt  }
0x79: {  	_ =	shalt  }
0x7a: {  	_ =	shalt  }
0x7b: {  	_ =	shalt  }
0x7c: {  	_ =	shalt  }
0x7d: {  	_ =	shalt  }
0x7e: {  	_ =	shalt  }
0x7f: {  	_ =	shalt  }
0x80: {  	_ =	shalt  }
0x81: {  	_ =	shalt  }
0x82: {  	_ =	shalt  }
0x83: {  	_ =	shalt  }
0x84: {  	_ =	shalt  }
0x85: {  	_ =	shalt  }
0x86: {  	_ =	shalt  }
0x87: {  	_ =	shalt  }
.Lfunc_end0:
.L_simem_size_0:
called_computation.3_lowered:
.L_overlay_start_0:
0x88: {  	s2 =	sld [smem:$0x3FD9]  }
0x89: {  	s3 =	sld [smem:$0x3FFE];
	_ =	sdelay $0x1  }
0x8a: {  	s1 =	srdreg.scid  }
0x8b: {  	s0 =	sand.u32 $0x1, s1  }
0x8c: {  	s17 =	sshll.u32 s0, $0xA;
	s2 =	sadd.s32 s3, s2  }
0x8d: {  	s2 =	sadd.s32 s2, s17  }
0x8e: {  	[smem:$0x3FC0] =	sst s2  }
0x8f: {  	_ = 	snop  }
0x90: {  	(tm) =	ssettm $0x1  }
0x91: {  	s18 =	sld [smem:$0x3FFB];
	_ =	sdelay $0x3  }
0x92: {  	_ =	strace s18  }
0x93: {  	s2 =	sld [smem:$0x3FFC];
	_ =	sdelay $0x3  }
0x94: {  	_ =	strace s2  }
0x95: {  	s2 =	sld [smem:$0x3FFD];
	_ =	sdelay $0x3  }
0x96: {  	_ =	strace s2  }
0x97: {  	_ =	strace $0x8FFFFFFF  }
0x98: {  	s19 =	sld [smem:$0x3FDB];
	_ =	sdelay $0x1  }
0x99: {  	s20 =	simm.s32 $_scs_section_size  }
0x9a: {  	s4 =	simm.s32 $_size__tile_overlayer_lowered;
	s5 =	simm.s32 $_tile_overlayer_lowered  }
0x9b: {  	s6 =	simm.s32 $0x1BFF;
	s21 =	sshll.u32 s5, $0x1;
	s3 =	sadd.s32 s20, s19  }
0x9c: {  	s22 =	simm.s32 $0x0;
	s4 =	sshll.u32 s4, $0x1;
	s5 =	sadd.s32 s21, s3  }
0x9d: {  	[timem:s22], [sflag:s6] =	dma.local [hbm:s5], s4  }
0x9e: {  	_ =	swait.ge [sflag:s6], s4  }
0x9f: {  	s4 =	ssub.s32 $0x0, s4;
	[sflag:s6] =	ssyncset.done $0x0  }
0xa0: {  	[sflag:s6] =	ssyncadd.s32 s4;
	_ =	sdelay $0x1  }
0xa1: {  	s23 =	simm.s32 $0x1B8B  }
0xa2: {  	_ =	swait.ge [sflag:s23], $0x1  }
0xa3: {  	[sflag:s23] =	ssyncset.done $0x0  }
0xa4: {  	[sflag:s23] =	ssyncadd.s32 $0xFFFFFFFF  }
0xa5: {  	s4 =	sld [smem:$0x0]  }
0xa6: {  	s5 =	sand.u32 $0xFFFFFFFE, s1  }
0xa7: {  	p0 =	sne.s32 s1, s5  }
0xa8: {  	s5 =	sshll.u32 @p0 s5, $0xE  }
0xa9: {  	s5 =	sadd.s32 @p0 $0x11B8D, s5;
	s6 =	sshll.u32 @p0 s4, $0x11  }
0xaa: {  	s5 =	sor.u32 @p0 s6, s5  }
0xab: {  	[sflag:s5] =	ssyncadd.remote.s32 @p0 $0x1;
	_ =	sdelay $0x1  }
0xac: {  	s5 =	simm.s32 @p0 $0x1B8D  }
0xad: {  	_ =	swait.eq @p0 [sflag:s5], $0x1  }
0xae: {  	[sflag:s5] =	ssyncadd.s32 @p0 $0xFFFFFFFF  }
0xaf: {  	s6 =	sshll.u32 @!p0 s1, $0xE  }
0xb0: {  	s6 =	sor.u32 @!p0 $0x4000, s6;
	s5 =	simm.s32 @!p0 $0x1B8D  }
0xb1: {  	s4 =	sshll.u32 @!p0 s4, $0x11;
	s6 =	sadd.s32 @!p0 $0x11B8D, s6;
	_ =	swait.eq @!p0 [sflag:s5], $0x1  }
0xb2: {  	s4 =	sor.u32 @!p0 s4, s6;
	[sflag:s5] =	ssyncadd.s32 @!p0 $0xFFFFFFFF  }
0xb3: {  	s25 =	simm.s32 $0x1B8E;
	s24 =	sld [smem:$0x3FFE];
	[sflag:s4] =	ssyncadd.remote.s32 @!p0 $0x1  }
0xb4: {  	s26 =	simm.s32 $execute0_lowered;
	[smem:$0x3FD2] =	sst s25  }
0xb5: {  	s5 =	sshll.u32 s26, $0x1;
	_ =	strace $0x8000004F;
	[dreg:$0x1] =	wrdreg $0xFFFFFFFF  }
0xb6: {  	s28 =	simm.s32 $_size_execute0_lowered;
	s3 =	sadd.s32 s3, s5;
	[dreg:$0x0] =	wrdreg $0x0  }
0xb7: {  	s5 =	sshll.u32 s28, $0x1;
	[dreg:$0x2] =	wrdreg s3  }
0xb8: {  	[dreg:$0x3] =	wrdreg s5  }
0xb9: {  	[dreg:$0x4] =	wrdreg $0xC0  }
0xba: {  	_ =	task [dreg:s22], $0x5FFFF  }
0xbb: {  	[dreg:$0x1] =	wrdreg $0xFFFFFFFF  }
0xbc: {  	[dreg:$0x0] =	wrdreg $0x60  }
0xbd: {  	[dreg:$0x2] =	wrdreg s24  }
0xbe: {  	[dreg:$0x3] =	wrdreg $0x84000  }
0xbf: {  	[dreg:$0x4] =	wrdreg $0xA  }
0xc0: {  	_ =	task.clear_ibuf [dreg:s22], $0x5FFFF;
	_ =	strace $0x9000004F  }
0xc1: {  	s29 =	simm.s32 $0xA;
	_ =	strace $0x80000051  }
0xc2: {  	_ =	swait.ge [sflag:s29], $0x1  }
0xc3: {  	[sflag:s29] =	ssyncadd.s32 $0xFFFFFFFF  }
0xc4: {  	_ =	strace $0x90000051  }
0xc5: {  	_ =	sfence  }
0xc6: {  	s30 =	sld [smem:$0x0];
	_ =	sdelay $0x2  }
0xc7: {  	s31 =	sshll.u32 s1, $0xD;
	s1 =	sshrl.u32 s1, $0x2  }
0xc8: {  	s4 =	sand.u32 $0x4000, s31;
	s1 =	sadd.s32 s1, s30  }
0xc9: {  	s0 =	sor.u32 s4, s0;
	s1 =	sshll.u32 s1, $0x11  }
0xca: {  	s0 =	sor.u32 s1, s0  }
0xcb: {  	s0 =	sadd.s32 $0x8F2B, s0  }
0xcc: {  	[sflag:s0] =	ssyncadd.remote.s32 $0x1  }
0xcd: {  	_ =	sfence.sel $0xFFFF  }
0xce: {  	[dreg:$0x0] =	wrdreg $0xFFFFFFFF;
	(pc) =	sbr.abs _section_cstart, $3  }
0xcf: {  	[dreg:$0x1] =	wrdreg $0xFFFFFFFF  }
0xd0: {  	_ =	task.clear_ibuf [dreg:s22], $0x2FFFF;
	_ =	strace $0x9FFFFFFF  }
0xd1: {  	(tm) =	ssettm $0x7FFFFFFF  }
tec
execute0_lowered:
.L_overlay_start_1:
0x0: {  	(tag) =	ssettag $0x1  }
0x1: {  	s0 =	rddreg [dreg:$0x0]  }
0x2: {  	s2 =	rddreg [dreg:$0x1]  }
0x3: {  	s12 =	stileid.u32;
	s4 =	srdreg.scid;
	s3 =	simm.s32 $0x0  }
0x4: {  	s28 =	simm.s32 $0x300;
	s29 =	simm.s32 $0x380;
	s30 =	simm.s32 $0x400  }
0x5: {  	s31 =	simm.s32 $0x4400;
	s1 =	smul.u32 $0x13C00, s12;
	s5 =	sand.u32 $0x1, s4  }
0x6: {  	[smem:$0x7FF] =	sst s3;
	s8 =	sadd.s32 $0x19600, s0;
	s20 =	smul.u32 $0x4F000, s12  }
0x7: {  	s9 =	sadd.s32 $0xF400, s0;
	s4 =	sadd.s32 $0x73000, s0;
	s24 =	smul.u32 $0x5000, s12  }
0x8: {  	s10 =	sshll.u32 s12, $0x1;
	s23 =	sshll.u32 s12, $0x6;
	s6 =	smul.u32 $0x13C000, s5  }
0x9: {  	_ =	strace $0x80000050;
	s21 =	ssub.s32 $0x2, s5;
	s10 =	sor.u32 s5, s10  }
0xa: {  	s5 =	smul.u32 $0x2800, s5;
	s19 =	sshrl.u32 s1, $0x3;
	s11 =	sshrl.u32 s21, $0x1  }
0xb: {  	s10 =	smul.u32 $0x2800, s10;
	s7 =	sadd.s32 s19, s0;
	s1 =	sadd.s32 s1, s6  }
0xc: {  	s6 =	sshrl.u32 s20, $0x2;
	s5 =	sadd.s32 s5, s24;
	s1 =	sshrl.u32 s1, $0x3  }
0xd: {  	s6 =	sadd.s32 s6, s2;
	s22 =	sadd.s32 $0x24000, s7;
	s10 =	sshrl.u32 s10, $0x3  }
0xe: {  	s7 =	sor.u32 $0x1C07, s23;
	s17 =	sor.u32 $0x380, s5;
	s24 =	sor.u32 $0x280, s5  }
0xf: {  	s0 =	sadd.s32 s1, s0;
	s1 =	ssub.s32 s21, s11;
	[dreg:$0x8] =	wrdreg s6  }
0x10: {  	[dreg:$0x9] =	wrdreg s22;
	s25 =	sor.u32 $0x10, s10;
	s26 =	sadd.s32 s8, s10  }
0x11: {  	s13 =	sadd.s32 s9, s10;
	s15 =	sor.u32 $0x20, s10;
	s10 =	sor.u32 $0x30, s10  }
0x12: {  	s19 =	sshrl.u32 s17, $0x3;
	s21 =	sor.u32 $0x300, s5;
	[dreg:$0xa] =	wrdreg s26  }
0x13: {  	s5 =	sor.u32 $0x200, s5;
	[dreg:$0xb] =	wrdreg s13;
	s14 =	sadd.s32 s8, s25  }
0x14: {  	s6 =	sadd.s32 s9, s25;
	s16 =	sadd.s32 s8, s15;
	[dreg:$0xc] =	wrdreg s14  }
0x15: {  	s18 =	sadd.s32 s8, s10;
	s10 =	sadd.s32 s9, s10;
	[dreg:$0xd] =	wrdreg s6  }
0x16: {  	s20 =	sadd.s32 s19, s9;
	s22 =	sshrl.u32 s21, $0x3;
	[dreg:$0xe] =	wrdreg s16  }
0x17: {  	s17 =	smax.u32 s1, $0x1;
	s5 =	sshrl.u32 s5, $0x3;
	[dreg:$0x10] =	wrdreg s18  }
0x18: {  	s21 =	simm.s32 $0x7;
	s1 =	simm.s32 $0x1;
	[dreg:$0x11] =	wrdreg s10  }
0x19: {  	s6 =	sadd.s32 s9, s15;
	[dreg:$0x3] =	wrdreg s20;
	s16 =	sadd.s32 $0x160000, s0  }
0x1a: {  	s23 =	sadd.s32 s22, s9;
	s25 =	sadd.s32 s22, s8;
	s0 =	sshrl.u32 s24, $0x3  }
0x1b: {  	s20 =	sadd.s32 s5, s8;
	s22 =	simm.s32 $0x80;
	[dreg:$0xf] =	wrdreg s6  }
0x1c: {  	s24 =	simm.s32 $0x180;
	s10 =	simm.s32 $0x0;
	[dreg:$0x5] =	wrdreg s23  }
0x1d: {  	s6 =	sadd.s32 s19, s8;
	[dreg:$0x6] =	wrdreg s25;
	s26 =	sadd.s32 s0, s9  }
0x1e: {  	s18 =	sadd.s32 s0, s8;
	s19 =	sadd.s32 s5, s9;
	s23 =	simm.s32 $0x100  }
0x1f: {  	s25 =	simm.s32 $0x200;
	s0 =	simm.s32 $0x5;
	s5 =	simm.s32 $0x2  }
0x20: {  	s8 =	simm.s32 $0x3;
	s9 =	simm.s32 $0x4;
	[dreg:$0x4] =	wrdreg s6  }
0x21: {  	[dreg:$0x7] =	wrdreg s26;
	s26 =	simm.s32 $0x280;
	s6 =	simm.s32 $0x6  }
.LBB2_1:
0x22: {  	s11 =	rddreg [dreg:$0x8]  }
0x23: {  	s12 =	rddreg [dreg:$0x9];
	s11 =	sshrl.u32 s11, $0x3  }
0x24: {  	[spmem:s11], [sflag:s7] =	dma.local [hbm:s12], $0x2780  }
0x25: {  	_ =	swait.ge [sflag:s21], $0x2780  }
0x26: {  	[sflag:s21] =	ssyncset.done $0x0  }
0x27: {  	s14 =	rddreg [dreg:$0xa];
	[sflag:s21] =	ssyncadd.s32 $0xFFFFD880  }
0x28: {  	[tilespmem:s3], [sflag:$0x7] =	stream.linear.gather [hbm4b:s14+s3], $0x80, $0x38;
	[tilespmem:$0x1C000] =	vst v63  }
0x29: {  	_ =	swait.ge [sflag:s21], $0x80  }
0x2a: {  	[sflag:s21] =	ssyncset.done $0x0  }
0x2b: {  	s15 =	rddreg [dreg:$0xb];
	[sflag:s21] =	ssyncadd.s32 $0xFFFFFF80  }
0x2c: {  	[tilespmem:s22], [sflag:$0x7] =	stream.linear.gather [hbm4b:s15+s3], $0x80, $0x38;
	[tilespmem:$0x1C000] =	vst v63  }
0x2d: {  	_ =	swait.ge [sflag:s21], $0x80  }
0x2e: {  	[sflag:s21] =	ssyncset.done $0x0  }
0x2f: {  	s13 =	rddreg [dreg:$0xc];
	[sflag:s21] =	ssyncadd.s32 $0xFFFFFF80  }
0x30: {  	[tilespmem:s23], [sflag:$0x7] =	stream.linear.gather [hbm4b:s13+s3], $0x80, $0x38;
	[tilespmem:$0x1C000] =	vst v63  }
0x31: {  	_ =	swait.ge [sflag:s21], $0x80  }
0x32: {  	[sflag:s21] =	ssyncset.done $0x0  }
0x33: {  	s14 =	rddreg [dreg:$0xd];
	[sflag:s21] =	ssyncadd.s32 $0xFFFFFF80  }
0x34: {  	[tilespmem:s24], [sflag:$0x7] =	stream.linear.gather [hbm4b:s14+s3], $0x80, $0x38;
	[tilespmem:$0x1C000] =	vst v63  }
0x35: {  	_ =	swait.ge [sflag:s21], $0x80  }
0x36: {  	[sflag:s21] =	ssyncset.done $0x0  }
0x37: {  	s15 =	rddreg [dreg:$0xe];
	[sflag:s21] =	ssyncadd.s32 $0xFFFFFF80  }
0x38: {  	[tilespmem:s25], [sflag:$0x5] =	stream.linear.gather [hbm4b:s15+s3], $0x80, $0x38;
	[tilespmem:$0x1C000] =	vst v63  }
0x39: {  	s13 =	rddreg [dreg:$0xf]  }
0x3a: {  	[tilespmem:s26], [sflag:$0x5] =	stream.linear.gather [hbm4b:s13+s3], $0x80, $0x38;
	[tilespmem:$0x1C000] =	vst v63  }
0x3b: {  	s14 =	rddreg [dreg:$0x10]  }
0x3c: {  	[tilespmem:s28], [sflag:$0x6] =	stream.linear.gather [hbm4b:s14+s3], $0x80, $0x38;
	[tilespmem:$0x1C000] =	vst v63  }
0x3d: {  	s15 =	rddreg [dreg:$0x11]  }
0x3e: {  	[tilespmem:s29], [sflag:$0x6] =	stream.linear.gather [hbm4b:s15+s3], $0x80, $0x38;
	[tilespmem:$0x1C000] =	vst v63  }
0x3f: {  	[bflag:$0x0] =	sbarrier.arrive $0xFFFF  }
0x40: {  	[tilespmem:s30], [sflag:$0x1] =	stream.indirect.gather [hbm4b:s4+s22], $0x80, s3, s22, $0xb8;
	[tilespmem:$0x1C000] =	vst v63  }
0x41: {  	_ = 	snop  }
0x42: {  	[tilespmem:s31], [sflag:$0x2] =	stream.indirect.gather [hbm4b:s4+s22], $0x80, s23, s22, $0xb8;
	[tilespmem:$0x1C000] =	vst v63  }
0x43: {  	_ =	swait.ge [sflag:s1], $0x4000  }
0x44: {  	[sflag:s1] =	ssyncset.done $0x0  }
0x45: {  	[sflag:s1] =	ssyncadd.s32 $0xFFFFC000  }
0x46: {  	[spmem:s2] =	stream.indirect.scatter.add.f32 [tilespmem:s30], [sflag:$0x7], $0x80, s22, s22, $0xb8;
	[tilespmem:$0x1C000] =	vst v63  }
0x47: {  	_ =	swait.ge [sflag:s21], $0x4000  }
0x48: {  	[sflag:s21] =	ssyncset.done $0x0  }
0x49: {  	s13 =	sadd.s32 $0x0, s20;
	[sflag:s21] =	ssyncadd.s32 $0xFFFFC000  }
0x4a: {  	[tilespmem:s3], [sflag:$0x3] =	stream.linear.gather [hbm4b:s13+s3], $0x80, $0x38;
	[tilespmem:$0x1C000] =	vst v63  }
0x4b: {  	s14 =	sadd.s32 $0x0, s19  }
0x4c: {  	[tilespmem:s22], [sflag:$0x3] =	stream.linear.gather [hbm4b:s14+s3], $0x80, $0x38;
	[tilespmem:$0x1C000] =	vst v63  }
0x4d: {  	_ =	swait.ge [sflag:s0], $0x80  }
0x4e: {  	[sflag:s0] =	ssyncset.done $0x0  }
0x4f: {  	[sflag:s0] =	ssyncadd.s32 $0xFFFFFF80  }
0x50: {  	_ =	swait.ge [sflag:s0], $0x80  }
0x51: {  	[sflag:s0] =	ssyncset.done $0x0  }
0x52: {  	[sflag:s0] =	ssyncadd.s32 $0xFFFFFF80  }
0x53: {  	[tilespmem:s30], [sflag:$0x1] =	stream.indirect.gather [hbm4b:s4+s22], $0x80, s25, s22, $0xb8;
	[tilespmem:$0x1C000] =	vst v63  }
0x54: {  	_ =	swait.ge [sflag:s5], $0x4000  }
0x55: {  	[sflag:s5] =	ssyncset.done $0x0  }
0x56: {  	[sflag:s5] =	ssyncadd.s32 $0xFFFFC000  }
0x57: {  	[spmem:s2] =	stream.indirect.scatter.add.f32 [tilespmem:s31], [sflag:$0x7], $0x80, s24, s22, $0xb8;
	[tilespmem:$0x1C000] =	vst v63  }
0x58: {  	_ =	swait.ge [sflag:s21], $0x4000  }
0x59: {  	[sflag:s21] =	ssyncset.done $0x0  }
0x5a: {  	s13 =	sadd.s32 $0x0, s18;
	s15 =	rddreg [dreg:$0x7];
	[sflag:s21] =	ssyncadd.s32 $0xFFFFC000  }
0x5b: {  	[tilespmem:s23], [sflag:$0x4] =	stream.linear.gather [hbm4b:s13+s3], $0x80, $0x38;
	[tilespmem:$0x1C000] =	vst v63  }
0x5c: {  	s12 =	sadd.s32 $0x0, s15  }
0x5d: {  	[tilespmem:s24], [sflag:$0x4] =	stream.linear.gather [hbm4b:s12+s3], $0x80, $0x38;
	[tilespmem:$0x1C000] =	vst v63  }
0x5e: {  	_ =	swait.ge [sflag:s6], $0x80  }
0x5f: {  	[sflag:s6] =	ssyncset.done $0x0  }
0x60: {  	[sflag:s6] =	ssyncadd.s32 $0xFFFFFF80  }
0x61: {  	_ =	swait.ge [sflag:s6], $0x80  }
0x62: {  	[sflag:s6] =	ssyncset.done $0x0  }
0x63: {  	[sflag:s6] =	ssyncadd.s32 $0xFFFFFF80  }
0x64: {  	[tilespmem:s31], [sflag:$0x2] =	stream.indirect.gather [hbm4b:s4+s22], $0x80, s28, s22, $0xb8;
	[tilespmem:$0x1C000] =	vst v63  }
0x65: {  	_ =	swait.ge [sflag:s1], $0x4000  }
0x66: {  	[sflag:s1] =	ssyncset.done $0x0  }
0x67: {  	[sflag:s1] =	ssyncadd.s32 $0xFFFFC000  }
0x68: {  	[spmem:s2] =	stream.indirect.scatter.add.f32 [tilespmem:s30], [sflag:$0x7], $0x80, s26, s22, $0xb8;
	[tilespmem:$0x1C000] =	vst v63  }
0x69: {  	_ =	swait.ge [sflag:s21], $0x4000  }
0x6a: {  	s13 =	rddreg [dreg:$0x6];
	[sflag:s21] =	ssyncset.done $0x0  }
0x6b: {  	s14 =	rddreg [dreg:$0x5];
	[sflag:s21] =	ssyncadd.s32 $0xFFFFC000;
	s12 =	sadd.s32 $0x0, s13  }
0x6c: {  	[tilespmem:s25], [sflag:$0x5] =	stream.linear.gather [hbm4b:s12+s3], $0x80, $0x38;
	[tilespmem:$0x1C000] =	vst v63  }
0x6d: {  	s15 =	sadd.s32 $0x0, s14  }
0x6e: {  	[tilespmem:s26], [sflag:$0x5] =	stream.linear.gather [hbm4b:s15+s3], $0x80, $0x38;
	[tilespmem:$0x1C000] =	vst v63  }
0x6f: {  	_ =	swait.ge [sflag:s8], $0x80  }
0x70: {  	[sflag:s8] =	ssyncset.done $0x0  }
0x71: {  	[sflag:s8] =	ssyncadd.s32 $0xFFFFFF80  }
0x72: {  	_ =	swait.ge [sflag:s8], $0x80  }
0x73: {  	[sflag:s8] =	ssyncset.done $0x0  }
0x74: {  	[sflag:s8] =	ssyncadd.s32 $0xFFFFFF80  }
0x75: {  	[tilespmem:s30], [sflag:$0x1] =	stream.indirect.gather [hbm4b:s4+s22], $0x80, s3, s22, $0xb8;
	[tilespmem:$0x1C000] =	vst v63  }
0x76: {  	_ =	swait.ge [sflag:s5], $0x4000  }
0x77: {  	[sflag:s5] =	ssyncset.done $0x0  }
0x78: {  	[sflag:s5] =	ssyncadd.s32 $0xFFFFC000  }
0x79: {  	[spmem:s2] =	stream.indirect.scatter.add.f32 [tilespmem:s31], [sflag:$0x7], $0x80, s29, s22, $0xb8;
	[tilespmem:$0x1C000] =	vst v63  }
0x7a: {  	_ =	swait.ge [sflag:s21], $0x4000  }
0x7b: {  	s13 =	rddreg [dreg:$0x4];
	[sflag:s21] =	ssyncset.done $0x0  }
0x7c: {  	s14 =	rddreg [dreg:$0x3];
	[sflag:s21] =	ssyncadd.s32 $0xFFFFC000;
	s12 =	sadd.s32 $0x0, s13  }
0x7d: {  	[tilespmem:s28], [sflag:$0x6] =	stream.linear.gather [hbm4b:s12+s3], $0x80, $0x38;
	[tilespmem:$0x1C000] =	vst v63  }
0x7e: {  	s15 =	sadd.s32 $0x0, s14  }
0x7f: {  	[tilespmem:s29], [sflag:$0x6] =	stream.linear.gather [hbm4b:s15+s3], $0x80, $0x38;
	[tilespmem:$0x1C000] =	vst v63  }
0x80: {  	_ =	swait.ge [sflag:s9], $0x80  }
0x81: {  	[sflag:s9] =	ssyncset.done $0x0  }
0x82: {  	[sflag:s9] =	ssyncadd.s32 $0xFFFFFF80  }
0x83: {  	_ =	swait.ge [sflag:s9], $0x80  }
0x84: {  	[sflag:s9] =	ssyncset.done $0x0  }
0x85: {  	s12 =	simm.s32 $0x40;
	[sflag:s9] =	ssyncadd.s32 $0xFFFFFF80  }
.LBB2_2:
0x86: {  	[tilespmem:s31], [sflag:$0x2] =	stream.indirect.gather [hbm4b:s4+s22], $0x80, s23, s22, $0xb8;
	[tilespmem:$0x1C000] =	vst v63  }
0x87: {  	_ =	swait.ge [sflag:s1], $0x4000  }
0x88: {  	[sflag:s1] =	ssyncset.done $0x0  }
0x89: {  	[sflag:s1] =	ssyncadd.s32 $0xFFFFC000  }
0x8a: {  	[spmem:s2] =	stream.indirect.scatter.add.f32 [tilespmem:s30], [sflag:$0x7], $0x80, s22, s22, $0xb8;
	[tilespmem:$0x1C000] =	vst v63  }
0x8b: {  	_ =	swait.ge [sflag:s21], $0x4000  }
0x8c: {  	s13 =	smov.u32 s12;
	[sflag:s21] =	ssyncset.done $0x0  }
0x8d: {  	s14 =	sadd.s32 s13, s20;
	[sflag:s21] =	ssyncadd.s32 $0xFFFFC000  }
0x8e: {  	[tilespmem:s3], [sflag:$0x3] =	stream.linear.gather [hbm4b:s14+s3], $0x80, $0x38;
	[tilespmem:$0x1C000] =	vst v63  }
0x8f: {  	s15 =	sadd.s32 s13, s19  }
0x90: {  	[tilespmem:s22], [sflag:$0x3] =	stream.linear.gather [hbm4b:s15+s3], $0x80, $0x38;
	[tilespmem:$0x1C000] =	vst v63  }
0x91: {  	_ =	swait.ge [sflag:s0], $0x80  }
0x92: {  	[sflag:s0] =	ssyncset.done $0x0  }
0x93: {  	[sflag:s0] =	ssyncadd.s32 $0xFFFFFF80  }
0x94: {  	_ =	swait.ge [sflag:s0], $0x80  }
0x95: {  	[sflag:s0] =	ssyncset.done $0x0  }
0x96: {  	[sflag:s0] =	ssyncadd.s32 $0xFFFFFF80  }
0x97: {  	[tilespmem:s30], [sflag:$0x1] =	stream.indirect.gather [hbm4b:s4+s22], $0x80, s25, s22, $0xb8;
	[tilespmem:$0x1C000] =	vst v63  }
0x98: {  	_ =	swait.ge [sflag:s5], $0x4000  }
0x99: {  	[sflag:s5] =	ssyncset.done $0x0  }
0x9a: {  	[sflag:s5] =	ssyncadd.s32 $0xFFFFC000  }
0x9b: {  	[spmem:s2] =	stream.indirect.scatter.add.f32 [tilespmem:s31], [sflag:$0x7], $0x80, s24, s22, $0xb8;
	[tilespmem:$0x1C000] =	vst v63  }
0x9c: {  	_ =	swait.ge [sflag:s21], $0x4000  }
0x9d: {  	[sflag:s21] =	ssyncset.done $0x0  }
0x9e: {  	s15 =	sadd.s32 s13, s18;
	s14 =	rddreg [dreg:$0x7];
	[sflag:s21] =	ssyncadd.s32 $0xFFFFC000  }
0x9f: {  	[tilespmem:s23], [sflag:$0x4] =	stream.linear.gather [hbm4b:s15+s3], $0x80, $0x38;
	[tilespmem:$0x1C000] =	vst v63  }
0xa0: {  	s14 =	sadd.s32 s13, s14  }
0xa1: {  	[tilespmem:s24], [sflag:$0x4] =	stream.linear.gather [hbm4b:s14+s3], $0x80, $0x38;
	[tilespmem:$0x1C000] =	vst v63  }
0xa2: {  	_ =	swait.ge [sflag:s6], $0x80  }
0xa3: {  	[sflag:s6] =	ssyncset.done $0x0  }
0xa4: {  	[sflag:s6] =	ssyncadd.s32 $0xFFFFFF80  }
0xa5: {  	_ =	swait.ge [sflag:s6], $0x80  }
0xa6: {  	[sflag:s6] =	ssyncset.done $0x0  }
0xa7: {  	[sflag:s6] =	ssyncadd.s32 $0xFFFFFF80  }
0xa8: {  	[tilespmem:s31], [sflag:$0x2] =	stream.indirect.gather [hbm4b:s4+s22], $0x80, s28, s22, $0xb8;
	[tilespmem:$0x1C000] =	vst v63  }
0xa9: {  	_ =	swait.ge [sflag:s1], $0x4000  }
0xaa: {  	[sflag:s1] =	ssyncset.done $0x0  }
0xab: {  	[sflag:s1] =	ssyncadd.s32 $0xFFFFC000  }
0xac: {  	[spmem:s2] =	stream.indirect.scatter.add.f32 [tilespmem:s30], [sflag:$0x7], $0x80, s26, s22, $0xb8;
	[tilespmem:$0x1C000] =	vst v63  }
0xad: {  	_ =	swait.ge [sflag:s21], $0x4000  }
0xae: {  	s14 =	rddreg [dreg:$0x6];
	[sflag:s21] =	ssyncset.done $0x0  }
0xaf: {  	s15 =	rddreg [dreg:$0x5];
	[sflag:s21] =	ssyncadd.s32 $0xFFFFC000;
	s14 =	sadd.s32 s13, s14  }
0xb0: {  	[tilespmem:s25], [sflag:$0x5] =	stream.linear.gather [hbm4b:s14+s3], $0x80, $0x38;
	[tilespmem:$0x1C000] =	vst v63  }
0xb1: {  	s15 =	sadd.s32 s13, s15  }
0xb2: {  	[tilespmem:s26], [sflag:$0x5] =	stream.linear.gather [hbm4b:s15+s3], $0x80, $0x38;
	[tilespmem:$0x1C000] =	vst v63  }
0xb3: {  	_ =	swait.ge [sflag:s8], $0x80  }
0xb4: {  	[sflag:s8] =	ssyncset.done $0x0  }
0xb5: {  	[sflag:s8] =	ssyncadd.s32 $0xFFFFFF80  }
0xb6: {  	_ =	swait.ge [sflag:s8], $0x80  }
0xb7: {  	[sflag:s8] =	ssyncset.done $0x0  }
0xb8: {  	[sflag:s8] =	ssyncadd.s32 $0xFFFFFF80  }
0xb9: {  	[tilespmem:s30], [sflag:$0x1] =	stream.indirect.gather [hbm4b:s4+s22], $0x80, s3, s22, $0xb8;
	[tilespmem:$0x1C000] =	vst v63  }
0xba: {  	_ =	swait.ge [sflag:s5], $0x4000  }
0xbb: {  	[sflag:s5] =	ssyncset.done $0x0  }
0xbc: {  	[sflag:s5] =	ssyncadd.s32 $0xFFFFC000  }
0xbd: {  	[spmem:s2] =	stream.indirect.scatter.add.f32 [tilespmem:s31], [sflag:$0x7], $0x80, s29, s22, $0xb8;
	[tilespmem:$0x1C000] =	vst v63  }
0xbe: {  	_ =	swait.ge [sflag:s21], $0x4000  }
0xbf: {  	s14 =	rddreg [dreg:$0x4];
	[sflag:s21] =	ssyncset.done $0x0  }
0xc0: {  	s15 =	rddreg [dreg:$0x3];
	[sflag:s21] =	ssyncadd.s32 $0xFFFFC000;
	s14 =	sadd.s32 s13, s14  }
0xc1: {  	[tilespmem:s28], [sflag:$0x6] =	stream.linear.gather [hbm4b:s14+s3], $0x80, $0x38;
	[tilespmem:$0x1C000] =	vst v63  }
0xc2: {  	s13 =	sadd.s32 s13, s15  }
0xc3: {  	[tilespmem:s29], [sflag:$0x6] =	stream.linear.gather [hbm4b:s13+s3], $0x80, $0x38;
	[tilespmem:$0x1C000] =	vst v63  }
0xc4: {  	p0 =	sne.s32 s12, $0x4C0;
	_ =	swait.ge [sflag:s9], $0x80  }
.Ltmp0:
0xc5: {  	[sflag:s9] =	ssyncset.done $0x0;
	(pc) =	sbr.rel @p0 .LBB2_2-.Ltmp0, $4  }
0xc6: {  	[sflag:s9] =	ssyncadd.s32 $0xFFFFFF80  }
0xc7: {  	_ =	swait.ge [sflag:s9], $0x80  }
0xc8: {  	[sflag:s9] =	ssyncset.done $0x0  }
0xc9: {  	s12 =	sadd.s32 $0x40, s12;
	[sflag:s9] =	ssyncadd.s32 $0xFFFFFF80  }
0xca: {  	[tilespmem:s31], [sflag:$0x2] =	stream.indirect.gather [hbm4b:s4+s22], $0x80, s23, s22, $0xb8;
	[tilespmem:$0x1C000] =	vst v63  }
0xcb: {  	_ =	swait.ge [sflag:s1], $0x4000  }
0xcc: {  	[sflag:s1] =	ssyncset.done $0x0  }
0xcd: {  	[sflag:s1] =	ssyncadd.s32 $0xFFFFC000  }
0xce: {  	_ =	swait.ge [sflag:s5], $0x4000  }
0xcf: {  	[sflag:s5] =	ssyncset.done $0x0  }
0xd0: {  	[sflag:s5] =	ssyncadd.s32 $0xFFFFC000  }
0xd1: {  	_ =	swait.ge [sflag:s0], $0x80  }
0xd2: {  	[sflag:s0] =	ssyncset.done $0x0  }
0xd3: {  	[sflag:s0] =	ssyncadd.s32 $0xFFFFFF80  }
0xd4: {  	_ =	swait.ge [sflag:s0], $0x80  }
0xd5: {  	[sflag:s0] =	ssyncset.done $0x0  }
0xd6: {  	[sflag:s0] =	ssyncadd.s32 $0xFFFFFF80  }
0xd7: {  	_ =	swait.ge [sflag:s6], $0x80  }
0xd8: {  	[sflag:s6] =	ssyncset.done $0x0  }
0xd9: {  	[sflag:s6] =	ssyncadd.s32 $0xFFFFFF80  }
0xda: {  	_ =	swait.ge [sflag:s6], $0x80  }
0xdb: {  	s10 =	sadd.s32 $0x1, s10;
	[sflag:s6] =	ssyncset.done $0x0  }
0xdc: {  	p0 =	sne.s32 s10, s17;
	[sflag:s6] =	ssyncadd.s32 $0xFFFFFF80  }
.Ltmp1:
0xdd: {  	[bflag:$0x0] =	sbarrier.arrive $0xFFFF;
	(pc) =	sbr.rel @p0 .LBB2_1-.Ltmp1, $4  }
0xde: {  	[hbm:s16], [sflag:s7] =	dma.local [spmem:s11], $0x2780  }
0xdf: {  	_ =	swait.ge [sflag:s21], $0x2780  }
0xe0: {  	[sflag:s21] =	ssyncset.done $0x0  }
0xe1: {  	[sflag:s21] =	ssyncadd.s32 $0xFFFFD880  }
0xe2: {  	_ =	sfence.sel $0x180000  }
0xe3: {  	[bflag:$0x0] =	sbarrier.arrive $0xFFFF  }
0xe4: {  	_ =	strace $0x90000050  }
0xe5: {  	s0 =	stileid.u32;
	[bflag:$0x2] =	sbarrier.arrive $0xFFFF  }
0xe6: {  	p0 =	sne.s32 s0, $0x0;
	s0 =	rddreg [dreg:$0x2]  }
0xe7: {  	s0 =	sadd.s32 @!p0 $0x100000, s0  }
0xe8: {  	[sflag:s0] =	ssyncadd.tile.s32 @!p0 $0x1;
	_ =	shalt  }
.Lfunc_end2:
_tile_overlayer_lowered:
.L_overlay_start_2:
0xe9: {  	(tag) =	ssettag $0x2  }
0xea: {  	s0 =	rddreg [dreg:$0x0];
	s2 =	stileid.u32  }
0xeb: {  	s1 =	rddreg [dreg:$0x1];
	p0 =	sne.s32 s2, $0x0  }
0xec: {  	s3 =	rddreg [dreg:$0x2];
	[bflag:$0x3] =	sbarrier.arrive $0xFFFF;
	s2 =	simm.s32 @!p0 $0x1C07  }
0xed: {  	[timem:s3], [sflag:s2] =	dma.local @!p0 [hbm:s0], s1  }
0xee: {  	s0 =	simm.s32 @!p0 $0x7  }
0xef: {  	_ =	swait.ge @!p0 [sflag:s0], s1  }
0xf0: {  	s1 =	ssub.s32 @!p0 $0x0, s1;
	[sflag:s0] =	ssyncset.done @!p0 $0x0  }
0xf1: {  	[sflag:s0] =	ssyncadd.s32 @!p0 s1  }
0xf2: {  	[bflag:$0x3] =	sbarrier.arrive $0xFFFF  }
0xf3: {  	_ =	shalt  }

// kernel: kernel.23.cloned.1.call-start
scs
__scs_entry_jumppad:
0x0: {  	(pc) =	sbr.rel $0x88, $3  }
0x1: {  	(tag) =	ssettag $0x0;
	lr =	simm.s32 $0x1  }
0x2: {  	[smem:$0x3F99] =	sst lr;
	_ =	strace $0xD0000000  }
0x3: {  	_ = 	snop  }
0x4: {  	_ = 	snop  }
0x5: {  	_ = 	snop  }
0x6: {  	_ = 	snop  }
0x7: {  	_ = 	snop  }
__scs_overlays_trampoline_lowered:
0x8: {  	[smem:$0x3FA8] =	sst s0  }
0x9: {  	[smem:$0x3FA9] =	sst s1  }
0xa: {  	[smem:$0x3FAA] =	sst s2  }
0xb: {  	[smem:$0x3FAB] =	sst s3  }
0xc: {  	[smem:$0x3FAC] =	sst s4  }
0xd: {  	[smem:$0x3FAD] =	sst s5  }
0xe: {  	[smem:$0x3FAE] =	sst s6  }
0xf: {  	[smem:$0x3FAF] =	sst s7  }
0x10: {  	[smem:$0x3FB0] =	sst s8  }
0x11: {  	[smem:$0x3FB1] =	sst s9;
	s0 =	simm.s32 @!p0 $0x0  }
0x12: {  	s1 =	sld [smem:$0x3F97];
	s0 =	simm.s32 @p0 $0x1  }
0x13: {  	[smem:$0x3FB2] =	sst s0;
	s0 =	simm.s32 @!p1 $0x0  }
0x14: {  	s2 =	sld [smem:$0x3F96];
	s0 =	simm.s32 @p1 $0x1  }
0x15: {  	[smem:$0x3FB3] =	sst s0;
	s0 =	simm.s32 @!p2 $0x0  }
0x16: {  	s3 =	sld [smem:$0x3FDB];
	s0 =	simm.s32 @p2 $0x1  }
0x17: {  	s4 =	simm.s32 $0x1BF5;
	[smem:$0x3FB5] =	sst s0  }
0x18: {  	s0 =	sld [smem:$0x3F98];
	_ =	swait.ge [sflag:s4], $0x0  }
0x19: {  	s7 =	sld [smem:$0x3F99]  }
0x1a: {  	s8 =	sadd.s32 $0xFFFFE003, lr  }
0x1b: {  	s9 =	sadd.s32 $0xFFFFFEF7, lr;
	s5 =	simm.s32 $0xFFFFFFFF;
	p2 =	slt.u32 s8, $0xFFFFF086  }
0x1c: {  	p1 =	slt.u32 s9, $0xF7A;
	s5 =	simm.s32 @!p2 $0x0  }
0x1d: {  	s5 =	simm.s32 @p1 $0x1;
	p0 =	seq.s32 s7, s2  }
0x1e: {  	s7 =	smul.u32 @!p0 $0xF7A, s2;
	p2 =	seq.s32 @!p0 s5, $0x0  }
0x1f: {  	s9 =	smul.u32 $0xF7A, s1;
	s8 =	simm.s32 @!p0 $0x1BF5;
	p2 =	por !p2, p0  }
0x20: {  	[sflag:s8] =	ssyncset.s32 @!p0 $0xFFFFF086;
	s6 =	sadd.s32 @!p0 s3, s7;
	s7 =	simm.s32 @!p0 $0x108  }
0x21: {  	s3 =	sadd.s32 s3, s9;
	s6 =	sadd.s32 @!p0 $0x88, s6;
	s7 =	simm.s32 @p2 $0x1082  }
0x22: {  	[simem:s7], [sflag:s8] =	dma.local @!p0 [hbm:s6], $0xF7A  }
0x23: {  	s9 =	sor.u32 $0xD0000000, s2;
	s6 =	simm.s32 $0x108;
	_ =	swait.ge @!p0 [sflag:s8], $0x0  }
0x24: {  	s3 =	sadd.s32 $0x88, s3;
	s6 =	simm.s32 @!p1 $0x1082;
	[sflag:s4] =	ssyncset.s32 $0xFFFFF086  }
0x25: {  	[simem:s6], [sflag:s4] =	dma.local [hbm:s3], $0xF7A  }
0x26: {  	[smem:$0x3F99] =	sst s1;
	(tag) =	ssettag s2;
	_ =	strace s9  }
0x27: {  	s1 =	sld [smem:$0x3FA9]  }
0x28: {  	s2 =	sld [smem:$0x3FAA]  }
0x29: {  	s4 =	sld [smem:$0x3FAC]  }
0x2a: {  	p0 =	seq.s32 s5, $0x0;
	s5 =	sld [smem:$0x3FAD]  }
0x2b: {  	s6 =	sld [smem:$0x3FAE]  }
0x2c: {  	s7 =	sld [smem:$0x3FAF]  }
0x2d: {  	s3 =	simm.s32 $0x108;
	s8 =	sld [smem:$0x3FB0]  }
0x2e: {  	s3 =	simm.s32 @!p0 $0x1082;
	s9 =	sld [smem:$0x3FB1]  }
0x2f: {  	lr =	sadd.s32 s0, s3;
	s0 =	sld [smem:$0x3FA8]  }
0x30: {  	s3 =	sld [smem:$0x3FAB]  }
0x31: {  	[smem:$0x3FB4] =	sst s10  }
0x32: {  	s10 =	sld [smem:$0x3FB2];
	_ =	sdelay $0x3  }
0x33: {  	p0 =	seq.s32 s10, $0x1;
	s10 =	sld [smem:$0x3FB4];
	_ =	sdelay $0x3  }
0x34: {  	[smem:$0x3FB4] =	sst s10  }
0x35: {  	s10 =	sld [smem:$0x3FB3];
	_ =	sdelay $0x3  }
0x36: {  	p1 =	seq.s32 s10, $0x1;
	s10 =	sld [smem:$0x3FB4];
	_ =	sdelay $0x3  }
0x37: {  	[smem:$0x3FB4] =	sst s10  }
0x38: {  	s10 =	sld [smem:$0x3FB5]  }
0x39: {  	_ = 	snop;
	(pc) =	sbr.ind lr, $3  }
0x3a: {  	_ = 	snop  }
0x3b: {  	_ = 	snop  }
0x3c: {  	p2 =	seq.s32 s10, $0x1;
	s10 =	sld [smem:$0x3FB4]  }
0x3d: {  	_ =	shalt  }
0x3e: {  	_ =	shalt  }
0x3f: {  	_ =	shalt  }
0x40: {  	_ =	shalt  }
0x41: {  	_ =	shalt  }
0x42: {  	_ =	shalt  }
0x43: {  	_ =	shalt  }
0x44: {  	_ =	shalt  }
0x45: {  	_ =	shalt  }
0x46: {  	_ =	shalt  }
0x47: {  	_ =	shalt  }
0x48: {  	_ =	shalt  }
0x49: {  	_ =	shalt  }
0x4a: {  	_ =	shalt  }
0x4b: {  	_ =	shalt  }
0x4c: {  	_ =	shalt  }
0x4d: {  	_ =	shalt  }
0x4e: {  	_ =	shalt  }
0x4f: {  	_ =	shalt  }
0x50: {  	_ =	shalt  }
0x51: {  	_ =	shalt  }
0x52: {  	_ =	shalt  }
0x53: {  	_ =	shalt  }
0x54: {  	_ =	shalt  }
0x55: {  	_ =	shalt  }
0x56: {  	_ =	shalt  }
0x57: {  	_ =	shalt  }
0x58: {  	_ =	shalt  }
0x59: {  	_ =	shalt  }
0x5a: {  	_ =	shalt  }
0x5b: {  	_ =	shalt  }
0x5c: {  	_ =	shalt  }
0x5d: {  	_ =	shalt  }
0x5e: {  	_ =	shalt  }
0x5f: {  	_ =	shalt  }
0x60: {  	_ =	shalt  }
0x61: {  	_ =	shalt  }
0x62: {  	_ =	shalt  }
0x63: {  	_ =	shalt  }
0x64: {  	_ =	shalt  }
0x65: {  	_ =	shalt  }
0x66: {  	_ =	shalt  }
0x67: {  	_ =	shalt  }
0x68: {  	_ =	shalt  }
0x69: {  	_ =	shalt  }
0x6a: {  	_ =	shalt  }
0x6b: {  	_ =	shalt  }
0x6c: {  	_ =	shalt  }
0x6d: {  	_ =	shalt  }
0x6e: {  	_ =	shalt  }
0x6f: {  	_ =	shalt  }
0x70: {  	_ =	shalt  }
0x71: {  	_ =	shalt  }
0x72: {  	_ =	shalt  }
0x73: {  	_ =	shalt  }
0x74: {  	_ =	shalt  }
0x75: {  	_ =	shalt  }
0x76: {  	_ =	shalt  }
0x77: {  	_ =	shalt  }
0x78: {  	_ =	shalt  }
0x79: {  	_ =	shalt  }
0x7a: {  	_ =	shalt  }
0x7b: {  	_ =	shalt  }
0x7c: {  	_ =	shalt  }
0x7d: {  	_ =	shalt  }
0x7e: {  	_ =	shalt  }
0x7f: {  	_ =	shalt  }
0x80: {  	_ =	shalt  }
0x81: {  	_ =	shalt  }
0x82: {  	_ =	shalt  }
0x83: {  	_ =	shalt  }
0x84: {  	_ =	shalt  }
0x85: {  	_ =	shalt  }
0x86: {  	_ =	shalt  }
0x87: {  	_ =	shalt  }
.Lfunc_end0:
.L_simem_size_0:
called_computation.4_lowered:
.L_overlay_start_0:
0x88: {  	s2 =	sld [smem:$0x3FD9]  }
0x89: {  	s3 =	sld [smem:$0x3FFE];
	_ =	sdelay $0x1  }
0x8a: {  	s1 =	srdreg.scid  }
0x8b: {  	s0 =	sand.u32 $0x1, s1  }
0x8c: {  	s17 =	sshll.u32 s0, $0xA;
	s2 =	sadd.s32 s3, s2  }
0x8d: {  	s2 =	sadd.s32 s2, s17  }
0x8e: {  	[smem:$0x3FC0] =	sst s2  }
0x8f: {  	_ = 	snop  }
0x90: {  	(tm) =	ssettm $0x1  }
0x91: {  	s18 =	sld [smem:$0x3FFB];
	_ =	sdelay $0x3  }
0x92: {  	_ =	strace s18  }
0x93: {  	s2 =	sld [smem:$0x3FFC];
	_ =	sdelay $0x3  }
0x94: {  	_ =	strace s2  }
0x95: {  	s2 =	sld [smem:$0x3FFD];
	_ =	sdelay $0x3  }
0x96: {  	_ =	strace s2  }
0x97: {  	_ =	strace $0x8FFFFFFF  }
0x98: {  	s19 =	sld [smem:$0x3FDB];
	_ =	sdelay $0x1  }
0x99: {  	s20 =	simm.s32 $_scs_section_size  }
0x9a: {  	s4 =	simm.s32 $_size__tile_overlayer_lowered;
	s5 =	simm.s32 $_tile_overlayer_lowered  }
0x9b: {  	s6 =	simm.s32 $0x1BFF;
	s21 =	sshll.u32 s5, $0x1;
	s3 =	sadd.s32 s20, s19  }
0x9c: {  	s22 =	simm.s32 $0x0;
	s4 =	sshll.u32 s4, $0x1;
	s5 =	sadd.s32 s21, s3  }
0x9d: {  	[timem:s22], [sflag:s6] =	dma.local [hbm:s5], s4  }
0x9e: {  	_ =	swait.ge [sflag:s6], s4  }
0x9f: {  	s4 =	ssub.s32 $0x0, s4;
	[sflag:s6] =	ssyncset.done $0x0  }
0xa0: {  	[sflag:s6] =	ssyncadd.s32 s4;
	_ =	sdelay $0x1  }
0xa1: {  	s23 =	simm.s32 $0x1B8B  }
0xa2: {  	_ =	swait.ge [sflag:s23], $0x1  }
0xa3: {  	[sflag:s23] =	ssyncset.done $0x0  }
0xa4: {  	[sflag:s23] =	ssyncadd.s32 $0xFFFFFFFF  }
0xa5: {  	s4 =	sld [smem:$0x0]  }
0xa6: {  	s5 =	sand.u32 $0xFFFFFFFE, s1  }
0xa7: {  	p0 =	sne.s32 s1, s5  }
0xa8: {  	s5 =	sshll.u32 @p0 s5, $0xE  }
0xa9: {  	s5 =	sadd.s32 @p0 $0x11B8D, s5;
	s6 =	sshll.u32 @p0 s4, $0x11  }
0xaa: {  	s5 =	sor.u32 @p0 s6, s5  }
0xab: {  	[sflag:s5] =	ssyncadd.remote.s32 @p0 $0x1;
	_ =	sdelay $0x1  }
0xac: {  	s5 =	simm.s32 @p0 $0x1B8D  }
0xad: {  	_ =	swait.eq @p0 [sflag:s5], $0x1  }
0xae: {  	[sflag:s5] =	ssyncadd.s32 @p0 $0xFFFFFFFF  }
0xaf: {  	s6 =	sshll.u32 @!p0 s1, $0xE  }
0xb0: {  	s6 =	sor.u32 @!p0 $0x4000, s6;
	s5 =	simm.s32 @!p0 $0x1B8D  }
0xb1: {  	s4 =	sshll.u32 @!p0 s4, $0x11;
	s6 =	sadd.s32 @!p0 $0x11B8D, s6;
	_ =	swait.eq @!p0 [sflag:s5], $0x1  }
0xb2: {  	s4 =	sor.u32 @!p0 s4, s6;
	[sflag:s5] =	ssyncadd.s32 @!p0 $0xFFFFFFFF  }
0xb3: {  	s25 =	simm.s32 $0x1B8E;
	s24 =	sld [smem:$0x3FFE];
	[sflag:s4] =	ssyncadd.remote.s32 @!p0 $0x1  }
0xb4: {  	s26 =	simm.s32 $execute0_lowered;
	[smem:$0x3FD2] =	sst s25  }
0xb5: {  	s5 =	sshll.u32 s26, $0x1;
	_ =	strace $0x80000052;
	[dreg:$0x1] =	wrdreg $0xFFFFFFFF  }
0xb6: {  	s28 =	simm.s32 $_size_execute0_lowered;
	s3 =	sadd.s32 s3, s5;
	[dreg:$0x0] =	wrdreg $0x0  }
0xb7: {  	s5 =	sshll.u32 s28, $0x1;
	[dreg:$0x2] =	wrdreg s3  }
0xb8: {  	[dreg:$0x3] =	wrdreg s5  }
0xb9: {  	[dreg:$0x4] =	wrdreg $0xC0  }
0xba: {  	_ =	task [dreg:s22], $0x5FFFF  }
0xbb: {  	[dreg:$0x1] =	wrdreg $0xFFFFFFFF  }
0xbc: {  	[dreg:$0x0] =	wrdreg $0x60  }
0xbd: {  	[dreg:$0x2] =	wrdreg s24  }
0xbe: {  	[dreg:$0x3] =	wrdreg $0x84000  }
0xbf: {  	[dreg:$0x4] =	wrdreg $0xB  }
0xc0: {  	_ =	task.clear_ibuf [dreg:s22], $0x5FFFF;
	_ =	strace $0x90000052  }
0xc1: {  	s29 =	simm.s32 $0xB;
	_ =	strace $0x80000054  }
0xc2: {  	_ =	swait.ge [sflag:s29], $0x1  }
0xc3: {  	[sflag:s29] =	ssyncadd.s32 $0xFFFFFFFF  }
0xc4: {  	_ =	strace $0x90000054  }
0xc5: {  	_ =	sfence  }
0xc6: {  	s30 =	sld [smem:$0x0];
	_ =	sdelay $0x2  }
0xc7: {  	s31 =	sshll.u32 s1, $0xD;
	s1 =	sshrl.u32 s1, $0x2  }
0xc8: {  	s4 =	sand.u32 $0x4000, s31;
	s1 =	sadd.s32 s1, s30  }
0xc9: {  	s0 =	sor.u32 s4, s0;
	s1 =	sshll.u32 s1, $0x11  }
0xca: {  	s0 =	sor.u32 s1, s0  }
0xcb: {  	s0 =	sadd.s32 $0x8F2B, s0  }
0xcc: {  	[sflag:s0] =	ssyncadd.remote.s32 $0x1  }
0xcd: {  	_ =	sfence.sel $0xFFFF  }
0xce: {  	[dreg:$0x0] =	wrdreg $0xFFFFFFFF;
	(pc) =	sbr.abs _section_cstart, $3  }
0xcf: {  	[dreg:$0x1] =	wrdreg $0xFFFFFFFF  }
0xd0: {  	_ =	task.clear_ibuf [dreg:s22], $0x2FFFF;
	_ =	strace $0x9FFFFFFF  }
0xd1: {  	(tm) =	ssettm $0x7FFFFFFF  }
tec
execute0_lowered:
.L_overlay_start_1:
0x0: {  	(tag) =	ssettag $0x1  }
0x1: {  	s0 =	rddreg [dreg:$0x0]  }
0x2: {  	s2 =	rddreg [dreg:$0x1]  }
0x3: {  	s12 =	stileid.u32;
	s4 =	srdreg.scid;
	s3 =	simm.s32 $0x0  }
0x4: {  	s28 =	simm.s32 $0x300;
	s29 =	simm.s32 $0x380;
	s30 =	simm.s32 $0x400  }
0x5: {  	s31 =	simm.s32 $0x4400;
	s1 =	smul.u32 $0x13C00, s12;
	s5 =	sand.u32 $0x1, s4  }
0x6: {  	[smem:$0x7FF] =	sst s3;
	s8 =	sadd.s32 $0x19600, s0;
	s20 =	smul.u32 $0x4F000, s12  }
0x7: {  	s9 =	sadd.s32 $0xF400, s0;
	s4 =	sadd.s32 $0xC2000, s0;
	s24 =	smul.u32 $0x5000, s12  }
0x8: {  	s10 =	sshll.u32 s12, $0x1;
	s23 =	sshll.u32 s12, $0x6;
	s6 =	smul.u32 $0x13C000, s5  }
0x9: {  	_ =	strace $0x80000053;
	s21 =	ssub.s32 $0x2, s5;
	s10 =	sor.u32 s5, s10  }
0xa: {  	s5 =	smul.u32 $0x2800, s5;
	s19 =	sshrl.u32 s1, $0x3;
	s11 =	sshrl.u32 s21, $0x1  }
0xb: {  	s10 =	smul.u32 $0x2800, s10;
	s7 =	sadd.s32 s19, s0;
	s1 =	sadd.s32 s1, s6  }
0xc: {  	s6 =	sshrl.u32 s20, $0x2;
	s5 =	sadd.s32 s5, s24;
	s1 =	sshrl.u32 s1, $0x3  }
0xd: {  	s6 =	sadd.s32 s6, s2;
	s22 =	sadd.s32 $0x24000, s7;
	s10 =	sshrl.u32 s10, $0x3  }
0xe: {  	s7 =	sor.u32 $0x1C07, s23;
	s17 =	sor.u32 $0x380, s5;
	s24 =	sor.u32 $0x280, s5  }
0xf: {  	s0 =	sadd.s32 s1, s0;
	s1 =	ssub.s32 s21, s11;
	[dreg:$0x8] =	wrdreg s6  }
0x10: {  	[dreg:$0x9] =	wrdreg s22;
	s25 =	sor.u32 $0x10, s10;
	s26 =	sadd.s32 s8, s10  }
0x11: {  	s13 =	sadd.s32 s9, s10;
	s15 =	sor.u32 $0x20, s10;
	s10 =	sor.u32 $0x30, s10  }
0x12: {  	s19 =	sshrl.u32 s17, $0x3;
	s21 =	sor.u32 $0x300, s5;
	[dreg:$0xa] =	wrdreg s26  }
0x13: {  	s5 =	sor.u32 $0x200, s5;
	[dreg:$0xb] =	wrdreg s13;
	s14 =	sadd.s32 s8, s25  }
0x14: {  	s6 =	sadd.s32 s9, s25;
	s16 =	sadd.s32 s8, s15;
	[dreg:$0xc] =	wrdreg s14  }
0x15: {  	s18 =	sadd.s32 s8, s10;
	s10 =	sadd.s32 s9, s10;
	[dreg:$0xd] =	wrdreg s6  }
0x16: {  	s20 =	sadd.s32 s19, s9;
	s22 =	sshrl.u32 s21, $0x3;
	[dreg:$0xe] =	wrdreg s16  }
0x17: {  	s17 =	smax.u32 s1, $0x1;
	s5 =	sshrl.u32 s5, $0x3;
	[dreg:$0x10] =	wrdreg s18  }
0x18: {  	s21 =	simm.s32 $0x7;
	s1 =	simm.s32 $0x1;
	[dreg:$0x11] =	wrdreg s10  }
0x19: {  	s6 =	sadd.s32 s9, s15;
	[dreg:$0x3] =	wrdreg s20;
	s16 =	sadd.s32 $0x1AF000, s0  }
0x1a: {  	s23 =	sadd.s32 s22, s9;
	s25 =	sadd.s32 s22, s8;
	s0 =	sshrl.u32 s24, $0x3  }
0x1b: {  	s20 =	sadd.s32 s5, s8;
	s22 =	simm.s32 $0x80;
	[dreg:$0xf] =	wrdreg s6  }
0x1c: {  	s24 =	simm.s32 $0x180;
	s10 =	simm.s32 $0x0;
	[dreg:$0x5] =	wrdreg s23  }
0x1d: {  	s6 =	sadd.s32 s19, s8;
	[dreg:$0x6] =	wrdreg s25;
	s26 =	sadd.s32 s0, s9  }
0x1e: {  	s18 =	sadd.s32 s0, s8;
	s19 =	sadd.s32 s5, s9;
	s23 =	simm.s32 $0x100  }
0x1f: {  	s25 =	simm.s32 $0x200;
	s0 =	simm.s32 $0x5;
	s5 =	simm.s32 $0x2  }
0x20: {  	s8 =	simm.s32 $0x3;
	s9 =	simm.s32 $0x4;
	[dreg:$0x4] =	wrdreg s6  }
0x21: {  	[dreg:$0x7] =	wrdreg s26;
	s26 =	simm.s32 $0x280;
	s6 =	simm.s32 $0x6  }
.LBB2_1:
0x22: {  	s11 =	rddreg [dreg:$0x8]  }
0x23: {  	s12 =	rddreg [dreg:$0x9];
	s11 =	sshrl.u32 s11, $0x3  }
0x24: {  	[spmem:s11], [sflag:s7] =	dma.local [hbm:s12], $0x2780  }
0x25: {  	_ =	swait.ge [sflag:s21], $0x2780  }
0x26: {  	[sflag:s21] =	ssyncset.done $0x0  }
0x27: {  	s14 =	rddreg [dreg:$0xa];
	[sflag:s21] =	ssyncadd.s32 $0xFFFFD880  }
0x28: {  	[tilespmem:s3], [sflag:$0x7] =	stream.linear.gather [hbm4b:s14+s3], $0x80, $0x38;
	[tilespmem:$0x1C000] =	vst v63  }
0x29: {  	_ =	swait.ge [sflag:s21], $0x80  }
0x2a: {  	[sflag:s21] =	ssyncset.done $0x0  }
0x2b: {  	s15 =	rddreg [dreg:$0xb];
	[sflag:s21] =	ssyncadd.s32 $0xFFFFFF80  }
0x2c: {  	[tilespmem:s22], [sflag:$0x7] =	stream.linear.gather [hbm4b:s15+s3], $0x80, $0x38;
	[tilespmem:$0x1C000] =	vst v63  }
0x2d: {  	_ =	swait.ge [sflag:s21], $0x80  }
0x2e: {  	[sflag:s21] =	ssyncset.done $0x0  }
0x2f: {  	s13 =	rddreg [dreg:$0xc];
	[sflag:s21] =	ssyncadd.s32 $0xFFFFFF80  }
0x30: {  	[tilespmem:s23], [sflag:$0x7] =	stream.linear.gather [hbm4b:s13+s3], $0x80, $0x38;
	[tilespmem:$0x1C000] =	vst v63  }
0x31: {  	_ =	swait.ge [sflag:s21], $0x80  }
0x32: {  	[sflag:s21] =	ssyncset.done $0x0  }
0x33: {  	s14 =	rddreg [dreg:$0xd];
	[sflag:s21] =	ssyncadd.s32 $0xFFFFFF80  }
0x34: {  	[tilespmem:s24], [sflag:$0x7] =	stream.linear.gather [hbm4b:s14+s3], $0x80, $0x38;
	[tilespmem:$0x1C000] =	vst v63  }
0x35: {  	_ =	swait.ge [sflag:s21], $0x80  }
0x36: {  	[sflag:s21] =	ssyncset.done $0x0  }
0x37: {  	s15 =	rddreg [dreg:$0xe];
	[sflag:s21] =	ssyncadd.s32 $0xFFFFFF80  }
0x38: {  	[tilespmem:s25], [sflag:$0x5] =	stream.linear.gather [hbm4b:s15+s3], $0x80, $0x38;
	[tilespmem:$0x1C000] =	vst v63  }
0x39: {  	s13 =	rddreg [dreg:$0xf]  }
0x3a: {  	[tilespmem:s26], [sflag:$0x5] =	stream.linear.gather [hbm4b:s13+s3], $0x80, $0x38;
	[tilespmem:$0x1C000] =	vst v63  }
0x3b: {  	s14 =	rddreg [dreg:$0x10]  }
0x3c: {  	[tilespmem:s28], [sflag:$0x6] =	stream.linear.gather [hbm4b:s14+s3], $0x80, $0x38;
	[tilespmem:$0x1C000] =	vst v63  }
0x3d: {  	s15 =	rddreg [dreg:$0x11]  }
0x3e: {  	[tilespmem:s29], [sflag:$0x6] =	stream.linear.gather [hbm4b:s15+s3], $0x80, $0x38;
	[tilespmem:$0x1C000] =	vst v63  }
0x3f: {  	[bflag:$0x0] =	sbarrier.arrive $0xFFFF  }
0x40: {  	[tilespmem:s30], [sflag:$0x1] =	stream.indirect.gather [hbm4b:s4+s22], $0x80, s3, s22, $0xb8;
	[tilespmem:$0x1C000] =	vst v63  }
0x41: {  	_ = 	snop  }
0x42: {  	[tilespmem:s31], [sflag:$0x2] =	stream.indirect.gather [hbm4b:s4+s22], $0x80, s23, s22, $0xb8;
	[tilespmem:$0x1C000] =	vst v63  }
0x43: {  	_ =	swait.ge [sflag:s1], $0x4000  }
0x44: {  	[sflag:s1] =	ssyncset.done $0x0  }
0x45: {  	[sflag:s1] =	ssyncadd.s32 $0xFFFFC000  }
0x46: {  	[spmem:s2] =	stream.indirect.scatter.add.f32 [tilespmem:s30], [sflag:$0x7], $0x80, s22, s22, $0xb8;
	[tilespmem:$0x1C000] =	vst v63  }
0x47: {  	_ =	swait.ge [sflag:s21], $0x4000  }
0x48: {  	[sflag:s21] =	ssyncset.done $0x0  }
0x49: {  	s13 =	sadd.s32 $0x0, s20;
	[sflag:s21] =	ssyncadd.s32 $0xFFFFC000  }
0x4a: {  	[tilespmem:s3], [sflag:$0x3] =	stream.linear.gather [hbm4b:s13+s3], $0x80, $0x38;
	[tilespmem:$0x1C000] =	vst v63  }
0x4b: {  	s14 =	sadd.s32 $0x0, s19  }
0x4c: {  	[tilespmem:s22], [sflag:$0x3] =	stream.linear.gather [hbm4b:s14+s3], $0x80, $0x38;
	[tilespmem:$0x1C000] =	vst v63  }
0x4d: {  	_ =	swait.ge [sflag:s0], $0x80  }
0x4e: {  	[sflag:s0] =	ssyncset.done $0x0  }
0x4f: {  	[sflag:s0] =	ssyncadd.s32 $0xFFFFFF80  }
0x50: {  	_ =	swait.ge [sflag:s0], $0x80  }
0x51: {  	[sflag:s0] =	ssyncset.done $0x0  }
0x52: {  	[sflag:s0] =	ssyncadd.s32 $0xFFFFFF80  }
0x53: {  	[tilespmem:s30], [sflag:$0x1] =	stream.indirect.gather [hbm4b:s4+s22], $0x80, s25, s22, $0xb8;
	[tilespmem:$0x1C000] =	vst v63  }
0x54: {  	_ =	swait.ge [sflag:s5], $0x4000  }
0x55: {  	[sflag:s5] =	ssyncset.done $0x0  }
0x56: {  	[sflag:s5] =	ssyncadd.s32 $0xFFFFC000  }
0x57: {  	[spmem:s2] =	stream.indirect.scatter.add.f32 [tilespmem:s31], [sflag:$0x7], $0x80, s24, s22, $0xb8;
	[tilespmem:$0x1C000] =	vst v63  }
0x58: {  	_ =	swait.ge [sflag:s21], $0x4000  }
0x59: {  	[sflag:s21] =	ssyncset.done $0x0  }
0x5a: {  	s13 =	sadd.s32 $0x0, s18;
	s15 =	rddreg [dreg:$0x7];
	[sflag:s21] =	ssyncadd.s32 $0xFFFFC000  }
0x5b: {  	[tilespmem:s23], [sflag:$0x4] =	stream.linear.gather [hbm4b:s13+s3], $0x80, $0x38;
	[tilespmem:$0x1C000] =	vst v63  }
0x5c: {  	s12 =	sadd.s32 $0x0, s15  }
0x5d: {  	[tilespmem:s24], [sflag:$0x4] =	stream.linear.gather [hbm4b:s12+s3], $0x80, $0x38;
	[tilespmem:$0x1C000] =	vst v63  }
0x5e: {  	_ =	swait.ge [sflag:s6], $0x80  }
0x5f: {  	[sflag:s6] =	ssyncset.done $0x0  }
0x60: {  	[sflag:s6] =	ssyncadd.s32 $0xFFFFFF80  }
0x61: {  	_ =	swait.ge [sflag:s6], $0x80  }
0x62: {  	[sflag:s6] =	ssyncset.done $0x0  }
0x63: {  	[sflag:s6] =	ssyncadd.s32 $0xFFFFFF80  }
0x64: {  	[tilespmem:s31], [sflag:$0x2] =	stream.indirect.gather [hbm4b:s4+s22], $0x80, s28, s22, $0xb8;
	[tilespmem:$0x1C000] =	vst v63  }
0x65: {  	_ =	swait.ge [sflag:s1], $0x4000  }
0x66: {  	[sflag:s1] =	ssyncset.done $0x0  }
0x67: {  	[sflag:s1] =	ssyncadd.s32 $0xFFFFC000  }
0x68: {  	[spmem:s2] =	stream.indirect.scatter.add.f32 [tilespmem:s30], [sflag:$0x7], $0x80, s26, s22, $0xb8;
	[tilespmem:$0x1C000] =	vst v63  }
0x69: {  	_ =	swait.ge [sflag:s21], $0x4000  }
0x6a: {  	s13 =	rddreg [dreg:$0x6];
	[sflag:s21] =	ssyncset.done $0x0  }
0x6b: {  	s14 =	rddreg [dreg:$0x5];
	[sflag:s21] =	ssyncadd.s32 $0xFFFFC000;
	s12 =	sadd.s32 $0x0, s13  }
0x6c: {  	[tilespmem:s25], [sflag:$0x5] =	stream.linear.gather [hbm4b:s12+s3], $0x80, $0x38;
	[tilespmem:$0x1C000] =	vst v63  }
0x6d: {  	s15 =	sadd.s32 $0x0, s14  }
0x6e: {  	[tilespmem:s26], [sflag:$0x5] =	stream.linear.gather [hbm4b:s15+s3], $0x80, $0x38;
	[tilespmem:$0x1C000] =	vst v63  }
0x6f: {  	_ =	swait.ge [sflag:s8], $0x80  }
0x70: {  	[sflag:s8] =	ssyncset.done $0x0  }
0x71: {  	[sflag:s8] =	ssyncadd.s32 $0xFFFFFF80  }
0x72: {  	_ =	swait.ge [sflag:s8], $0x80  }
0x73: {  	[sflag:s8] =	ssyncset.done $0x0  }
0x74: {  	[sflag:s8] =	ssyncadd.s32 $0xFFFFFF80  }
0x75: {  	[tilespmem:s30], [sflag:$0x1] =	stream.indirect.gather [hbm4b:s4+s22], $0x80, s3, s22, $0xb8;
	[tilespmem:$0x1C000] =	vst v63  }
0x76: {  	_ =	swait.ge [sflag:s5], $0x4000  }
0x77: {  	[sflag:s5] =	ssyncset.done $0x0  }
0x78: {  	[sflag:s5] =	ssyncadd.s32 $0xFFFFC000  }
0x79: {  	[spmem:s2] =	stream.indirect.scatter.add.f32 [tilespmem:s31], [sflag:$0x7], $0x80, s29, s22, $0xb8;
	[tilespmem:$0x1C000] =	vst v63  }
0x7a: {  	_ =	swait.ge [sflag:s21], $0x4000  }
0x7b: {  	s13 =	rddreg [dreg:$0x4];
	[sflag:s21] =	ssyncset.done $0x0  }
0x7c: {  	s14 =	rddreg [dreg:$0x3];
	[sflag:s21] =	ssyncadd.s32 $0xFFFFC000;
	s12 =	sadd.s32 $0x0, s13  }
0x7d: {  	[tilespmem:s28], [sflag:$0x6] =	stream.linear.gather [hbm4b:s12+s3], $0x80, $0x38;
	[tilespmem:$0x1C000] =	vst v63  }
0x7e: {  	s15 =	sadd.s32 $0x0, s14  }
0x7f: {  	[tilespmem:s29], [sflag:$0x6] =	stream.linear.gather [hbm4b:s15+s3], $0x80, $0x38;
	[tilespmem:$0x1C000] =	vst v63  }
0x80: {  	_ =	swait.ge [sflag:s9], $0x80  }
0x81: {  	[sflag:s9] =	ssyncset.done $0x0  }
0x82: {  	[sflag:s9] =	ssyncadd.s32 $0xFFFFFF80  }
0x83: {  	_ =	swait.ge [sflag:s9], $0x80  }
0x84: {  	[sflag:s9] =	ssyncset.done $0x0  }
0x85: {  	s12 =	simm.s32 $0x40;
	[sflag:s9] =	ssyncadd.s32 $0xFFFFFF80  }
.LBB2_2:
0x86: {  	[tilespmem:s31], [sflag:$0x2] =	stream.indirect.gather [hbm4b:s4+s22], $0x80, s23, s22, $0xb8;
	[tilespmem:$0x1C000] =	vst v63  }
0x87: {  	_ =	swait.ge [sflag:s1], $0x4000  }
0x88: {  	[sflag:s1] =	ssyncset.done $0x0  }
0x89: {  	[sflag:s1] =	ssyncadd.s32 $0xFFFFC000  }
0x8a: {  	[spmem:s2] =	stream.indirect.scatter.add.f32 [tilespmem:s30], [sflag:$0x7], $0x80, s22, s22, $0xb8;
	[tilespmem:$0x1C000] =	vst v63  }
0x8b: {  	_ =	swait.ge [sflag:s21], $0x4000  }
0x8c: {  	s13 =	smov.u32 s12;
	[sflag:s21] =	ssyncset.done $0x0  }
0x8d: {  	s14 =	sadd.s32 s13, s20;
	[sflag:s21] =	ssyncadd.s32 $0xFFFFC000  }
0x8e: {  	[tilespmem:s3], [sflag:$0x3] =	stream.linear.gather [hbm4b:s14+s3], $0x80, $0x38;
	[tilespmem:$0x1C000] =	vst v63  }
0x8f: {  	s15 =	sadd.s32 s13, s19  }
0x90: {  	[tilespmem:s22], [sflag:$0x3] =	stream.linear.gather [hbm4b:s15+s3], $0x80, $0x38;
	[tilespmem:$0x1C000] =	vst v63  }
0x91: {  	_ =	swait.ge [sflag:s0], $0x80  }
0x92: {  	[sflag:s0] =	ssyncset.done $0x0  }
0x93: {  	[sflag:s0] =	ssyncadd.s32 $0xFFFFFF80  }
0x94: {  	_ =	swait.ge [sflag:s0], $0x80  }
0x95: {  	[sflag:s0] =	ssyncset.done $0x0  }
0x96: {  	[sflag:s0] =	ssyncadd.s32 $0xFFFFFF80  }
0x97: {  	[tilespmem:s30], [sflag:$0x1] =	stream.indirect.gather [hbm4b:s4+s22], $0x80, s25, s22, $0xb8;
	[tilespmem:$0x1C000] =	vst v63  }
0x98: {  	_ =	swait.ge [sflag:s5], $0x4000  }
0x99: {  	[sflag:s5] =	ssyncset.done $0x0  }
0x9a: {  	[sflag:s5] =	ssyncadd.s32 $0xFFFFC000  }
0x9b: {  	[spmem:s2] =	stream.indirect.scatter.add.f32 [tilespmem:s31], [sflag:$0x7], $0x80, s24, s22, $0xb8;
	[tilespmem:$0x1C000] =	vst v63  }
0x9c: {  	_ =	swait.ge [sflag:s21], $0x4000  }
0x9d: {  	[sflag:s21] =	ssyncset.done $0x0  }
0x9e: {  	s15 =	sadd.s32 s13, s18;
	s14 =	rddreg [dreg:$0x7];
	[sflag:s21] =	ssyncadd.s32 $0xFFFFC000  }
0x9f: {  	[tilespmem:s23], [sflag:$0x4] =	stream.linear.gather [hbm4b:s15+s3], $0x80, $0x38;
	[tilespmem:$0x1C000] =	vst v63  }
0xa0: {  	s14 =	sadd.s32 s13, s14  }
0xa1: {  	[tilespmem:s24], [sflag:$0x4] =	stream.linear.gather [hbm4b:s14+s3], $0x80, $0x38;
	[tilespmem:$0x1C000] =	vst v63  }
0xa2: {  	_ =	swait.ge [sflag:s6], $0x80  }
0xa3: {  	[sflag:s6] =	ssyncset.done $0x0  }
0xa4: {  	[sflag:s6] =	ssyncadd.s32 $0xFFFFFF80  }
0xa5: {  	_ =	swait.ge [sflag:s6], $0x80  }
0xa6: {  	[sflag:s6] =	ssyncset.done $0x0  }
0xa7: {  	[sflag:s6] =	ssyncadd.s32 $0xFFFFFF80  }
0xa8: {  	[tilespmem:s31], [sflag:$0x2] =	stream.indirect.gather [hbm4b:s4+s22], $0x80, s28, s22, $0xb8;
	[tilespmem:$0x1C000] =	vst v63  }
0xa9: {  	_ =	swait.ge [sflag:s1], $0x4000  }
0xaa: {  	[sflag:s1] =	ssyncset.done $0x0  }
0xab: {  	[sflag:s1] =	ssyncadd.s32 $0xFFFFC000  }
0xac: {  	[spmem:s2] =	stream.indirect.scatter.add.f32 [tilespmem:s30], [sflag:$0x7], $0x80, s26, s22, $0xb8;
	[tilespmem:$0x1C000] =	vst v63  }
0xad: {  	_ =	swait.ge [sflag:s21], $0x4000  }
0xae: {  	s14 =	rddreg [dreg:$0x6];
	[sflag:s21] =	ssyncset.done $0x0  }
0xaf: {  	s15 =	rddreg [dreg:$0x5];
	[sflag:s21] =	ssyncadd.s32 $0xFFFFC000;
	s14 =	sadd.s32 s13, s14  }
0xb0: {  	[tilespmem:s25], [sflag:$0x5] =	stream.linear.gather [hbm4b:s14+s3], $0x80, $0x38;
	[tilespmem:$0x1C000] =	vst v63  }
0xb1: {  	s15 =	sadd.s32 s13, s15  }
0xb2: {  	[tilespmem:s26], [sflag:$0x5] =	stream.linear.gather [hbm4b:s15+s3], $0x80, $0x38;
	[tilespmem:$0x1C000] =	vst v63  }
0xb3: {  	_ =	swait.ge [sflag:s8], $0x80  }
0xb4: {  	[sflag:s8] =	ssyncset.done $0x0  }
0xb5: {  	[sflag:s8] =	ssyncadd.s32 $0xFFFFFF80  }
0xb6: {  	_ =	swait.ge [sflag:s8], $0x80  }
0xb7: {  	[sflag:s8] =	ssyncset.done $0x0  }
0xb8: {  	[sflag:s8] =	ssyncadd.s32 $0xFFFFFF80  }
0xb9: {  	[tilespmem:s30], [sflag:$0x1] =	stream.indirect.gather [hbm4b:s4+s22], $0x80, s3, s22, $0xb8;
	[tilespmem:$0x1C000] =	vst v63  }
0xba: {  	_ =	swait.ge [sflag:s5], $0x4000  }
0xbb: {  	[sflag:s5] =	ssyncset.done $0x0  }
0xbc: {  	[sflag:s5] =	ssyncadd.s32 $0xFFFFC000  }
0xbd: {  	[spmem:s2] =	stream.indirect.scatter.add.f32 [tilespmem:s31], [sflag:$0x7], $0x80, s29, s22, $0xb8;
	[tilespmem:$0x1C000] =	vst v63  }
0xbe: {  	_ =	swait.ge [sflag:s21], $0x4000  }
0xbf: {  	s14 =	rddreg [dreg:$0x4];
	[sflag:s21] =	ssyncset.done $0x0  }
0xc0: {  	s15 =	rddreg [dreg:$0x3];
	[sflag:s21] =	ssyncadd.s32 $0xFFFFC000;
	s14 =	sadd.s32 s13, s14  }
0xc1: {  	[tilespmem:s28], [sflag:$0x6] =	stream.linear.gather [hbm4b:s14+s3], $0x80, $0x38;
	[tilespmem:$0x1C000] =	vst v63  }
0xc2: {  	s13 =	sadd.s32 s13, s15  }
0xc3: {  	[tilespmem:s29], [sflag:$0x6] =	stream.linear.gather [hbm4b:s13+s3], $0x80, $0x38;
	[tilespmem:$0x1C000] =	vst v63  }
0xc4: {  	p0 =	sne.s32 s12, $0x4C0;
	_ =	swait.ge [sflag:s9], $0x80  }
.Ltmp0:
0xc5: {  	[sflag:s9] =	ssyncset.done $0x0;
	(pc) =	sbr.rel @p0 .LBB2_2-.Ltmp0, $4  }
0xc6: {  	[sflag:s9] =	ssyncadd.s32 $0xFFFFFF80  }
0xc7: {  	_ =	swait.ge [sflag:s9], $0x80  }
0xc8: {  	[sflag:s9] =	ssyncset.done $0x0  }
0xc9: {  	s12 =	sadd.s32 $0x40, s12;
	[sflag:s9] =	ssyncadd.s32 $0xFFFFFF80  }
0xca: {  	[tilespmem:s31], [sflag:$0x2] =	stream.indirect.gather [hbm4b:s4+s22], $0x80, s23, s22, $0xb8;
	[tilespmem:$0x1C000] =	vst v63  }
0xcb: {  	_ =	swait.ge [sflag:s1], $0x4000  }
0xcc: {  	[sflag:s1] =	ssyncset.done $0x0  }
0xcd: {  	[sflag:s1] =	ssyncadd.s32 $0xFFFFC000  }
0xce: {  	_ =	swait.ge [sflag:s5], $0x4000  }
0xcf: {  	[sflag:s5] =	ssyncset.done $0x0  }
0xd0: {  	[sflag:s5] =	ssyncadd.s32 $0xFFFFC000  }
0xd1: {  	_ =	swait.ge [sflag:s0], $0x80  }
0xd2: {  	[sflag:s0] =	ssyncset.done $0x0  }
0xd3: {  	[sflag:s0] =	ssyncadd.s32 $0xFFFFFF80  }
0xd4: {  	_ =	swait.ge [sflag:s0], $0x80  }
0xd5: {  	[sflag:s0] =	ssyncset.done $0x0  }
0xd6: {  	[sflag:s0] =	ssyncadd.s32 $0xFFFFFF80  }
0xd7: {  	_ =	swait.ge [sflag:s6], $0x80  }
0xd8: {  	[sflag:s6] =	ssyncset.done $0x0  }
0xd9: {  	[sflag:s6] =	ssyncadd.s32 $0xFFFFFF80  }
0xda: {  	_ =	swait.ge [sflag:s6], $0x80  }
0xdb: {  	s10 =	sadd.s32 $0x1, s10;
	[sflag:s6] =	ssyncset.done $0x0  }
0xdc: {  	p0 =	sne.s32 s10, s17;
	[sflag:s6] =	ssyncadd.s32 $0xFFFFFF80  }
.Ltmp1:
0xdd: {  	[bflag:$0x0] =	sbarrier.arrive $0xFFFF;
	(pc) =	sbr.rel @p0 .LBB2_1-.Ltmp1, $4  }
0xde: {  	[hbm:s16], [sflag:s7] =	dma.local [spmem:s11], $0x2780  }
0xdf: {  	_ =	swait.ge [sflag:s21], $0x2780  }
0xe0: {  	[sflag:s21] =	ssyncset.done $0x0  }
0xe1: {  	[sflag:s21] =	ssyncadd.s32 $0xFFFFD880  }
0xe2: {  	_ =	sfence.sel $0x180000  }
0xe3: {  	[bflag:$0x0] =	sbarrier.arrive $0xFFFF  }
0xe4: {  	_ =	strace $0x90000053  }
0xe5: {  	s0 =	stileid.u32;
	[bflag:$0x2] =	sbarrier.arrive $0xFFFF  }
0xe6: {  	p0 =	sne.s32 s0, $0x0;
	s0 =	rddreg [dreg:$0x2]  }
0xe7: {  	s0 =	sadd.s32 @!p0 $0x100000, s0  }
0xe8: {  	[sflag:s0] =	ssyncadd.tile.s32 @!p0 $0x1;
	_ =	shalt  }
.Lfunc_end2:
_tile_overlayer_lowered:
.L_overlay_start_2:
0xe9: {  	(tag) =	ssettag $0x2  }
0xea: {  	s0 =	rddreg [dreg:$0x0];
	s2 =	stileid.u32  }
0xeb: {  	s1 =	rddreg [dreg:$0x1];
	p0 =	sne.s32 s2, $0x0  }
0xec: {  	s3 =	rddreg [dreg:$0x2];
	[bflag:$0x3] =	sbarrier.arrive $0xFFFF;
	s2 =	simm.s32 @!p0 $0x1C07  }
0xed: {  	[timem:s3], [sflag:s2] =	dma.local @!p0 [hbm:s0], s1  }
0xee: {  	s0 =	simm.s32 @!p0 $0x7  }
0xef: {  	_ =	swait.ge @!p0 [sflag:s0], s1  }
0xf0: {  	s1 =	ssub.s32 @!p0 $0x0, s1;
	[sflag:s0] =	ssyncset.done @!p0 $0x0  }
0xf1: {  	[sflag:s0] =	ssyncadd.s32 @!p0 s1  }
0xf2: {  	[bflag:$0x3] =	sbarrier.arrive $0xFFFF  }
0xf3: {  	_ =	shalt  }

// kernel: kernel.26.cloned.1.call-start
scs
__scs_entry_jumppad:
0x0: {  	(pc) =	sbr.rel $0x88, $3  }
0x1: {  	(tag) =	ssettag $0x0;
	lr =	simm.s32 $0x1  }
0x2: {  	[smem:$0x3F99] =	sst lr;
	_ =	strace $0xD0000000  }
0x3: {  	_ = 	snop  }
0x4: {  	_ = 	snop  }
0x5: {  	_ = 	snop  }
0x6: {  	_ = 	snop  }
0x7: {  	_ = 	snop  }
__scs_overlays_trampoline_lowered:
0x8: {  	[smem:$0x3FA8] =	sst s0  }
0x9: {  	[smem:$0x3FA9] =	sst s1  }
0xa: {  	[smem:$0x3FAA] =	sst s2  }
0xb: {  	[smem:$0x3FAB] =	sst s3  }
0xc: {  	[smem:$0x3FAC] =	sst s4  }
0xd: {  	[smem:$0x3FAD] =	sst s5  }
0xe: {  	[smem:$0x3FAE] =	sst s6  }
0xf: {  	[smem:$0x3FAF] =	sst s7  }
0x10: {  	[smem:$0x3FB0] =	sst s8  }
0x11: {  	[smem:$0x3FB1] =	sst s9;
	s0 =	simm.s32 @!p0 $0x0  }
0x12: {  	s1 =	sld [smem:$0x3F97];
	s0 =	simm.s32 @p0 $0x1  }
0x13: {  	[smem:$0x3FB2] =	sst s0;
	s0 =	simm.s32 @!p1 $0x0  }
0x14: {  	s2 =	sld [smem:$0x3F96];
	s0 =	simm.s32 @p1 $0x1  }
0x15: {  	[smem:$0x3FB3] =	sst s0;
	s0 =	simm.s32 @!p2 $0x0  }
0x16: {  	s3 =	sld [smem:$0x3FDB];
	s0 =	simm.s32 @p2 $0x1  }
0x17: {  	s4 =	simm.s32 $0x1BF5;
	[smem:$0x3FB5] =	sst s0  }
0x18: {  	s0 =	sld [smem:$0x3F98];
	_ =	swait.ge [sflag:s4], $0x0  }
0x19: {  	s7 =	sld [smem:$0x3F99]  }
0x1a: {  	s8 =	sadd.s32 $0xFFFFE003, lr  }
0x1b: {  	s9 =	sadd.s32 $0xFFFFFEF7, lr;
	s5 =	simm.s32 $0xFFFFFFFF;
	p2 =	slt.u32 s8, $0xFFFFF086  }
0x1c: {  	p1 =	slt.u32 s9, $0xF7A;
	s5 =	simm.s32 @!p2 $0x0  }
0x1d: {  	s5 =	simm.s32 @p1 $0x1;
	p0 =	seq.s32 s7, s2  }
0x1e: {  	s7 =	smul.u32 @!p0 $0xF7A, s2;
	p2 =	seq.s32 @!p0 s5, $0x0  }
0x1f: {  	s9 =	smul.u32 $0xF7A, s1;
	s8 =	simm.s32 @!p0 $0x1BF5;
	p2 =	por !p2, p0  }
0x20: {  	[sflag:s8] =	ssyncset.s32 @!p0 $0xFFFFF086;
	s6 =	sadd.s32 @!p0 s3, s7;
	s7 =	simm.s32 @!p0 $0x108  }
0x21: {  	s3 =	sadd.s32 s3, s9;
	s6 =	sadd.s32 @!p0 $0x88, s6;
	s7 =	simm.s32 @p2 $0x1082  }
0x22: {  	[simem:s7], [sflag:s8] =	dma.local @!p0 [hbm:s6], $0xF7A  }
0x23: {  	s9 =	sor.u32 $0xD0000000, s2;
	s6 =	simm.s32 $0x108;
	_ =	swait.ge @!p0 [sflag:s8], $0x0  }
0x24: {  	s3 =	sadd.s32 $0x88, s3;
	s6 =	simm.s32 @!p1 $0x1082;
	[sflag:s4] =	ssyncset.s32 $0xFFFFF086  }
0x25: {  	[simem:s6], [sflag:s4] =	dma.local [hbm:s3], $0xF7A  }
0x26: {  	[smem:$0x3F99] =	sst s1;
	(tag) =	ssettag s2;
	_ =	strace s9  }
0x27: {  	s1 =	sld [smem:$0x3FA9]  }
0x28: {  	s2 =	sld [smem:$0x3FAA]  }
0x29: {  	s4 =	sld [smem:$0x3FAC]  }
0x2a: {  	p0 =	seq.s32 s5, $0x0;
	s5 =	sld [smem:$0x3FAD]  }
0x2b: {  	s6 =	sld [smem:$0x3FAE]  }
0x2c: {  	s7 =	sld [smem:$0x3FAF]  }
0x2d: {  	s3 =	simm.s32 $0x108;
	s8 =	sld [smem:$0x3FB0]  }
0x2e: {  	s3 =	simm.s32 @!p0 $0x1082;
	s9 =	sld [smem:$0x3FB1]  }
0x2f: {  	lr =	sadd.s32 s0, s3;
	s0 =	sld [smem:$0x3FA8]  }
0x30: {  	s3 =	sld [smem:$0x3FAB]  }
0x31: {  	[smem:$0x3FB4] =	sst s10  }
0x32: {  	s10 =	sld [smem:$0x3FB2];
	_ =	sdelay $0x3  }
0x33: {  	p0 =	seq.s32 s10, $0x1;
	s10 =	sld [smem:$0x3FB4];
	_ =	sdelay $0x3  }
0x34: {  	[smem:$0x3FB4] =	sst s10  }
0x35: {  	s10 =	sld [smem:$0x3FB3];
	_ =	sdelay $0x3  }
0x36: {  	p1 =	seq.s32 s10, $0x1;
	s10 =	sld [smem:$0x3FB4];
	_ =	sdelay $0x3  }
0x37: {  	[smem:$0x3FB4] =	sst s10  }
0x38: {  	s10 =	sld [smem:$0x3FB5]  }
0x39: {  	_ = 	snop;
	(pc) =	sbr.ind lr, $3  }
0x3a: {  	_ = 	snop  }
0x3b: {  	_ = 	snop  }
0x3c: {  	p2 =	seq.s32 s10, $0x1;
	s10 =	sld [smem:$0x3FB4]  }
0x3d: {  	_ =	shalt  }
0x3e: {  	_ =	shalt  }
0x3f: {  	_ =	shalt  }
0x40: {  	_ =	shalt  }
0x41: {  	_ =	shalt  }
0x42: {  	_ =	shalt  }
0x43: {  	_ =	shalt  }
0x44: {  	_ =	shalt  }
0x45: {  	_ =	shalt  }
0x46: {  	_ =	shalt  }
0x47: {  	_ =	shalt  }
0x48: {  	_ =	shalt  }
0x49: {  	_ =	shalt  }
0x4a: {  	_ =	shalt  }
0x4b: {  	_ =	shalt  }
0x4c: {  	_ =	shalt  }
0x4d: {  	_ =	shalt  }
0x4e: {  	_ =	shalt  }
0x4f: {  	_ =	shalt  }
0x50: {  	_ =	shalt  }
0x51: {  	_ =	shalt  }
0x52: {  	_ =	shalt  }
0x53: {  	_ =	shalt  }
0x54: {  	_ =	shalt  }
0x55: {  	_ =	shalt  }
0x56: {  	_ =	shalt  }
0x57: {  	_ =	shalt  }
0x58: {  	_ =	shalt  }
0x59: {  	_ =	shalt  }
0x5a: {  	_ =	shalt  }
0x5b: {  	_ =	shalt  }
0x5c: {  	_ =	shalt  }
0x5d: {  	_ =	shalt  }
0x5e: {  	_ =	shalt  }
0x5f: {  	_ =	shalt  }
0x60: {  	_ =	shalt  }
0x61: {  	_ =	shalt  }
0x62: {  	_ =	shalt  }
0x63: {  	_ =	shalt  }
0x64: {  	_ =	shalt  }
0x65: {  	_ =	shalt  }
0x66: {  	_ =	shalt  }
0x67: {  	_ =	shalt  }
0x68: {  	_ =	shalt  }
0x69: {  	_ =	shalt  }
0x6a: {  	_ =	shalt  }
0x6b: {  	_ =	shalt  }
0x6c: {  	_ =	shalt  }
0x6d: {  	_ =	shalt  }
0x6e: {  	_ =	shalt  }
0x6f: {  	_ =	shalt  }
0x70: {  	_ =	shalt  }
0x71: {  	_ =	shalt  }
0x72: {  	_ =	shalt  }
0x73: {  	_ =	shalt  }
0x74: {  	_ =	shalt  }
0x75: {  	_ =	shalt  }
0x76: {  	_ =	shalt  }
0x77: {  	_ =	shalt  }
0x78: {  	_ =	shalt  }
0x79: {  	_ =	shalt  }
0x7a: {  	_ =	shalt  }
0x7b: {  	_ =	shalt  }
0x7c: {  	_ =	shalt  }
0x7d: {  	_ =	shalt  }
0x7e: {  	_ =	shalt  }
0x7f: {  	_ =	shalt  }
0x80: {  	_ =	shalt  }
0x81: {  	_ =	shalt  }
0x82: {  	_ =	shalt  }
0x83: {  	_ =	shalt  }
0x84: {  	_ =	shalt  }
0x85: {  	_ =	shalt  }
0x86: {  	_ =	shalt  }
0x87: {  	_ =	shalt  }
.Lfunc_end0:
.L_simem_size_0:
called_computation.5_lowered:
.L_overlay_start_0:
0x88: {  	s2 =	sld [smem:$0x3FD9]  }
0x89: {  	s3 =	sld [smem:$0x3FFE];
	_ =	sdelay $0x1  }
0x8a: {  	s1 =	srdreg.scid  }
0x8b: {  	s0 =	sand.u32 $0x1, s1  }
0x8c: {  	s17 =	sshll.u32 s0, $0xA;
	s2 =	sadd.s32 s3, s2  }
0x8d: {  	s2 =	sadd.s32 s2, s17  }
0x8e: {  	[smem:$0x3FC0] =	sst s2  }
0x8f: {  	_ = 	snop  }
0x90: {  	(tm) =	ssettm $0x1  }
0x91: {  	s18 =	sld [smem:$0x3FFB];
	_ =	sdelay $0x3  }
0x92: {  	_ =	strace s18  }
0x93: {  	s2 =	sld [smem:$0x3FFC];
	_ =	sdelay $0x3  }
0x94: {  	_ =	strace s2  }
0x95: {  	s2 =	sld [smem:$0x3FFD];
	_ =	sdelay $0x3  }
0x96: {  	_ =	strace s2  }
0x97: {  	_ =	strace $0x8FFFFFFF  }
0x98: {  	s19 =	sld [smem:$0x3FDB];
	_ =	sdelay $0x1  }
0x99: {  	s20 =	simm.s32 $_scs_section_size  }
0x9a: {  	s4 =	simm.s32 $_size__tile_overlayer_lowered;
	s5 =	simm.s32 $_tile_overlayer_lowered  }
0x9b: {  	s6 =	simm.s32 $0x1BFF;
	s21 =	sshll.u32 s5, $0x1;
	s3 =	sadd.s32 s20, s19  }
0x9c: {  	s22 =	simm.s32 $0x0;
	s4 =	sshll.u32 s4, $0x1;
	s5 =	sadd.s32 s21, s3  }
0x9d: {  	[timem:s22], [sflag:s6] =	dma.local [hbm:s5], s4  }
0x9e: {  	_ =	swait.ge [sflag:s6], s4  }
0x9f: {  	s4 =	ssub.s32 $0x0, s4;
	[sflag:s6] =	ssyncset.done $0x0  }
0xa0: {  	[sflag:s6] =	ssyncadd.s32 s4;
	_ =	sdelay $0x1  }
0xa1: {  	s23 =	simm.s32 $0x1B8B  }
0xa2: {  	_ =	swait.ge [sflag:s23], $0x1  }
0xa3: {  	[sflag:s23] =	ssyncset.done $0x0  }
0xa4: {  	[sflag:s23] =	ssyncadd.s32 $0xFFFFFFFF  }
0xa5: {  	s4 =	sld [smem:$0x0]  }
0xa6: {  	s5 =	sand.u32 $0xFFFFFFFE, s1  }
0xa7: {  	p0 =	sne.s32 s1, s5  }
0xa8: {  	s5 =	sshll.u32 @p0 s5, $0xE  }
0xa9: {  	s5 =	sadd.s32 @p0 $0x11B8D, s5;
	s6 =	sshll.u32 @p0 s4, $0x11  }
0xaa: {  	s5 =	sor.u32 @p0 s6, s5  }
0xab: {  	[sflag:s5] =	ssyncadd.remote.s32 @p0 $0x1;
	_ =	sdelay $0x1  }
0xac: {  	s5 =	simm.s32 @p0 $0x1B8D  }
0xad: {  	_ =	swait.eq @p0 [sflag:s5], $0x1  }
0xae: {  	[sflag:s5] =	ssyncadd.s32 @p0 $0xFFFFFFFF  }
0xaf: {  	s6 =	sshll.u32 @!p0 s1, $0xE  }
0xb0: {  	s6 =	sor.u32 @!p0 $0x4000, s6;
	s5 =	simm.s32 @!p0 $0x1B8D  }
0xb1: {  	s4 =	sshll.u32 @!p0 s4, $0x11;
	s6 =	sadd.s32 @!p0 $0x11B8D, s6;
	_ =	swait.eq @!p0 [sflag:s5], $0x1  }
0xb2: {  	s4 =	sor.u32 @!p0 s4, s6;
	[sflag:s5] =	ssyncadd.s32 @!p0 $0xFFFFFFFF  }
0xb3: {  	s25 =	simm.s32 $0x1B8E;
	s24 =	sld [smem:$0x3FFE];
	[sflag:s4] =	ssyncadd.remote.s32 @!p0 $0x1  }
0xb4: {  	s26 =	simm.s32 $execute0_lowered;
	[smem:$0x3FD2] =	sst s25  }
0xb5: {  	s5 =	sshll.u32 s26, $0x1;
	_ =	strace $0x80000055;
	[dreg:$0x1] =	wrdreg $0xFFFFFFFF  }
0xb6: {  	s28 =	simm.s32 $_size_execute0_lowered;
	s3 =	sadd.s32 s3, s5;
	[dreg:$0x0] =	wrdreg $0x0  }
0xb7: {  	s5 =	sshll.u32 s28, $0x1;
	[dreg:$0x2] =	wrdreg s3  }
0xb8: {  	[dreg:$0x3] =	wrdreg s5  }
0xb9: {  	[dreg:$0x4] =	wrdreg $0xC0  }
0xba: {  	_ =	task [dreg:s22], $0x5FFFF  }
0xbb: {  	[dreg:$0x1] =	wrdreg $0xFFFFFFFF  }
0xbc: {  	[dreg:$0x0] =	wrdreg $0x60  }
0xbd: {  	[dreg:$0x2] =	wrdreg s24  }
0xbe: {  	[dreg:$0x3] =	wrdreg $0x84000  }
0xbf: {  	[dreg:$0x4] =	wrdreg $0xC  }
0xc0: {  	_ =	task.clear_ibuf [dreg:s22], $0x5FFFF;
	_ =	strace $0x90000055  }
0xc1: {  	s29 =	simm.s32 $0xC;
	_ =	strace $0x80000057  }
0xc2: {  	_ =	swait.ge [sflag:s29], $0x1  }
0xc3: {  	[sflag:s29] =	ssyncadd.s32 $0xFFFFFFFF  }
0xc4: {  	_ =	strace $0x90000057  }
0xc5: {  	_ =	sfence  }
0xc6: {  	s30 =	sld [smem:$0x0];
	_ =	sdelay $0x2  }
0xc7: {  	s31 =	sshll.u32 s1, $0xD;
	s1 =	sshrl.u32 s1, $0x2  }
0xc8: {  	s4 =	sand.u32 $0x4000, s31;
	s1 =	sadd.s32 s1, s30  }
0xc9: {  	s0 =	sor.u32 s4, s0;
	s1 =	sshll.u32 s1, $0x11  }
0xca: {  	s0 =	sor.u32 s1, s0  }
0xcb: {  	s0 =	sadd.s32 $0x8F2B, s0  }
0xcc: {  	[sflag:s0] =	ssyncadd.remote.s32 $0x1  }
0xcd: {  	_ =	sfence.sel $0xFFFF  }
0xce: {  	[dreg:$0x0] =	wrdreg $0xFFFFFFFF;
	(pc) =	sbr.abs _section_cstart, $3  }
0xcf: {  	[dreg:$0x1] =	wrdreg $0xFFFFFFFF  }
0xd0: {  	_ =	task.clear_ibuf [dreg:s22], $0x2FFFF;
	_ =	strace $0x9FFFFFFF  }
0xd1: {  	(tm) =	ssettm $0x7FFFFFFF  }
tec
execute0_lowered:
.L_overlay_start_1:
0x0: {  	(tag) =	ssettag $0x1  }
0x1: {  	s0 =	rddreg [dreg:$0x0]  }
0x2: {  	s2 =	rddreg [dreg:$0x1]  }
0x3: {  	s12 =	stileid.u32;
	s4 =	srdreg.scid;
	s3 =	simm.s32 $0x0  }
0x4: {  	s28 =	simm.s32 $0x300;
	s29 =	simm.s32 $0x380;
	s30 =	simm.s32 $0x400  }
0x5: {  	s31 =	simm.s32 $0x4400;
	s1 =	smul.u32 $0x13C00, s12;
	s5 =	sand.u32 $0x1, s4  }
0x6: {  	[smem:$0x7FF] =	sst s3;
	s8 =	sadd.s32 $0x19600, s0;
	s20 =	smul.u32 $0x4F000, s12  }
0x7: {  	s9 =	sadd.s32 $0xF400, s0;
	s4 =	sadd.s32 $0xE9800, s0;
	s24 =	smul.u32 $0x5000, s12  }
0x8: {  	s10 =	sshll.u32 s12, $0x1;
	s23 =	sshll.u32 s12, $0x6;
	s6 =	smul.u32 $0x13C000, s5  }
0x9: {  	_ =	strace $0x80000056;
	s21 =	ssub.s32 $0x2, s5;
	s10 =	sor.u32 s5, s10  }
0xa: {  	s5 =	smul.u32 $0x2800, s5;
	s19 =	sshrl.u32 s1, $0x3;
	s11 =	sshrl.u32 s21, $0x1  }
0xb: {  	s10 =	smul.u32 $0x2800, s10;
	s7 =	sadd.s32 s19, s0;
	s1 =	sadd.s32 s1, s6  }
0xc: {  	s6 =	sshrl.u32 s20, $0x2;
	s5 =	sadd.s32 s5, s24;
	s1 =	sshrl.u32 s1, $0x3  }
0xd: {  	s6 =	sadd.s32 s6, s2;
	s22 =	sadd.s32 $0x24000, s7;
	s10 =	sshrl.u32 s10, $0x3  }
0xe: {  	s7 =	sor.u32 $0x1C07, s23;
	s17 =	sor.u32 $0x380, s5;
	s24 =	sor.u32 $0x280, s5  }
0xf: {  	s0 =	sadd.s32 s1, s0;
	s1 =	ssub.s32 s21, s11;
	[dreg:$0x8] =	wrdreg s6  }
0x10: {  	[dreg:$0x9] =	wrdreg s22;
	s25 =	sor.u32 $0x10, s10;
	s26 =	sadd.s32 s8, s10  }
0x11: {  	s13 =	sadd.s32 s9, s10;
	s15 =	sor.u32 $0x20, s10;
	s10 =	sor.u32 $0x30, s10  }
0x12: {  	s19 =	sshrl.u32 s17, $0x3;
	s21 =	sor.u32 $0x300, s5;
	[dreg:$0xa] =	wrdreg s26  }
0x13: {  	s5 =	sor.u32 $0x200, s5;
	[dreg:$0xb] =	wrdreg s13;
	s14 =	sadd.s32 s8, s25  }
0x14: {  	s6 =	sadd.s32 s9, s25;
	s16 =	sadd.s32 s8, s15;
	[dreg:$0xc] =	wrdreg s14  }
0x15: {  	s18 =	sadd.s32 s8, s10;
	s10 =	sadd.s32 s9, s10;
	[dreg:$0xd] =	wrdreg s6  }
0x16: {  	s20 =	sadd.s32 s19, s9;
	s22 =	sshrl.u32 s21, $0x3;
	[dreg:$0xe] =	wrdreg s16  }
0x17: {  	s17 =	smax.u32 s1, $0x1;
	s5 =	sshrl.u32 s5, $0x3;
	[dreg:$0x10] =	wrdreg s18  }
0x18: {  	s21 =	simm.s32 $0x7;
	s1 =	simm.s32 $0x1;
	[dreg:$0x11] =	wrdreg s10  }
0x19: {  	s6 =	sadd.s32 s9, s15;
	[dreg:$0x3] =	wrdreg s20;
	s16 =	sadd.s32 $0x1FE000, s0  }
0x1a: {  	s23 =	sadd.s32 s22, s9;
	s25 =	sadd.s32 s22, s8;
	s0 =	sshrl.u32 s24, $0x3  }
0x1b: {  	s20 =	sadd.s32 s5, s8;
	s22 =	simm.s32 $0x80;
	[dreg:$0xf] =	wrdreg s6  }
0x1c: {  	s24 =	simm.s32 $0x180;
	s10 =	simm.s32 $0x0;
	[dreg:$0x5] =	wrdreg s23  }
0x1d: {  	s6 =	sadd.s32 s19, s8;
	[dreg:$0x6] =	wrdreg s25;
	s26 =	sadd.s32 s0, s9  }
0x1e: {  	s18 =	sadd.s32 s0, s8;
	s19 =	sadd.s32 s5, s9;
	s23 =	simm.s32 $0x100  }
0x1f: {  	s25 =	simm.s32 $0x200;
	s0 =	simm.s32 $0x5;
	s5 =	simm.s32 $0x2  }
0x20: {  	s8 =	simm.s32 $0x3;
	s9 =	simm.s32 $0x4;
	[dreg:$0x4] =	wrdreg s6  }
0x21: {  	[dreg:$0x7] =	wrdreg s26;
	s26 =	simm.s32 $0x280;
	s6 =	simm.s32 $0x6  }
.LBB2_1:
0x22: {  	s11 =	rddreg [dreg:$0x8]  }
0x23: {  	s12 =	rddreg [dreg:$0x9];
	s11 =	sshrl.u32 s11, $0x3  }
0x24: {  	[spmem:s11], [sflag:s7] =	dma.local [hbm:s12], $0x2780  }
0x25: {  	_ =	swait.ge [sflag:s21], $0x2780  }
0x26: {  	[sflag:s21] =	ssyncset.done $0x0  }
0x27: {  	s14 =	rddreg [dreg:$0xa];
	[sflag:s21] =	ssyncadd.s32 $0xFFFFD880  }
0x28: {  	[tilespmem:s3], [sflag:$0x7] =	stream.linear.gather [hbm4b:s14+s3], $0x80, $0x38;
	[tilespmem:$0x1C000] =	vst v63  }
0x29: {  	_ =	swait.ge [sflag:s21], $0x80  }
0x2a: {  	[sflag:s21] =	ssyncset.done $0x0  }
0x2b: {  	s15 =	rddreg [dreg:$0xb];
	[sflag:s21] =	ssyncadd.s32 $0xFFFFFF80  }
0x2c: {  	[tilespmem:s22], [sflag:$0x7] =	stream.linear.gather [hbm4b:s15+s3], $0x80, $0x38;
	[tilespmem:$0x1C000] =	vst v63  }
0x2d: {  	_ =	swait.ge [sflag:s21], $0x80  }
0x2e: {  	[sflag:s21] =	ssyncset.done $0x0  }
0x2f: {  	s13 =	rddreg [dreg:$0xc];
	[sflag:s21] =	ssyncadd.s32 $0xFFFFFF80  }
0x30: {  	[tilespmem:s23], [sflag:$0x7] =	stream.linear.gather [hbm4b:s13+s3], $0x80, $0x38;
	[tilespmem:$0x1C000] =	vst v63  }
0x31: {  	_ =	swait.ge [sflag:s21], $0x80  }
0x32: {  	[sflag:s21] =	ssyncset.done $0x0  }
0x33: {  	s14 =	rddreg [dreg:$0xd];
	[sflag:s21] =	ssyncadd.s32 $0xFFFFFF80  }
0x34: {  	[tilespmem:s24], [sflag:$0x7] =	stream.linear.gather [hbm4b:s14+s3], $0x80, $0x38;
	[tilespmem:$0x1C000] =	vst v63  }
0x35: {  	_ =	swait.ge [sflag:s21], $0x80  }
0x36: {  	[sflag:s21] =	ssyncset.done $0x0  }
0x37: {  	s15 =	rddreg [dreg:$0xe];
	[sflag:s21] =	ssyncadd.s32 $0xFFFFFF80  }
0x38: {  	[tilespmem:s25], [sflag:$0x5] =	stream.linear.gather [hbm4b:s15+s3], $0x80, $0x38;
	[tilespmem:$0x1C000] =	vst v63  }
0x39: {  	s13 =	rddreg [dreg:$0xf]  }
0x3a: {  	[tilespmem:s26], [sflag:$0x5] =	stream.linear.gather [hbm4b:s13+s3], $0x80, $0x38;
	[tilespmem:$0x1C000] =	vst v63  }
0x3b: {  	s14 =	rddreg [dreg:$0x10]  }
0x3c: {  	[tilespmem:s28], [sflag:$0x6] =	stream.linear.gather [hbm4b:s14+s3], $0x80, $0x38;
	[tilespmem:$0x1C000] =	vst v63  }
0x3d: {  	s15 =	rddreg [dreg:$0x11]  }
0x3e: {  	[tilespmem:s29], [sflag:$0x6] =	stream.linear.gather [hbm4b:s15+s3], $0x80, $0x38;
	[tilespmem:$0x1C000] =	vst v63  }
0x3f: {  	[bflag:$0x0] =	sbarrier.arrive $0xFFFF  }
0x40: {  	[tilespmem:s30], [sflag:$0x1] =	stream.indirect.gather [hbm4b:s4+s22], $0x80, s3, s22, $0xb8;
	[tilespmem:$0x1C000] =	vst v63  }
0x41: {  	_ = 	snop  }
0x42: {  	[tilespmem:s31], [sflag:$0x2] =	stream.indirect.gather [hbm4b:s4+s22], $0x80, s23, s22, $0xb8;
	[tilespmem:$0x1C000] =	vst v63  }
0x43: {  	_ =	swait.ge [sflag:s1], $0x4000  }
0x44: {  	[sflag:s1] =	ssyncset.done $0x0  }
0x45: {  	[sflag:s1] =	ssyncadd.s32 $0xFFFFC000  }
0x46: {  	[spmem:s2] =	stream.indirect.scatter.add.f32 [tilespmem:s30], [sflag:$0x7], $0x80, s22, s22, $0xb8;
	[tilespmem:$0x1C000] =	vst v63  }
0x47: {  	_ =	swait.ge [sflag:s21], $0x4000  }
0x48: {  	[sflag:s21] =	ssyncset.done $0x0  }
0x49: {  	s13 =	sadd.s32 $0x0, s20;
	[sflag:s21] =	ssyncadd.s32 $0xFFFFC000  }
0x4a: {  	[tilespmem:s3], [sflag:$0x3] =	stream.linear.gather [hbm4b:s13+s3], $0x80, $0x38;
	[tilespmem:$0x1C000] =	vst v63  }
0x4b: {  	s14 =	sadd.s32 $0x0, s19  }
0x4c: {  	[tilespmem:s22], [sflag:$0x3] =	stream.linear.gather [hbm4b:s14+s3], $0x80, $0x38;
	[tilespmem:$0x1C000] =	vst v63  }
0x4d: {  	_ =	swait.ge [sflag:s0], $0x80  }
0x4e: {  	[sflag:s0] =	ssyncset.done $0x0  }
0x4f: {  	[sflag:s0] =	ssyncadd.s32 $0xFFFFFF80  }
0x50: {  	_ =	swait.ge [sflag:s0], $0x80  }
0x51: {  	[sflag:s0] =	ssyncset.done $0x0  }
0x52: {  	[sflag:s0] =	ssyncadd.s32 $0xFFFFFF80  }
0x53: {  	[tilespmem:s30], [sflag:$0x1] =	stream.indirect.gather [hbm4b:s4+s22], $0x80, s25, s22, $0xb8;
	[tilespmem:$0x1C000] =	vst v63  }
0x54: {  	_ =	swait.ge [sflag:s5], $0x4000  }
0x55: {  	[sflag:s5] =	ssyncset.done $0x0  }
0x56: {  	[sflag:s5] =	ssyncadd.s32 $0xFFFFC000  }
0x57: {  	[spmem:s2] =	stream.indirect.scatter.add.f32 [tilespmem:s31], [sflag:$0x7], $0x80, s24, s22, $0xb8;
	[tilespmem:$0x1C000] =	vst v63  }
0x58: {  	_ =	swait.ge [sflag:s21], $0x4000  }
0x59: {  	[sflag:s21] =	ssyncset.done $0x0  }
0x5a: {  	s13 =	sadd.s32 $0x0, s18;
	s15 =	rddreg [dreg:$0x7];
	[sflag:s21] =	ssyncadd.s32 $0xFFFFC000  }
0x5b: {  	[tilespmem:s23], [sflag:$0x4] =	stream.linear.gather [hbm4b:s13+s3], $0x80, $0x38;
	[tilespmem:$0x1C000] =	vst v63  }
0x5c: {  	s12 =	sadd.s32 $0x0, s15  }
0x5d: {  	[tilespmem:s24], [sflag:$0x4] =	stream.linear.gather [hbm4b:s12+s3], $0x80, $0x38;
	[tilespmem:$0x1C000] =	vst v63  }
0x5e: {  	_ =	swait.ge [sflag:s6], $0x80  }
0x5f: {  	[sflag:s6] =	ssyncset.done $0x0  }
0x60: {  	[sflag:s6] =	ssyncadd.s32 $0xFFFFFF80  }
0x61: {  	_ =	swait.ge [sflag:s6], $0x80  }
0x62: {  	[sflag:s6] =	ssyncset.done $0x0  }
0x63: {  	[sflag:s6] =	ssyncadd.s32 $0xFFFFFF80  }
0x64: {  	[tilespmem:s31], [sflag:$0x2] =	stream.indirect.gather [hbm4b:s4+s22], $0x80, s28, s22, $0xb8;
	[tilespmem:$0x1C000] =	vst v63  }
0x65: {  	_ =	swait.ge [sflag:s1], $0x4000  }
0x66: {  	[sflag:s1] =	ssyncset.done $0x0  }
0x67: {  	[sflag:s1] =	ssyncadd.s32 $0xFFFFC000  }
0x68: {  	[spmem:s2] =	stream.indirect.scatter.add.f32 [tilespmem:s30], [sflag:$0x7], $0x80, s26, s22, $0xb8;
	[tilespmem:$0x1C000] =	vst v63  }
0x69: {  	_ =	swait.ge [sflag:s21], $0x4000  }
0x6a: {  	s13 =	rddreg [dreg:$0x6];
	[sflag:s21] =	ssyncset.done $0x0  }
0x6b: {  	s14 =	rddreg [dreg:$0x5];
	[sflag:s21] =	ssyncadd.s32 $0xFFFFC000;
	s12 =	sadd.s32 $0x0, s13  }
0x6c: {  	[tilespmem:s25], [sflag:$0x5] =	stream.linear.gather [hbm4b:s12+s3], $0x80, $0x38;
	[tilespmem:$0x1C000] =	vst v63  }
0x6d: {  	s15 =	sadd.s32 $0x0, s14  }
0x6e: {  	[tilespmem:s26], [sflag:$0x5] =	stream.linear.gather [hbm4b:s15+s3], $0x80, $0x38;
	[tilespmem:$0x1C000] =	vst v63  }
0x6f: {  	_ =	swait.ge [sflag:s8], $0x80  }
0x70: {  	[sflag:s8] =	ssyncset.done $0x0  }
0x71: {  	[sflag:s8] =	ssyncadd.s32 $0xFFFFFF80  }
0x72: {  	_ =	swait.ge [sflag:s8], $0x80  }
0x73: {  	[sflag:s8] =	ssyncset.done $0x0  }
0x74: {  	[sflag:s8] =	ssyncadd.s32 $0xFFFFFF80  }
0x75: {  	[tilespmem:s30], [sflag:$0x1] =	stream.indirect.gather [hbm4b:s4+s22], $0x80, s3, s22, $0xb8;
	[tilespmem:$0x1C000] =	vst v63  }
0x76: {  	_ =	swait.ge [sflag:s5], $0x4000  }
0x77: {  	[sflag:s5] =	ssyncset.done $0x0  }
0x78: {  	[sflag:s5] =	ssyncadd.s32 $0xFFFFC000  }
0x79: {  	[spmem:s2] =	stream.indirect.scatter.add.f32 [tilespmem:s31], [sflag:$0x7], $0x80, s29, s22, $0xb8;
	[tilespmem:$0x1C000] =	vst v63  }
0x7a: {  	_ =	swait.ge [sflag:s21], $0x4000  }
0x7b: {  	s13 =	rddreg [dreg:$0x4];
	[sflag:s21] =	ssyncset.done $0x0  }
0x7c: {  	s14 =	rddreg [dreg:$0x3];
	[sflag:s21] =	ssyncadd.s32 $0xFFFFC000;
	s12 =	sadd.s32 $0x0, s13  }
0x7d: {  	[tilespmem:s28], [sflag:$0x6] =	stream.linear.gather [hbm4b:s12+s3], $0x80, $0x38;
	[tilespmem:$0x1C000] =	vst v63  }
0x7e: {  	s15 =	sadd.s32 $0x0, s14  }
0x7f: {  	[tilespmem:s29], [sflag:$0x6] =	stream.linear.gather [hbm4b:s15+s3], $0x80, $0x38;
	[tilespmem:$0x1C000] =	vst v63  }
0x80: {  	_ =	swait.ge [sflag:s9], $0x80  }
0x81: {  	[sflag:s9] =	ssyncset.done $0x0  }
0x82: {  	[sflag:s9] =	ssyncadd.s32 $0xFFFFFF80  }
0x83: {  	_ =	swait.ge [sflag:s9], $0x80  }
0x84: {  	[sflag:s9] =	ssyncset.done $0x0  }
0x85: {  	s12 =	simm.s32 $0x40;
	[sflag:s9] =	ssyncadd.s32 $0xFFFFFF80  }
.LBB2_2:
0x86: {  	[tilespmem:s31], [sflag:$0x2] =	stream.indirect.gather [hbm4b:s4+s22], $0x80, s23, s22, $0xb8;
	[tilespmem:$0x1C000] =	vst v63  }
0x87: {  	_ =	swait.ge [sflag:s1], $0x4000  }
0x88: {  	[sflag:s1] =	ssyncset.done $0x0  }
0x89: {  	[sflag:s1] =	ssyncadd.s32 $0xFFFFC000  }
0x8a: {  	[spmem:s2] =	stream.indirect.scatter.add.f32 [tilespmem:s30], [sflag:$0x7], $0x80, s22, s22, $0xb8;
	[tilespmem:$0x1C000] =	vst v63  }
0x8b: {  	_ =	swait.ge [sflag:s21], $0x4000  }
0x8c: {  	s13 =	smov.u32 s12;
	[sflag:s21] =	ssyncset.done $0x0  }
0x8d: {  	s14 =	sadd.s32 s13, s20;
	[sflag:s21] =	ssyncadd.s32 $0xFFFFC000  }
0x8e: {  	[tilespmem:s3], [sflag:$0x3] =	stream.linear.gather [hbm4b:s14+s3], $0x80, $0x38;
	[tilespmem:$0x1C000] =	vst v63  }
0x8f: {  	s15 =	sadd.s32 s13, s19  }
0x90: {  	[tilespmem:s22], [sflag:$0x3] =	stream.linear.gather [hbm4b:s15+s3], $0x80, $0x38;
	[tilespmem:$0x1C000] =	vst v63  }
0x91: {  	_ =	swait.ge [sflag:s0], $0x80  }
0x92: {  	[sflag:s0] =	ssyncset.done $0x0  }
0x93: {  	[sflag:s0] =	ssyncadd.s32 $0xFFFFFF80  }
0x94: {  	_ =	swait.ge [sflag:s0], $0x80  }
0x95: {  	[sflag:s0] =	ssyncset.done $0x0  }
0x96: {  	[sflag:s0] =	ssyncadd.s32 $0xFFFFFF80  }
0x97: {  	[tilespmem:s30], [sflag:$0x1] =	stream.indirect.gather [hbm4b:s4+s22], $0x80, s25, s22, $0xb8;
	[tilespmem:$0x1C000] =	vst v63  }
0x98: {  	_ =	swait.ge [sflag:s5], $0x4000  }
0x99: {  	[sflag:s5] =	ssyncset.done $0x0  }
0x9a: {  	[sflag:s5] =	ssyncadd.s32 $0xFFFFC000  }
0x9b: {  	[spmem:s2] =	stream.indirect.scatter.add.f32 [tilespmem:s31], [sflag:$0x7], $0x80, s24, s22, $0xb8;
	[tilespmem:$0x1C000] =	vst v63  }
0x9c: {  	_ =	swait.ge [sflag:s21], $0x4000  }
0x9d: {  	[sflag:s21] =	ssyncset.done $0x0  }
0x9e: {  	s15 =	sadd.s32 s13, s18;
	s14 =	rddreg [dreg:$0x7];
	[sflag:s21] =	ssyncadd.s32 $0xFFFFC000  }
0x9f: {  	[tilespmem:s23], [sflag:$0x4] =	stream.linear.gather [hbm4b:s15+s3], $0x80, $0x38;
	[tilespmem:$0x1C000] =	vst v63  }
0xa0: {  	s14 =	sadd.s32 s13, s14  }
0xa1: {  	[tilespmem:s24], [sflag:$0x4] =	stream.linear.gather [hbm4b:s14+s3], $0x80, $0x38;
	[tilespmem:$0x1C000] =	vst v63  }
0xa2: {  	_ =	swait.ge [sflag:s6], $0x80  }
0xa3: {  	[sflag:s6] =	ssyncset.done $0x0  }
0xa4: {  	[sflag:s6] =	ssyncadd.s32 $0xFFFFFF80  }
0xa5: {  	_ =	swait.ge [sflag:s6], $0x80  }
0xa6: {  	[sflag:s6] =	ssyncset.done $0x0  }
0xa7: {  	[sflag:s6] =	ssyncadd.s32 $0xFFFFFF80  }
0xa8: {  	[tilespmem:s31], [sflag:$0x2] =	stream.indirect.gather [hbm4b:s4+s22], $0x80, s28, s22, $0xb8;
	[tilespmem:$0x1C000] =	vst v63  }
0xa9: {  	_ =	swait.ge [sflag:s1], $0x4000  }
0xaa: {  	[sflag:s1] =	ssyncset.done $0x0  }
0xab: {  	[sflag:s1] =	ssyncadd.s32 $0xFFFFC000  }
0xac: {  	[spmem:s2] =	stream.indirect.scatter.add.f32 [tilespmem:s30], [sflag:$0x7], $0x80, s26, s22, $0xb8;
	[tilespmem:$0x1C000] =	vst v63  }
0xad: {  	_ =	swait.ge [sflag:s21], $0x4000  }
0xae: {  	s14 =	rddreg [dreg:$0x6];
	[sflag:s21] =	ssyncset.done $0x0  }
0xaf: {  	s15 =	rddreg [dreg:$0x5];
	[sflag:s21] =	ssyncadd.s32 $0xFFFFC000;
	s14 =	sadd.s32 s13, s14  }
0xb0: {  	[tilespmem:s25], [sflag:$0x5] =	stream.linear.gather [hbm4b:s14+s3], $0x80, $0x38;
	[tilespmem:$0x1C000] =	vst v63  }
0xb1: {  	s15 =	sadd.s32 s13, s15  }
0xb2: {  	[tilespmem:s26], [sflag:$0x5] =	stream.linear.gather [hbm4b:s15+s3], $0x80, $0x38;
	[tilespmem:$0x1C000] =	vst v63  }
0xb3: {  	_ =	swait.ge [sflag:s8], $0x80  }
0xb4: {  	[sflag:s8] =	ssyncset.done $0x0  }
0xb5: {  	[sflag:s8] =	ssyncadd.s32 $0xFFFFFF80  }
0xb6: {  	_ =	swait.ge [sflag:s8], $0x80  }
0xb7: {  	[sflag:s8] =	ssyncset.done $0x0  }
0xb8: {  	[sflag:s8] =	ssyncadd.s32 $0xFFFFFF80  }
0xb9: {  	[tilespmem:s30], [sflag:$0x1] =	stream.indirect.gather [hbm4b:s4+s22], $0x80, s3, s22, $0xb8;
	[tilespmem:$0x1C000] =	vst v63  }
0xba: {  	_ =	swait.ge [sflag:s5], $0x4000  }
0xbb: {  	[sflag:s5] =	ssyncset.done $0x0  }
0xbc: {  	[sflag:s5] =	ssyncadd.s32 $0xFFFFC000  }
0xbd: {  	[spmem:s2] =	stream.indirect.scatter.add.f32 [tilespmem:s31], [sflag:$0x7], $0x80, s29, s22, $0xb8;
	[tilespmem:$0x1C000] =	vst v63  }
0xbe: {  	_ =	swait.ge [sflag:s21], $0x4000  }
0xbf: {  	s14 =	rddreg [dreg:$0x4];
	[sflag:s21] =	ssyncset.done $0x0  }
0xc0: {  	s15 =	rddreg [dreg:$0x3];
	[sflag:s21] =	ssyncadd.s32 $0xFFFFC000;
	s14 =	sadd.s32 s13, s14  }
0xc1: {  	[tilespmem:s28], [sflag:$0x6] =	stream.linear.gather [hbm4b:s14+s3], $0x80, $0x38;
	[tilespmem:$0x1C000] =	vst v63  }
0xc2: {  	s13 =	sadd.s32 s13, s15  }
0xc3: {  	[tilespmem:s29], [sflag:$0x6] =	stream.linear.gather [hbm4b:s13+s3], $0x80, $0x38;
	[tilespmem:$0x1C000] =	vst v63  }
0xc4: {  	p0 =	sne.s32 s12, $0x4C0;
	_ =	swait.ge [sflag:s9], $0x80  }
.Ltmp0:
0xc5: {  	[sflag:s9] =	ssyncset.done $0x0;
	(pc) =	sbr.rel @p0 .LBB2_2-.Ltmp0, $4  }
0xc6: {  	[sflag:s9] =	ssyncadd.s32 $0xFFFFFF80  }
0xc7: {  	_ =	swait.ge [sflag:s9], $0x80  }
0xc8: {  	[sflag:s9] =	ssyncset.done $0x0  }
0xc9: {  	s12 =	sadd.s32 $0x40, s12;
	[sflag:s9] =	ssyncadd.s32 $0xFFFFFF80  }
0xca: {  	[tilespmem:s31], [sflag:$0x2] =	stream.indirect.gather [hbm4b:s4+s22], $0x80, s23, s22, $0xb8;
	[tilespmem:$0x1C000] =	vst v63  }
0xcb: {  	_ =	swait.ge [sflag:s1], $0x4000  }
0xcc: {  	[sflag:s1] =	ssyncset.done $0x0  }
0xcd: {  	[sflag:s1] =	ssyncadd.s32 $0xFFFFC000  }
0xce: {  	_ =	swait.ge [sflag:s5], $0x4000  }
0xcf: {  	[sflag:s5] =	ssyncset.done $0x0  }
0xd0: {  	[sflag:s5] =	ssyncadd.s32 $0xFFFFC000  }
0xd1: {  	_ =	swait.ge [sflag:s0], $0x80  }
0xd2: {  	[sflag:s0] =	ssyncset.done $0x0  }
0xd3: {  	[sflag:s0] =	ssyncadd.s32 $0xFFFFFF80  }
0xd4: {  	_ =	swait.ge [sflag:s0], $0x80  }
0xd5: {  	[sflag:s0] =	ssyncset.done $0x0  }
0xd6: {  	[sflag:s0] =	ssyncadd.s32 $0xFFFFFF80  }
0xd7: {  	_ =	swait.ge [sflag:s6], $0x80  }
0xd8: {  	[sflag:s6] =	ssyncset.done $0x0  }
0xd9: {  	[sflag:s6] =	ssyncadd.s32 $0xFFFFFF80  }
0xda: {  	_ =	swait.ge [sflag:s6], $0x80  }
0xdb: {  	s10 =	sadd.s32 $0x1, s10;
	[sflag:s6] =	ssyncset.done $0x0  }
0xdc: {  	p0 =	sne.s32 s10, s17;
	[sflag:s6] =	ssyncadd.s32 $0xFFFFFF80  }
.Ltmp1:
0xdd: {  	[bflag:$0x0] =	sbarrier.arrive $0xFFFF;
	(pc) =	sbr.rel @p0 .LBB2_1-.Ltmp1, $4  }
0xde: {  	[hbm:s16], [sflag:s7] =	dma.local [spmem:s11], $0x2780  }
0xdf: {  	_ =	swait.ge [sflag:s21], $0x2780  }
0xe0: {  	[sflag:s21] =	ssyncset.done $0x0  }
0xe1: {  	[sflag:s21] =	ssyncadd.s32 $0xFFFFD880  }
0xe2: {  	_ =	sfence.sel $0x180000  }
0xe3: {  	[bflag:$0x0] =	sbarrier.arrive $0xFFFF  }
0xe4: {  	_ =	strace $0x90000056  }
0xe5: {  	s0 =	stileid.u32;
	[bflag:$0x2] =	sbarrier.arrive $0xFFFF  }
0xe6: {  	p0 =	sne.s32 s0, $0x0;
	s0 =	rddreg [dreg:$0x2]  }
0xe7: {  	s0 =	sadd.s32 @!p0 $0x100000, s0  }
0xe8: {  	[sflag:s0] =	ssyncadd.tile.s32 @!p0 $0x1;
	_ =	shalt  }
.Lfunc_end2:
_tile_overlayer_lowered:
.L_overlay_start_2:
0xe9: {  	(tag) =	ssettag $0x2  }
0xea: {  	s0 =	rddreg [dreg:$0x0];
	s2 =	stileid.u32  }
0xeb: {  	s1 =	rddreg [dreg:$0x1];
	p0 =	sne.s32 s2, $0x0  }
0xec: {  	s3 =	rddreg [dreg:$0x2];
	[bflag:$0x3] =	sbarrier.arrive $0xFFFF;
	s2 =	simm.s32 @!p0 $0x1C07  }
0xed: {  	[timem:s3], [sflag:s2] =	dma.local @!p0 [hbm:s0], s1  }
0xee: {  	s0 =	simm.s32 @!p0 $0x7  }
0xef: {  	_ =	swait.ge @!p0 [sflag:s0], s1  }
0xf0: {  	s1 =	ssub.s32 @!p0 $0x0, s1;
	[sflag:s0] =	ssyncset.done @!p0 $0x0  }
0xf1: {  	[sflag:s0] =	ssyncadd.s32 @!p0 s1  }
0xf2: {  	[bflag:$0x3] =	sbarrier.arrive $0xFFFF  }
0xf3: {  	_ =	shalt  }

</sc_bundles>
